<compile_context>
chip_gen: v7x
topology: tpu7x:2x2x1
jax: 0.10.2.dev20260603
libtpu: 0.0.44.dev20260713+nightly
codegen_flags: <defaults>
</compile_context>

<pallas_src>
import functools

import jax
import jax.numpy as jnp
from jax import lax
from jax.experimental import pallas as pl
from jax.experimental.pallas import tpu as pltpu
from jax.experimental.pallas import tpu_sc as plsc

B, C, H, W = 4, 19, 512, 512
HW = H * W
NB = 1024
CNB = C * NB
NROWS = 2 * C + 1
HSIZE = 2 * CNB
ROWS_PER_TILE = 40
NTILES = HW // (8 * 128)
OUT_ROWS = NTILES * ROWS_PER_TILE
TOTAL = OUT_ROWS * 8 * 128

NW = 32
PER_TILE = TOTAL // NW
CH = 8192
NCHUNKS = PER_TILE // CH
UNROLL = 8


def _s1_body(x_ref, t_ref, o_ref):
    x = x_ref[...]
    t = t_ref[...]
    ex = jnp.exp(x)
    sden = jnp.sum(ex, axis=1, keepdims=True)
    rcp = NB / sden
    cls = lax.broadcasted_iota(jnp.int32, (B, C, 16, 512), 1)
    fg = (t[:, None] == cls)
    eu = jnp.where(fg, sden - ex, ex)
    v = jnp.clip((eu * rcp).astype(jnp.int32), 0, NB - 1)
    flat = jnp.where(fg, CNB, 0) + cls * NB + v
    lane = lax.broadcasted_iota(jnp.int32, (4, 16, 512), 2)
    trash = HSIZE + (lane % 16)
    rows = jnp.concatenate(
        [flat[0], flat[1], flat[2], flat[3], trash], axis=0
    )
    packed = jnp.bitwise_or(
        rows[:ROWS_PER_TILE],
        lax.shift_left(rows[ROWS_PER_TILE:], 16),
    )
    pieces = [
        packed[:, 8 * s:8 * s + 8, 128 * j:128 * j + 128]
        for s in range(2)
        for j in range(4)
    ]
    o_ref[...] = jnp.concatenate(pieces, axis=0)


NSPLIT = 2


def _s1_call(output, tgt, piece):
    nblk = H // (16 * NSPLIT)
    off = piece * nblk
    return pl.pallas_call(
        _s1_body,
        grid=(nblk,),
        in_specs=[
            pl.BlockSpec((B, C, 16, W), lambda i: (0, 0, i + off, 0)),
            pl.BlockSpec((B, 16, W), lambda i: (0, i + off, 0)),
        ],
        out_specs=pl.BlockSpec(
            (8 * ROWS_PER_TILE, 8, 128), lambda i: (i, 0, 0)
        ),
        out_shape=jax.ShapeDtypeStruct((OUT_ROWS // NSPLIT, 8, 128), jnp.int32),
    )(output, tgt)


@functools.cache
def _sc_hist_fn(total):
    per_tile = total // NW
    nchunks = per_tile // CH
    mesh = plsc.VectorSubcoreMesh(
        core_axis_name="c", subcore_axis_name="s", num_cores=2, num_subcores=16
    )

    @functools.partial(
        pl.kernel,
        out_type=jax.ShapeDtypeStruct((NW, NROWS, NB), jnp.float32),
        mesh=mesh,
        scratch_types=[
            pltpu.VMEM((CH,), jnp.int32),
            pltpu.VMEM((CH,), jnp.int32),
            pltpu.VMEM((NROWS * NB,), jnp.float32),
            pltpu.SemaphoreType.DMA,
            pltpu.SemaphoreType.DMA,
        ],
        compiler_params=pltpu.CompilerParams(needs_layout_passes=False),
    )
    def _sc_hist(idx_hbm, out_hbm, buf0, buf1, hist, sem0, sem1):
        wid = lax.axis_index("s") * 2 + lax.axis_index("c")
        base = wid * per_tile
        zeros16 = jnp.zeros((16,), jnp.float32)
        ones16 = jnp.ones((16,), jnp.float32)

        def zbody(i, carry):
            hist[pl.ds(i * 16, 16)] = zeros16
            return carry

        lax.fori_loop(0, NROWS * NB // 16, zbody, 0)

        bufs = (buf0, buf1)
        sems = (sem0, sem1)

        def start(ci):
            b, s = bufs[ci % 2], sems[ci % 2]
            return pltpu.async_copy(
                idx_hbm.at[pl.ds(base + ci * CH, CH)], b, s
            )

        def scatter(ci):
            b = bufs[ci % 2]

            @plsc.parallel_loop(0, CH, 16, unroll=UNROLL)
            def _(k):
                w16 = b[pl.ds(k, 16)]
                lo = jnp.bitwise_and(w16, 0xFFFF)
                hi = lax.shift_right_logical(w16, 16)
                plsc.addupdate_scatter(hist, [lo], ones16)
                plsc.addupdate_scatter(hist, [hi], ones16)

        pending = start(0)
        for ci in range(nchunks):
            pending.wait()
            if ci + 1 < nchunks:
                pending = start(ci + 1)
            scatter(ci)

        def orow(r, carry):
            pltpu.sync_copy(hist.at[pl.ds(r * NB, NB)], out_hbm.at[wid, r])
            return carry

        lax.fori_loop(0, NROWS, orow, 0)

    return _sc_hist


def _s3_body(*refs):
    o_ref = refs[-1]
    x = refs[0][...]
    for r in refs[1:-1]:
        x = x + r[...]
    s = jnp.sum(x, axis=0)
    n0 = s[0:C]
    n1 = s[C:2 * C]
    ii = lax.broadcasted_iota(jnp.int32, (NB, NB), 0)
    jj = lax.broadcasted_iota(jnp.int32, (NB, NB), 1)
    tri = (ii <= jj).astype(jnp.float32)
    dn = (((1,), (0,)), ((), ()))
    c0 = lax.dot_general(n0, tri, dn, precision=lax.Precision.HIGHEST,
                         preferred_element_type=jnp.float32)
    c1 = lax.dot_general(n1, tri, dn, precision=lax.Precision.HIGHEST,
                         preferred_element_type=jnp.float32)
    G = jnp.sum(n1, axis=1, keepdims=True)
    T0 = jnp.sum(n0, axis=1, keepdims=True)
    K = T0 - c0
    below1 = c1 - n1
    center = (
        lax.broadcasted_iota(jnp.int32, (C, NB), 1).astype(jnp.float32) + 0.5
    ) / NB
    d1 = jnp.maximum(G + K, 1.0)
    d2 = jnp.maximum(G + K + n0, 1.0)
    term_fg = n1 * center / d1
    term_bg = below1 * center * n0 / (d1 * d2)
    loss_c = jnp.sum(term_fg + term_bg, axis=1)
    pres = (G[:, 0] > 0.0).astype(jnp.float32)
    total = jnp.sum(loss_c * pres) / jnp.maximum(jnp.sum(pres), 1.0)
    o_ref[...] = jnp.reshape(total, (1, 1))


def _s3_call(parts):
    return pl.pallas_call(
        _s3_body,
        out_shape=jax.ShapeDtypeStruct((1, 1), jnp.float32),
    )(*parts)


def kernel(output, target):
    tgt = target.astype(jnp.int32)
    sc = _sc_hist_fn(TOTAL // NSPLIT)
    parts = [
        sc(_s1_call(output, tgt, q).reshape(TOTAL // NSPLIT))
        for q in range(NSPLIT)
    ]
    return _s3_call(parts)[0, 0]

# --- scband reference (transcript-rebuilt; emitter-appended) ---
"""Pipeline reference for scband-lovasz-loss-90701119357510 (READ-ONLY COPY).

The authoritative reference and input builder live on the scoring server;
editing this copy changes nothing except your own understanding.
"""

import jax, jax.numpy as jnp
import numpy as np

B, C, H, W = 4, 19, 512, 512

def setup_inputs(seed: int = 0) -> dict:
    key = jax.random.key(seed)
    k1, k2 = jax.random.split(key)
    output = jax.random.normal(k1, (B, C, H, W), dtype=jnp.float32)
    target = jax.random.randint(k2, (B, H, W), 0, C).astype(jnp.int64)
    return {"output": output, "target": target}

def _lovasz_grad(gt_sorted):
    # gt_sorted: [P] float32 of sorted ground-truth indicators
    gts = jnp.sum(gt_sorted)
    intersection = gts - jnp.cumsum(gt_sorted, axis=0)
    union = gts + jnp.cumsum(1.0 - gt_sorted, axis=0)
    jaccard = 1.0 - intersection / union
    # jaccard[1:] = jaccard[1:] - jaccard[:-1]
    jaccard = jnp.concatenate([jaccard[:1], jaccard[1:] - jaccard[:-1]], axis=0)
    return jaccard

def _lovasz_softmax_flat(probas, labels):
    # probas: [P, C] softmax probabilities, labels: [P] int
    Cc = probas.shape[1]
    def per_class(c):
        fg = (labels == c).astype(jnp.float32)
        class_pred = probas[:, c]
        errors = jnp.abs(fg - class_pred)
        perm = jnp.argsort(-errors)  # descending sort of errors
        errors_sorted = errors[perm]
        fg_sorted = fg[perm]
        loss_c = jnp.dot(errors_sorted, _lovasz_grad(fg_sorted))
        present = (jnp.sum(fg) > 0).astype(jnp.float32)
        return loss_c, present
    losses, present = jax.vmap(per_class)(jnp.arange(Cc))
    # classes='present': average only over classes that appear in labels
    return jnp.sum(losses * present) / jnp.maximum(jnp.sum(present), 1.0)

def reference(output, target):
    probs = jax.nn.softmax(output, axis=1)
    b, c, h, w = probs.shape
    probas = jnp.transpose(probs, (0, 2, 3, 1)).reshape(-1, c)
    labels = target.reshape(-1)
    return _lovasz_softmax_flat(probas, labels)

if __name__ == "__main__":
    import jax
    _d = setup_inputs()
    print(jax.jit(kernel)(*tuple(_d.values())))

</pallas_src>

<mosaic_0001>
#map = affine_map<(d0, d1) -> (0)>
#map1 = affine_map<(d0, d1) -> (0, 0, 0)>
module attributes {stable_mosaic.version = 14 : i64} {
  func.func @_sc_hist(%arg0: i32, %arg1: i32, %arg2: memref<5242880xi32, #tpu.memory_space<hbm>>, %arg3: memref<32x39x1024xf32, #tpu.memory_space<hbm>>, %arg4: memref<8192xi32, #tpu.memory_space<vmem>>, %arg5: memref<8192xi32, #tpu.memory_space<vmem>>, %arg6: memref<39936xf32, #tpu.memory_space<vmem>>, %arg7: memref<!tpu.dma_semaphore, #tpu.memory_space<semaphore_mem>>, %arg8: memref<!tpu.dma_semaphore, #tpu.memory_space<semaphore_mem>>) attributes {dimension_semantics = [#tpu.dimension_semantics<core_parallel>, #tpu.dimension_semantics<subcore_parallel>], iteration_bounds = array<i64: 2, 16>, scalar_prefetch = 0 : i64, scratch_operands = 5 : i64, tpu.core_type = #tpu.core_type<sc_vector_subcore>, window_params = [{transform_indices = #map}, {transform_indices = #map1}]} {
    %mul3A = arith.constant 2 : i32
    %mul3A_0 = arith.muli %arg1, %mul3A : i32
    %add3A = arith.addi %mul3A_0, %arg0 : i32
    %mul3A_1 = arith.constant 163840 : i32
    %mul3A_2 = arith.muli %add3A, %mul3A_1 : i32
    %broadcast_in_dim3A = arith.constant 0.000000e+00 : f32
    %broadcast_in_dim3A_3 = vector.broadcast %broadcast_in_dim3A : f32 to vector<16xf32>
    %broadcast_in_dim3A_4 = arith.constant 1.000000e+00 : f32
    %broadcast_in_dim3A_5 = vector.broadcast %broadcast_in_dim3A_4 : f32 to vector<16xf32>
    %scan3A = arith.constant 0 : i32
    %scan3A_6 = arith.constant 0 : i32
    %scan3A_7 = arith.constant 2496 : i32
    %scan3A_8 = arith.addi %scan3A_6, %scan3A_7 : i32
    %scan3A_9 = arith.constant 1 : i32
    scf.for %scan3A_194 = %scan3A_6 to %scan3A_8 step %scan3A_9  : i32 {
      %mul3A_195 = arith.constant 16 : i32
      %mul3A_196 = arith.muli %scan3A_194, %mul3A_195 : i32
      %swap3A = arith.index_cast %mul3A_196 : i32 to index
      %swap3A_197 = tpu.vector_load %arg6[%swap3A] {strides = array<i32>} : memref<39936xf32, #tpu.memory_space<vmem>>, vector<16xf32>,
      tpu.vector_store %arg6[%swap3A], %broadcast_in_dim3A_3 {strides = array<i32>} : memref<39936xf32, #tpu.memory_space<vmem>>, vector<16xf32>,
    }
    %scan3A_10 = arith.constant 2496 : i32
    %add3A_11 = arith.constant 0 : i32
    %add3A_12 = arith.addi %mul3A_2, %add3A_11 : i32
    %dma_start3A = tpu.memref_slice %arg2[%add3A_12] : memref<5242880xi32, #tpu.memory_space<hbm>> -> memref<8192xi32, #tpu.memory_space<hbm>>
    %dma_start3A_13 = tpu.memref_slice %arg2[%add3A_12] : memref<5242880xi32, #tpu.memory_space<hbm>> -> memref<8192xi32, #tpu.memory_space<hbm>>
    tpu.enqueue_dma source(%dma_start3A_13 : memref<8192xi32, #tpu.memory_space<hbm>>) target(%arg4 : memref<8192xi32, #tpu.memory_space<vmem>>) target_semaphore(%arg7 : memref<!tpu.dma_semaphore, #tpu.memory_space<semaphore_mem>>)
    %dma_wait3A = tpu.memref_slice %arg2[%add3A_12] : memref<5242880xi32, #tpu.memory_space<hbm>> -> memref<8192xi32, #tpu.memory_space<hbm>>
    %dma_wait3A_14 = tpu.memref_slice %arg2[%add3A_12] : memref<5242880xi32, #tpu.memory_space<hbm>> -> memref<8192xi32, #tpu.memory_space<hbm>>
    tpu.wait_dma2 semaphore(%arg7 : memref<!tpu.dma_semaphore, #tpu.memory_space<semaphore_mem>>) src(%dma_wait3A_14 : memref<8192xi32, #tpu.memory_space<hbm>>) dst(%arg4 : memref<8192xi32, #tpu.memory_space<vmem>>)
    %add3A_15 = arith.constant 8192 : i32
    %add3A_16 = arith.addi %mul3A_2, %add3A_15 : i32
    %dma_start3A_17 = tpu.memref_slice %arg2[%add3A_16] : memref<5242880xi32, #tpu.memory_space<hbm>> -> memref<8192xi32, #tpu.memory_space<hbm>>
    %dma_start3A_18 = tpu.memref_slice %arg2[%add3A_16] : memref<5242880xi32, #tpu.memory_space<hbm>> -> memref<8192xi32, #tpu.memory_space<hbm>>
    tpu.enqueue_dma source(%dma_start3A_18 : memref<8192xi32, #tpu.memory_space<hbm>>) target(%arg5 : memref<8192xi32, #tpu.memory_space<vmem>>) target_semaphore(%arg8 : memref<!tpu.dma_semaphore, #tpu.memory_space<semaphore_mem>>)
    %parallel_loop3A = arith.constant 0 : i32
    %parallel_loop3A_19 = arith.constant 8192 : i32
    %parallel_loop3A_20 = arith.constant 16 : i32
    scf.for %parallel_loop3A_194 = %parallel_loop3A to %parallel_loop3A_19 step %parallel_loop3A_20  : i32 {
      %parallel_loop3A_195 = arith.index_cast %parallel_loop3A_194 : i32 to index
      %parallel_loop3A_196 = tpu.vector_load %arg4[%parallel_loop3A_195] {strides = array<i32>} : memref<8192xi32, #tpu.memory_space<vmem>>, vector<16xi32>,
      %parallel_loop3A_197 = arith.constant 65535 : i32
      %parallel_loop3A_198 = vector.broadcast %parallel_loop3A_197 : i32 to vector<16xi32>
      %parallel_loop3A_199 = arith.andi %parallel_loop3A_196, %parallel_loop3A_198 : vector<16xi32>
      %parallel_loop3A_200 = arith.constant 16 : i32
      %parallel_loop3A_201 = vector.broadcast %parallel_loop3A_200 : i32 to vector<16xi32>
      %parallel_loop3A_202 = arith.shrui %parallel_loop3A_196, %parallel_loop3A_201 : vector<16xi32>
      tpu.vector_store_idx %arg6[%parallel_loop3A_199], %broadcast_in_dim3A_5 {add = true} : memref<39936xf32, #tpu.memory_space<vmem>>[vector<16xi32>], vector<16xf32>,
      tpu.vector_store_idx %arg6[%parallel_loop3A_202], %broadcast_in_dim3A_5 {add = true} : memref<39936xf32, #tpu.memory_space<vmem>>[vector<16xi32>], vector<16xf32>,
    } {sc.loop_unroll_factor = 8 : i64, sc.parallel_access}
    %dma_wait3A_21 = tpu.memref_slice %arg2[%add3A_16] : memref<5242880xi32, #tpu.memory_space<hbm>> -> memref<8192xi32, #tpu.memory_space<hbm>>
    %dma_wait3A_22 = tpu.memref_slice %arg2[%add3A_16] : memref<5242880xi32, #tpu.memory_space<hbm>> -> memref<8192xi32, #tpu.memory_space<hbm>>
    tpu.wait_dma2 semaphore(%arg8 : memref<!tpu.dma_semaphore, #tpu.memory_space<semaphore_mem>>) src(%dma_wait3A_22 : memref<8192xi32, #tpu.memory_space<hbm>>) dst(%arg5 : memref<8192xi32, #tpu.memory_space<vmem>>)
    %add3A_23 = arith.constant 16384 : i32
    %add3A_24 = arith.addi %mul3A_2, %add3A_23 : i32
    %dma_start3A_25 = tpu.memref_slice %arg2[%add3A_24] : memref<5242880xi32, #tpu.memory_space<hbm>> -> memref<8192xi32, #tpu.memory_space<hbm>>
    %dma_start3A_26 = tpu.memref_slice %arg2[%add3A_24] : memref<5242880xi32, #tpu.memory_space<hbm>> -> memref<8192xi32, #tpu.memory_space<hbm>>
    tpu.enqueue_dma source(%dma_start3A_26 : memref<8192xi32, #tpu.memory_space<hbm>>) target(%arg4 : memref<8192xi32, #tpu.memory_space<vmem>>) target_semaphore(%arg7 : memref<!tpu.dma_semaphore, #tpu.memory_space<semaphore_mem>>)
    %parallel_loop3A_27 = arith.constant 0 : i32
    %parallel_loop3A_28 = arith.constant 8192 : i32
    %parallel_loop3A_29 = arith.constant 16 : i32
    scf.for %parallel_loop3A_194 = %parallel_loop3A_27 to %parallel_loop3A_28 step %parallel_loop3A_29  : i32 {
      %parallel_loop3A_195 = arith.index_cast %parallel_loop3A_194 : i32 to index
      %parallel_loop3A_196 = tpu.vector_load %arg5[%parallel_loop3A_195] {strides = array<i32>} : memref<8192xi32, #tpu.memory_space<vmem>>, vector<16xi32>,
      %parallel_loop3A_197 = arith.constant 65535 : i32
      %parallel_loop3A_198 = vector.broadcast %parallel_loop3A_197 : i32 to vector<16xi32>
      %parallel_loop3A_199 = arith.andi %parallel_loop3A_196, %parallel_loop3A_198 : vector<16xi32>
      %parallel_loop3A_200 = arith.constant 16 : i32
      %parallel_loop3A_201 = vector.broadcast %parallel_loop3A_200 : i32 to vector<16xi32>
      %parallel_loop3A_202 = arith.shrui %parallel_loop3A_196, %parallel_loop3A_201 : vector<16xi32>
      tpu.vector_store_idx %arg6[%parallel_loop3A_199], %broadcast_in_dim3A_5 {add = true} : memref<39936xf32, #tpu.memory_space<vmem>>[vector<16xi32>], vector<16xf32>,
      tpu.vector_store_idx %arg6[%parallel_loop3A_202], %broadcast_in_dim3A_5 {add = true} : memref<39936xf32, #tpu.memory_space<vmem>>[vector<16xi32>], vector<16xf32>,
    } {sc.loop_unroll_factor = 8 : i64, sc.parallel_access}
    %dma_wait3A_30 = tpu.memref_slice %arg2[%add3A_24] : memref<5242880xi32, #tpu.memory_space<hbm>> -> memref<8192xi32, #tpu.memory_space<hbm>>
    %dma_wait3A_31 = tpu.memref_slice %arg2[%add3A_24] : memref<5242880xi32, #tpu.memory_space<hbm>> -> memref<8192xi32, #tpu.memory_space<hbm>>
    tpu.wait_dma2 semaphore(%arg7 : memref<!tpu.dma_semaphore, #tpu.memory_space<semaphore_mem>>) src(%dma_wait3A_31 : memref<8192xi32, #tpu.memory_space<hbm>>) dst(%arg4 : memref<8192xi32, #tpu.memory_space<vmem>>)
    %add3A_32 = arith.constant 24576 : i32
    %add3A_33 = arith.addi %mul3A_2, %add3A_32 : i32
    %dma_start3A_34 = tpu.memref_slice %arg2[%add3A_33] : memref<5242880xi32, #tpu.memory_space<hbm>> -> memref<8192xi32, #tpu.memory_space<hbm>>
    %dma_start3A_35 = tpu.memref_slice %arg2[%add3A_33] : memref<5242880xi32, #tpu.memory_space<hbm>> -> memref<8192xi32, #tpu.memory_space<hbm>>
    tpu.enqueue_dma source(%dma_start3A_35 : memref<8192xi32, #tpu.memory_space<hbm>>) target(%arg5 : memref<8192xi32, #tpu.memory_space<vmem>>) target_semaphore(%arg8 : memref<!tpu.dma_semaphore, #tpu.memory_space<semaphore_mem>>)
    %parallel_loop3A_36 = arith.constant 0 : i32
    %parallel_loop3A_37 = arith.constant 8192 : i32
    %parallel_loop3A_38 = arith.constant 16 : i32
    scf.for %parallel_loop3A_194 = %parallel_loop3A_36 to %parallel_loop3A_37 step %parallel_loop3A_38  : i32 {
      %parallel_loop3A_195 = arith.index_cast %parallel_loop3A_194 : i32 to index
      %parallel_loop3A_196 = tpu.vector_load %arg4[%parallel_loop3A_195] {strides = array<i32>} : memref<8192xi32, #tpu.memory_space<vmem>>, vector<16xi32>,
      %parallel_loop3A_197 = arith.constant 65535 : i32
      %parallel_loop3A_198 = vector.broadcast %parallel_loop3A_197 : i32 to vector<16xi32>
      %parallel_loop3A_199 = arith.andi %parallel_loop3A_196, %parallel_loop3A_198 : vector<16xi32>
      %parallel_loop3A_200 = arith.constant 16 : i32
      %parallel_loop3A_201 = vector.broadcast %parallel_loop3A_200 : i32 to vector<16xi32>
      %parallel_loop3A_202 = arith.shrui %parallel_loop3A_196, %parallel_loop3A_201 : vector<16xi32>
      tpu.vector_store_idx %arg6[%parallel_loop3A_199], %broadcast_in_dim3A_5 {add = true} : memref<39936xf32, #tpu.memory_space<vmem>>[vector<16xi32>], vector<16xf32>,
      tpu.vector_store_idx %arg6[%parallel_loop3A_202], %broadcast_in_dim3A_5 {add = true} : memref<39936xf32, #tpu.memory_space<vmem>>[vector<16xi32>], vector<16xf32>,
    } {sc.loop_unroll_factor = 8 : i64, sc.parallel_access}
    %dma_wait3A_39 = tpu.memref_slice %arg2[%add3A_33] : memref<5242880xi32, #tpu.memory_space<hbm>> -> memref<8192xi32, #tpu.memory_space<hbm>>
    %dma_wait3A_40 = tpu.memref_slice %arg2[%add3A_33] : memref<5242880xi32, #tpu.memory_space<hbm>> -> memref<8192xi32, #tpu.memory_space<hbm>>
    tpu.wait_dma2 semaphore(%arg8 : memref<!tpu.dma_semaphore, #tpu.memory_space<semaphore_mem>>) src(%dma_wait3A_40 : memref<8192xi32, #tpu.memory_space<hbm>>) dst(%arg5 : memref<8192xi32, #tpu.memory_space<vmem>>)
    %add3A_41 = arith.constant 32768 : i32
    %add3A_42 = arith.addi %mul3A_2, %add3A_41 : i32
    %dma_start3A_43 = tpu.memref_slice %arg2[%add3A_42] : memref<5242880xi32, #tpu.memory_space<hbm>> -> memref<8192xi32, #tpu.memory_space<hbm>>
    %dma_start3A_44 = tpu.memref_slice %arg2[%add3A_42] : memref<5242880xi32, #tpu.memory_space<hbm>> -> memref<8192xi32, #tpu.memory_space<hbm>>
    tpu.enqueue_dma source(%dma_start3A_44 : memref<8192xi32, #tpu.memory_space<hbm>>) target(%arg4 : memref<8192xi32, #tpu.memory_space<vmem>>) target_semaphore(%arg7 : memref<!tpu.dma_semaphore, #tpu.memory_space<semaphore_mem>>)
    %parallel_loop3A_45 = arith.constant 0 : i32
    %parallel_loop3A_46 = arith.constant 8192 : i32
    %parallel_loop3A_47 = arith.constant 16 : i32
    scf.for %parallel_loop3A_194 = %parallel_loop3A_45 to %parallel_loop3A_46 step %parallel_loop3A_47  : i32 {
      %parallel_loop3A_195 = arith.index_cast %parallel_loop3A_194 : i32 to index
      %parallel_loop3A_196 = tpu.vector_load %arg5[%parallel_loop3A_195] {strides = array<i32>} : memref<8192xi32, #tpu.memory_space<vmem>>, vector<16xi32>,
      %parallel_loop3A_197 = arith.constant 65535 : i32
      %parallel_loop3A_198 = vector.broadcast %parallel_loop3A_197 : i32 to vector<16xi32>
      %parallel_loop3A_199 = arith.andi %parallel_loop3A_196, %parallel_loop3A_198 : vector<16xi32>
      %parallel_loop3A_200 = arith.constant 16 : i32
      %parallel_loop3A_201 = vector.broadcast %parallel_loop3A_200 : i32 to vector<16xi32>
      %parallel_loop3A_202 = arith.shrui %parallel_loop3A_196, %parallel_loop3A_201 : vector<16xi32>
      tpu.vector_store_idx %arg6[%parallel_loop3A_199], %broadcast_in_dim3A_5 {add = true} : memref<39936xf32, #tpu.memory_space<vmem>>[vector<16xi32>], vector<16xf32>,
      tpu.vector_store_idx %arg6[%parallel_loop3A_202], %broadcast_in_dim3A_5 {add = true} : memref<39936xf32, #tpu.memory_space<vmem>>[vector<16xi32>], vector<16xf32>,
    } {sc.loop_unroll_factor = 8 : i64, sc.parallel_access}
    %dma_wait3A_48 = tpu.memref_slice %arg2[%add3A_42] : memref<5242880xi32, #tpu.memory_space<hbm>> -> memref<8192xi32, #tpu.memory_space<hbm>>
    %dma_wait3A_49 = tpu.memref_slice %arg2[%add3A_42] : memref<5242880xi32, #tpu.memory_space<hbm>> -> memref<8192xi32, #tpu.memory_space<hbm>>
    tpu.wait_dma2 semaphore(%arg7 : memref<!tpu.dma_semaphore, #tpu.memory_space<semaphore_mem>>) src(%dma_wait3A_49 : memref<8192xi32, #tpu.memory_space<hbm>>) dst(%arg4 : memref<8192xi32, #tpu.memory_space<vmem>>)
    %add3A_50 = arith.constant 40960 : i32
    %add3A_51 = arith.addi %mul3A_2, %add3A_50 : i32
    %dma_start3A_52 = tpu.memref_slice %arg2[%add3A_51] : memref<5242880xi32, #tpu.memory_space<hbm>> -> memref<8192xi32, #tpu.memory_space<hbm>>
    %dma_start3A_53 = tpu.memref_slice %arg2[%add3A_51] : memref<5242880xi32, #tpu.memory_space<hbm>> -> memref<8192xi32, #tpu.memory_space<hbm>>
    tpu.enqueue_dma source(%dma_start3A_53 : memref<8192xi32, #tpu.memory_space<hbm>>) target(%arg5 : memref<8192xi32, #tpu.memory_space<vmem>>) target_semaphore(%arg8 : memref<!tpu.dma_semaphore, #tpu.memory_space<semaphore_mem>>)
    %parallel_loop3A_54 = arith.constant 0 : i32
    %parallel_loop3A_55 = arith.constant 8192 : i32
    %parallel_loop3A_56 = arith.constant 16 : i32
    scf.for %parallel_loop3A_194 = %parallel_loop3A_54 to %parallel_loop3A_55 step %parallel_loop3A_56  : i32 {
      %parallel_loop3A_195 = arith.index_cast %parallel_loop3A_194 : i32 to index
      %parallel_loop3A_196 = tpu.vector_load %arg4[%parallel_loop3A_195] {strides = array<i32>} : memref<8192xi32, #tpu.memory_space<vmem>>, vector<16xi32>,
      %parallel_loop3A_197 = arith.constant 65535 : i32
      %parallel_loop3A_198 = vector.broadcast %parallel_loop3A_197 : i32 to vector<16xi32>
      %parallel_loop3A_199 = arith.andi %parallel_loop3A_196, %parallel_loop3A_198 : vector<16xi32>
      %parallel_loop3A_200 = arith.constant 16 : i32
      %parallel_loop3A_201 = vector.broadcast %parallel_loop3A_200 : i32 to vector<16xi32>
      %parallel_loop3A_202 = arith.shrui %parallel_loop3A_196, %parallel_loop3A_201 : vector<16xi32>
      tpu.vector_store_idx %arg6[%parallel_loop3A_199], %broadcast_in_dim3A_5 {add = true} : memref<39936xf32, #tpu.memory_space<vmem>>[vector<16xi32>], vector<16xf32>,
      tpu.vector_store_idx %arg6[%parallel_loop3A_202], %broadcast_in_dim3A_5 {add = true} : memref<39936xf32, #tpu.memory_space<vmem>>[vector<16xi32>], vector<16xf32>,
    } {sc.loop_unroll_factor = 8 : i64, sc.parallel_access}
    %dma_wait3A_57 = tpu.memref_slice %arg2[%add3A_51] : memref<5242880xi32, #tpu.memory_space<hbm>> -> memref<8192xi32, #tpu.memory_space<hbm>>
    %dma_wait3A_58 = tpu.memref_slice %arg2[%add3A_51] : memref<5242880xi32, #tpu.memory_space<hbm>> -> memref<8192xi32, #tpu.memory_space<hbm>>
    tpu.wait_dma2 semaphore(%arg8 : memref<!tpu.dma_semaphore, #tpu.memory_space<semaphore_mem>>) src(%dma_wait3A_58 : memref<8192xi32, #tpu.memory_space<hbm>>) dst(%arg5 : memref<8192xi32, #tpu.memory_space<vmem>>)
    %add3A_59 = arith.constant 49152 : i32
    %add3A_60 = arith.addi %mul3A_2, %add3A_59 : i32
    %dma_start3A_61 = tpu.memref_slice %arg2[%add3A_60] : memref<5242880xi32, #tpu.memory_space<hbm>> -> memref<8192xi32, #tpu.memory_space<hbm>>
    %dma_start3A_62 = tpu.memref_slice %arg2[%add3A_60] : memref<5242880xi32, #tpu.memory_space<hbm>> -> memref<8192xi32, #tpu.memory_space<hbm>>
    tpu.enqueue_dma source(%dma_start3A_62 : memref<8192xi32, #tpu.memory_space<hbm>>) target(%arg4 : memref<8192xi32, #tpu.memory_space<vmem>>) target_semaphore(%arg7 : memref<!tpu.dma_semaphore, #tpu.memory_space<semaphore_mem>>)
    %parallel_loop3A_63 = arith.constant 0 : i32
    %parallel_loop3A_64 = arith.constant 8192 : i32
    %parallel_loop3A_65 = arith.constant 16 : i32
    scf.for %parallel_loop3A_194 = %parallel_loop3A_63 to %parallel_loop3A_64 step %parallel_loop3A_65  : i32 {
      %parallel_loop3A_195 = arith.index_cast %parallel_loop3A_194 : i32 to index
      %parallel_loop3A_196 = tpu.vector_load %arg5[%parallel_loop3A_195] {strides = array<i32>} : memref<8192xi32, #tpu.memory_space<vmem>>, vector<16xi32>,
      %parallel_loop3A_197 = arith.constant 65535 : i32
      %parallel_loop3A_198 = vector.broadcast %parallel_loop3A_197 : i32 to vector<16xi32>
      %parallel_loop3A_199 = arith.andi %parallel_loop3A_196, %parallel_loop3A_198 : vector<16xi32>
      %parallel_loop3A_200 = arith.constant 16 : i32
      %parallel_loop3A_201 = vector.broadcast %parallel_loop3A_200 : i32 to vector<16xi32>
      %parallel_loop3A_202 = arith.shrui %parallel_loop3A_196, %parallel_loop3A_201 : vector<16xi32>
      tpu.vector_store_idx %arg6[%parallel_loop3A_199], %broadcast_in_dim3A_5 {add = true} : memref<39936xf32, #tpu.memory_space<vmem>>[vector<16xi32>], vector<16xf32>,
      tpu.vector_store_idx %arg6[%parallel_loop3A_202], %broadcast_in_dim3A_5 {add = true} : memref<39936xf32, #tpu.memory_space<vmem>>[vector<16xi32>], vector<16xf32>,
    } {sc.loop_unroll_factor = 8 : i64, sc.parallel_access}
    %dma_wait3A_66 = tpu.memref_slice %arg2[%add3A_60] : memref<5242880xi32, #tpu.memory_space<hbm>> -> memref<8192xi32, #tpu.memory_space<hbm>>
    %dma_wait3A_67 = tpu.memref_slice %arg2[%add3A_60] : memref<5242880xi32, #tpu.memory_space<hbm>> -> memref<8192xi32, #tpu.memory_space<hbm>>
    tpu.wait_dma2 semaphore(%arg7 : memref<!tpu.dma_semaphore, #tpu.memory_space<semaphore_mem>>) src(%dma_wait3A_67 : memref<8192xi32, #tpu.memory_space<hbm>>) dst(%arg4 : memref<8192xi32, #tpu.memory_space<vmem>>)
    %add3A_68 = arith.constant 57344 : i32
    %add3A_69 = arith.addi %mul3A_2, %add3A_68 : i32
    %dma_start3A_70 = tpu.memref_slice %arg2[%add3A_69] : memref<5242880xi32, #tpu.memory_space<hbm>> -> memref<8192xi32, #tpu.memory_space<hbm>>
    %dma_start3A_71 = tpu.memref_slice %arg2[%add3A_69] : memref<5242880xi32, #tpu.memory_space<hbm>> -> memref<8192xi32, #tpu.memory_space<hbm>>
    tpu.enqueue_dma source(%dma_start3A_71 : memref<8192xi32, #tpu.memory_space<hbm>>) target(%arg5 : memref<8192xi32, #tpu.memory_space<vmem>>) target_semaphore(%arg8 : memref<!tpu.dma_semaphore, #tpu.memory_space<semaphore_mem>>)
    %parallel_loop3A_72 = arith.constant 0 : i32
    %parallel_loop3A_73 = arith.constant 8192 : i32
    %parallel_loop3A_74 = arith.constant 16 : i32
    scf.for %parallel_loop3A_194 = %parallel_loop3A_72 to %parallel_loop3A_73 step %parallel_loop3A_74  : i32 {
      %parallel_loop3A_195 = arith.index_cast %parallel_loop3A_194 : i32 to index
      %parallel_loop3A_196 = tpu.vector_load %arg4[%parallel_loop3A_195] {strides = array<i32>} : memref<8192xi32, #tpu.memory_space<vmem>>, vector<16xi32>,
      %parallel_loop3A_197 = arith.constant 65535 : i32
      %parallel_loop3A_198 = vector.broadcast %parallel_loop3A_197 : i32 to vector<16xi32>
      %parallel_loop3A_199 = arith.andi %parallel_loop3A_196, %parallel_loop3A_198 : vector<16xi32>
      %parallel_loop3A_200 = arith.constant 16 : i32
      %parallel_loop3A_201 = vector.broadcast %parallel_loop3A_200 : i32 to vector<16xi32>
      %parallel_loop3A_202 = arith.shrui %parallel_loop3A_196, %parallel_loop3A_201 : vector<16xi32>
      tpu.vector_store_idx %arg6[%parallel_loop3A_199], %broadcast_in_dim3A_5 {add = true} : memref<39936xf32, #tpu.memory_space<vmem>>[vector<16xi32>], vector<16xf32>,
      tpu.vector_store_idx %arg6[%parallel_loop3A_202], %broadcast_in_dim3A_5 {add = true} : memref<39936xf32, #tpu.memory_space<vmem>>[vector<16xi32>], vector<16xf32>,
    } {sc.loop_unroll_factor = 8 : i64, sc.parallel_access}
    %dma_wait3A_75 = tpu.memref_slice %arg2[%add3A_69] : memref<5242880xi32, #tpu.memory_space<hbm>> -> memref<8192xi32, #tpu.memory_space<hbm>>
    %dma_wait3A_76 = tpu.memref_slice %arg2[%add3A_69] : memref<5242880xi32, #tpu.memory_space<hbm>> -> memref<8192xi32, #tpu.memory_space<hbm>>
    tpu.wait_dma2 semaphore(%arg8 : memref<!tpu.dma_semaphore, #tpu.memory_space<semaphore_mem>>) src(%dma_wait3A_76 : memref<8192xi32, #tpu.memory_space<hbm>>) dst(%arg5 : memref<8192xi32, #tpu.memory_space<vmem>>)
    %add3A_77 = arith.constant 65536 : i32
    %add3A_78 = arith.addi %mul3A_2, %add3A_77 : i32
    %dma_start3A_79 = tpu.memref_slice %arg2[%add3A_78] : memref<5242880xi32, #tpu.memory_space<hbm>> -> memref<8192xi32, #tpu.memory_space<hbm>>
    %dma_start3A_80 = tpu.memref_slice %arg2[%add3A_78] : memref<5242880xi32, #tpu.memory_space<hbm>> -> memref<8192xi32, #tpu.memory_space<hbm>>
    tpu.enqueue_dma source(%dma_start3A_80 : memref<8192xi32, #tpu.memory_space<hbm>>) target(%arg4 : memref<8192xi32, #tpu.memory_space<vmem>>) target_semaphore(%arg7 : memref<!tpu.dma_semaphore, #tpu.memory_space<semaphore_mem>>)
    %parallel_loop3A_81 = arith.constant 0 : i32
    %parallel_loop3A_82 = arith.constant 8192 : i32
    %parallel_loop3A_83 = arith.constant 16 : i32
    scf.for %parallel_loop3A_194 = %parallel_loop3A_81 to %parallel_loop3A_82 step %parallel_loop3A_83  : i32 {
      %parallel_loop3A_195 = arith.index_cast %parallel_loop3A_194 : i32 to index
      %parallel_loop3A_196 = tpu.vector_load %arg5[%parallel_loop3A_195] {strides = array<i32>} : memref<8192xi32, #tpu.memory_space<vmem>>, vector<16xi32>,
      %parallel_loop3A_197 = arith.constant 65535 : i32
      %parallel_loop3A_198 = vector.broadcast %parallel_loop3A_197 : i32 to vector<16xi32>
      %parallel_loop3A_199 = arith.andi %parallel_loop3A_196, %parallel_loop3A_198 : vector<16xi32>
      %parallel_loop3A_200 = arith.constant 16 : i32
      %parallel_loop3A_201 = vector.broadcast %parallel_loop3A_200 : i32 to vector<16xi32>
      %parallel_loop3A_202 = arith.shrui %parallel_loop3A_196, %parallel_loop3A_201 : vector<16xi32>
      tpu.vector_store_idx %arg6[%parallel_loop3A_199], %broadcast_in_dim3A_5 {add = true} : memref<39936xf32, #tpu.memory_space<vmem>>[vector<16xi32>], vector<16xf32>,
      tpu.vector_store_idx %arg6[%parallel_loop3A_202], %broadcast_in_dim3A_5 {add = true} : memref<39936xf32, #tpu.memory_space<vmem>>[vector<16xi32>], vector<16xf32>,
    } {sc.loop_unroll_factor = 8 : i64, sc.parallel_access}
    %dma_wait3A_84 = tpu.memref_slice %arg2[%add3A_78] : memref<5242880xi32, #tpu.memory_space<hbm>> -> memref<8192xi32, #tpu.memory_space<hbm>>
    %dma_wait3A_85 = tpu.memref_slice %arg2[%add3A_78] : memref<5242880xi32, #tpu.memory_space<hbm>> -> memref<8192xi32, #tpu.memory_space<hbm>>
    tpu.wait_dma2 semaphore(%arg7 : memref<!tpu.dma_semaphore, #tpu.memory_space<semaphore_mem>>) src(%dma_wait3A_85 : memref<8192xi32, #tpu.memory_space<hbm>>) dst(%arg4 : memref<8192xi32, #tpu.memory_space<vmem>>)
    %add3A_86 = arith.constant 73728 : i32
    %add3A_87 = arith.addi %mul3A_2, %add3A_86 : i32
    %dma_start3A_88 = tpu.memref_slice %arg2[%add3A_87] : memref<5242880xi32, #tpu.memory_space<hbm>> -> memref<8192xi32, #tpu.memory_space<hbm>>
    %dma_start3A_89 = tpu.memref_slice %arg2[%add3A_87] : memref<5242880xi32, #tpu.memory_space<hbm>> -> memref<8192xi32, #tpu.memory_space<hbm>>
    tpu.enqueue_dma source(%dma_start3A_89 : memref<8192xi32, #tpu.memory_space<hbm>>) target(%arg5 : memref<8192xi32, #tpu.memory_space<vmem>>) target_semaphore(%arg8 : memref<!tpu.dma_semaphore, #tpu.memory_space<semaphore_mem>>)
    %parallel_loop3A_90 = arith.constant 0 : i32
    %parallel_loop3A_91 = arith.constant 8192 : i32
    %parallel_loop3A_92 = arith.constant 16 : i32
    scf.for %parallel_loop3A_194 = %parallel_loop3A_90 to %parallel_loop3A_91 step %parallel_loop3A_92  : i32 {
      %parallel_loop3A_195 = arith.index_cast %parallel_loop3A_194 : i32 to index
      %parallel_loop3A_196 = tpu.vector_load %arg4[%parallel_loop3A_195] {strides = array<i32>} : memref<8192xi32, #tpu.memory_space<vmem>>, vector<16xi32>,
      %parallel_loop3A_197 = arith.constant 65535 : i32
      %parallel_loop3A_198 = vector.broadcast %parallel_loop3A_197 : i32 to vector<16xi32>
      %parallel_loop3A_199 = arith.andi %parallel_loop3A_196, %parallel_loop3A_198 : vector<16xi32>
      %parallel_loop3A_200 = arith.constant 16 : i32
      %parallel_loop3A_201 = vector.broadcast %parallel_loop3A_200 : i32 to vector<16xi32>
      %parallel_loop3A_202 = arith.shrui %parallel_loop3A_196, %parallel_loop3A_201 : vector<16xi32>
      tpu.vector_store_idx %arg6[%parallel_loop3A_199], %broadcast_in_dim3A_5 {add = true} : memref<39936xf32, #tpu.memory_space<vmem>>[vector<16xi32>], vector<16xf32>,
      tpu.vector_store_idx %arg6[%parallel_loop3A_202], %broadcast_in_dim3A_5 {add = true} : memref<39936xf32, #tpu.memory_space<vmem>>[vector<16xi32>], vector<16xf32>,
    } {sc.loop_unroll_factor = 8 : i64, sc.parallel_access}
    %dma_wait3A_93 = tpu.memref_slice %arg2[%add3A_87] : memref<5242880xi32, #tpu.memory_space<hbm>> -> memref<8192xi32, #tpu.memory_space<hbm>>
    %dma_wait3A_94 = tpu.memref_slice %arg2[%add3A_87] : memref<5242880xi32, #tpu.memory_space<hbm>> -> memref<8192xi32, #tpu.memory_space<hbm>>
    tpu.wait_dma2 semaphore(%arg8 : memref<!tpu.dma_semaphore, #tpu.memory_space<semaphore_mem>>) src(%dma_wait3A_94 : memref<8192xi32, #tpu.memory_space<hbm>>) dst(%arg5 : memref<8192xi32, #tpu.memory_space<vmem>>)
    %add3A_95 = arith.constant 81920 : i32
    %add3A_96 = arith.addi %mul3A_2, %add3A_95 : i32
    %dma_start3A_97 = tpu.memref_slice %arg2[%add3A_96] : memref<5242880xi32, #tpu.memory_space<hbm>> -> memref<8192xi32, #tpu.memory_space<hbm>>
    %dma_start3A_98 = tpu.memref_slice %arg2[%add3A_96] : memref<5242880xi32, #tpu.memory_space<hbm>> -> memref<8192xi32, #tpu.memory_space<hbm>>
    tpu.enqueue_dma source(%dma_start3A_98 : memref<8192xi32, #tpu.memory_space<hbm>>) target(%arg4 : memref<8192xi32, #tpu.memory_space<vmem>>) target_semaphore(%arg7 : memref<!tpu.dma_semaphore, #tpu.memory_space<semaphore_mem>>)
    %parallel_loop3A_99 = arith.constant 0 : i32
    %parallel_loop3A_100 = arith.constant 8192 : i32
    %parallel_loop3A_101 = arith.constant 16 : i32
    scf.for %parallel_loop3A_194 = %parallel_loop3A_99 to %parallel_loop3A_100 step %parallel_loop3A_101  : i32 {
      %parallel_loop3A_195 = arith.index_cast %parallel_loop3A_194 : i32 to index
      %parallel_loop3A_196 = tpu.vector_load %arg5[%parallel_loop3A_195] {strides = array<i32>} : memref<8192xi32, #tpu.memory_space<vmem>>, vector<16xi32>,
      %parallel_loop3A_197 = arith.constant 65535 : i32
      %parallel_loop3A_198 = vector.broadcast %parallel_loop3A_197 : i32 to vector<16xi32>
      %parallel_loop3A_199 = arith.andi %parallel_loop3A_196, %parallel_loop3A_198 : vector<16xi32>
      %parallel_loop3A_200 = arith.constant 16 : i32
      %parallel_loop3A_201 = vector.broadcast %parallel_loop3A_200 : i32 to vector<16xi32>
      %parallel_loop3A_202 = arith.shrui %parallel_loop3A_196, %parallel_loop3A_201 : vector<16xi32>
      tpu.vector_store_idx %arg6[%parallel_loop3A_199], %broadcast_in_dim3A_5 {add = true} : memref<39936xf32, #tpu.memory_space<vmem>>[vector<16xi32>], vector<16xf32>,
      tpu.vector_store_idx %arg6[%parallel_loop3A_202], %broadcast_in_dim3A_5 {add = true} : memref<39936xf32, #tpu.memory_space<vmem>>[vector<16xi32>], vector<16xf32>,
    } {sc.loop_unroll_factor = 8 : i64, sc.parallel_access}
    %dma_wait3A_102 = tpu.memref_slice %arg2[%add3A_96] : memref<5242880xi32, #tpu.memory_space<hbm>> -> memref<8192xi32, #tpu.memory_space<hbm>>
    %dma_wait3A_103 = tpu.memref_slice %arg2[%add3A_96] : memref<5242880xi32, #tpu.memory_space<hbm>> -> memref<8192xi32, #tpu.memory_space<hbm>>
    tpu.wait_dma2 semaphore(%arg7 : memref<!tpu.dma_semaphore, #tpu.memory_space<semaphore_mem>>) src(%dma_wait3A_103 : memref<8192xi32, #tpu.memory_space<hbm>>) dst(%arg4 : memref<8192xi32, #tpu.memory_space<vmem>>)
    %add3A_104 = arith.constant 90112 : i32
    %add3A_105 = arith.addi %mul3A_2, %add3A_104 : i32
    %dma_start3A_106 = tpu.memref_slice %arg2[%add3A_105] : memref<5242880xi32, #tpu.memory_space<hbm>> -> memref<8192xi32, #tpu.memory_space<hbm>>
    %dma_start3A_107 = tpu.memref_slice %arg2[%add3A_105] : memref<5242880xi32, #tpu.memory_space<hbm>> -> memref<8192xi32, #tpu.memory_space<hbm>>
    tpu.enqueue_dma source(%dma_start3A_107 : memref<8192xi32, #tpu.memory_space<hbm>>) target(%arg5 : memref<8192xi32, #tpu.memory_space<vmem>>) target_semaphore(%arg8 : memref<!tpu.dma_semaphore, #tpu.memory_space<semaphore_mem>>)
    %parallel_loop3A_108 = arith.constant 0 : i32
    %parallel_loop3A_109 = arith.constant 8192 : i32
    %parallel_loop3A_110 = arith.constant 16 : i32
    scf.for %parallel_loop3A_194 = %parallel_loop3A_108 to %parallel_loop3A_109 step %parallel_loop3A_110  : i32 {
      %parallel_loop3A_195 = arith.index_cast %parallel_loop3A_194 : i32 to index
      %parallel_loop3A_196 = tpu.vector_load %arg4[%parallel_loop3A_195] {strides = array<i32>} : memref<8192xi32, #tpu.memory_space<vmem>>, vector<16xi32>,
      %parallel_loop3A_197 = arith.constant 65535 : i32
      %parallel_loop3A_198 = vector.broadcast %parallel_loop3A_197 : i32 to vector<16xi32>
      %parallel_loop3A_199 = arith.andi %parallel_loop3A_196, %parallel_loop3A_198 : vector<16xi32>
      %parallel_loop3A_200 = arith.constant 16 : i32
      %parallel_loop3A_201 = vector.broadcast %parallel_loop3A_200 : i32 to vector<16xi32>
      %parallel_loop3A_202 = arith.shrui %parallel_loop3A_196, %parallel_loop3A_201 : vector<16xi32>
      tpu.vector_store_idx %arg6[%parallel_loop3A_199], %broadcast_in_dim3A_5 {add = true} : memref<39936xf32, #tpu.memory_space<vmem>>[vector<16xi32>], vector<16xf32>,
      tpu.vector_store_idx %arg6[%parallel_loop3A_202], %broadcast_in_dim3A_5 {add = true} : memref<39936xf32, #tpu.memory_space<vmem>>[vector<16xi32>], vector<16xf32>,
    } {sc.loop_unroll_factor = 8 : i64, sc.parallel_access}
    %dma_wait3A_111 = tpu.memref_slice %arg2[%add3A_105] : memref<5242880xi32, #tpu.memory_space<hbm>> -> memref<8192xi32, #tpu.memory_space<hbm>>
    %dma_wait3A_112 = tpu.memref_slice %arg2[%add3A_105] : memref<5242880xi32, #tpu.memory_space<hbm>> -> memref<8192xi32, #tpu.memory_space<hbm>>
    tpu.wait_dma2 semaphore(%arg8 : memref<!tpu.dma_semaphore, #tpu.memory_space<semaphore_mem>>) src(%dma_wait3A_112 : memref<8192xi32, #tpu.memory_space<hbm>>) dst(%arg5 : memref<8192xi32, #tpu.memory_space<vmem>>)
    %add3A_113 = arith.constant 98304 : i32
    %add3A_114 = arith.addi %mul3A_2, %add3A_113 : i32
    %dma_start3A_115 = tpu.memref_slice %arg2[%add3A_114] : memref<5242880xi32, #tpu.memory_space<hbm>> -> memref<8192xi32, #tpu.memory_space<hbm>>
    %dma_start3A_116 = tpu.memref_slice %arg2[%add3A_114] : memref<5242880xi32, #tpu.memory_space<hbm>> -> memref<8192xi32, #tpu.memory_space<hbm>>
    tpu.enqueue_dma source(%dma_start3A_116 : memref<8192xi32, #tpu.memory_space<hbm>>) target(%arg4 : memref<8192xi32, #tpu.memory_space<vmem>>) target_semaphore(%arg7 : memref<!tpu.dma_semaphore, #tpu.memory_space<semaphore_mem>>)
    %parallel_loop3A_117 = arith.constant 0 : i32
    %parallel_loop3A_118 = arith.constant 8192 : i32
    %parallel_loop3A_119 = arith.constant 16 : i32
    scf.for %parallel_loop3A_194 = %parallel_loop3A_117 to %parallel_loop3A_118 step %parallel_loop3A_119  : i32 {
      %parallel_loop3A_195 = arith.index_cast %parallel_loop3A_194 : i32 to index
      %parallel_loop3A_196 = tpu.vector_load %arg5[%parallel_loop3A_195] {strides = array<i32>} : memref<8192xi32, #tpu.memory_space<vmem>>, vector<16xi32>,
      %parallel_loop3A_197 = arith.constant 65535 : i32
      %parallel_loop3A_198 = vector.broadcast %parallel_loop3A_197 : i32 to vector<16xi32>
      %parallel_loop3A_199 = arith.andi %parallel_loop3A_196, %parallel_loop3A_198 : vector<16xi32>
      %parallel_loop3A_200 = arith.constant 16 : i32
      %parallel_loop3A_201 = vector.broadcast %parallel_loop3A_200 : i32 to vector<16xi32>
      %parallel_loop3A_202 = arith.shrui %parallel_loop3A_196, %parallel_loop3A_201 : vector<16xi32>
      tpu.vector_store_idx %arg6[%parallel_loop3A_199], %broadcast_in_dim3A_5 {add = true} : memref<39936xf32, #tpu.memory_space<vmem>>[vector<16xi32>], vector<16xf32>,
      tpu.vector_store_idx %arg6[%parallel_loop3A_202], %broadcast_in_dim3A_5 {add = true} : memref<39936xf32, #tpu.memory_space<vmem>>[vector<16xi32>], vector<16xf32>,
    } {sc.loop_unroll_factor = 8 : i64, sc.parallel_access}
    %dma_wait3A_120 = tpu.memref_slice %arg2[%add3A_114] : memref<5242880xi32, #tpu.memory_space<hbm>> -> memref<8192xi32, #tpu.memory_space<hbm>>
    %dma_wait3A_121 = tpu.memref_slice %arg2[%add3A_114] : memref<5242880xi32, #tpu.memory_space<hbm>> -> memref<8192xi32, #tpu.memory_space<hbm>>
    tpu.wait_dma2 semaphore(%arg7 : memref<!tpu.dma_semaphore, #tpu.memory_space<semaphore_mem>>) src(%dma_wait3A_121 : memref<8192xi32, #tpu.memory_space<hbm>>) dst(%arg4 : memref<8192xi32, #tpu.memory_space<vmem>>)
    %add3A_122 = arith.constant 106496 : i32
    %add3A_123 = arith.addi %mul3A_2, %add3A_122 : i32
    %dma_start3A_124 = tpu.memref_slice %arg2[%add3A_123] : memref<5242880xi32, #tpu.memory_space<hbm>> -> memref<8192xi32, #tpu.memory_space<hbm>>
    %dma_start3A_125 = tpu.memref_slice %arg2[%add3A_123] : memref<5242880xi32, #tpu.memory_space<hbm>> -> memref<8192xi32, #tpu.memory_space<hbm>>
    tpu.enqueue_dma source(%dma_start3A_125 : memref<8192xi32, #tpu.memory_space<hbm>>) target(%arg5 : memref<8192xi32, #tpu.memory_space<vmem>>) target_semaphore(%arg8 : memref<!tpu.dma_semaphore, #tpu.memory_space<semaphore_mem>>)
    %parallel_loop3A_126 = arith.constant 0 : i32
    %parallel_loop3A_127 = arith.constant 8192 : i32
    %parallel_loop3A_128 = arith.constant 16 : i32
    scf.for %parallel_loop3A_194 = %parallel_loop3A_126 to %parallel_loop3A_127 step %parallel_loop3A_128  : i32 {
      %parallel_loop3A_195 = arith.index_cast %parallel_loop3A_194 : i32 to index
      %parallel_loop3A_196 = tpu.vector_load %arg4[%parallel_loop3A_195] {strides = array<i32>} : memref<8192xi32, #tpu.memory_space<vmem>>, vector<16xi32>,
      %parallel_loop3A_197 = arith.constant 65535 : i32
      %parallel_loop3A_198 = vector.broadcast %parallel_loop3A_197 : i32 to vector<16xi32>
      %parallel_loop3A_199 = arith.andi %parallel_loop3A_196, %parallel_loop3A_198 : vector<16xi32>
      %parallel_loop3A_200 = arith.constant 16 : i32
      %parallel_loop3A_201 = vector.broadcast %parallel_loop3A_200 : i32 to vector<16xi32>
      %parallel_loop3A_202 = arith.shrui %parallel_loop3A_196, %parallel_loop3A_201 : vector<16xi32>
      tpu.vector_store_idx %arg6[%parallel_loop3A_199], %broadcast_in_dim3A_5 {add = true} : memref<39936xf32, #tpu.memory_space<vmem>>[vector<16xi32>], vector<16xf32>,
      tpu.vector_store_idx %arg6[%parallel_loop3A_202], %broadcast_in_dim3A_5 {add = true} : memref<39936xf32, #tpu.memory_space<vmem>>[vector<16xi32>], vector<16xf32>,
    } {sc.loop_unroll_factor = 8 : i64, sc.parallel_access}
    %dma_wait3A_129 = tpu.memref_slice %arg2[%add3A_123] : memref<5242880xi32, #tpu.memory_space<hbm>> -> memref<8192xi32, #tpu.memory_space<hbm>>
    %dma_wait3A_130 = tpu.memref_slice %arg2[%add3A_123] : memref<5242880xi32, #tpu.memory_space<hbm>> -> memref<8192xi32, #tpu.memory_space<hbm>>
    tpu.wait_dma2 semaphore(%arg8 : memref<!tpu.dma_semaphore, #tpu.memory_space<semaphore_mem>>) src(%dma_wait3A_130 : memref<8192xi32, #tpu.memory_space<hbm>>) dst(%arg5 : memref<8192xi32, #tpu.memory_space<vmem>>)
    %add3A_131 = arith.constant 114688 : i32
    %add3A_132 = arith.addi %mul3A_2, %add3A_131 : i32
    %dma_start3A_133 = tpu.memref_slice %arg2[%add3A_132] : memref<5242880xi32, #tpu.memory_space<hbm>> -> memref<8192xi32, #tpu.memory_space<hbm>>
    %dma_start3A_134 = tpu.memref_slice %arg2[%add3A_132] : memref<5242880xi32, #tpu.memory_space<hbm>> -> memref<8192xi32, #tpu.memory_space<hbm>>
    tpu.enqueue_dma source(%dma_start3A_134 : memref<8192xi32, #tpu.memory_space<hbm>>) target(%arg4 : memref<8192xi32, #tpu.memory_space<vmem>>) target_semaphore(%arg7 : memref<!tpu.dma_semaphore, #tpu.memory_space<semaphore_mem>>)
    %parallel_loop3A_135 = arith.constant 0 : i32
    %parallel_loop3A_136 = arith.constant 8192 : i32
    %parallel_loop3A_137 = arith.constant 16 : i32
    scf.for %parallel_loop3A_194 = %parallel_loop3A_135 to %parallel_loop3A_136 step %parallel_loop3A_137  : i32 {
      %parallel_loop3A_195 = arith.index_cast %parallel_loop3A_194 : i32 to index
      %parallel_loop3A_196 = tpu.vector_load %arg5[%parallel_loop3A_195] {strides = array<i32>} : memref<8192xi32, #tpu.memory_space<vmem>>, vector<16xi32>,
      %parallel_loop3A_197 = arith.constant 65535 : i32
      %parallel_loop3A_198 = vector.broadcast %parallel_loop3A_197 : i32 to vector<16xi32>
      %parallel_loop3A_199 = arith.andi %parallel_loop3A_196, %parallel_loop3A_198 : vector<16xi32>
      %parallel_loop3A_200 = arith.constant 16 : i32
      %parallel_loop3A_201 = vector.broadcast %parallel_loop3A_200 : i32 to vector<16xi32>
      %parallel_loop3A_202 = arith.shrui %parallel_loop3A_196, %parallel_loop3A_201 : vector<16xi32>
      tpu.vector_store_idx %arg6[%parallel_loop3A_199], %broadcast_in_dim3A_5 {add = true} : memref<39936xf32, #tpu.memory_space<vmem>>[vector<16xi32>], vector<16xf32>,
      tpu.vector_store_idx %arg6[%parallel_loop3A_202], %broadcast_in_dim3A_5 {add = true} : memref<39936xf32, #tpu.memory_space<vmem>>[vector<16xi32>], vector<16xf32>,
    } {sc.loop_unroll_factor = 8 : i64, sc.parallel_access}
    %dma_wait3A_138 = tpu.memref_slice %arg2[%add3A_132] : memref<5242880xi32, #tpu.memory_space<hbm>> -> memref<8192xi32, #tpu.memory_space<hbm>>
    %dma_wait3A_139 = tpu.memref_slice %arg2[%add3A_132] : memref<5242880xi32, #tpu.memory_space<hbm>> -> memref<8192xi32, #tpu.memory_space<hbm>>
    tpu.wait_dma2 semaphore(%arg7 : memref<!tpu.dma_semaphore, #tpu.memory_space<semaphore_mem>>) src(%dma_wait3A_139 : memref<8192xi32, #tpu.memory_space<hbm>>) dst(%arg4 : memref<8192xi32, #tpu.memory_space<vmem>>)
    %add3A_140 = arith.constant 122880 : i32
    %add3A_141 = arith.addi %mul3A_2, %add3A_140 : i32
    %dma_start3A_142 = tpu.memref_slice %arg2[%add3A_141] : memref<5242880xi32, #tpu.memory_space<hbm>> -> memref<8192xi32, #tpu.memory_space<hbm>>
    %dma_start3A_143 = tpu.memref_slice %arg2[%add3A_141] : memref<5242880xi32, #tpu.memory_space<hbm>> -> memref<8192xi32, #tpu.memory_space<hbm>>
    tpu.enqueue_dma source(%dma_start3A_143 : memref<8192xi32, #tpu.memory_space<hbm>>) target(%arg5 : memref<8192xi32, #tpu.memory_space<vmem>>) target_semaphore(%arg8 : memref<!tpu.dma_semaphore, #tpu.memory_space<semaphore_mem>>)
    %parallel_loop3A_144 = arith.constant 0 : i32
    %parallel_loop3A_145 = arith.constant 8192 : i32
    %parallel_loop3A_146 = arith.constant 16 : i32
    scf.for %parallel_loop3A_194 = %parallel_loop3A_144 to %parallel_loop3A_145 step %parallel_loop3A_146  : i32 {
      %parallel_loop3A_195 = arith.index_cast %parallel_loop3A_194 : i32 to index
      %parallel_loop3A_196 = tpu.vector_load %arg4[%parallel_loop3A_195] {strides = array<i32>} : memref<8192xi32, #tpu.memory_space<vmem>>, vector<16xi32>,
      %parallel_loop3A_197 = arith.constant 65535 : i32
      %parallel_loop3A_198 = vector.broadcast %parallel_loop3A_197 : i32 to vector<16xi32>
      %parallel_loop3A_199 = arith.andi %parallel_loop3A_196, %parallel_loop3A_198 : vector<16xi32>
      %parallel_loop3A_200 = arith.constant 16 : i32
      %parallel_loop3A_201 = vector.broadcast %parallel_loop3A_200 : i32 to vector<16xi32>
      %parallel_loop3A_202 = arith.shrui %parallel_loop3A_196, %parallel_loop3A_201 : vector<16xi32>
      tpu.vector_store_idx %arg6[%parallel_loop3A_199], %broadcast_in_dim3A_5 {add = true} : memref<39936xf32, #tpu.memory_space<vmem>>[vector<16xi32>], vector<16xf32>,
      tpu.vector_store_idx %arg6[%parallel_loop3A_202], %broadcast_in_dim3A_5 {add = true} : memref<39936xf32, #tpu.memory_space<vmem>>[vector<16xi32>], vector<16xf32>,
    } {sc.loop_unroll_factor = 8 : i64, sc.parallel_access}
    %dma_wait3A_147 = tpu.memref_slice %arg2[%add3A_141] : memref<5242880xi32, #tpu.memory_space<hbm>> -> memref<8192xi32, #tpu.memory_space<hbm>>
    %dma_wait3A_148 = tpu.memref_slice %arg2[%add3A_141] : memref<5242880xi32, #tpu.memory_space<hbm>> -> memref<8192xi32, #tpu.memory_space<hbm>>
    tpu.wait_dma2 semaphore(%arg8 : memref<!tpu.dma_semaphore, #tpu.memory_space<semaphore_mem>>) src(%dma_wait3A_148 : memref<8192xi32, #tpu.memory_space<hbm>>) dst(%arg5 : memref<8192xi32, #tpu.memory_space<vmem>>)
    %add3A_149 = arith.constant 131072 : i32
    %add3A_150 = arith.addi %mul3A_2, %add3A_149 : i32
    %dma_start3A_151 = tpu.memref_slice %arg2[%add3A_150] : memref<5242880xi32, #tpu.memory_space<hbm>> -> memref<8192xi32, #tpu.memory_space<hbm>>
    %dma_start3A_152 = tpu.memref_slice %arg2[%add3A_150] : memref<5242880xi32, #tpu.memory_space<hbm>> -> memref<8192xi32, #tpu.memory_space<hbm>>
    tpu.enqueue_dma source(%dma_start3A_152 : memref<8192xi32, #tpu.memory_space<hbm>>) target(%arg4 : memref<8192xi32, #tpu.memory_space<vmem>>) target_semaphore(%arg7 : memref<!tpu.dma_semaphore, #tpu.memory_space<semaphore_mem>>)
    %parallel_loop3A_153 = arith.constant 0 : i32
    %parallel_loop3A_154 = arith.constant 8192 : i32
    %parallel_loop3A_155 = arith.constant 16 : i32
    scf.for %parallel_loop3A_194 = %parallel_loop3A_153 to %parallel_loop3A_154 step %parallel_loop3A_155  : i32 {
      %parallel_loop3A_195 = arith.index_cast %parallel_loop3A_194 : i32 to index
      %parallel_loop3A_196 = tpu.vector_load %arg5[%parallel_loop3A_195] {strides = array<i32>} : memref<8192xi32, #tpu.memory_space<vmem>>, vector<16xi32>,
      %parallel_loop3A_197 = arith.constant 65535 : i32
      %parallel_loop3A_198 = vector.broadcast %parallel_loop3A_197 : i32 to vector<16xi32>
      %parallel_loop3A_199 = arith.andi %parallel_loop3A_196, %parallel_loop3A_198 : vector<16xi32>
      %parallel_loop3A_200 = arith.constant 16 : i32
      %parallel_loop3A_201 = vector.broadcast %parallel_loop3A_200 : i32 to vector<16xi32>
      %parallel_loop3A_202 = arith.shrui %parallel_loop3A_196, %parallel_loop3A_201 : vector<16xi32>
      tpu.vector_store_idx %arg6[%parallel_loop3A_199], %broadcast_in_dim3A_5 {add = true} : memref<39936xf32, #tpu.memory_space<vmem>>[vector<16xi32>], vector<16xf32>,
      tpu.vector_store_idx %arg6[%parallel_loop3A_202], %broadcast_in_dim3A_5 {add = true} : memref<39936xf32, #tpu.memory_space<vmem>>[vector<16xi32>], vector<16xf32>,
    } {sc.loop_unroll_factor = 8 : i64, sc.parallel_access}
    %dma_wait3A_156 = tpu.memref_slice %arg2[%add3A_150] : memref<5242880xi32, #tpu.memory_space<hbm>> -> memref<8192xi32, #tpu.memory_space<hbm>>
    %dma_wait3A_157 = tpu.memref_slice %arg2[%add3A_150] : memref<5242880xi32, #tpu.memory_space<hbm>> -> memref<8192xi32, #tpu.memory_space<hbm>>
    tpu.wait_dma2 semaphore(%arg7 : memref<!tpu.dma_semaphore, #tpu.memory_space<semaphore_mem>>) src(%dma_wait3A_157 : memref<8192xi32, #tpu.memory_space<hbm>>) dst(%arg4 : memref<8192xi32, #tpu.memory_space<vmem>>)
    %add3A_158 = arith.constant 139264 : i32
    %add3A_159 = arith.addi %mul3A_2, %add3A_158 : i32
    %dma_start3A_160 = tpu.memref_slice %arg2[%add3A_159] : memref<5242880xi32, #tpu.memory_space<hbm>> -> memref<8192xi32, #tpu.memory_space<hbm>>
    %dma_start3A_161 = tpu.memref_slice %arg2[%add3A_159] : memref<5242880xi32, #tpu.memory_space<hbm>> -> memref<8192xi32, #tpu.memory_space<hbm>>
    tpu.enqueue_dma source(%dma_start3A_161 : memref<8192xi32, #tpu.memory_space<hbm>>) target(%arg5 : memref<8192xi32, #tpu.memory_space<vmem>>) target_semaphore(%arg8 : memref<!tpu.dma_semaphore, #tpu.memory_space<semaphore_mem>>)
    %parallel_loop3A_162 = arith.constant 0 : i32
    %parallel_loop3A_163 = arith.constant 8192 : i32
    %parallel_loop3A_164 = arith.constant 16 : i32
    scf.for %parallel_loop3A_194 = %parallel_loop3A_162 to %parallel_loop3A_163 step %parallel_loop3A_164  : i32 {
      %parallel_loop3A_195 = arith.index_cast %parallel_loop3A_194 : i32 to index
      %parallel_loop3A_196 = tpu.vector_load %arg4[%parallel_loop3A_195] {strides = array<i32>} : memref<8192xi32, #tpu.memory_space<vmem>>, vector<16xi32>,
      %parallel_loop3A_197 = arith.constant 65535 : i32
      %parallel_loop3A_198 = vector.broadcast %parallel_loop3A_197 : i32 to vector<16xi32>
      %parallel_loop3A_199 = arith.andi %parallel_loop3A_196, %parallel_loop3A_198 : vector<16xi32>
      %parallel_loop3A_200 = arith.constant 16 : i32
      %parallel_loop3A_201 = vector.broadcast %parallel_loop3A_200 : i32 to vector<16xi32>
      %parallel_loop3A_202 = arith.shrui %parallel_loop3A_196, %parallel_loop3A_201 : vector<16xi32>
      tpu.vector_store_idx %arg6[%parallel_loop3A_199], %broadcast_in_dim3A_5 {add = true} : memref<39936xf32, #tpu.memory_space<vmem>>[vector<16xi32>], vector<16xf32>,
      tpu.vector_store_idx %arg6[%parallel_loop3A_202], %broadcast_in_dim3A_5 {add = true} : memref<39936xf32, #tpu.memory_space<vmem>>[vector<16xi32>], vector<16xf32>,
    } {sc.loop_unroll_factor = 8 : i64, sc.parallel_access}
    %dma_wait3A_165 = tpu.memref_slice %arg2[%add3A_159] : memref<5242880xi32, #tpu.memory_space<hbm>> -> memref<8192xi32, #tpu.memory_space<hbm>>
    %dma_wait3A_166 = tpu.memref_slice %arg2[%add3A_159] : memref<5242880xi32, #tpu.memory_space<hbm>> -> memref<8192xi32, #tpu.memory_space<hbm>>
    tpu.wait_dma2 semaphore(%arg8 : memref<!tpu.dma_semaphore, #tpu.memory_space<semaphore_mem>>) src(%dma_wait3A_166 : memref<8192xi32, #tpu.memory_space<hbm>>) dst(%arg5 : memref<8192xi32, #tpu.memory_space<vmem>>)
    %add3A_167 = arith.constant 147456 : i32
    %add3A_168 = arith.addi %mul3A_2, %add3A_167 : i32
    %dma_start3A_169 = tpu.memref_slice %arg2[%add3A_168] : memref<5242880xi32, #tpu.memory_space<hbm>> -> memref<8192xi32, #tpu.memory_space<hbm>>
    %dma_start3A_170 = tpu.memref_slice %arg2[%add3A_168] : memref<5242880xi32, #tpu.memory_space<hbm>> -> memref<8192xi32, #tpu.memory_space<hbm>>
    tpu.enqueue_dma source(%dma_start3A_170 : memref<8192xi32, #tpu.memory_space<hbm>>) target(%arg4 : memref<8192xi32, #tpu.memory_space<vmem>>) target_semaphore(%arg7 : memref<!tpu.dma_semaphore, #tpu.memory_space<semaphore_mem>>)
    %parallel_loop3A_171 = arith.constant 0 : i32
    %parallel_loop3A_172 = arith.constant 8192 : i32
    %parallel_loop3A_173 = arith.constant 16 : i32
    scf.for %parallel_loop3A_194 = %parallel_loop3A_171 to %parallel_loop3A_172 step %parallel_loop3A_173  : i32 {
      %parallel_loop3A_195 = arith.index_cast %parallel_loop3A_194 : i32 to index
      %parallel_loop3A_196 = tpu.vector_load %arg5[%parallel_loop3A_195] {strides = array<i32>} : memref<8192xi32, #tpu.memory_space<vmem>>, vector<16xi32>,
      %parallel_loop3A_197 = arith.constant 65535 : i32
      %parallel_loop3A_198 = vector.broadcast %parallel_loop3A_197 : i32 to vector<16xi32>
      %parallel_loop3A_199 = arith.andi %parallel_loop3A_196, %parallel_loop3A_198 : vector<16xi32>
      %parallel_loop3A_200 = arith.constant 16 : i32
      %parallel_loop3A_201 = vector.broadcast %parallel_loop3A_200 : i32 to vector<16xi32>
      %parallel_loop3A_202 = arith.shrui %parallel_loop3A_196, %parallel_loop3A_201 : vector<16xi32>
      tpu.vector_store_idx %arg6[%parallel_loop3A_199], %broadcast_in_dim3A_5 {add = true} : memref<39936xf32, #tpu.memory_space<vmem>>[vector<16xi32>], vector<16xf32>,
      tpu.vector_store_idx %arg6[%parallel_loop3A_202], %broadcast_in_dim3A_5 {add = true} : memref<39936xf32, #tpu.memory_space<vmem>>[vector<16xi32>], vector<16xf32>,
    } {sc.loop_unroll_factor = 8 : i64, sc.parallel_access}
    %dma_wait3A_174 = tpu.memref_slice %arg2[%add3A_168] : memref<5242880xi32, #tpu.memory_space<hbm>> -> memref<8192xi32, #tpu.memory_space<hbm>>
    %dma_wait3A_175 = tpu.memref_slice %arg2[%add3A_168] : memref<5242880xi32, #tpu.memory_space<hbm>> -> memref<8192xi32, #tpu.memory_space<hbm>>
    tpu.wait_dma2 semaphore(%arg7 : memref<!tpu.dma_semaphore, #tpu.memory_space<semaphore_mem>>) src(%dma_wait3A_175 : memref<8192xi32, #tpu.memory_space<hbm>>) dst(%arg4 : memref<8192xi32, #tpu.memory_space<vmem>>)
    %add3A_176 = arith.constant 155648 : i32
    %add3A_177 = arith.addi %mul3A_2, %add3A_176 : i32
    %dma_start3A_178 = tpu.memref_slice %arg2[%add3A_177] : memref<5242880xi32, #tpu.memory_space<hbm>> -> memref<8192xi32, #tpu.memory_space<hbm>>
    %dma_start3A_179 = tpu.memref_slice %arg2[%add3A_177] : memref<5242880xi32, #tpu.memory_space<hbm>> -> memref<8192xi32, #tpu.memory_space<hbm>>
    tpu.enqueue_dma source(%dma_start3A_179 : memref<8192xi32, #tpu.memory_space<hbm>>) target(%arg5 : memref<8192xi32, #tpu.memory_space<vmem>>) target_semaphore(%arg8 : memref<!tpu.dma_semaphore, #tpu.memory_space<semaphore_mem>>)
    %parallel_loop3A_180 = arith.constant 0 : i32
    %parallel_loop3A_181 = arith.constant 8192 : i32
    %parallel_loop3A_182 = arith.constant 16 : i32
    scf.for %parallel_loop3A_194 = %parallel_loop3A_180 to %parallel_loop3A_181 step %parallel_loop3A_182  : i32 {
      %parallel_loop3A_195 = arith.index_cast %parallel_loop3A_194 : i32 to index
      %parallel_loop3A_196 = tpu.vector_load %arg4[%parallel_loop3A_195] {strides = array<i32>} : memref<8192xi32, #tpu.memory_space<vmem>>, vector<16xi32>,
      %parallel_loop3A_197 = arith.constant 65535 : i32
      %parallel_loop3A_198 = vector.broadcast %parallel_loop3A_197 : i32 to vector<16xi32>
      %parallel_loop3A_199 = arith.andi %parallel_loop3A_196, %parallel_loop3A_198 : vector<16xi32>
      %parallel_loop3A_200 = arith.constant 16 : i32
      %parallel_loop3A_201 = vector.broadcast %parallel_loop3A_200 : i32 to vector<16xi32>
      %parallel_loop3A_202 = arith.shrui %parallel_loop3A_196, %parallel_loop3A_201 : vector<16xi32>
      tpu.vector_store_idx %arg6[%parallel_loop3A_199], %broadcast_in_dim3A_5 {add = true} : memref<39936xf32, #tpu.memory_space<vmem>>[vector<16xi32>], vector<16xf32>,
      tpu.vector_store_idx %arg6[%parallel_loop3A_202], %broadcast_in_dim3A_5 {add = true} : memref<39936xf32, #tpu.memory_space<vmem>>[vector<16xi32>], vector<16xf32>,
    } {sc.loop_unroll_factor = 8 : i64, sc.parallel_access}
    %dma_wait3A_183 = tpu.memref_slice %arg2[%add3A_177] : memref<5242880xi32, #tpu.memory_space<hbm>> -> memref<8192xi32, #tpu.memory_space<hbm>>
    %dma_wait3A_184 = tpu.memref_slice %arg2[%add3A_177] : memref<5242880xi32, #tpu.memory_space<hbm>> -> memref<8192xi32, #tpu.memory_space<hbm>>
    tpu.wait_dma2 semaphore(%arg8 : memref<!tpu.dma_semaphore, #tpu.memory_space<semaphore_mem>>) src(%dma_wait3A_184 : memref<8192xi32, #tpu.memory_space<hbm>>) dst(%arg5 : memref<8192xi32, #tpu.memory_space<vmem>>)
    %parallel_loop3A_185 = arith.constant 0 : i32
    %parallel_loop3A_186 = arith.constant 8192 : i32
    %parallel_loop3A_187 = arith.constant 16 : i32
    scf.for %parallel_loop3A_194 = %parallel_loop3A_185 to %parallel_loop3A_186 step %parallel_loop3A_187  : i32 {
      %parallel_loop3A_195 = arith.index_cast %parallel_loop3A_194 : i32 to index
      %parallel_loop3A_196 = tpu.vector_load %arg5[%parallel_loop3A_195] {strides = array<i32>} : memref<8192xi32, #tpu.memory_space<vmem>>, vector<16xi32>,
      %parallel_loop3A_197 = arith.constant 65535 : i32
      %parallel_loop3A_198 = vector.broadcast %parallel_loop3A_197 : i32 to vector<16xi32>
      %parallel_loop3A_199 = arith.andi %parallel_loop3A_196, %parallel_loop3A_198 : vector<16xi32>
      %parallel_loop3A_200 = arith.constant 16 : i32
      %parallel_loop3A_201 = vector.broadcast %parallel_loop3A_200 : i32 to vector<16xi32>
      %parallel_loop3A_202 = arith.shrui %parallel_loop3A_196, %parallel_loop3A_201 : vector<16xi32>
      tpu.vector_store_idx %arg6[%parallel_loop3A_199], %broadcast_in_dim3A_5 {add = true} : memref<39936xf32, #tpu.memory_space<vmem>>[vector<16xi32>], vector<16xf32>,
      tpu.vector_store_idx %arg6[%parallel_loop3A_202], %broadcast_in_dim3A_5 {add = true} : memref<39936xf32, #tpu.memory_space<vmem>>[vector<16xi32>], vector<16xf32>,
    } {sc.loop_unroll_factor = 8 : i64, sc.parallel_access}
    %scan3A_188 = arith.constant 0 : i32
    %scan3A_189 = arith.constant 0 : i32
    %scan3A_190 = arith.constant 39 : i32
    %scan3A_191 = arith.addi %scan3A_189, %scan3A_190 : i32
    %scan3A_192 = arith.constant 1 : i32
    scf.for %scan3A_194 = %scan3A_189 to %scan3A_191 step %scan3A_192  : i32 {
      %mul3A_195 = arith.constant 1024 : i32
      %mul3A_196 = arith.muli %scan3A_194, %mul3A_195 : i32
      "tpu.region"() ({
        %run_scoped3A = tpu.sem_alloc : memref<!tpu.dma_semaphore, #tpu.memory_space<semaphore_mem>>
        %dma_start3A_197 = tpu.memref_slice %arg6[%mul3A_196] : memref<39936xf32, #tpu.memory_space<vmem>> -> memref<1024xf32, #tpu.memory_space<vmem>>
        %dma_start3A_198 = arith.constant 0 : i32
        %dma_start3A_199 = tpu.memref_slice %arg3[%add3A, %scan3A_194, %dma_start3A_198] : memref<32x39x1024xf32, #tpu.memory_space<hbm>> -> memref<1x1x1024xf32, #tpu.memory_space<hbm>>
        %dma_start3A_200 = tpu.memref_squeeze %dma_start3A_199 : memref<1x1x1024xf32, #tpu.memory_space<hbm>> -> memref<1024xf32, #tpu.memory_space<hbm>>
        %dma_start3A_201 = arith.constant 0 : i32
        %dma_start3A_202 = tpu.memref_slice %arg3[%add3A, %scan3A_194, %dma_start3A_201] : memref<32x39x1024xf32, #tpu.memory_space<hbm>> -> memref<1x1x1024xf32, #tpu.memory_space<hbm>>
        %dma_start3A_203 = tpu.memref_squeeze %dma_start3A_202 : memref<1x1x1024xf32, #tpu.memory_space<hbm>> -> memref<1024xf32, #tpu.memory_space<hbm>>
        %dma_start3A_204 = tpu.memref_slice %arg6[%mul3A_196] : memref<39936xf32, #tpu.memory_space<vmem>> -> memref<1024xf32, #tpu.memory_space<vmem>>
        tpu.enqueue_dma source(%dma_start3A_204 : memref<1024xf32, #tpu.memory_space<vmem>>) target(%dma_start3A_203 : memref<1024xf32, #tpu.memory_space<hbm>>) target_semaphore(%run_scoped3A : memref<!tpu.dma_semaphore, #tpu.memory_space<semaphore_mem>>)
        %dma_wait3A_205 = tpu.memref_slice %arg6[%mul3A_196] : memref<39936xf32, #tpu.memory_space<vmem>> -> memref<1024xf32, #tpu.memory_space<vmem>>
        %dma_wait3A_206 = arith.constant 0 : i32
        %dma_wait3A_207 = tpu.memref_slice %arg3[%add3A, %scan3A_194, %dma_wait3A_206] : memref<32x39x1024xf32, #tpu.memory_space<hbm>> -> memref<1x1x1024xf32, #tpu.memory_space<hbm>>
        %dma_wait3A_208 = tpu.memref_squeeze %dma_wait3A_207 : memref<1x1x1024xf32, #tpu.memory_space<hbm>> -> memref<1024xf32, #tpu.memory_space<hbm>>
        %dma_wait3A_209 = arith.constant 0 : i32
        %dma_wait3A_210 = tpu.memref_slice %arg3[%add3A, %scan3A_194, %dma_wait3A_209] : memref<32x39x1024xf32, #tpu.memory_space<hbm>> -> memref<1x1x1024xf32, #tpu.memory_space<hbm>>
        %dma_wait3A_211 = tpu.memref_squeeze %dma_wait3A_210 : memref<1x1x1024xf32, #tpu.memory_space<hbm>> -> memref<1024xf32, #tpu.memory_space<hbm>>
        %dma_wait3A_212 = tpu.memref_slice %arg6[%mul3A_196] : memref<39936xf32, #tpu.memory_space<vmem>> -> memref<1024xf32, #tpu.memory_space<vmem>>
        tpu.wait_dma2 semaphore(%run_scoped3A : memref<!tpu.dma_semaphore, #tpu.memory_space<semaphore_mem>>) src(%dma_wait3A_212 : memref<1024xf32, #tpu.memory_space<vmem>>) dst(%dma_wait3A_211 : memref<1024xf32, #tpu.memory_space<hbm>>)
        tpu.yield
      }) : () -> ()
    }
    %scan3A_193 = arith.constant 39 : i32
    return
  }
}

#map = affine_map<(d0, d1) -> (0)>
#map1 = affine_map<(d0, d1) -> (0, 0, 0)>
module attributes {stable_mosaic.version = 14 : i64} {
  func.func @_sc_hist(%arg0: i32, %arg1: i32, %arg2: memref<5242880xi32, #tpu.memory_space<hbm>>, %arg3: memref<32x39x1024xf32, #tpu.memory_space<hbm>>, %arg4: memref<8192xi32, #tpu.memory_space<vmem>>, %arg5: memref<8192xi32, #tpu.memory_space<vmem>>, %arg6: memref<39936xf32, #tpu.memory_space<vmem>>, %arg7: memref<!tpu.dma_semaphore, #tpu.memory_space<semaphore_mem>>, %arg8: memref<!tpu.dma_semaphore, #tpu.memory_space<semaphore_mem>>) attributes {dimension_semantics = [#tpu.dimension_semantics<core_parallel>, #tpu.dimension_semantics<subcore_parallel>], iteration_bounds = array<i64: 2, 16>, scalar_prefetch = 0 : i64, scratch_operands = 5 : i64, tpu.core_type = #tpu.core_type<sc_vector_subcore>, window_params = [{transform_indices = #map}, {transform_indices = #map1}]} {
    %mul3A = arith.constant 2 : i32
    %mul3A_0 = arith.muli %arg1, %mul3A : i32
    %add3A = arith.addi %mul3A_0, %arg0 : i32
    %mul3A_1 = arith.constant 163840 : i32
    %mul3A_2 = arith.muli %add3A, %mul3A_1 : i32
    %broadcast_in_dim3A = arith.constant 0.000000e+00 : f32
    %broadcast_in_dim3A_3 = vector.broadcast %broadcast_in_dim3A : f32 to vector<16xf32>
    %broadcast_in_dim3A_4 = arith.constant 1.000000e+00 : f32
    %broadcast_in_dim3A_5 = vector.broadcast %broadcast_in_dim3A_4 : f32 to vector<16xf32>
    %scan3A = arith.constant 0 : i32
    %scan3A_6 = arith.constant 0 : i32
    %scan3A_7 = arith.constant 2496 : i32
    %scan3A_8 = arith.addi %scan3A_6, %scan3A_7 : i32
    %scan3A_9 = arith.constant 1 : i32
    scf.for %scan3A_194 = %scan3A_6 to %scan3A_8 step %scan3A_9  : i32 {
      %mul3A_195 = arith.constant 16 : i32
      %mul3A_196 = arith.muli %scan3A_194, %mul3A_195 : i32
      %swap3A = arith.index_cast %mul3A_196 : i32 to index
      %swap3A_197 = tpu.vector_load %arg6[%swap3A] {strides = array<i32>} : memref<39936xf32, #tpu.memory_space<vmem>>, vector<16xf32>,
      tpu.vector_store %arg6[%swap3A], %broadcast_in_dim3A_3 {strides = array<i32>} : memref<39936xf32, #tpu.memory_space<vmem>>, vector<16xf32>,
    }
    %scan3A_10 = arith.constant 2496 : i32
    %add3A_11 = arith.constant 0 : i32
    %add3A_12 = arith.addi %mul3A_2, %add3A_11 : i32
    %dma_start3A = tpu.memref_slice %arg2[%add3A_12] : memref<5242880xi32, #tpu.memory_space<hbm>> -> memref<8192xi32, #tpu.memory_space<hbm>>
    %dma_start3A_13 = tpu.memref_slice %arg2[%add3A_12] : memref<5242880xi32, #tpu.memory_space<hbm>> -> memref<8192xi32, #tpu.memory_space<hbm>>
    tpu.enqueue_dma source(%dma_start3A_13 : memref<8192xi32, #tpu.memory_space<hbm>>) target(%arg4 : memref<8192xi32, #tpu.memory_space<vmem>>) target_semaphore(%arg7 : memref<!tpu.dma_semaphore, #tpu.memory_space<semaphore_mem>>)
    %dma_wait3A = tpu.memref_slice %arg2[%add3A_12] : memref<5242880xi32, #tpu.memory_space<hbm>> -> memref<8192xi32, #tpu.memory_space<hbm>>
    %dma_wait3A_14 = tpu.memref_slice %arg2[%add3A_12] : memref<5242880xi32, #tpu.memory_space<hbm>> -> memref<8192xi32, #tpu.memory_space<hbm>>
    tpu.wait_dma2 semaphore(%arg7 : memref<!tpu.dma_semaphore, #tpu.memory_space<semaphore_mem>>) src(%dma_wait3A_14 : memref<8192xi32, #tpu.memory_space<hbm>>) dst(%arg4 : memref<8192xi32, #tpu.memory_space<vmem>>)
    %add3A_15 = arith.constant 8192 : i32
    %add3A_16 = arith.addi %mul3A_2, %add3A_15 : i32
    %dma_start3A_17 = tpu.memref_slice %arg2[%add3A_16] : memref<5242880xi32, #tpu.memory_space<hbm>> -> memref<8192xi32, #tpu.memory_space<hbm>>
    %dma_start3A_18 = tpu.memref_slice %arg2[%add3A_16] : memref<5242880xi32, #tpu.memory_space<hbm>> -> memref<8192xi32, #tpu.memory_space<hbm>>
    tpu.enqueue_dma source(%dma_start3A_18 : memref<8192xi32, #tpu.memory_space<hbm>>) target(%arg5 : memref<8192xi32, #tpu.memory_space<vmem>>) target_semaphore(%arg8 : memref<!tpu.dma_semaphore, #tpu.memory_space<semaphore_mem>>)
    %parallel_loop3A = arith.constant 0 : i32
    %parallel_loop3A_19 = arith.constant 8192 : i32
    %parallel_loop3A_20 = arith.constant 16 : i32
    scf.for %parallel_loop3A_194 = %parallel_loop3A to %parallel_loop3A_19 step %parallel_loop3A_20  : i32 {
      %parallel_loop3A_195 = arith.index_cast %parallel_loop3A_194 : i32 to index
      %parallel_loop3A_196 = tpu.vector_load %arg4[%parallel_loop3A_195] {strides = array<i32>} : memref<8192xi32, #tpu.memory_space<vmem>>, vector<16xi32>,
      %parallel_loop3A_197 = arith.constant 65535 : i32
      %parallel_loop3A_198 = vector.broadcast %parallel_loop3A_197 : i32 to vector<16xi32>
      %parallel_loop3A_199 = arith.andi %parallel_loop3A_196, %parallel_loop3A_198 : vector<16xi32>
      %parallel_loop3A_200 = arith.constant 16 : i32
      %parallel_loop3A_201 = vector.broadcast %parallel_loop3A_200 : i32 to vector<16xi32>
      %parallel_loop3A_202 = arith.shrui %parallel_loop3A_196, %parallel_loop3A_201 : vector<16xi32>
      tpu.vector_store_idx %arg6[%parallel_loop3A_199], %broadcast_in_dim3A_5 {add = true} : memref<39936xf32, #tpu.memory_space<vmem>>[vector<16xi32>], vector<16xf32>,
      tpu.vector_store_idx %arg6[%parallel_loop3A_202], %broadcast_in_dim3A_5 {add = true} : memref<39936xf32, #tpu.memory_space<vmem>>[vector<16xi32>], vector<16xf32>,
    } {sc.loop_unroll_factor = 8 : i64, sc.parallel_access}
    %dma_wait3A_21 = tpu.memref_slice %arg2[%add3A_16] : memref<5242880xi32, #tpu.memory_space<hbm>> -> memref<8192xi32, #tpu.memory_space<hbm>>
    %dma_wait3A_22 = tpu.memref_slice %arg2[%add3A_16] : memref<5242880xi32, #tpu.memory_space<hbm>> -> memref<8192xi32, #tpu.memory_space<hbm>>
    tpu.wait_dma2 semaphore(%arg8 : memref<!tpu.dma_semaphore, #tpu.memory_space<semaphore_mem>>) src(%dma_wait3A_22 : memref<8192xi32, #tpu.memory_space<hbm>>) dst(%arg5 : memref<8192xi32, #tpu.memory_space<vmem>>)
    %add3A_23 = arith.constant 16384 : i32
    %add3A_24 = arith.addi %mul3A_2, %add3A_23 : i32
    %dma_start3A_25 = tpu.memref_slice %arg2[%add3A_24] : memref<5242880xi32, #tpu.memory_space<hbm>> -> memref<8192xi32, #tpu.memory_space<hbm>>
    %dma_start3A_26 = tpu.memref_slice %arg2[%add3A_24] : memref<5242880xi32, #tpu.memory_space<hbm>> -> memref<8192xi32, #tpu.memory_space<hbm>>
    tpu.enqueue_dma source(%dma_start3A_26 : memref<8192xi32, #tpu.memory_space<hbm>>) target(%arg4 : memref<8192xi32, #tpu.memory_space<vmem>>) target_semaphore(%arg7 : memref<!tpu.dma_semaphore, #tpu.memory_space<semaphore_mem>>)
    %parallel_loop3A_27 = arith.constant 0 : i32
    %parallel_loop3A_28 = arith.constant 8192 : i32
    %parallel_loop3A_29 = arith.constant 16 : i32
    scf.for %parallel_loop3A_194 = %parallel_loop3A_27 to %parallel_loop3A_28 step %parallel_loop3A_29  : i32 {
      %parallel_loop3A_195 = arith.index_cast %parallel_loop3A_194 : i32 to index
      %parallel_loop3A_196 = tpu.vector_load %arg5[%parallel_loop3A_195] {strides = array<i32>} : memref<8192xi32, #tpu.memory_space<vmem>>, vector<16xi32>,
      %parallel_loop3A_197 = arith.constant 65535 : i32
      %parallel_loop3A_198 = vector.broadcast %parallel_loop3A_197 : i32 to vector<16xi32>
      %parallel_loop3A_199 = arith.andi %parallel_loop3A_196, %parallel_loop3A_198 : vector<16xi32>
      %parallel_loop3A_200 = arith.constant 16 : i32
      %parallel_loop3A_201 = vector.broadcast %parallel_loop3A_200 : i32 to vector<16xi32>
      %parallel_loop3A_202 = arith.shrui %parallel_loop3A_196, %parallel_loop3A_201 : vector<16xi32>
      tpu.vector_store_idx %arg6[%parallel_loop3A_199], %broadcast_in_dim3A_5 {add = true} : memref<39936xf32, #tpu.memory_space<vmem>>[vector<16xi32>], vector<16xf32>,
      tpu.vector_store_idx %arg6[%parallel_loop3A_202], %broadcast_in_dim3A_5 {add = true} : memref<39936xf32, #tpu.memory_space<vmem>>[vector<16xi32>], vector<16xf32>,
    } {sc.loop_unroll_factor = 8 : i64, sc.parallel_access}
    %dma_wait3A_30 = tpu.memref_slice %arg2[%add3A_24] : memref<5242880xi32, #tpu.memory_space<hbm>> -> memref<8192xi32, #tpu.memory_space<hbm>>
    %dma_wait3A_31 = tpu.memref_slice %arg2[%add3A_24] : memref<5242880xi32, #tpu.memory_space<hbm>> -> memref<8192xi32, #tpu.memory_space<hbm>>
    tpu.wait_dma2 semaphore(%arg7 : memref<!tpu.dma_semaphore, #tpu.memory_space<semaphore_mem>>) src(%dma_wait3A_31 : memref<8192xi32, #tpu.memory_space<hbm>>) dst(%arg4 : memref<8192xi32, #tpu.memory_space<vmem>>)
    %add3A_32 = arith.constant 24576 : i32
    %add3A_33 = arith.addi %mul3A_2, %add3A_32 : i32
    %dma_start3A_34 = tpu.memref_slice %arg2[%add3A_33] : memref<5242880xi32, #tpu.memory_space<hbm>> -> memref<8192xi32, #tpu.memory_space<hbm>>
    %dma_start3A_35 = tpu.memref_slice %arg2[%add3A_33] : memref<5242880xi32, #tpu.memory_space<hbm>> -> memref<8192xi32, #tpu.memory_space<hbm>>
    tpu.enqueue_dma source(%dma_start3A_35 : memref<8192xi32, #tpu.memory_space<hbm>>) target(%arg5 : memref<8192xi32, #tpu.memory_space<vmem>>) target_semaphore(%arg8 : memref<!tpu.dma_semaphore, #tpu.memory_space<semaphore_mem>>)
    %parallel_loop3A_36 = arith.constant 0 : i32
    %parallel_loop3A_37 = arith.constant 8192 : i32
    %parallel_loop3A_38 = arith.constant 16 : i32
    scf.for %parallel_loop3A_194 = %parallel_loop3A_36 to %parallel_loop3A_37 step %parallel_loop3A_38  : i32 {
      %parallel_loop3A_195 = arith.index_cast %parallel_loop3A_194 : i32 to index
      %parallel_loop3A_196 = tpu.vector_load %arg4[%parallel_loop3A_195] {strides = array<i32>} : memref<8192xi32, #tpu.memory_space<vmem>>, vector<16xi32>,
      %parallel_loop3A_197 = arith.constant 65535 : i32
      %parallel_loop3A_198 = vector.broadcast %parallel_loop3A_197 : i32 to vector<16xi32>
      %parallel_loop3A_199 = arith.andi %parallel_loop3A_196, %parallel_loop3A_198 : vector<16xi32>
      %parallel_loop3A_200 = arith.constant 16 : i32
      %parallel_loop3A_201 = vector.broadcast %parallel_loop3A_200 : i32 to vector<16xi32>
      %parallel_loop3A_202 = arith.shrui %parallel_loop3A_196, %parallel_loop3A_201 : vector<16xi32>
      tpu.vector_store_idx %arg6[%parallel_loop3A_199], %broadcast_in_dim3A_5 {add = true} : memref<39936xf32, #tpu.memory_space<vmem>>[vector<16xi32>], vector<16xf32>,
      tpu.vector_store_idx %arg6[%parallel_loop3A_202], %broadcast_in_dim3A_5 {add = true} : memref<39936xf32, #tpu.memory_space<vmem>>[vector<16xi32>], vector<16xf32>,
    } {sc.loop_unroll_factor = 8 : i64, sc.parallel_access}
    %dma_wait3A_39 = tpu.memref_slice %arg2[%add3A_33] : memref<5242880xi32, #tpu.memory_space<hbm>> -> memref<8192xi32, #tpu.memory_space<hbm>>
    %dma_wait3A_40 = tpu.memref_slice %arg2[%add3A_33] : memref<5242880xi32, #tpu.memory_space<hbm>> -> memref<8192xi32, #tpu.memory_space<hbm>>
    tpu.wait_dma2 semaphore(%arg8 : memref<!tpu.dma_semaphore, #tpu.memory_space<semaphore_mem>>) src(%dma_wait3A_40 : memref<8192xi32, #tpu.memory_space<hbm>>) dst(%arg5 : memref<8192xi32, #tpu.memory_space<vmem>>)
    %add3A_41 = arith.constant 32768 : i32
    %add3A_42 = arith.addi %mul3A_2, %add3A_41 : i32
    %dma_start3A_43 = tpu.memref_slice %arg2[%add3A_42] : memref<5242880xi32, #tpu.memory_space<hbm>> -> memref<8192xi32, #tpu.memory_space<hbm>>
    %dma_start3A_44 = tpu.memref_slice %arg2[%add3A_42] : memref<5242880xi32, #tpu.memory_space<hbm>> -> memref<8192xi32, #tpu.memory_space<hbm>>
    tpu.enqueue_dma source(%dma_start3A_44 : memref<8192xi32, #tpu.memory_space<hbm>>) target(%arg4 : memref<8192xi32, #tpu.memory_space<vmem>>) target_semaphore(%arg7 : memref<!tpu.dma_semaphore, #tpu.memory_space<semaphore_mem>>)
    %parallel_loop3A_45 = arith.constant 0 : i32
    %parallel_loop3A_46 = arith.constant 8192 : i32
    %parallel_loop3A_47 = arith.constant 16 : i32
    scf.for %parallel_loop3A_194 = %parallel_loop3A_45 to %parallel_loop3A_46 step %parallel_loop3A_47  : i32 {
      %parallel_loop3A_195 = arith.index_cast %parallel_loop3A_194 : i32 to index
      %parallel_loop3A_196 = tpu.vector_load %arg5[%parallel_loop3A_195] {strides = array<i32>} : memref<8192xi32, #tpu.memory_space<vmem>>, vector<16xi32>,
      %parallel_loop3A_197 = arith.constant 65535 : i32
      %parallel_loop3A_198 = vector.broadcast %parallel_loop3A_197 : i32 to vector<16xi32>
      %parallel_loop3A_199 = arith.andi %parallel_loop3A_196, %parallel_loop3A_198 : vector<16xi32>
      %parallel_loop3A_200 = arith.constant 16 : i32
      %parallel_loop3A_201 = vector.broadcast %parallel_loop3A_200 : i32 to vector<16xi32>
      %parallel_loop3A_202 = arith.shrui %parallel_loop3A_196, %parallel_loop3A_201 : vector<16xi32>
      tpu.vector_store_idx %arg6[%parallel_loop3A_199], %broadcast_in_dim3A_5 {add = true} : memref<39936xf32, #tpu.memory_space<vmem>>[vector<16xi32>], vector<16xf32>,
      tpu.vector_store_idx %arg6[%parallel_loop3A_202], %broadcast_in_dim3A_5 {add = true} : memref<39936xf32, #tpu.memory_space<vmem>>[vector<16xi32>], vector<16xf32>,
    } {sc.loop_unroll_factor = 8 : i64, sc.parallel_access}
    %dma_wait3A_48 = tpu.memref_slice %arg2[%add3A_42] : memref<5242880xi32, #tpu.memory_space<hbm>> -> memref<8192xi32, #tpu.memory_space<hbm>>
    %dma_wait3A_49 = tpu.memref_slice %arg2[%add3A_42] : memref<5242880xi32, #tpu.memory_space<hbm>> -> memref<8192xi32, #tpu.memory_space<hbm>>
    tpu.wait_dma2 semaphore(%arg7 : memref<!tpu.dma_semaphore, #tpu.memory_space<semaphore_mem>>) src(%dma_wait3A_49 : memref<8192xi32, #tpu.memory_space<hbm>>) dst(%arg4 : memref<8192xi32, #tpu.memory_space<vmem>>)
    %add3A_50 = arith.constant 40960 : i32
    %add3A_51 = arith.addi %mul3A_2, %add3A_50 : i32
    %dma_start3A_52 = tpu.memref_slice %arg2[%add3A_51] : memref<5242880xi32, #tpu.memory_space<hbm>> -> memref<8192xi32, #tpu.memory_space<hbm>>
    %dma_start3A_53 = tpu.memref_slice %arg2[%add3A_51] : memref<5242880xi32, #tpu.memory_space<hbm>> -> memref<8192xi32, #tpu.memory_space<hbm>>
    tpu.enqueue_dma source(%dma_start3A_53 : memref<8192xi32, #tpu.memory_space<hbm>>) target(%arg5 : memref<8192xi32, #tpu.memory_space<vmem>>) target_semaphore(%arg8 : memref<!tpu.dma_semaphore, #tpu.memory_space<semaphore_mem>>)
    %parallel_loop3A_54 = arith.constant 0 : i32
    %parallel_loop3A_55 = arith.constant 8192 : i32
    %parallel_loop3A_56 = arith.constant 16 : i32
    scf.for %parallel_loop3A_194 = %parallel_loop3A_54 to %parallel_loop3A_55 step %parallel_loop3A_56  : i32 {
      %parallel_loop3A_195 = arith.index_cast %parallel_loop3A_194 : i32 to index
      %parallel_loop3A_196 = tpu.vector_load %arg4[%parallel_loop3A_195] {strides = array<i32>} : memref<8192xi32, #tpu.memory_space<vmem>>, vector<16xi32>,
      %parallel_loop3A_197 = arith.constant 65535 : i32
      %parallel_loop3A_198 = vector.broadcast %parallel_loop3A_197 : i32 to vector<16xi32>
      %parallel_loop3A_199 = arith.andi %parallel_loop3A_196, %parallel_loop3A_198 : vector<16xi32>
      %parallel_loop3A_200 = arith.constant 16 : i32
      %parallel_loop3A_201 = vector.broadcast %parallel_loop3A_200 : i32 to vector<16xi32>
      %parallel_loop3A_202 = arith.shrui %parallel_loop3A_196, %parallel_loop3A_201 : vector<16xi32>
      tpu.vector_store_idx %arg6[%parallel_loop3A_199], %broadcast_in_dim3A_5 {add = true} : memref<39936xf32, #tpu.memory_space<vmem>>[vector<16xi32>], vector<16xf32>,
      tpu.vector_store_idx %arg6[%parallel_loop3A_202], %broadcast_in_dim3A_5 {add = true} : memref<39936xf32, #tpu.memory_space<vmem>>[vector<16xi32>], vector<16xf32>,
    } {sc.loop_unroll_factor = 8 : i64, sc.parallel_access}
    %dma_wait3A_57 = tpu.memref_slice %arg2[%add3A_51] : memref<5242880xi32, #tpu.memory_space<hbm>> -> memref<8192xi32, #tpu.memory_space<hbm>>
    %dma_wait3A_58 = tpu.memref_slice %arg2[%add3A_51] : memref<5242880xi32, #tpu.memory_space<hbm>> -> memref<8192xi32, #tpu.memory_space<hbm>>
    tpu.wait_dma2 semaphore(%arg8 : memref<!tpu.dma_semaphore, #tpu.memory_space<semaphore_mem>>) src(%dma_wait3A_58 : memref<8192xi32, #tpu.memory_space<hbm>>) dst(%arg5 : memref<8192xi32, #tpu.memory_space<vmem>>)
    %add3A_59 = arith.constant 49152 : i32
    %add3A_60 = arith.addi %mul3A_2, %add3A_59 : i32
    %dma_start3A_61 = tpu.memref_slice %arg2[%add3A_60] : memref<5242880xi32, #tpu.memory_space<hbm>> -> memref<8192xi32, #tpu.memory_space<hbm>>
    %dma_start3A_62 = tpu.memref_slice %arg2[%add3A_60] : memref<5242880xi32, #tpu.memory_space<hbm>> -> memref<8192xi32, #tpu.memory_space<hbm>>
    tpu.enqueue_dma source(%dma_start3A_62 : memref<8192xi32, #tpu.memory_space<hbm>>) target(%arg4 : memref<8192xi32, #tpu.memory_space<vmem>>) target_semaphore(%arg7 : memref<!tpu.dma_semaphore, #tpu.memory_space<semaphore_mem>>)
    %parallel_loop3A_63 = arith.constant 0 : i32
    %parallel_loop3A_64 = arith.constant 8192 : i32
    %parallel_loop3A_65 = arith.constant 16 : i32
    scf.for %parallel_loop3A_194 = %parallel_loop3A_63 to %parallel_loop3A_64 step %parallel_loop3A_65  : i32 {
      %parallel_loop3A_195 = arith.index_cast %parallel_loop3A_194 : i32 to index
      %parallel_loop3A_196 = tpu.vector_load %arg5[%parallel_loop3A_195] {strides = array<i32>} : memref<8192xi32, #tpu.memory_space<vmem>>, vector<16xi32>,
      %parallel_loop3A_197 = arith.constant 65535 : i32
      %parallel_loop3A_198 = vector.broadcast %parallel_loop3A_197 : i32 to vector<16xi32>
      %parallel_loop3A_199 = arith.andi %parallel_loop3A_196, %parallel_loop3A_198 : vector<16xi32>
      %parallel_loop3A_200 = arith.constant 16 : i32
      %parallel_loop3A_201 = vector.broadcast %parallel_loop3A_200 : i32 to vector<16xi32>
      %parallel_loop3A_202 = arith.shrui %parallel_loop3A_196, %parallel_loop3A_201 : vector<16xi32>
      tpu.vector_store_idx %arg6[%parallel_loop3A_199], %broadcast_in_dim3A_5 {add = true} : memref<39936xf32, #tpu.memory_space<vmem>>[vector<16xi32>], vector<16xf32>,
      tpu.vector_store_idx %arg6[%parallel_loop3A_202], %broadcast_in_dim3A_5 {add = true} : memref<39936xf32, #tpu.memory_space<vmem>>[vector<16xi32>], vector<16xf32>,
    } {sc.loop_unroll_factor = 8 : i64, sc.parallel_access}
    %dma_wait3A_66 = tpu.memref_slice %arg2[%add3A_60] : memref<5242880xi32, #tpu.memory_space<hbm>> -> memref<8192xi32, #tpu.memory_space<hbm>>
    %dma_wait3A_67 = tpu.memref_slice %arg2[%add3A_60] : memref<5242880xi32, #tpu.memory_space<hbm>> -> memref<8192xi32, #tpu.memory_space<hbm>>
    tpu.wait_dma2 semaphore(%arg7 : memref<!tpu.dma_semaphore, #tpu.memory_space<semaphore_mem>>) src(%dma_wait3A_67 : memref<8192xi32, #tpu.memory_space<hbm>>) dst(%arg4 : memref<8192xi32, #tpu.memory_space<vmem>>)
    %add3A_68 = arith.constant 57344 : i32
    %add3A_69 = arith.addi %mul3A_2, %add3A_68 : i32
    %dma_start3A_70 = tpu.memref_slice %arg2[%add3A_69] : memref<5242880xi32, #tpu.memory_space<hbm>> -> memref<8192xi32, #tpu.memory_space<hbm>>
    %dma_start3A_71 = tpu.memref_slice %arg2[%add3A_69] : memref<5242880xi32, #tpu.memory_space<hbm>> -> memref<8192xi32, #tpu.memory_space<hbm>>
    tpu.enqueue_dma source(%dma_start3A_71 : memref<8192xi32, #tpu.memory_space<hbm>>) target(%arg5 : memref<8192xi32, #tpu.memory_space<vmem>>) target_semaphore(%arg8 : memref<!tpu.dma_semaphore, #tpu.memory_space<semaphore_mem>>)
    %parallel_loop3A_72 = arith.constant 0 : i32
    %parallel_loop3A_73 = arith.constant 8192 : i32
    %parallel_loop3A_74 = arith.constant 16 : i32
    scf.for %parallel_loop3A_194 = %parallel_loop3A_72 to %parallel_loop3A_73 step %parallel_loop3A_74  : i32 {
      %parallel_loop3A_195 = arith.index_cast %parallel_loop3A_194 : i32 to index
      %parallel_loop3A_196 = tpu.vector_load %arg4[%parallel_loop3A_195] {strides = array<i32>} : memref<8192xi32, #tpu.memory_space<vmem>>, vector<16xi32>,
      %parallel_loop3A_197 = arith.constant 65535 : i32
      %parallel_loop3A_198 = vector.broadcast %parallel_loop3A_197 : i32 to vector<16xi32>
      %parallel_loop3A_199 = arith.andi %parallel_loop3A_196, %parallel_loop3A_198 : vector<16xi32>
      %parallel_loop3A_200 = arith.constant 16 : i32
      %parallel_loop3A_201 = vector.broadcast %parallel_loop3A_200 : i32 to vector<16xi32>
      %parallel_loop3A_202 = arith.shrui %parallel_loop3A_196, %parallel_loop3A_201 : vector<16xi32>
      tpu.vector_store_idx %arg6[%parallel_loop3A_199], %broadcast_in_dim3A_5 {add = true} : memref<39936xf32, #tpu.memory_space<vmem>>[vector<16xi32>], vector<16xf32>,
      tpu.vector_store_idx %arg6[%parallel_loop3A_202], %broadcast_in_dim3A_5 {add = true} : memref<39936xf32, #tpu.memory_space<vmem>>[vector<16xi32>], vector<16xf32>,
    } {sc.loop_unroll_factor = 8 : i64, sc.parallel_access}
    %dma_wait3A_75 = tpu.memref_slice %arg2[%add3A_69] : memref<5242880xi32, #tpu.memory_space<hbm>> -> memref<8192xi32, #tpu.memory_space<hbm>>
    %dma_wait3A_76 = tpu.memref_slice %arg2[%add3A_69] : memref<5242880xi32, #tpu.memory_space<hbm>> -> memref<8192xi32, #tpu.memory_space<hbm>>
    tpu.wait_dma2 semaphore(%arg8 : memref<!tpu.dma_semaphore, #tpu.memory_space<semaphore_mem>>) src(%dma_wait3A_76 : memref<8192xi32, #tpu.memory_space<hbm>>) dst(%arg5 : memref<8192xi32, #tpu.memory_space<vmem>>)
    %add3A_77 = arith.constant 65536 : i32
    %add3A_78 = arith.addi %mul3A_2, %add3A_77 : i32
    %dma_start3A_79 = tpu.memref_slice %arg2[%add3A_78] : memref<5242880xi32, #tpu.memory_space<hbm>> -> memref<8192xi32, #tpu.memory_space<hbm>>
    %dma_start3A_80 = tpu.memref_slice %arg2[%add3A_78] : memref<5242880xi32, #tpu.memory_space<hbm>> -> memref<8192xi32, #tpu.memory_space<hbm>>
    tpu.enqueue_dma source(%dma_start3A_80 : memref<8192xi32, #tpu.memory_space<hbm>>) target(%arg4 : memref<8192xi32, #tpu.memory_space<vmem>>) target_semaphore(%arg7 : memref<!tpu.dma_semaphore, #tpu.memory_space<semaphore_mem>>)
    %parallel_loop3A_81 = arith.constant 0 : i32
    %parallel_loop3A_82 = arith.constant 8192 : i32
    %parallel_loop3A_83 = arith.constant 16 : i32
    scf.for %parallel_loop3A_194 = %parallel_loop3A_81 to %parallel_loop3A_82 step %parallel_loop3A_83  : i32 {
      %parallel_loop3A_195 = arith.index_cast %parallel_loop3A_194 : i32 to index
      %parallel_loop3A_196 = tpu.vector_load %arg5[%parallel_loop3A_195] {strides = array<i32>} : memref<8192xi32, #tpu.memory_space<vmem>>, vector<16xi32>,
      %parallel_loop3A_197 = arith.constant 65535 : i32
      %parallel_loop3A_198 = vector.broadcast %parallel_loop3A_197 : i32 to vector<16xi32>
      %parallel_loop3A_199 = arith.andi %parallel_loop3A_196, %parallel_loop3A_198 : vector<16xi32>
      %parallel_loop3A_200 = arith.constant 16 : i32
      %parallel_loop3A_201 = vector.broadcast %parallel_loop3A_200 : i32 to vector<16xi32>
      %parallel_loop3A_202 = arith.shrui %parallel_loop3A_196, %parallel_loop3A_201 : vector<16xi32>
      tpu.vector_store_idx %arg6[%parallel_loop3A_199], %broadcast_in_dim3A_5 {add = true} : memref<39936xf32, #tpu.memory_space<vmem>>[vector<16xi32>], vector<16xf32>,
      tpu.vector_store_idx %arg6[%parallel_loop3A_202], %broadcast_in_dim3A_5 {add = true} : memref<39936xf32, #tpu.memory_space<vmem>>[vector<16xi32>], vector<16xf32>,
    } {sc.loop_unroll_factor = 8 : i64, sc.parallel_access}
    %dma_wait3A_84 = tpu.memref_slice %arg2[%add3A_78] : memref<5242880xi32, #tpu.memory_space<hbm>> -> memref<8192xi32, #tpu.memory_space<hbm>>
    %dma_wait3A_85 = tpu.memref_slice %arg2[%add3A_78] : memref<5242880xi32, #tpu.memory_space<hbm>> -> memref<8192xi32, #tpu.memory_space<hbm>>
    tpu.wait_dma2 semaphore(%arg7 : memref<!tpu.dma_semaphore, #tpu.memory_space<semaphore_mem>>) src(%dma_wait3A_85 : memref<8192xi32, #tpu.memory_space<hbm>>) dst(%arg4 : memref<8192xi32, #tpu.memory_space<vmem>>)
    %add3A_86 = arith.constant 73728 : i32
    %add3A_87 = arith.addi %mul3A_2, %add3A_86 : i32
    %dma_start3A_88 = tpu.memref_slice %arg2[%add3A_87] : memref<5242880xi32, #tpu.memory_space<hbm>> -> memref<8192xi32, #tpu.memory_space<hbm>>
    %dma_start3A_89 = tpu.memref_slice %arg2[%add3A_87] : memref<5242880xi32, #tpu.memory_space<hbm>> -> memref<8192xi32, #tpu.memory_space<hbm>>
    tpu.enqueue_dma source(%dma_start3A_89 : memref<8192xi32, #tpu.memory_space<hbm>>) target(%arg5 : memref<8192xi32, #tpu.memory_space<vmem>>) target_semaphore(%arg8 : memref<!tpu.dma_semaphore, #tpu.memory_space<semaphore_mem>>)
    %parallel_loop3A_90 = arith.constant 0 : i32
    %parallel_loop3A_91 = arith.constant 8192 : i32
    %parallel_loop3A_92 = arith.constant 16 : i32
    scf.for %parallel_loop3A_194 = %parallel_loop3A_90 to %parallel_loop3A_91 step %parallel_loop3A_92  : i32 {
      %parallel_loop3A_195 = arith.index_cast %parallel_loop3A_194 : i32 to index
      %parallel_loop3A_196 = tpu.vector_load %arg4[%parallel_loop3A_195] {strides = array<i32>} : memref<8192xi32, #tpu.memory_space<vmem>>, vector<16xi32>,
      %parallel_loop3A_197 = arith.constant 65535 : i32
      %parallel_loop3A_198 = vector.broadcast %parallel_loop3A_197 : i32 to vector<16xi32>
      %parallel_loop3A_199 = arith.andi %parallel_loop3A_196, %parallel_loop3A_198 : vector<16xi32>
      %parallel_loop3A_200 = arith.constant 16 : i32
      %parallel_loop3A_201 = vector.broadcast %parallel_loop3A_200 : i32 to vector<16xi32>
      %parallel_loop3A_202 = arith.shrui %parallel_loop3A_196, %parallel_loop3A_201 : vector<16xi32>
      tpu.vector_store_idx %arg6[%parallel_loop3A_199], %broadcast_in_dim3A_5 {add = true} : memref<39936xf32, #tpu.memory_space<vmem>>[vector<16xi32>], vector<16xf32>,
      tpu.vector_store_idx %arg6[%parallel_loop3A_202], %broadcast_in_dim3A_5 {add = true} : memref<39936xf32, #tpu.memory_space<vmem>>[vector<16xi32>], vector<16xf32>,
    } {sc.loop_unroll_factor = 8 : i64, sc.parallel_access}
    %dma_wait3A_93 = tpu.memref_slice %arg2[%add3A_87] : memref<5242880xi32, #tpu.memory_space<hbm>> -> memref<8192xi32, #tpu.memory_space<hbm>>
    %dma_wait3A_94 = tpu.memref_slice %arg2[%add3A_87] : memref<5242880xi32, #tpu.memory_space<hbm>> -> memref<8192xi32, #tpu.memory_space<hbm>>
    tpu.wait_dma2 semaphore(%arg8 : memref<!tpu.dma_semaphore, #tpu.memory_space<semaphore_mem>>) src(%dma_wait3A_94 : memref<8192xi32, #tpu.memory_space<hbm>>) dst(%arg5 : memref<8192xi32, #tpu.memory_space<vmem>>)
    %add3A_95 = arith.constant 81920 : i32
    %add3A_96 = arith.addi %mul3A_2, %add3A_95 : i32
    %dma_start3A_97 = tpu.memref_slice %arg2[%add3A_96] : memref<5242880xi32, #tpu.memory_space<hbm>> -> memref<8192xi32, #tpu.memory_space<hbm>>
    %dma_start3A_98 = tpu.memref_slice %arg2[%add3A_96] : memref<5242880xi32, #tpu.memory_space<hbm>> -> memref<8192xi32, #tpu.memory_space<hbm>>
    tpu.enqueue_dma source(%dma_start3A_98 : memref<8192xi32, #tpu.memory_space<hbm>>) target(%arg4 : memref<8192xi32, #tpu.memory_space<vmem>>) target_semaphore(%arg7 : memref<!tpu.dma_semaphore, #tpu.memory_space<semaphore_mem>>)
    %parallel_loop3A_99 = arith.constant 0 : i32
    %parallel_loop3A_100 = arith.constant 8192 : i32
    %parallel_loop3A_101 = arith.constant 16 : i32
    scf.for %parallel_loop3A_194 = %parallel_loop3A_99 to %parallel_loop3A_100 step %parallel_loop3A_101  : i32 {
      %parallel_loop3A_195 = arith.index_cast %parallel_loop3A_194 : i32 to index
      %parallel_loop3A_196 = tpu.vector_load %arg5[%parallel_loop3A_195] {strides = array<i32>} : memref<8192xi32, #tpu.memory_space<vmem>>, vector<16xi32>,
      %parallel_loop3A_197 = arith.constant 65535 : i32
      %parallel_loop3A_198 = vector.broadcast %parallel_loop3A_197 : i32 to vector<16xi32>
      %parallel_loop3A_199 = arith.andi %parallel_loop3A_196, %parallel_loop3A_198 : vector<16xi32>
      %parallel_loop3A_200 = arith.constant 16 : i32
      %parallel_loop3A_201 = vector.broadcast %parallel_loop3A_200 : i32 to vector<16xi32>
      %parallel_loop3A_202 = arith.shrui %parallel_loop3A_196, %parallel_loop3A_201 : vector<16xi32>
      tpu.vector_store_idx %arg6[%parallel_loop3A_199], %broadcast_in_dim3A_5 {add = true} : memref<39936xf32, #tpu.memory_space<vmem>>[vector<16xi32>], vector<16xf32>,
      tpu.vector_store_idx %arg6[%parallel_loop3A_202], %broadcast_in_dim3A_5 {add = true} : memref<39936xf32, #tpu.memory_space<vmem>>[vector<16xi32>], vector<16xf32>,
    } {sc.loop_unroll_factor = 8 : i64, sc.parallel_access}
    %dma_wait3A_102 = tpu.memref_slice %arg2[%add3A_96] : memref<5242880xi32, #tpu.memory_space<hbm>> -> memref<8192xi32, #tpu.memory_space<hbm>>
    %dma_wait3A_103 = tpu.memref_slice %arg2[%add3A_96] : memref<5242880xi32, #tpu.memory_space<hbm>> -> memref<8192xi32, #tpu.memory_space<hbm>>
    tpu.wait_dma2 semaphore(%arg7 : memref<!tpu.dma_semaphore, #tpu.memory_space<semaphore_mem>>) src(%dma_wait3A_103 : memref<8192xi32, #tpu.memory_space<hbm>>) dst(%arg4 : memref<8192xi32, #tpu.memory_space<vmem>>)
    %add3A_104 = arith.constant 90112 : i32
    %add3A_105 = arith.addi %mul3A_2, %add3A_104 : i32
    %dma_start3A_106 = tpu.memref_slice %arg2[%add3A_105] : memref<5242880xi32, #tpu.memory_space<hbm>> -> memref<8192xi32, #tpu.memory_space<hbm>>
    %dma_start3A_107 = tpu.memref_slice %arg2[%add3A_105] : memref<5242880xi32, #tpu.memory_space<hbm>> -> memref<8192xi32, #tpu.memory_space<hbm>>
    tpu.enqueue_dma source(%dma_start3A_107 : memref<8192xi32, #tpu.memory_space<hbm>>) target(%arg5 : memref<8192xi32, #tpu.memory_space<vmem>>) target_semaphore(%arg8 : memref<!tpu.dma_semaphore, #tpu.memory_space<semaphore_mem>>)
    %parallel_loop3A_108 = arith.constant 0 : i32
    %parallel_loop3A_109 = arith.constant 8192 : i32
    %parallel_loop3A_110 = arith.constant 16 : i32
    scf.for %parallel_loop3A_194 = %parallel_loop3A_108 to %parallel_loop3A_109 step %parallel_loop3A_110  : i32 {
      %parallel_loop3A_195 = arith.index_cast %parallel_loop3A_194 : i32 to index
      %parallel_loop3A_196 = tpu.vector_load %arg4[%parallel_loop3A_195] {strides = array<i32>} : memref<8192xi32, #tpu.memory_space<vmem>>, vector<16xi32>,
      %parallel_loop3A_197 = arith.constant 65535 : i32
      %parallel_loop3A_198 = vector.broadcast %parallel_loop3A_197 : i32 to vector<16xi32>
      %parallel_loop3A_199 = arith.andi %parallel_loop3A_196, %parallel_loop3A_198 : vector<16xi32>
      %parallel_loop3A_200 = arith.constant 16 : i32
      %parallel_loop3A_201 = vector.broadcast %parallel_loop3A_200 : i32 to vector<16xi32>
      %parallel_loop3A_202 = arith.shrui %parallel_loop3A_196, %parallel_loop3A_201 : vector<16xi32>
      tpu.vector_store_idx %arg6[%parallel_loop3A_199], %broadcast_in_dim3A_5 {add = true} : memref<39936xf32, #tpu.memory_space<vmem>>[vector<16xi32>], vector<16xf32>,
      tpu.vector_store_idx %arg6[%parallel_loop3A_202], %broadcast_in_dim3A_5 {add = true} : memref<39936xf32, #tpu.memory_space<vmem>>[vector<16xi32>], vector<16xf32>,
    } {sc.loop_unroll_factor = 8 : i64, sc.parallel_access}
    %dma_wait3A_111 = tpu.memref_slice %arg2[%add3A_105] : memref<5242880xi32, #tpu.memory_space<hbm>> -> memref<8192xi32, #tpu.memory_space<hbm>>
    %dma_wait3A_112 = tpu.memref_slice %arg2[%add3A_105] : memref<5242880xi32, #tpu.memory_space<hbm>> -> memref<8192xi32, #tpu.memory_space<hbm>>
    tpu.wait_dma2 semaphore(%arg8 : memref<!tpu.dma_semaphore, #tpu.memory_space<semaphore_mem>>) src(%dma_wait3A_112 : memref<8192xi32, #tpu.memory_space<hbm>>) dst(%arg5 : memref<8192xi32, #tpu.memory_space<vmem>>)
    %add3A_113 = arith.constant 98304 : i32
    %add3A_114 = arith.addi %mul3A_2, %add3A_113 : i32
    %dma_start3A_115 = tpu.memref_slice %arg2[%add3A_114] : memref<5242880xi32, #tpu.memory_space<hbm>> -> memref<8192xi32, #tpu.memory_space<hbm>>
    %dma_start3A_116 = tpu.memref_slice %arg2[%add3A_114] : memref<5242880xi32, #tpu.memory_space<hbm>> -> memref<8192xi32, #tpu.memory_space<hbm>>
    tpu.enqueue_dma source(%dma_start3A_116 : memref<8192xi32, #tpu.memory_space<hbm>>) target(%arg4 : memref<8192xi32, #tpu.memory_space<vmem>>) target_semaphore(%arg7 : memref<!tpu.dma_semaphore, #tpu.memory_space<semaphore_mem>>)
    %parallel_loop3A_117 = arith.constant 0 : i32
    %parallel_loop3A_118 = arith.constant 8192 : i32
    %parallel_loop3A_119 = arith.constant 16 : i32
    scf.for %parallel_loop3A_194 = %parallel_loop3A_117 to %parallel_loop3A_118 step %parallel_loop3A_119  : i32 {
      %parallel_loop3A_195 = arith.index_cast %parallel_loop3A_194 : i32 to index
      %parallel_loop3A_196 = tpu.vector_load %arg5[%parallel_loop3A_195] {strides = array<i32>} : memref<8192xi32, #tpu.memory_space<vmem>>, vector<16xi32>,
      %parallel_loop3A_197 = arith.constant 65535 : i32
      %parallel_loop3A_198 = vector.broadcast %parallel_loop3A_197 : i32 to vector<16xi32>
      %parallel_loop3A_199 = arith.andi %parallel_loop3A_196, %parallel_loop3A_198 : vector<16xi32>
      %parallel_loop3A_200 = arith.constant 16 : i32
      %parallel_loop3A_201 = vector.broadcast %parallel_loop3A_200 : i32 to vector<16xi32>
      %parallel_loop3A_202 = arith.shrui %parallel_loop3A_196, %parallel_loop3A_201 : vector<16xi32>
      tpu.vector_store_idx %arg6[%parallel_loop3A_199], %broadcast_in_dim3A_5 {add = true} : memref<39936xf32, #tpu.memory_space<vmem>>[vector<16xi32>], vector<16xf32>,
      tpu.vector_store_idx %arg6[%parallel_loop3A_202], %broadcast_in_dim3A_5 {add = true} : memref<39936xf32, #tpu.memory_space<vmem>>[vector<16xi32>], vector<16xf32>,
    } {sc.loop_unroll_factor = 8 : i64, sc.parallel_access}
    %dma_wait3A_120 = tpu.memref_slice %arg2[%add3A_114] : memref<5242880xi32, #tpu.memory_space<hbm>> -> memref<8192xi32, #tpu.memory_space<hbm>>
    %dma_wait3A_121 = tpu.memref_slice %arg2[%add3A_114] : memref<5242880xi32, #tpu.memory_space<hbm>> -> memref<8192xi32, #tpu.memory_space<hbm>>
    tpu.wait_dma2 semaphore(%arg7 : memref<!tpu.dma_semaphore, #tpu.memory_space<semaphore_mem>>) src(%dma_wait3A_121 : memref<8192xi32, #tpu.memory_space<hbm>>) dst(%arg4 : memref<8192xi32, #tpu.memory_space<vmem>>)
    %add3A_122 = arith.constant 106496 : i32
    %add3A_123 = arith.addi %mul3A_2, %add3A_122 : i32
    %dma_start3A_124 = tpu.memref_slice %arg2[%add3A_123] : memref<5242880xi32, #tpu.memory_space<hbm>> -> memref<8192xi32, #tpu.memory_space<hbm>>
    %dma_start3A_125 = tpu.memref_slice %arg2[%add3A_123] : memref<5242880xi32, #tpu.memory_space<hbm>> -> memref<8192xi32, #tpu.memory_space<hbm>>
    tpu.enqueue_dma source(%dma_start3A_125 : memref<8192xi32, #tpu.memory_space<hbm>>) target(%arg5 : memref<8192xi32, #tpu.memory_space<vmem>>) target_semaphore(%arg8 : memref<!tpu.dma_semaphore, #tpu.memory_space<semaphore_mem>>)
    %parallel_loop3A_126 = arith.constant 0 : i32
    %parallel_loop3A_127 = arith.constant 8192 : i32
    %parallel_loop3A_128 = arith.constant 16 : i32
    scf.for %parallel_loop3A_194 = %parallel_loop3A_126 to %parallel_loop3A_127 step %parallel_loop3A_128  : i32 {
      %parallel_loop3A_195 = arith.index_cast %parallel_loop3A_194 : i32 to index
      %parallel_loop3A_196 = tpu.vector_load %arg4[%parallel_loop3A_195] {strides = array<i32>} : memref<8192xi32, #tpu.memory_space<vmem>>, vector<16xi32>,
      %parallel_loop3A_197 = arith.constant 65535 : i32
      %parallel_loop3A_198 = vector.broadcast %parallel_loop3A_197 : i32 to vector<16xi32>
      %parallel_loop3A_199 = arith.andi %parallel_loop3A_196, %parallel_loop3A_198 : vector<16xi32>
      %parallel_loop3A_200 = arith.constant 16 : i32
      %parallel_loop3A_201 = vector.broadcast %parallel_loop3A_200 : i32 to vector<16xi32>
      %parallel_loop3A_202 = arith.shrui %parallel_loop3A_196, %parallel_loop3A_201 : vector<16xi32>
      tpu.vector_store_idx %arg6[%parallel_loop3A_199], %broadcast_in_dim3A_5 {add = true} : memref<39936xf32, #tpu.memory_space<vmem>>[vector<16xi32>], vector<16xf32>,
      tpu.vector_store_idx %arg6[%parallel_loop3A_202], %broadcast_in_dim3A_5 {add = true} : memref<39936xf32, #tpu.memory_space<vmem>>[vector<16xi32>], vector<16xf32>,
    } {sc.loop_unroll_factor = 8 : i64, sc.parallel_access}
    %dma_wait3A_129 = tpu.memref_slice %arg2[%add3A_123] : memref<5242880xi32, #tpu.memory_space<hbm>> -> memref<8192xi32, #tpu.memory_space<hbm>>
    %dma_wait3A_130 = tpu.memref_slice %arg2[%add3A_123] : memref<5242880xi32, #tpu.memory_space<hbm>> -> memref<8192xi32, #tpu.memory_space<hbm>>
    tpu.wait_dma2 semaphore(%arg8 : memref<!tpu.dma_semaphore, #tpu.memory_space<semaphore_mem>>) src(%dma_wait3A_130 : memref<8192xi32, #tpu.memory_space<hbm>>) dst(%arg5 : memref<8192xi32, #tpu.memory_space<vmem>>)
    %add3A_131 = arith.constant 114688 : i32
    %add3A_132 = arith.addi %mul3A_2, %add3A_131 : i32
    %dma_start3A_133 = tpu.memref_slice %arg2[%add3A_132] : memref<5242880xi32, #tpu.memory_space<hbm>> -> memref<8192xi32, #tpu.memory_space<hbm>>
    %dma_start3A_134 = tpu.memref_slice %arg2[%add3A_132] : memref<5242880xi32, #tpu.memory_space<hbm>> -> memref<8192xi32, #tpu.memory_space<hbm>>
    tpu.enqueue_dma source(%dma_start3A_134 : memref<8192xi32, #tpu.memory_space<hbm>>) target(%arg4 : memref<8192xi32, #tpu.memory_space<vmem>>) target_semaphore(%arg7 : memref<!tpu.dma_semaphore, #tpu.memory_space<semaphore_mem>>)
    %parallel_loop3A_135 = arith.constant 0 : i32
    %parallel_loop3A_136 = arith.constant 8192 : i32
    %parallel_loop3A_137 = arith.constant 16 : i32
    scf.for %parallel_loop3A_194 = %parallel_loop3A_135 to %parallel_loop3A_136 step %parallel_loop3A_137  : i32 {
      %parallel_loop3A_195 = arith.index_cast %parallel_loop3A_194 : i32 to index
      %parallel_loop3A_196 = tpu.vector_load %arg5[%parallel_loop3A_195] {strides = array<i32>} : memref<8192xi32, #tpu.memory_space<vmem>>, vector<16xi32>,
      %parallel_loop3A_197 = arith.constant 65535 : i32
      %parallel_loop3A_198 = vector.broadcast %parallel_loop3A_197 : i32 to vector<16xi32>
      %parallel_loop3A_199 = arith.andi %parallel_loop3A_196, %parallel_loop3A_198 : vector<16xi32>
      %parallel_loop3A_200 = arith.constant 16 : i32
      %parallel_loop3A_201 = vector.broadcast %parallel_loop3A_200 : i32 to vector<16xi32>
      %parallel_loop3A_202 = arith.shrui %parallel_loop3A_196, %parallel_loop3A_201 : vector<16xi32>
      tpu.vector_store_idx %arg6[%parallel_loop3A_199], %broadcast_in_dim3A_5 {add = true} : memref<39936xf32, #tpu.memory_space<vmem>>[vector<16xi32>], vector<16xf32>,
      tpu.vector_store_idx %arg6[%parallel_loop3A_202], %broadcast_in_dim3A_5 {add = true} : memref<39936xf32, #tpu.memory_space<vmem>>[vector<16xi32>], vector<16xf32>,
    } {sc.loop_unroll_factor = 8 : i64, sc.parallel_access}
    %dma_wait3A_138 = tpu.memref_slice %arg2[%add3A_132] : memref<5242880xi32, #tpu.memory_space<hbm>> -> memref<8192xi32, #tpu.memory_space<hbm>>
    %dma_wait3A_139 = tpu.memref_slice %arg2[%add3A_132] : memref<5242880xi32, #tpu.memory_space<hbm>> -> memref<8192xi32, #tpu.memory_space<hbm>>
    tpu.wait_dma2 semaphore(%arg7 : memref<!tpu.dma_semaphore, #tpu.memory_space<semaphore_mem>>) src(%dma_wait3A_139 : memref<8192xi32, #tpu.memory_space<hbm>>) dst(%arg4 : memref<8192xi32, #tpu.memory_space<vmem>>)
    %add3A_140 = arith.constant 122880 : i32
    %add3A_141 = arith.addi %mul3A_2, %add3A_140 : i32
    %dma_start3A_142 = tpu.memref_slice %arg2[%add3A_141] : memref<5242880xi32, #tpu.memory_space<hbm>> -> memref<8192xi32, #tpu.memory_space<hbm>>
    %dma_start3A_143 = tpu.memref_slice %arg2[%add3A_141] : memref<5242880xi32, #tpu.memory_space<hbm>> -> memref<8192xi32, #tpu.memory_space<hbm>>
    tpu.enqueue_dma source(%dma_start3A_143 : memref<8192xi32, #tpu.memory_space<hbm>>) target(%arg5 : memref<8192xi32, #tpu.memory_space<vmem>>) target_semaphore(%arg8 : memref<!tpu.dma_semaphore, #tpu.memory_space<semaphore_mem>>)
    %parallel_loop3A_144 = arith.constant 0 : i32
    %parallel_loop3A_145 = arith.constant 8192 : i32
    %parallel_loop3A_146 = arith.constant 16 : i32
    scf.for %parallel_loop3A_194 = %parallel_loop3A_144 to %parallel_loop3A_145 step %parallel_loop3A_146  : i32 {
      %parallel_loop3A_195 = arith.index_cast %parallel_loop3A_194 : i32 to index
      %parallel_loop3A_196 = tpu.vector_load %arg4[%parallel_loop3A_195] {strides = array<i32>} : memref<8192xi32, #tpu.memory_space<vmem>>, vector<16xi32>,
      %parallel_loop3A_197 = arith.constant 65535 : i32
      %parallel_loop3A_198 = vector.broadcast %parallel_loop3A_197 : i32 to vector<16xi32>
      %parallel_loop3A_199 = arith.andi %parallel_loop3A_196, %parallel_loop3A_198 : vector<16xi32>
      %parallel_loop3A_200 = arith.constant 16 : i32
      %parallel_loop3A_201 = vector.broadcast %parallel_loop3A_200 : i32 to vector<16xi32>
      %parallel_loop3A_202 = arith.shrui %parallel_loop3A_196, %parallel_loop3A_201 : vector<16xi32>
      tpu.vector_store_idx %arg6[%parallel_loop3A_199], %broadcast_in_dim3A_5 {add = true} : memref<39936xf32, #tpu.memory_space<vmem>>[vector<16xi32>], vector<16xf32>,
      tpu.vector_store_idx %arg6[%parallel_loop3A_202], %broadcast_in_dim3A_5 {add = true} : memref<39936xf32, #tpu.memory_space<vmem>>[vector<16xi32>], vector<16xf32>,
    } {sc.loop_unroll_factor = 8 : i64, sc.parallel_access}
    %dma_wait3A_147 = tpu.memref_slice %arg2[%add3A_141] : memref<5242880xi32, #tpu.memory_space<hbm>> -> memref<8192xi32, #tpu.memory_space<hbm>>
    %dma_wait3A_148 = tpu.memref_slice %arg2[%add3A_141] : memref<5242880xi32, #tpu.memory_space<hbm>> -> memref<8192xi32, #tpu.memory_space<hbm>>
    tpu.wait_dma2 semaphore(%arg8 : memref<!tpu.dma_semaphore, #tpu.memory_space<semaphore_mem>>) src(%dma_wait3A_148 : memref<8192xi32, #tpu.memory_space<hbm>>) dst(%arg5 : memref<8192xi32, #tpu.memory_space<vmem>>)
    %add3A_149 = arith.constant 131072 : i32
    %add3A_150 = arith.addi %mul3A_2, %add3A_149 : i32
    %dma_start3A_151 = tpu.memref_slice %arg2[%add3A_150] : memref<5242880xi32, #tpu.memory_space<hbm>> -> memref<8192xi32, #tpu.memory_space<hbm>>
    %dma_start3A_152 = tpu.memref_slice %arg2[%add3A_150] : memref<5242880xi32, #tpu.memory_space<hbm>> -> memref<8192xi32, #tpu.memory_space<hbm>>
    tpu.enqueue_dma source(%dma_start3A_152 : memref<8192xi32, #tpu.memory_space<hbm>>) target(%arg4 : memref<8192xi32, #tpu.memory_space<vmem>>) target_semaphore(%arg7 : memref<!tpu.dma_semaphore, #tpu.memory_space<semaphore_mem>>)
    %parallel_loop3A_153 = arith.constant 0 : i32
    %parallel_loop3A_154 = arith.constant 8192 : i32
    %parallel_loop3A_155 = arith.constant 16 : i32
    scf.for %parallel_loop3A_194 = %parallel_loop3A_153 to %parallel_loop3A_154 step %parallel_loop3A_155  : i32 {
      %parallel_loop3A_195 = arith.index_cast %parallel_loop3A_194 : i32 to index
      %parallel_loop3A_196 = tpu.vector_load %arg5[%parallel_loop3A_195] {strides = array<i32>} : memref<8192xi32, #tpu.memory_space<vmem>>, vector<16xi32>,
      %parallel_loop3A_197 = arith.constant 65535 : i32
      %parallel_loop3A_198 = vector.broadcast %parallel_loop3A_197 : i32 to vector<16xi32>
      %parallel_loop3A_199 = arith.andi %parallel_loop3A_196, %parallel_loop3A_198 : vector<16xi32>
      %parallel_loop3A_200 = arith.constant 16 : i32
      %parallel_loop3A_201 = vector.broadcast %parallel_loop3A_200 : i32 to vector<16xi32>
      %parallel_loop3A_202 = arith.shrui %parallel_loop3A_196, %parallel_loop3A_201 : vector<16xi32>
      tpu.vector_store_idx %arg6[%parallel_loop3A_199], %broadcast_in_dim3A_5 {add = true} : memref<39936xf32, #tpu.memory_space<vmem>>[vector<16xi32>], vector<16xf32>,
      tpu.vector_store_idx %arg6[%parallel_loop3A_202], %broadcast_in_dim3A_5 {add = true} : memref<39936xf32, #tpu.memory_space<vmem>>[vector<16xi32>], vector<16xf32>,
    } {sc.loop_unroll_factor = 8 : i64, sc.parallel_access}
    %dma_wait3A_156 = tpu.memref_slice %arg2[%add3A_150] : memref<5242880xi32, #tpu.memory_space<hbm>> -> memref<8192xi32, #tpu.memory_space<hbm>>
    %dma_wait3A_157 = tpu.memref_slice %arg2[%add3A_150] : memref<5242880xi32, #tpu.memory_space<hbm>> -> memref<8192xi32, #tpu.memory_space<hbm>>
    tpu.wait_dma2 semaphore(%arg7 : memref<!tpu.dma_semaphore, #tpu.memory_space<semaphore_mem>>) src(%dma_wait3A_157 : memref<8192xi32, #tpu.memory_space<hbm>>) dst(%arg4 : memref<8192xi32, #tpu.memory_space<vmem>>)
    %add3A_158 = arith.constant 139264 : i32
    %add3A_159 = arith.addi %mul3A_2, %add3A_158 : i32
    %dma_start3A_160 = tpu.memref_slice %arg2[%add3A_159] : memref<5242880xi32, #tpu.memory_space<hbm>> -> memref<8192xi32, #tpu.memory_space<hbm>>
    %dma_start3A_161 = tpu.memref_slice %arg2[%add3A_159] : memref<5242880xi32, #tpu.memory_space<hbm>> -> memref<8192xi32, #tpu.memory_space<hbm>>
    tpu.enqueue_dma source(%dma_start3A_161 : memref<8192xi32, #tpu.memory_space<hbm>>) target(%arg5 : memref<8192xi32, #tpu.memory_space<vmem>>) target_semaphore(%arg8 : memref<!tpu.dma_semaphore, #tpu.memory_space<semaphore_mem>>)
    %parallel_loop3A_162 = arith.constant 0 : i32
    %parallel_loop3A_163 = arith.constant 8192 : i32
    %parallel_loop3A_164 = arith.constant 16 : i32
    scf.for %parallel_loop3A_194 = %parallel_loop3A_162 to %parallel_loop3A_163 step %parallel_loop3A_164  : i32 {
      %parallel_loop3A_195 = arith.index_cast %parallel_loop3A_194 : i32 to index
      %parallel_loop3A_196 = tpu.vector_load %arg4[%parallel_loop3A_195] {strides = array<i32>} : memref<8192xi32, #tpu.memory_space<vmem>>, vector<16xi32>,
      %parallel_loop3A_197 = arith.constant 65535 : i32
      %parallel_loop3A_198 = vector.broadcast %parallel_loop3A_197 : i32 to vector<16xi32>
      %parallel_loop3A_199 = arith.andi %parallel_loop3A_196, %parallel_loop3A_198 : vector<16xi32>
      %parallel_loop3A_200 = arith.constant 16 : i32
      %parallel_loop3A_201 = vector.broadcast %parallel_loop3A_200 : i32 to vector<16xi32>
      %parallel_loop3A_202 = arith.shrui %parallel_loop3A_196, %parallel_loop3A_201 : vector<16xi32>
      tpu.vector_store_idx %arg6[%parallel_loop3A_199], %broadcast_in_dim3A_5 {add = true} : memref<39936xf32, #tpu.memory_space<vmem>>[vector<16xi32>], vector<16xf32>,
      tpu.vector_store_idx %arg6[%parallel_loop3A_202], %broadcast_in_dim3A_5 {add = true} : memref<39936xf32, #tpu.memory_space<vmem>>[vector<16xi32>], vector<16xf32>,
    } {sc.loop_unroll_factor = 8 : i64, sc.parallel_access}
    %dma_wait3A_165 = tpu.memref_slice %arg2[%add3A_159] : memref<5242880xi32, #tpu.memory_space<hbm>> -> memref<8192xi32, #tpu.memory_space<hbm>>
    %dma_wait3A_166 = tpu.memref_slice %arg2[%add3A_159] : memref<5242880xi32, #tpu.memory_space<hbm>> -> memref<8192xi32, #tpu.memory_space<hbm>>
    tpu.wait_dma2 semaphore(%arg8 : memref<!tpu.dma_semaphore, #tpu.memory_space<semaphore_mem>>) src(%dma_wait3A_166 : memref<8192xi32, #tpu.memory_space<hbm>>) dst(%arg5 : memref<8192xi32, #tpu.memory_space<vmem>>)
    %add3A_167 = arith.constant 147456 : i32
    %add3A_168 = arith.addi %mul3A_2, %add3A_167 : i32
    %dma_start3A_169 = tpu.memref_slice %arg2[%add3A_168] : memref<5242880xi32, #tpu.memory_space<hbm>> -> memref<8192xi32, #tpu.memory_space<hbm>>
    %dma_start3A_170 = tpu.memref_slice %arg2[%add3A_168] : memref<5242880xi32, #tpu.memory_space<hbm>> -> memref<8192xi32, #tpu.memory_space<hbm>>
    tpu.enqueue_dma source(%dma_start3A_170 : memref<8192xi32, #tpu.memory_space<hbm>>) target(%arg4 : memref<8192xi32, #tpu.memory_space<vmem>>) target_semaphore(%arg7 : memref<!tpu.dma_semaphore, #tpu.memory_space<semaphore_mem>>)
    %parallel_loop3A_171 = arith.constant 0 : i32
    %parallel_loop3A_172 = arith.constant 8192 : i32
    %parallel_loop3A_173 = arith.constant 16 : i32
    scf.for %parallel_loop3A_194 = %parallel_loop3A_171 to %parallel_loop3A_172 step %parallel_loop3A_173  : i32 {
      %parallel_loop3A_195 = arith.index_cast %parallel_loop3A_194 : i32 to index
      %parallel_loop3A_196 = tpu.vector_load %arg5[%parallel_loop3A_195] {strides = array<i32>} : memref<8192xi32, #tpu.memory_space<vmem>>, vector<16xi32>,
      %parallel_loop3A_197 = arith.constant 65535 : i32
      %parallel_loop3A_198 = vector.broadcast %parallel_loop3A_197 : i32 to vector<16xi32>
      %parallel_loop3A_199 = arith.andi %parallel_loop3A_196, %parallel_loop3A_198 : vector<16xi32>
      %parallel_loop3A_200 = arith.constant 16 : i32
      %parallel_loop3A_201 = vector.broadcast %parallel_loop3A_200 : i32 to vector<16xi32>
      %parallel_loop3A_202 = arith.shrui %parallel_loop3A_196, %parallel_loop3A_201 : vector<16xi32>
      tpu.vector_store_idx %arg6[%parallel_loop3A_199], %broadcast_in_dim3A_5 {add = true} : memref<39936xf32, #tpu.memory_space<vmem>>[vector<16xi32>], vector<16xf32>,
      tpu.vector_store_idx %arg6[%parallel_loop3A_202], %broadcast_in_dim3A_5 {add = true} : memref<39936xf32, #tpu.memory_space<vmem>>[vector<16xi32>], vector<16xf32>,
    } {sc.loop_unroll_factor = 8 : i64, sc.parallel_access}
    %dma_wait3A_174 = tpu.memref_slice %arg2[%add3A_168] : memref<5242880xi32, #tpu.memory_space<hbm>> -> memref<8192xi32, #tpu.memory_space<hbm>>
    %dma_wait3A_175 = tpu.memref_slice %arg2[%add3A_168] : memref<5242880xi32, #tpu.memory_space<hbm>> -> memref<8192xi32, #tpu.memory_space<hbm>>
    tpu.wait_dma2 semaphore(%arg7 : memref<!tpu.dma_semaphore, #tpu.memory_space<semaphore_mem>>) src(%dma_wait3A_175 : memref<8192xi32, #tpu.memory_space<hbm>>) dst(%arg4 : memref<8192xi32, #tpu.memory_space<vmem>>)
    %add3A_176 = arith.constant 155648 : i32
    %add3A_177 = arith.addi %mul3A_2, %add3A_176 : i32
    %dma_start3A_178 = tpu.memref_slice %arg2[%add3A_177] : memref<5242880xi32, #tpu.memory_space<hbm>> -> memref<8192xi32, #tpu.memory_space<hbm>>
    %dma_start3A_179 = tpu.memref_slice %arg2[%add3A_177] : memref<5242880xi32, #tpu.memory_space<hbm>> -> memref<8192xi32, #tpu.memory_space<hbm>>
    tpu.enqueue_dma source(%dma_start3A_179 : memref<8192xi32, #tpu.memory_space<hbm>>) target(%arg5 : memref<8192xi32, #tpu.memory_space<vmem>>) target_semaphore(%arg8 : memref<!tpu.dma_semaphore, #tpu.memory_space<semaphore_mem>>)
    %parallel_loop3A_180 = arith.constant 0 : i32
    %parallel_loop3A_181 = arith.constant 8192 : i32
    %parallel_loop3A_182 = arith.constant 16 : i32
    scf.for %parallel_loop3A_194 = %parallel_loop3A_180 to %parallel_loop3A_181 step %parallel_loop3A_182  : i32 {
      %parallel_loop3A_195 = arith.index_cast %parallel_loop3A_194 : i32 to index
      %parallel_loop3A_196 = tpu.vector_load %arg4[%parallel_loop3A_195] {strides = array<i32>} : memref<8192xi32, #tpu.memory_space<vmem>>, vector<16xi32>,
      %parallel_loop3A_197 = arith.constant 65535 : i32
      %parallel_loop3A_198 = vector.broadcast %parallel_loop3A_197 : i32 to vector<16xi32>
      %parallel_loop3A_199 = arith.andi %parallel_loop3A_196, %parallel_loop3A_198 : vector<16xi32>
      %parallel_loop3A_200 = arith.constant 16 : i32
      %parallel_loop3A_201 = vector.broadcast %parallel_loop3A_200 : i32 to vector<16xi32>
      %parallel_loop3A_202 = arith.shrui %parallel_loop3A_196, %parallel_loop3A_201 : vector<16xi32>
      tpu.vector_store_idx %arg6[%parallel_loop3A_199], %broadcast_in_dim3A_5 {add = true} : memref<39936xf32, #tpu.memory_space<vmem>>[vector<16xi32>], vector<16xf32>,
      tpu.vector_store_idx %arg6[%parallel_loop3A_202], %broadcast_in_dim3A_5 {add = true} : memref<39936xf32, #tpu.memory_space<vmem>>[vector<16xi32>], vector<16xf32>,
    } {sc.loop_unroll_factor = 8 : i64, sc.parallel_access}
    %dma_wait3A_183 = tpu.memref_slice %arg2[%add3A_177] : memref<5242880xi32, #tpu.memory_space<hbm>> -> memref<8192xi32, #tpu.memory_space<hbm>>
    %dma_wait3A_184 = tpu.memref_slice %arg2[%add3A_177] : memref<5242880xi32, #tpu.memory_space<hbm>> -> memref<8192xi32, #tpu.memory_space<hbm>>
    tpu.wait_dma2 semaphore(%arg8 : memref<!tpu.dma_semaphore, #tpu.memory_space<semaphore_mem>>) src(%dma_wait3A_184 : memref<8192xi32, #tpu.memory_space<hbm>>) dst(%arg5 : memref<8192xi32, #tpu.memory_space<vmem>>)
    %parallel_loop3A_185 = arith.constant 0 : i32
    %parallel_loop3A_186 = arith.constant 8192 : i32
    %parallel_loop3A_187 = arith.constant 16 : i32
    scf.for %parallel_loop3A_194 = %parallel_loop3A_185 to %parallel_loop3A_186 step %parallel_loop3A_187  : i32 {
      %parallel_loop3A_195 = arith.index_cast %parallel_loop3A_194 : i32 to index
      %parallel_loop3A_196 = tpu.vector_load %arg5[%parallel_loop3A_195] {strides = array<i32>} : memref<8192xi32, #tpu.memory_space<vmem>>, vector<16xi32>,
      %parallel_loop3A_197 = arith.constant 65535 : i32
      %parallel_loop3A_198 = vector.broadcast %parallel_loop3A_197 : i32 to vector<16xi32>
      %parallel_loop3A_199 = arith.andi %parallel_loop3A_196, %parallel_loop3A_198 : vector<16xi32>
      %parallel_loop3A_200 = arith.constant 16 : i32
      %parallel_loop3A_201 = vector.broadcast %parallel_loop3A_200 : i32 to vector<16xi32>
      %parallel_loop3A_202 = arith.shrui %parallel_loop3A_196, %parallel_loop3A_201 : vector<16xi32>
      tpu.vector_store_idx %arg6[%parallel_loop3A_199], %broadcast_in_dim3A_5 {add = true} : memref<39936xf32, #tpu.memory_space<vmem>>[vector<16xi32>], vector<16xf32>,
      tpu.vector_store_idx %arg6[%parallel_loop3A_202], %broadcast_in_dim3A_5 {add = true} : memref<39936xf32, #tpu.memory_space<vmem>>[vector<16xi32>], vector<16xf32>,
    } {sc.loop_unroll_factor = 8 : i64, sc.parallel_access}
    %scan3A_188 = arith.constant 0 : i32
    %scan3A_189 = arith.constant 0 : i32
    %scan3A_190 = arith.constant 39 : i32
    %scan3A_191 = arith.addi %scan3A_189, %scan3A_190 : i32
    %scan3A_192 = arith.constant 1 : i32
    scf.for %scan3A_194 = %scan3A_189 to %scan3A_191 step %scan3A_192  : i32 {
      %mul3A_195 = arith.constant 1024 : i32
      %mul3A_196 = arith.muli %scan3A_194, %mul3A_195 : i32
      "tpu.region"() ({
        %run_scoped3A = tpu.sem_alloc : memref<!tpu.dma_semaphore, #tpu.memory_space<semaphore_mem>>
        %dma_start3A_197 = tpu.memref_slice %arg6[%mul3A_196] : memref<39936xf32, #tpu.memory_space<vmem>> -> memref<1024xf32, #tpu.memory_space<vmem>>
        %dma_start3A_198 = arith.constant 0 : i32
        %dma_start3A_199 = tpu.memref_slice %arg3[%add3A, %scan3A_194, %dma_start3A_198] : memref<32x39x1024xf32, #tpu.memory_space<hbm>> -> memref<1x1x1024xf32, #tpu.memory_space<hbm>>
        %dma_start3A_200 = tpu.memref_squeeze %dma_start3A_199 : memref<1x1x1024xf32, #tpu.memory_space<hbm>> -> memref<1024xf32, #tpu.memory_space<hbm>>
        %dma_start3A_201 = arith.constant 0 : i32
        %dma_start3A_202 = tpu.memref_slice %arg3[%add3A, %scan3A_194, %dma_start3A_201] : memref<32x39x1024xf32, #tpu.memory_space<hbm>> -> memref<1x1x1024xf32, #tpu.memory_space<hbm>>
        %dma_start3A_203 = tpu.memref_squeeze %dma_start3A_202 : memref<1x1x1024xf32, #tpu.memory_space<hbm>> -> memref<1024xf32, #tpu.memory_space<hbm>>
        %dma_start3A_204 = tpu.memref_slice %arg6[%mul3A_196] : memref<39936xf32, #tpu.memory_space<vmem>> -> memref<1024xf32, #tpu.memory_space<vmem>>
        tpu.enqueue_dma source(%dma_start3A_204 : memref<1024xf32, #tpu.memory_space<vmem>>) target(%dma_start3A_203 : memref<1024xf32, #tpu.memory_space<hbm>>) target_semaphore(%run_scoped3A : memref<!tpu.dma_semaphore, #tpu.memory_space<semaphore_mem>>)
        %dma_wait3A_205 = tpu.memref_slice %arg6[%mul3A_196] : memref<39936xf32, #tpu.memory_space<vmem>> -> memref<1024xf32, #tpu.memory_space<vmem>>
        %dma_wait3A_206 = arith.constant 0 : i32
        %dma_wait3A_207 = tpu.memref_slice %arg3[%add3A, %scan3A_194, %dma_wait3A_206] : memref<32x39x1024xf32, #tpu.memory_space<hbm>> -> memref<1x1x1024xf32, #tpu.memory_space<hbm>>
        %dma_wait3A_208 = tpu.memref_squeeze %dma_wait3A_207 : memref<1x1x1024xf32, #tpu.memory_space<hbm>> -> memref<1024xf32, #tpu.memory_space<hbm>>
        %dma_wait3A_209 = arith.constant 0 : i32
        %dma_wait3A_210 = tpu.memref_slice %arg3[%add3A, %scan3A_194, %dma_wait3A_209] : memref<32x39x1024xf32, #tpu.memory_space<hbm>> -> memref<1x1x1024xf32, #tpu.memory_space<hbm>>
        %dma_wait3A_211 = tpu.memref_squeeze %dma_wait3A_210 : memref<1x1x1024xf32, #tpu.memory_space<hbm>> -> memref<1024xf32, #tpu.memory_space<hbm>>
        %dma_wait3A_212 = tpu.memref_slice %arg6[%mul3A_196] : memref<39936xf32, #tpu.memory_space<vmem>> -> memref<1024xf32, #tpu.memory_space<vmem>>
        tpu.wait_dma2 semaphore(%run_scoped3A : memref<!tpu.dma_semaphore, #tpu.memory_space<semaphore_mem>>) src(%dma_wait3A_212 : memref<1024xf32, #tpu.memory_space<vmem>>) dst(%dma_wait3A_211 : memref<1024xf32, #tpu.memory_space<hbm>>)
        tpu.yield
      }) : () -> ()
    }
    %scan3A_193 = arith.constant 39 : i32
    return
  }
}

module attributes {stable_mosaic.version = 14 : i64} {
  func.func @_s1_body(%arg0: i32, %arg1: memref<4x19x16x512xf32, #tpu.memory_space<vmem>>, %arg2: memref<4x16x512xi32, #tpu.memory_space<vmem>>, %arg3: memref<320x8x128xi32, #tpu.memory_space<vmem>>) attributes {dimension_semantics = [#tpu.dimension_semantics<arbitrary>], iteration_bounds = array<i64: 16>, scalar_prefetch = 0 : i64, scratch_operands = 0 : i64, tpu.core_type = #tpu.core_type<tc>, window_params = [{transform_indices = @transform_0, window_bounds = array<i64: 4, 19, 16, 512>}, {transform_indices = @transform_1, window_bounds = array<i64: 4, 16, 512>}, {transform_indices = @transform_2, window_bounds = array<i64: 320, 8, 128>}]} {
    %get3A = arith.constant 0 : index
    %get3A_0 = arith.constant 0 : index
    %get3A_1 = arith.constant 0 : index
    %get3A_2 = arith.constant 0 : index
    %get3A_3 = vector.load %arg1[%get3A, %get3A_0, %get3A_1, %get3A_2] : memref<4x19x16x512xf32, #tpu.memory_space<vmem>>, vector<4x19x16x512xf32>
    %get3A_4 = arith.constant 0 : index
    %get3A_5 = arith.constant 0 : index
    %get3A_6 = arith.constant 0 : index
    %get3A_7 = vector.load %arg2[%get3A_4, %get3A_5, %get3A_6] : memref<4x16x512xi32, #tpu.memory_space<vmem>>, vector<4x16x512xi32>
    %exp3A = math.exp %get3A_3 : vector<4x19x16x512xf32>
    %reduce_sum3A = arith.constant dense<0.000000e+00> : vector<4x16x512xf32>
    %reduce_sum3A_8 = vector.multi_reduction <add>, %exp3A, %reduce_sum3A [1] : vector<4x19x16x512xf32> to vector<4x16x512xf32>
    %broadcast_in_dim3A = vector.shape_cast %reduce_sum3A_8 : vector<4x16x512xf32> to vector<4x1x16x512xf32>
    %div3A = arith.constant 1.024000e+03 : f32
    %div3A_9 = vector.broadcast %div3A : f32 to vector<4x1x16x512xf32>
    %div3A_10 = arith.divf %div3A_9, %broadcast_in_dim3A : vector<4x1x16x512xf32>
    %iota3A = tpu.iota {dimensions = array<i32: 1>} : vector<4x19x16x512xi32>
    %broadcast_in_dim3A_11 = vector.shape_cast %get3A_7 : vector<4x16x512xi32> to vector<4x1x16x512xi32>
    %eq3A = vector.broadcast %broadcast_in_dim3A_11 : vector<4x1x16x512xi32> to vector<4x19x16x512xi32>
    %eq3A_12 = arith.cmpi eq, %eq3A, %iota3A : vector<4x19x16x512xi32>
    %sub3A = vector.broadcast %broadcast_in_dim3A : vector<4x1x16x512xf32> to vector<4x19x16x512xf32>
    %sub3A_13 = arith.subf %sub3A, %exp3A : vector<4x19x16x512xf32>
    %select_n3A = arith.select %eq3A_12, %sub3A_13, %exp3A : vector<4x19x16x512xi1>, vector<4x19x16x512xf32>
    %mul3A = vector.broadcast %div3A_10 : vector<4x1x16x512xf32> to vector<4x19x16x512xf32>
    %mul3A_14 = arith.mulf %select_n3A, %mul3A : vector<4x19x16x512xf32>
    %convert_element_type3A = arith.fptosi %mul3A_14 : vector<4x19x16x512xf32> to vector<4x19x16x512xi32>
    %jit3A = arith.constant 0 : i32
    %jit3A_15 = arith.constant 1023 : i32
    %max3A = vector.broadcast %jit3A : i32 to vector<4x19x16x512xi32>
    %max3A_16 = arith.maxsi %max3A, %convert_element_type3A : vector<4x19x16x512xi32>
    %min3A = vector.broadcast %jit3A_15 : i32 to vector<4x19x16x512xi32>
    %min3A_17 = arith.minsi %min3A, %max3A_16 : vector<4x19x16x512xi32>
    %jit3A_18 = arith.constant 19456 : i32
    %jit3A_19 = arith.constant 0 : i32
    %broadcast_in_dim3A_20 = vector.broadcast %jit3A_18 : i32 to vector<4x19x16x512xi32>
    %broadcast_in_dim3A_21 = vector.broadcast %jit3A_19 : i32 to vector<4x19x16x512xi32>
    %select_n3A_22 = arith.select %eq3A_12, %broadcast_in_dim3A_20, %broadcast_in_dim3A_21 : vector<4x19x16x512xi1>, vector<4x19x16x512xi32>
    %mul3A_23 = arith.constant 1024 : i32
    %mul3A_24 = vector.broadcast %mul3A_23 : i32 to vector<4x19x16x512xi32>
    %mul3A_25 = arith.muli %iota3A, %mul3A_24 : vector<4x19x16x512xi32>
    %add3A = arith.addi %select_n3A_22, %mul3A_25 : vector<4x19x16x512xi32>
    %add3A_26 = arith.addi %add3A, %min3A_17 : vector<4x19x16x512xi32>
    %iota3A_27 = tpu.iota {dimensions = array<i32: 2>} : vector<4x16x512xi32>
    %jit3A_28 = arith.constant 16 : i32
    %eq3A_29 = arith.constant 0 : i32
    %eq3A_30 = arith.cmpi eq, %jit3A_28, %eq3A_29 : i32
    %jit3A_31 = arith.constant 1 : i32
    %select_n3A_32 = arith.select %eq3A_30, %jit3A_31, %jit3A_28 : i32
    %rem3A = vector.broadcast %select_n3A_32 : i32 to vector<4x16x512xi32>
    %rem3A_33 = arith.remsi %iota3A_27, %rem3A : vector<4x16x512xi32>
    %ne3A = arith.constant 0 : i32
    %ne3A_34 = vector.broadcast %ne3A : i32 to vector<4x16x512xi32>
    %ne3A_35 = arith.cmpi ne, %rem3A_33, %ne3A_34 : vector<4x16x512xi32>
    %lt3A = arith.constant 0 : i32
    %lt3A_36 = vector.broadcast %lt3A : i32 to vector<4x16x512xi32>
    %lt3A_37 = arith.cmpi slt, %rem3A_33, %lt3A_36 : vector<4x16x512xi32>
    %lt3A_38 = arith.constant 0 : i32
    %lt3A_39 = arith.cmpi slt, %select_n3A_32, %lt3A_38 : i32
    %ne3A_40 = vector.broadcast %lt3A_39 : i1 to vector<4x16x512xi1>
    %ne3A_41 = vector.broadcast %ne3A_40 : vector<4x16x512xi1> to vector<4x16x512xi1>
    %ne3A_42 = arith.xori %lt3A_37, %ne3A_41 : vector<4x16x512xi1>
    %and3A = arith.andi %ne3A_42, %ne3A_35 : vector<4x16x512xi1>
    %add3A_43 = vector.broadcast %select_n3A_32 : i32 to vector<4x16x512xi32>
    %add3A_44 = arith.addi %rem3A_33, %add3A_43 : vector<4x16x512xi32>
    %select_n3A_45 = arith.select %and3A, %add3A_44, %rem3A_33 : vector<4x16x512xi1>, vector<4x16x512xi32>
    %add3A_46 = arith.constant 38912 : i32
    %add3A_47 = vector.broadcast %add3A_46 : i32 to vector<4x16x512xi32>
    %add3A_48 = arith.addi %add3A_47, %select_n3A_45 : vector<4x16x512xi32>
    %slice3A = vector.extract_strided_slice %add3A_26 {offsets = [0, 0, 0, 0], sizes = [1, 19, 16, 512], strides = [1, 1, 1, 1]} : vector<4x19x16x512xi32> to vector<1x19x16x512xi32>
    %squeeze3A = vector.shape_cast %slice3A : vector<1x19x16x512xi32> to vector<19x16x512xi32>
    %slice3A_49 = vector.extract_strided_slice %add3A_26 {offsets = [1, 0, 0, 0], sizes = [1, 19, 16, 512], strides = [1, 1, 1, 1]} : vector<4x19x16x512xi32> to vector<1x19x16x512xi32>
    %squeeze3A_50 = vector.shape_cast %slice3A_49 : vector<1x19x16x512xi32> to vector<19x16x512xi32>
    %slice3A_51 = vector.extract_strided_slice %add3A_26 {offsets = [2, 0, 0, 0], sizes = [1, 19, 16, 512], strides = [1, 1, 1, 1]} : vector<4x19x16x512xi32> to vector<1x19x16x512xi32>
    %squeeze3A_52 = vector.shape_cast %slice3A_51 : vector<1x19x16x512xi32> to vector<19x16x512xi32>
    %slice3A_53 = vector.extract_strided_slice %add3A_26 {offsets = [3, 0, 0, 0], sizes = [1, 19, 16, 512], strides = [1, 1, 1, 1]} : vector<4x19x16x512xi32> to vector<1x19x16x512xi32>
    %squeeze3A_54 = vector.shape_cast %slice3A_53 : vector<1x19x16x512xi32> to vector<19x16x512xi32>
    %concatenate3A = tpu.concatenate %squeeze3A, %squeeze3A_50, %squeeze3A_52, %squeeze3A_54, %add3A_48 in 0 : vector<19x16x512xi32>, vector<19x16x512xi32>, vector<19x16x512xi32>, vector<19x16x512xi32>, vector<4x16x512xi32> -> vector<80x16x512xi32>
    %slice3A_55 = vector.extract_strided_slice %concatenate3A {offsets = [0, 0, 0], sizes = [40, 16, 512], strides = [1, 1, 1]} : vector<80x16x512xi32> to vector<40x16x512xi32>
    %slice3A_56 = vector.extract_strided_slice %concatenate3A {offsets = [40, 0, 0], sizes = [40, 16, 512], strides = [1, 1, 1]} : vector<80x16x512xi32> to vector<40x16x512xi32>
    %shift_left3A = arith.constant 16 : i32
    %shift_left3A_57 = vector.broadcast %shift_left3A : i32 to vector<40x16x512xi32>
    %shift_left3A_58 = arith.shli %slice3A_56, %shift_left3A_57 : vector<40x16x512xi32>
    %or3A = arith.ori %slice3A_55, %shift_left3A_58 : vector<40x16x512xi32>
    %slice3A_59 = vector.extract_strided_slice %or3A {offsets = [0, 0, 0], sizes = [40, 8, 128], strides = [1, 1, 1]} : vector<40x16x512xi32> to vector<40x8x128xi32>
    %slice3A_60 = vector.extract_strided_slice %or3A {offsets = [0, 0, 128], sizes = [40, 8, 128], strides = [1, 1, 1]} : vector<40x16x512xi32> to vector<40x8x128xi32>
    %slice3A_61 = vector.extract_strided_slice %or3A {offsets = [0, 0, 256], sizes = [40, 8, 128], strides = [1, 1, 1]} : vector<40x16x512xi32> to vector<40x8x128xi32>
    %slice3A_62 = vector.extract_strided_slice %or3A {offsets = [0, 0, 384], sizes = [40, 8, 128], strides = [1, 1, 1]} : vector<40x16x512xi32> to vector<40x8x128xi32>
    %slice3A_63 = vector.extract_strided_slice %or3A {offsets = [0, 8, 0], sizes = [40, 8, 128], strides = [1, 1, 1]} : vector<40x16x512xi32> to vector<40x8x128xi32>
    %slice3A_64 = vector.extract_strided_slice %or3A {offsets = [0, 8, 128], sizes = [40, 8, 128], strides = [1, 1, 1]} : vector<40x16x512xi32> to vector<40x8x128xi32>
    %slice3A_65 = vector.extract_strided_slice %or3A {offsets = [0, 8, 256], sizes = [40, 8, 128], strides = [1, 1, 1]} : vector<40x16x512xi32> to vector<40x8x128xi32>
    %slice3A_66 = vector.extract_strided_slice %or3A {offsets = [0, 8, 384], sizes = [40, 8, 128], strides = [1, 1, 1]} : vector<40x16x512xi32> to vector<40x8x128xi32>
    %concatenate3A_67 = tpu.concatenate %slice3A_59, %slice3A_60, %slice3A_61, %slice3A_62, %slice3A_63, %slice3A_64, %slice3A_65, %slice3A_66 in 0 : vector<40x8x128xi32>, vector<40x8x128xi32>, vector<40x8x128xi32>, vector<40x8x128xi32>, vector<40x8x128xi32>, vector<40x8x128xi32>, vector<40x8x128xi32>, vector<40x8x128xi32> -> vector<320x8x128xi32>
    %swap3A = arith.constant 0 : index
    %swap3A_68 = arith.constant 0 : index
    %swap3A_69 = arith.constant 0 : index
    %swap3A_70 = vector.load %arg3[%swap3A, %swap3A_68, %swap3A_69] : memref<320x8x128xi32, #tpu.memory_space<vmem>>, vector<320x8x128xi32>
    tpu.vector_store %arg3[%swap3A, %swap3A_68, %swap3A_69], %concatenate3A_67 {strides = array<i32>} : memref<320x8x128xi32, #tpu.memory_space<vmem>>, vector<320x8x128xi32>,
    return
  }
  func.func @transform_0(%arg0: i32) -> (i32, i32, i32, i32) {
    %add3A = arith.constant 0 : i32
    %add3A_0 = arith.addi %arg0, %add3A : i32
    %c0_i32 = arith.constant 0 : i32
    %c0_i32_1 = arith.constant 0 : i32
    %c0_i32_2 = arith.constant 0 : i32
    %c0_i32_3 = arith.constant 0 : i32
    return %c0_i32, %c0_i32_1, %add3A_0, %c0_i32_2 : i32, i32, i32, i32
  }
  func.func @transform_1(%arg0: i32) -> (i32, i32, i32) {
    %add3A = arith.constant 0 : i32
    %add3A_0 = arith.addi %arg0, %add3A : i32
    %c0_i32 = arith.constant 0 : i32
    %c0_i32_1 = arith.constant 0 : i32
    %c0_i32_2 = arith.constant 0 : i32
    return %c0_i32, %add3A_0, %c0_i32_1 : i32, i32, i32
  }
  func.func @transform_2(%arg0: i32) -> (i32, i32, i32) {
    %c0_i32 = arith.constant 0 : i32
    %c0_i32_0 = arith.constant 0 : i32
    %c0_i32_1 = arith.constant 0 : i32
    return %arg0, %c0_i32, %c0_i32_0 : i32, i32, i32
  }
}

module attributes {stable_mosaic.version = 14 : i64} {
  func.func @_s1_body(%arg0: i32, %arg1: memref<4x19x16x512xf32, #tpu.memory_space<vmem>>, %arg2: memref<4x16x512xi32, #tpu.memory_space<vmem>>, %arg3: memref<320x8x128xi32, #tpu.memory_space<vmem>>) attributes {dimension_semantics = [#tpu.dimension_semantics<arbitrary>], iteration_bounds = array<i64: 16>, scalar_prefetch = 0 : i64, scratch_operands = 0 : i64, tpu.core_type = #tpu.core_type<tc>, window_params = [{transform_indices = @transform_0, window_bounds = array<i64: 4, 19, 16, 512>}, {transform_indices = @transform_1, window_bounds = array<i64: 4, 16, 512>}, {transform_indices = @transform_2, window_bounds = array<i64: 320, 8, 128>}]} {
    %get3A = arith.constant 0 : index
    %get3A_0 = arith.constant 0 : index
    %get3A_1 = arith.constant 0 : index
    %get3A_2 = arith.constant 0 : index
    %get3A_3 = vector.load %arg1[%get3A, %get3A_0, %get3A_1, %get3A_2] : memref<4x19x16x512xf32, #tpu.memory_space<vmem>>, vector<4x19x16x512xf32>
    %get3A_4 = arith.constant 0 : index
    %get3A_5 = arith.constant 0 : index
    %get3A_6 = arith.constant 0 : index
    %get3A_7 = vector.load %arg2[%get3A_4, %get3A_5, %get3A_6] : memref<4x16x512xi32, #tpu.memory_space<vmem>>, vector<4x16x512xi32>
    %exp3A = math.exp %get3A_3 : vector<4x19x16x512xf32>
    %reduce_sum3A = arith.constant dense<0.000000e+00> : vector<4x16x512xf32>
    %reduce_sum3A_8 = vector.multi_reduction <add>, %exp3A, %reduce_sum3A [1] : vector<4x19x16x512xf32> to vector<4x16x512xf32>
    %broadcast_in_dim3A = vector.shape_cast %reduce_sum3A_8 : vector<4x16x512xf32> to vector<4x1x16x512xf32>
    %div3A = arith.constant 1.024000e+03 : f32
    %div3A_9 = vector.broadcast %div3A : f32 to vector<4x1x16x512xf32>
    %div3A_10 = arith.divf %div3A_9, %broadcast_in_dim3A : vector<4x1x16x512xf32>
    %iota3A = tpu.iota {dimensions = array<i32: 1>} : vector<4x19x16x512xi32>
    %broadcast_in_dim3A_11 = vector.shape_cast %get3A_7 : vector<4x16x512xi32> to vector<4x1x16x512xi32>
    %eq3A = vector.broadcast %broadcast_in_dim3A_11 : vector<4x1x16x512xi32> to vector<4x19x16x512xi32>
    %eq3A_12 = arith.cmpi eq, %eq3A, %iota3A : vector<4x19x16x512xi32>
    %sub3A = vector.broadcast %broadcast_in_dim3A : vector<4x1x16x512xf32> to vector<4x19x16x512xf32>
    %sub3A_13 = arith.subf %sub3A, %exp3A : vector<4x19x16x512xf32>
    %select_n3A = arith.select %eq3A_12, %sub3A_13, %exp3A : vector<4x19x16x512xi1>, vector<4x19x16x512xf32>
    %mul3A = vector.broadcast %div3A_10 : vector<4x1x16x512xf32> to vector<4x19x16x512xf32>
    %mul3A_14 = arith.mulf %select_n3A, %mul3A : vector<4x19x16x512xf32>
    %convert_element_type3A = arith.fptosi %mul3A_14 : vector<4x19x16x512xf32> to vector<4x19x16x512xi32>
    %jit3A = arith.constant 0 : i32
    %jit3A_15 = arith.constant 1023 : i32
    %max3A = vector.broadcast %jit3A : i32 to vector<4x19x16x512xi32>
    %max3A_16 = arith.maxsi %max3A, %convert_element_type3A : vector<4x19x16x512xi32>
    %min3A = vector.broadcast %jit3A_15 : i32 to vector<4x19x16x512xi32>
    %min3A_17 = arith.minsi %min3A, %max3A_16 : vector<4x19x16x512xi32>
    %jit3A_18 = arith.constant 19456 : i32
    %jit3A_19 = arith.constant 0 : i32
    %broadcast_in_dim3A_20 = vector.broadcast %jit3A_18 : i32 to vector<4x19x16x512xi32>
    %broadcast_in_dim3A_21 = vector.broadcast %jit3A_19 : i32 to vector<4x19x16x512xi32>
    %select_n3A_22 = arith.select %eq3A_12, %broadcast_in_dim3A_20, %broadcast_in_dim3A_21 : vector<4x19x16x512xi1>, vector<4x19x16x512xi32>
    %mul3A_23 = arith.constant 1024 : i32
    %mul3A_24 = vector.broadcast %mul3A_23 : i32 to vector<4x19x16x512xi32>
    %mul3A_25 = arith.muli %iota3A, %mul3A_24 : vector<4x19x16x512xi32>
    %add3A = arith.addi %select_n3A_22, %mul3A_25 : vector<4x19x16x512xi32>
    %add3A_26 = arith.addi %add3A, %min3A_17 : vector<4x19x16x512xi32>
    %iota3A_27 = tpu.iota {dimensions = array<i32: 2>} : vector<4x16x512xi32>
    %jit3A_28 = arith.constant 16 : i32
    %eq3A_29 = arith.constant 0 : i32
    %eq3A_30 = arith.cmpi eq, %jit3A_28, %eq3A_29 : i32
    %jit3A_31 = arith.constant 1 : i32
    %select_n3A_32 = arith.select %eq3A_30, %jit3A_31, %jit3A_28 : i32
    %rem3A = vector.broadcast %select_n3A_32 : i32 to vector<4x16x512xi32>
    %rem3A_33 = arith.remsi %iota3A_27, %rem3A : vector<4x16x512xi32>
    %ne3A = arith.constant 0 : i32
    %ne3A_34 = vector.broadcast %ne3A : i32 to vector<4x16x512xi32>
    %ne3A_35 = arith.cmpi ne, %rem3A_33, %ne3A_34 : vector<4x16x512xi32>
    %lt3A = arith.constant 0 : i32
    %lt3A_36 = vector.broadcast %lt3A : i32 to vector<4x16x512xi32>
    %lt3A_37 = arith.cmpi slt, %rem3A_33, %lt3A_36 : vector<4x16x512xi32>
    %lt3A_38 = arith.constant 0 : i32
    %lt3A_39 = arith.cmpi slt, %select_n3A_32, %lt3A_38 : i32
    %ne3A_40 = vector.broadcast %lt3A_39 : i1 to vector<4x16x512xi1>
    %ne3A_41 = vector.broadcast %ne3A_40 : vector<4x16x512xi1> to vector<4x16x512xi1>
    %ne3A_42 = arith.xori %lt3A_37, %ne3A_41 : vector<4x16x512xi1>
    %and3A = arith.andi %ne3A_42, %ne3A_35 : vector<4x16x512xi1>
    %add3A_43 = vector.broadcast %select_n3A_32 : i32 to vector<4x16x512xi32>
    %add3A_44 = arith.addi %rem3A_33, %add3A_43 : vector<4x16x512xi32>
    %select_n3A_45 = arith.select %and3A, %add3A_44, %rem3A_33 : vector<4x16x512xi1>, vector<4x16x512xi32>
    %add3A_46 = arith.constant 38912 : i32
    %add3A_47 = vector.broadcast %add3A_46 : i32 to vector<4x16x512xi32>
    %add3A_48 = arith.addi %add3A_47, %select_n3A_45 : vector<4x16x512xi32>
    %slice3A = vector.extract_strided_slice %add3A_26 {offsets = [0, 0, 0, 0], sizes = [1, 19, 16, 512], strides = [1, 1, 1, 1]} : vector<4x19x16x512xi32> to vector<1x19x16x512xi32>
    %squeeze3A = vector.shape_cast %slice3A : vector<1x19x16x512xi32> to vector<19x16x512xi32>
    %slice3A_49 = vector.extract_strided_slice %add3A_26 {offsets = [1, 0, 0, 0], sizes = [1, 19, 16, 512], strides = [1, 1, 1, 1]} : vector<4x19x16x512xi32> to vector<1x19x16x512xi32>
    %squeeze3A_50 = vector.shape_cast %slice3A_49 : vector<1x19x16x512xi32> to vector<19x16x512xi32>
    %slice3A_51 = vector.extract_strided_slice %add3A_26 {offsets = [2, 0, 0, 0], sizes = [1, 19, 16, 512], strides = [1, 1, 1, 1]} : vector<4x19x16x512xi32> to vector<1x19x16x512xi32>
    %squeeze3A_52 = vector.shape_cast %slice3A_51 : vector<1x19x16x512xi32> to vector<19x16x512xi32>
    %slice3A_53 = vector.extract_strided_slice %add3A_26 {offsets = [3, 0, 0, 0], sizes = [1, 19, 16, 512], strides = [1, 1, 1, 1]} : vector<4x19x16x512xi32> to vector<1x19x16x512xi32>
    %squeeze3A_54 = vector.shape_cast %slice3A_53 : vector<1x19x16x512xi32> to vector<19x16x512xi32>
    %concatenate3A = tpu.concatenate %squeeze3A, %squeeze3A_50, %squeeze3A_52, %squeeze3A_54, %add3A_48 in 0 : vector<19x16x512xi32>, vector<19x16x512xi32>, vector<19x16x512xi32>, vector<19x16x512xi32>, vector<4x16x512xi32> -> vector<80x16x512xi32>
    %slice3A_55 = vector.extract_strided_slice %concatenate3A {offsets = [0, 0, 0], sizes = [40, 16, 512], strides = [1, 1, 1]} : vector<80x16x512xi32> to vector<40x16x512xi32>
    %slice3A_56 = vector.extract_strided_slice %concatenate3A {offsets = [40, 0, 0], sizes = [40, 16, 512], strides = [1, 1, 1]} : vector<80x16x512xi32> to vector<40x16x512xi32>
    %shift_left3A = arith.constant 16 : i32
    %shift_left3A_57 = vector.broadcast %shift_left3A : i32 to vector<40x16x512xi32>
    %shift_left3A_58 = arith.shli %slice3A_56, %shift_left3A_57 : vector<40x16x512xi32>
    %or3A = arith.ori %slice3A_55, %shift_left3A_58 : vector<40x16x512xi32>
    %slice3A_59 = vector.extract_strided_slice %or3A {offsets = [0, 0, 0], sizes = [40, 8, 128], strides = [1, 1, 1]} : vector<40x16x512xi32> to vector<40x8x128xi32>
    %slice3A_60 = vector.extract_strided_slice %or3A {offsets = [0, 0, 128], sizes = [40, 8, 128], strides = [1, 1, 1]} : vector<40x16x512xi32> to vector<40x8x128xi32>
    %slice3A_61 = vector.extract_strided_slice %or3A {offsets = [0, 0, 256], sizes = [40, 8, 128], strides = [1, 1, 1]} : vector<40x16x512xi32> to vector<40x8x128xi32>
    %slice3A_62 = vector.extract_strided_slice %or3A {offsets = [0, 0, 384], sizes = [40, 8, 128], strides = [1, 1, 1]} : vector<40x16x512xi32> to vector<40x8x128xi32>
    %slice3A_63 = vector.extract_strided_slice %or3A {offsets = [0, 8, 0], sizes = [40, 8, 128], strides = [1, 1, 1]} : vector<40x16x512xi32> to vector<40x8x128xi32>
    %slice3A_64 = vector.extract_strided_slice %or3A {offsets = [0, 8, 128], sizes = [40, 8, 128], strides = [1, 1, 1]} : vector<40x16x512xi32> to vector<40x8x128xi32>
    %slice3A_65 = vector.extract_strided_slice %or3A {offsets = [0, 8, 256], sizes = [40, 8, 128], strides = [1, 1, 1]} : vector<40x16x512xi32> to vector<40x8x128xi32>
    %slice3A_66 = vector.extract_strided_slice %or3A {offsets = [0, 8, 384], sizes = [40, 8, 128], strides = [1, 1, 1]} : vector<40x16x512xi32> to vector<40x8x128xi32>
    %concatenate3A_67 = tpu.concatenate %slice3A_59, %slice3A_60, %slice3A_61, %slice3A_62, %slice3A_63, %slice3A_64, %slice3A_65, %slice3A_66 in 0 : vector<40x8x128xi32>, vector<40x8x128xi32>, vector<40x8x128xi32>, vector<40x8x128xi32>, vector<40x8x128xi32>, vector<40x8x128xi32>, vector<40x8x128xi32>, vector<40x8x128xi32> -> vector<320x8x128xi32>
    %swap3A = arith.constant 0 : index
    %swap3A_68 = arith.constant 0 : index
    %swap3A_69 = arith.constant 0 : index
    %swap3A_70 = vector.load %arg3[%swap3A, %swap3A_68, %swap3A_69] : memref<320x8x128xi32, #tpu.memory_space<vmem>>, vector<320x8x128xi32>
    tpu.vector_store %arg3[%swap3A, %swap3A_68, %swap3A_69], %concatenate3A_67 {strides = array<i32>} : memref<320x8x128xi32, #tpu.memory_space<vmem>>, vector<320x8x128xi32>,
    return
  }
  func.func @transform_0(%arg0: i32) -> (i32, i32, i32, i32) {
    %add3A = arith.constant 16 : i32
    %add3A_0 = arith.addi %arg0, %add3A : i32
    %c0_i32 = arith.constant 0 : i32
    %c0_i32_1 = arith.constant 0 : i32
    %c0_i32_2 = arith.constant 0 : i32
    %c0_i32_3 = arith.constant 0 : i32
    return %c0_i32, %c0_i32_1, %add3A_0, %c0_i32_2 : i32, i32, i32, i32
  }
  func.func @transform_1(%arg0: i32) -> (i32, i32, i32) {
    %add3A = arith.constant 16 : i32
    %add3A_0 = arith.addi %arg0, %add3A : i32
    %c0_i32 = arith.constant 0 : i32
    %c0_i32_1 = arith.constant 0 : i32
    %c0_i32_2 = arith.constant 0 : i32
    return %c0_i32, %add3A_0, %c0_i32_1 : i32, i32, i32
  }
  func.func @transform_2(%arg0: i32) -> (i32, i32, i32) {
    %c0_i32 = arith.constant 0 : i32
    %c0_i32_0 = arith.constant 0 : i32
    %c0_i32_1 = arith.constant 0 : i32
    return %arg0, %c0_i32, %c0_i32_0 : i32, i32, i32
  }
}

module attributes {stable_mosaic.version = 14 : i64} {
  func.func @_s3_body(%arg0: memref<32x39x1024xf32, #tpu.memory_space<vmem>>, %arg1: memref<32x39x1024xf32, #tpu.memory_space<vmem>>, %arg2: memref<1x1xf32, #tpu.memory_space<vmem>>) attributes {dimension_semantics = [], scalar_prefetch = 0 : i64, scratch_operands = 0 : i64, tpu.core_type = #tpu.core_type<tc>} {
    %get3A = arith.constant 0 : index
    %get3A_0 = arith.constant 0 : index
    %get3A_1 = arith.constant 0 : index
    %get3A_2 = vector.load %arg0[%get3A, %get3A_0, %get3A_1] : memref<32x39x1024xf32, #tpu.memory_space<vmem>>, vector<32x39x1024xf32>
    %get3A_3 = arith.constant 0 : index
    %get3A_4 = arith.constant 0 : index
    %get3A_5 = arith.constant 0 : index
    %get3A_6 = vector.load %arg1[%get3A_3, %get3A_4, %get3A_5] : memref<32x39x1024xf32, #tpu.memory_space<vmem>>, vector<32x39x1024xf32>
    %add3A = arith.addf %get3A_2, %get3A_6 : vector<32x39x1024xf32>
    %reduce_sum3A = arith.constant dense<0.000000e+00> : vector<39x1024xf32>
    %reduce_sum3A_7 = vector.multi_reduction <add>, %add3A, %reduce_sum3A [0] : vector<32x39x1024xf32> to vector<39x1024xf32>
    %slice3A = vector.extract_strided_slice %reduce_sum3A_7 {offsets = [0, 0], sizes = [19, 1024], strides = [1, 1]} : vector<39x1024xf32> to vector<19x1024xf32>
    %slice3A_8 = vector.extract_strided_slice %reduce_sum3A_7 {offsets = [19, 0], sizes = [19, 1024], strides = [1, 1]} : vector<39x1024xf32> to vector<19x1024xf32>
    %iota3A = tpu.iota {dimensions = array<i32: 0>} : vector<1024x1024xi32>
    %iota3A_9 = tpu.iota {dimensions = array<i32: 1>} : vector<1024x1024xi32>
    %le3A = arith.cmpi sle, %iota3A, %iota3A_9 : vector<1024x1024xi32>
    %convert_element_type3A = arith.extui %le3A : vector<1024x1024xi1> to vector<1024x1024xi32>
    %convert_element_type3A_10 = arith.sitofp %convert_element_type3A : vector<1024x1024xi32> to vector<1024x1024xf32>
    %dot_general3A = arith.constant dense<0.000000e+00> : vector<19x1024xf32>
    %dot_general3A_11 = tpu.matmul %slice3A, %convert_element_type3A_10, %dot_general3A {dimension_numbers = #tpu.dot_dimension_numbers<[1], [0], [0], [1], [0, 0, 1, 1], [], []>, precision = #tpu.contract_precision<fp32>, transpose_lhs_hint = false} : vector<19x1024xf32>, vector<1024x1024xf32>, vector<19x1024xf32> -> vector<19x1024xf32>
    %dot_general3A_12 = arith.constant dense<0.000000e+00> : vector<19x1024xf32>
    %dot_general3A_13 = tpu.matmul %slice3A_8, %convert_element_type3A_10, %dot_general3A_12 {dimension_numbers = #tpu.dot_dimension_numbers<[1], [0], [0], [1], [0, 0, 1, 1], [], []>, precision = #tpu.contract_precision<fp32>, transpose_lhs_hint = false} : vector<19x1024xf32>, vector<1024x1024xf32>, vector<19x1024xf32> -> vector<19x1024xf32>
    %reduce_sum3A_14 = arith.constant dense<0.000000e+00> : vector<19xf32>
    %reduce_sum3A_15 = vector.multi_reduction <add>, %slice3A_8, %reduce_sum3A_14 [1] : vector<19x1024xf32> to vector<19xf32>
    %broadcast_in_dim3A = vector.shape_cast %reduce_sum3A_15 : vector<19xf32> to vector<19x1xf32>
    %reduce_sum3A_16 = arith.constant dense<0.000000e+00> : vector<19xf32>
    %reduce_sum3A_17 = vector.multi_reduction <add>, %slice3A, %reduce_sum3A_16 [1] : vector<19x1024xf32> to vector<19xf32>
    %broadcast_in_dim3A_18 = vector.shape_cast %reduce_sum3A_17 : vector<19xf32> to vector<19x1xf32>
    %sub3A = vector.broadcast %broadcast_in_dim3A_18 : vector<19x1xf32> to vector<19x1024xf32>
    %sub3A_19 = arith.subf %sub3A, %dot_general3A_11 : vector<19x1024xf32>
    %sub3A_20 = arith.subf %dot_general3A_13, %slice3A_8 : vector<19x1024xf32>
    %iota3A_21 = tpu.iota {dimensions = array<i32: 1>} : vector<19x1024xi32>
    %convert_element_type3A_22 = arith.sitofp %iota3A_21 : vector<19x1024xi32> to vector<19x1024xf32>
    %add3A_23 = arith.constant 5.000000e-01 : f32
    %add3A_24 = vector.broadcast %add3A_23 : f32 to vector<19x1024xf32>
    %add3A_25 = arith.addf %convert_element_type3A_22, %add3A_24 : vector<19x1024xf32>
    %div3A = arith.constant 1.024000e+03 : f32
    %div3A_26 = vector.broadcast %div3A : f32 to vector<19x1024xf32>
    %div3A_27 = arith.divf %add3A_25, %div3A_26 : vector<19x1024xf32>
    %add3A_28 = vector.broadcast %broadcast_in_dim3A : vector<19x1xf32> to vector<19x1024xf32>
    %add3A_29 = arith.addf %add3A_28, %sub3A_19 : vector<19x1024xf32>
    %max3A = arith.constant 1.000000e+00 : f32
    %max3A_30 = vector.broadcast %max3A : f32 to vector<19x1024xf32>
    %max3A_31 = arith.maximumf %add3A_29, %max3A_30 : vector<19x1024xf32>
    %add3A_32 = vector.broadcast %broadcast_in_dim3A : vector<19x1xf32> to vector<19x1024xf32>
    %add3A_33 = arith.addf %add3A_32, %sub3A_19 : vector<19x1024xf32>
    %add3A_34 = arith.addf %add3A_33, %slice3A : vector<19x1024xf32>
    %max3A_35 = arith.constant 1.000000e+00 : f32
    %max3A_36 = vector.broadcast %max3A_35 : f32 to vector<19x1024xf32>
    %max3A_37 = arith.maximumf %add3A_34, %max3A_36 : vector<19x1024xf32>
    %mul3A = arith.mulf %slice3A_8, %div3A_27 : vector<19x1024xf32>
    %div3A_38 = arith.divf %mul3A, %max3A_31 : vector<19x1024xf32>
    %mul3A_39 = arith.mulf %sub3A_20, %div3A_27 : vector<19x1024xf32>
    %mul3A_40 = arith.mulf %mul3A_39, %slice3A : vector<19x1024xf32>
    %mul3A_41 = arith.mulf %max3A_31, %max3A_37 : vector<19x1024xf32>
    %div3A_42 = arith.divf %mul3A_40, %mul3A_41 : vector<19x1024xf32>
    %add3A_43 = arith.addf %div3A_38, %div3A_42 : vector<19x1024xf32>
    %reduce_sum3A_44 = arith.constant dense<0.000000e+00> : vector<19xf32>
    %reduce_sum3A_45 = vector.multi_reduction <add>, %add3A_43, %reduce_sum3A_44 [1] : vector<19x1024xf32> to vector<19xf32>
    %squeeze3A = vector.shape_cast %broadcast_in_dim3A : vector<19x1xf32> to vector<19xf32>
    %gt3A = arith.constant 0.000000e+00 : f32
    %gt3A_46 = vector.broadcast %gt3A : f32 to vector<19xf32>
    %gt3A_47 = arith.cmpf ogt, %squeeze3A, %gt3A_46 : vector<19xf32>
    %convert_element_type3A_48 = arith.extui %gt3A_47 : vector<19xi1> to vector<19xi32>
    %convert_element_type3A_49 = arith.sitofp %convert_element_type3A_48 : vector<19xi32> to vector<19xf32>
    %mul3A_50 = arith.mulf %reduce_sum3A_45, %convert_element_type3A_49 : vector<19xf32>
    %reduce_sum3A_51 = vector.shape_cast %mul3A_50 : vector<19xf32> to vector<1x19xf32>
    %reduce_sum3A_52 = arith.constant dense<0.000000e+00> : vector<1xf32>
    %reduce_sum3A_53 = vector.multi_reduction <add>, %reduce_sum3A_51, %reduce_sum3A_52 [1] : vector<1x19xf32> to vector<1xf32>
    %reduce_sum3A_54 = vector.shape_cast %reduce_sum3A_53 : vector<1xf32> to vector<1x1xf32>
    %reduce_sum3A_55 = vector.extract %reduce_sum3A_54[0, 0] : f32 from vector<1x1xf32>
    %reduce_sum3A_56 = vector.shape_cast %convert_element_type3A_49 : vector<19xf32> to vector<1x19xf32>
    %reduce_sum3A_57 = arith.constant dense<0.000000e+00> : vector<1xf32>
    %reduce_sum3A_58 = vector.multi_reduction <add>, %reduce_sum3A_56, %reduce_sum3A_57 [1] : vector<1x19xf32> to vector<1xf32>
    %reduce_sum3A_59 = vector.shape_cast %reduce_sum3A_58 : vector<1xf32> to vector<1x1xf32>
    %reduce_sum3A_60 = vector.extract %reduce_sum3A_59[0, 0] : f32 from vector<1x1xf32>
    %max3A_61 = arith.constant 1.000000e+00 : f32
    %max3A_62 = arith.maximumf %reduce_sum3A_60, %max3A_61 : f32
    %div3A_63 = arith.divf %reduce_sum3A_55, %max3A_62 : f32
    %reshape3A = vector.broadcast %div3A_63 : f32 to vector<1x1xf32>
    %swap3A = arith.constant 0 : index
    %swap3A_64 = arith.constant 0 : index
    %swap3A_65 = vector.load %arg2[%swap3A, %swap3A_64] : memref<1x1xf32, #tpu.memory_space<vmem>>, vector<1x1xf32>
    tpu.vector_store %arg2[%swap3A, %swap3A_64], %reshape3A {strides = array<i32>} : memref<1x1xf32, #tpu.memory_space<vmem>>, vector<1x1xf32>,
    return
  }
}

</mosaic_0001>

<sc_bundles>
// kernel: kernel.10.cloned.1.call-start
scs
__scs_entry_jumppad:
0x0: {  	(pc) =	sbr.rel $0x88, $3  }
0x1: {  	(tag) =	ssettag $0x0;
	lr =	simm.s32 $0x1  }
0x2: {  	[smem:$0x3F9F] =	sst lr;
	_ =	strace $0xD0000000  }
0x3: {  	_ = 	snop  }
0x4: {  	_ = 	snop  }
0x5: {  	_ = 	snop  }
0x6: {  	_ = 	snop  }
0x7: {  	_ = 	snop  }
__scs_overlays_trampoline_lowered:
0x8: {  	[smem:$0x3FAE] =	sst s0  }
0x9: {  	[smem:$0x3FAF] =	sst s1  }
0xa: {  	[smem:$0x3FB0] =	sst s2  }
0xb: {  	[smem:$0x3FB1] =	sst s3  }
0xc: {  	[smem:$0x3FB2] =	sst s4  }
0xd: {  	[smem:$0x3FB3] =	sst s5  }
0xe: {  	[smem:$0x3FB4] =	sst s6  }
0xf: {  	[smem:$0x3FB5] =	sst s7  }
0x10: {  	[smem:$0x3FB6] =	sst s8  }
0x11: {  	[smem:$0x3FB7] =	sst s9;
	s0 =	simm.s32 @!p0 $0x0  }
0x12: {  	s1 =	sld [smem:$0x3F9D];
	s0 =	simm.s32 @p0 $0x1  }
0x13: {  	[smem:$0x3FB8] =	sst s0;
	s0 =	simm.s32 @!p1 $0x0  }
0x14: {  	s2 =	sld [smem:$0x3F9C];
	s0 =	simm.s32 @p1 $0x1  }
0x15: {  	[smem:$0x3FB9] =	sst s0;
	s0 =	simm.s32 @!p2 $0x0  }
0x16: {  	s3 =	sld [smem:$0x3FDB];
	s0 =	simm.s32 @p2 $0x1  }
0x17: {  	s4 =	simm.s32 $0x1BF5;
	[smem:$0x3FBB] =	sst s0  }
0x18: {  	s0 =	sld [smem:$0x3F9E];
	_ =	swait.ge [sflag:s4], $0x0  }
0x19: {  	s7 =	sld [smem:$0x3F9F]  }
0x1a: {  	s8 =	sadd.s32 $0xFFFFE003, lr  }
0x1b: {  	s9 =	sadd.s32 $0xFFFFFEF7, lr;
	s5 =	simm.s32 $0xFFFFFFFF;
	p2 =	slt.u32 s8, $0xFFFFF086  }
0x1c: {  	p1 =	slt.u32 s9, $0xF7A;
	s5 =	simm.s32 @!p2 $0x0  }
0x1d: {  	s5 =	simm.s32 @p1 $0x1;
	p0 =	seq.s32 s7, s2  }
0x1e: {  	s7 =	smul.u32 @!p0 $0xF7A, s2;
	p2 =	seq.s32 @!p0 s5, $0x0  }
0x1f: {  	s9 =	smul.u32 $0xF7A, s1;
	s8 =	simm.s32 @!p0 $0x1BF5;
	p2 =	por !p2, p0  }
0x20: {  	[sflag:s8] =	ssyncset.s32 @!p0 $0xFFFFF086;
	s6 =	sadd.s32 @!p0 s3, s7;
	s7 =	simm.s32 @!p0 $0x108  }
0x21: {  	s3 =	sadd.s32 s3, s9;
	s6 =	sadd.s32 @!p0 $0x88, s6;
	s7 =	simm.s32 @p2 $0x1082  }
0x22: {  	[simem:s7], [sflag:s8] =	dma.local @!p0 [hbm:s6], $0xF7A  }
0x23: {  	s9 =	sor.u32 $0xD0000000, s2;
	s6 =	simm.s32 $0x108;
	_ =	swait.ge @!p0 [sflag:s8], $0x0  }
0x24: {  	s3 =	sadd.s32 $0x88, s3;
	s6 =	simm.s32 @!p1 $0x1082;
	[sflag:s4] =	ssyncset.s32 $0xFFFFF086  }
0x25: {  	[simem:s6], [sflag:s4] =	dma.local [hbm:s3], $0xF7A  }
0x26: {  	[smem:$0x3F9F] =	sst s1;
	(tag) =	ssettag s2;
	_ =	strace s9  }
0x27: {  	s1 =	sld [smem:$0x3FAF]  }
0x28: {  	s2 =	sld [smem:$0x3FB0]  }
0x29: {  	s4 =	sld [smem:$0x3FB2]  }
0x2a: {  	p0 =	seq.s32 s5, $0x0;
	s5 =	sld [smem:$0x3FB3]  }
0x2b: {  	s6 =	sld [smem:$0x3FB4]  }
0x2c: {  	s7 =	sld [smem:$0x3FB5]  }
0x2d: {  	s3 =	simm.s32 $0x108;
	s8 =	sld [smem:$0x3FB6]  }
0x2e: {  	s3 =	simm.s32 @!p0 $0x1082;
	s9 =	sld [smem:$0x3FB7]  }
0x2f: {  	lr =	sadd.s32 s0, s3;
	s0 =	sld [smem:$0x3FAE]  }
0x30: {  	s3 =	sld [smem:$0x3FB1]  }
0x31: {  	[smem:$0x3FBA] =	sst s10  }
0x32: {  	s10 =	sld [smem:$0x3FB8];
	_ =	sdelay $0x3  }
0x33: {  	p0 =	seq.s32 s10, $0x1;
	s10 =	sld [smem:$0x3FBA];
	_ =	sdelay $0x3  }
0x34: {  	[smem:$0x3FBA] =	sst s10  }
0x35: {  	s10 =	sld [smem:$0x3FB9];
	_ =	sdelay $0x3  }
0x36: {  	p1 =	seq.s32 s10, $0x1;
	s10 =	sld [smem:$0x3FBA];
	_ =	sdelay $0x3  }
0x37: {  	[smem:$0x3FBA] =	sst s10  }
0x38: {  	s10 =	sld [smem:$0x3FBB]  }
0x39: {  	_ = 	snop;
	(pc) =	sbr.ind lr, $3  }
0x3a: {  	_ = 	snop  }
0x3b: {  	_ = 	snop  }
0x3c: {  	p2 =	seq.s32 s10, $0x1;
	s10 =	sld [smem:$0x3FBA]  }
0x3d: {  	_ =	shalt  }
0x3e: {  	_ =	shalt  }
0x3f: {  	_ =	shalt  }
0x40: {  	_ =	shalt  }
0x41: {  	_ =	shalt  }
0x42: {  	_ =	shalt  }
0x43: {  	_ =	shalt  }
0x44: {  	_ =	shalt  }
0x45: {  	_ =	shalt  }
0x46: {  	_ =	shalt  }
0x47: {  	_ =	shalt  }
0x48: {  	_ =	shalt  }
0x49: {  	_ =	shalt  }
0x4a: {  	_ =	shalt  }
0x4b: {  	_ =	shalt  }
0x4c: {  	_ =	shalt  }
0x4d: {  	_ =	shalt  }
0x4e: {  	_ =	shalt  }
0x4f: {  	_ =	shalt  }
0x50: {  	_ =	shalt  }
0x51: {  	_ =	shalt  }
0x52: {  	_ =	shalt  }
0x53: {  	_ =	shalt  }
0x54: {  	_ =	shalt  }
0x55: {  	_ =	shalt  }
0x56: {  	_ =	shalt  }
0x57: {  	_ =	shalt  }
0x58: {  	_ =	shalt  }
0x59: {  	_ =	shalt  }
0x5a: {  	_ =	shalt  }
0x5b: {  	_ =	shalt  }
0x5c: {  	_ =	shalt  }
0x5d: {  	_ =	shalt  }
0x5e: {  	_ =	shalt  }
0x5f: {  	_ =	shalt  }
0x60: {  	_ =	shalt  }
0x61: {  	_ =	shalt  }
0x62: {  	_ =	shalt  }
0x63: {  	_ =	shalt  }
0x64: {  	_ =	shalt  }
0x65: {  	_ =	shalt  }
0x66: {  	_ =	shalt  }
0x67: {  	_ =	shalt  }
0x68: {  	_ =	shalt  }
0x69: {  	_ =	shalt  }
0x6a: {  	_ =	shalt  }
0x6b: {  	_ =	shalt  }
0x6c: {  	_ =	shalt  }
0x6d: {  	_ =	shalt  }
0x6e: {  	_ =	shalt  }
0x6f: {  	_ =	shalt  }
0x70: {  	_ =	shalt  }
0x71: {  	_ =	shalt  }
0x72: {  	_ =	shalt  }
0x73: {  	_ =	shalt  }
0x74: {  	_ =	shalt  }
0x75: {  	_ =	shalt  }
0x76: {  	_ =	shalt  }
0x77: {  	_ =	shalt  }
0x78: {  	_ =	shalt  }
0x79: {  	_ =	shalt  }
0x7a: {  	_ =	shalt  }
0x7b: {  	_ =	shalt  }
0x7c: {  	_ =	shalt  }
0x7d: {  	_ =	shalt  }
0x7e: {  	_ =	shalt  }
0x7f: {  	_ =	shalt  }
0x80: {  	_ =	shalt  }
0x81: {  	_ =	shalt  }
0x82: {  	_ =	shalt  }
0x83: {  	_ =	shalt  }
0x84: {  	_ =	shalt  }
0x85: {  	_ =	shalt  }
0x86: {  	_ =	shalt  }
0x87: {  	_ =	shalt  }
.Lfunc_end0:
.L_simem_size_0:
called_computation.1_lowered:
.L_overlay_start_0:
0x88: {  	s2 =	sld [smem:$0x3FD9]  }
0x89: {  	s3 =	sld [smem:$0x3FFE];
	_ =	sdelay $0x1  }
0x8a: {  	s1 =	srdreg.scid  }
0x8b: {  	s0 =	sand.u32 $0x1, s1  }
0x8c: {  	s16 =	sshll.u32 s0, $0xA;
	s2 =	sadd.s32 s3, s2  }
0x8d: {  	s2 =	sadd.s32 s2, s16  }
0x8e: {  	[smem:$0x3FC6] =	sst s2  }
0x8f: {  	_ = 	snop  }
0x90: {  	(tm) =	ssettm $0x1  }
0x91: {  	s17 =	sld [smem:$0x3FFB];
	_ =	sdelay $0x3  }
0x92: {  	_ =	strace s17  }
0x93: {  	s2 =	sld [smem:$0x3FFC];
	_ =	sdelay $0x3  }
0x94: {  	_ =	strace s2  }
0x95: {  	s2 =	sld [smem:$0x3FFD];
	_ =	sdelay $0x3  }
0x96: {  	_ =	strace s2  }
0x97: {  	_ =	strace $0x8FFFFFFF  }
0x98: {  	s18 =	sld [smem:$0x3FDB];
	_ =	sdelay $0x1  }
0x99: {  	s19 =	simm.s32 $_scs_section_size  }
0x9a: {  	s4 =	simm.s32 $_size__tile_overlayer_lowered;
	s5 =	simm.s32 $_tile_overlayer_lowered  }
0x9b: {  	s22 =	simm.s32 $0x1BFF;
	s21 =	sshll.u32 s5, $0x1;
	s2 =	sadd.s32 s19, s18  }
0x9c: {  	s6 =	simm.s32 $0x0;
	s20 =	sshll.u32 s4, $0x1;
	s4 =	sadd.s32 s21, s2  }
0x9d: {  	[timem:s6], [sflag:s22] =	dma.local [hbm:s4], s20  }
0x9e: {  	_ =	swait.ge [sflag:s22], s20  }
0x9f: {  	s3 =	ssub.s32 $0x0, s20;
	[sflag:s22] =	ssyncset.done $0x0  }
0xa0: {  	[sflag:s22] =	ssyncadd.s32 s3;
	_ =	sdelay $0x1  }
0xa1: {  	s23 =	simm.s32 $0x1B8B  }
0xa2: {  	_ =	swait.ge [sflag:s23], $0x1  }
0xa3: {  	[sflag:s23] =	ssyncset.done $0x0  }
0xa4: {  	s25 =	simm.s32 $0x1B8E;
	s24 =	sld [smem:$0x3FFE];
	[sflag:s23] =	ssyncadd.s32 $0xFFFFFFFF  }
0xa5: {  	s26 =	simm.s32 $execute0_lowered;
	[smem:$0x3FD2] =	sst s25  }
0xa6: {  	s4 =	sshll.u32 s26, $0x1;
	_ =	strace $0x80000046;
	[dreg:$0x1] =	wrdreg $0xFFFFFFFF  }
0xa7: {  	s28 =	simm.s32 $_size_execute0_lowered;
	s2 =	sadd.s32 s2, s4;
	[dreg:$0x0] =	wrdreg $0x0  }
0xa8: {  	s4 =	sshll.u32 s28, $0x1;
	[dreg:$0x2] =	wrdreg s2  }
0xa9: {  	[dreg:$0x3] =	wrdreg s4  }
0xaa: {  	[dreg:$0x4] =	wrdreg $0xC0  }
0xab: {  	_ =	task [dreg:s6], $0x5FFFF  }
0xac: {  	[dreg:$0x1] =	wrdreg $0xFFFFFFFF  }
0xad: {  	[dreg:$0x0] =	wrdreg $0x60  }
0xae: {  	[dreg:$0x2] =	wrdreg s24  }
0xaf: {  	[dreg:$0x3] =	wrdreg $0xA  }
0xb0: {  	_ =	task.clear_ibuf [dreg:s6], $0x4FFFF;
	_ =	strace $0x90000046  }
0xb1: {  	s29 =	simm.s32 $0xA;
	_ =	strace $0x80000048  }
0xb2: {  	_ =	swait.ge [sflag:s29], $0x1  }
0xb3: {  	[sflag:s29] =	ssyncadd.s32 $0xFFFFFFFF  }
0xb4: {  	_ =	strace $0x90000048  }
0xb5: {  	_ =	sfence  }
0xb6: {  	s30 =	sld [smem:$0x0];
	_ =	sdelay $0x2  }
0xb7: {  	s31 =	sshll.u32 s1, $0xD;
	s1 =	sshrl.u32 s1, $0x2  }
0xb8: {  	s3 =	sand.u32 $0x4000, s31;
	s1 =	sadd.s32 s1, s30  }
0xb9: {  	s0 =	sor.u32 s3, s0;
	s1 =	sshll.u32 s1, $0x11  }
0xba: {  	s0 =	sor.u32 s1, s0  }
0xbb: {  	s0 =	sadd.s32 $0x8F2B, s0  }
0xbc: {  	[sflag:s0] =	ssyncadd.remote.s32 $0x1  }
0xbd: {  	_ =	sfence.sel $0xFFFF  }
0xbe: {  	[dreg:$0x0] =	wrdreg $0xFFFFFFFF;
	(pc) =	sbr.abs _section_cstart, $3  }
0xbf: {  	[dreg:$0x1] =	wrdreg $0xFFFFFFFF  }
0xc0: {  	_ =	task.clear_ibuf [dreg:s6], $0x2FFFF;
	_ =	strace $0x9FFFFFFF  }
0xc1: {  	(tm) =	ssettm $0x7FFFFFFF  }
tec
execute0_lowered:
.L_overlay_start_1:
0x0: {  	(tag) =	ssettag $0x1  }
0x1: {  	s0 =	srdreg.scid;
	s1 =	stileid.u32  }
0x2: {  	s0 =	sand.u32 $0x1, s0;
	s1 =	sshll.u32 s1, $0x1  }
0x3: {  	s3 =	rddreg [dreg:$0x0];
	s2 =	simm.s32 $0x0;
	s1 =	sor.u32 s0, s1  }
0x4: {  	s28 =	simm.s32 $0x2000;
	s29 =	simm.s32 $0x4000;
	s4 =	smul.u32 $0x28000, s1  }
0x5: {  	s30 =	simm.s32 $0x2;
	s31 =	simm.s32 $0x80;
	s0 =	ssub.s32 $0x2, s0  }
0x6: {  	[smem:$0x7FF] =	sst s2;
	s5 =	sshrl.u32 s0, $0x1;
	s4 =	sshrl.u32 s4, $0x3  }
0x7: {  	_ =	strace $0x80000047;
	s0 =	ssub.s32 s0, s5;
	s4 =	sadd.s32 s4, s3  }
0x8: {  	s3 =	sadd.s32 $0xA0E00, s3;
	s21 =	sadd.s32 $0xE00, s4;
	s22 =	sadd.s32 $0x1200, s4  }
0x9: {  	s23 =	sadd.s32 $0x1600, s4;
	s24 =	sadd.s32 $0x1A00, s4;
	s25 =	sadd.s32 $0x1E00, s4  }
0xa: {  	s26 =	sadd.s32 $0x2200, s4;
	s10 =	sadd.s32 $0x2600, s4;
	[dreg:$0x2] =	wrdreg s21  }
0xb: {  	s11 =	sadd.s32 $0x2A00, s4;
	s12 =	sadd.s32 $0x2E00, s4;
	[dreg:$0x3] =	wrdreg s22  }
0xc: {  	s13 =	sadd.s32 $0x3200, s4;
	s14 =	sadd.s32 $0x3600, s4;
	[dreg:$0x4] =	wrdreg s23  }
0xd: {  	s15 =	sadd.s32 $0x3A00, s4;
	s16 =	sadd.s32 $0x3E00, s4;
	[dreg:$0x5] =	wrdreg s24  }
0xe: {  	s17 =	sadd.s32 $0x4200, s4;
	s18 =	sadd.s32 $0x4600, s4;
	[dreg:$0x6] =	wrdreg s25  }
0xf: {  	s19 =	sadd.s32 $0x4A00, s4;
	s20 =	sadd.s32 $0x4E00, s4;
	[dreg:$0x7] =	wrdreg s26  }
0x10: {  	s21 =	sadd.s32 $0x5200, s4;
	s22 =	sadd.s32 $0x5600, s4;
	s23 =	sadd.s32 $0x5A00, s4  }
0x11: {  	s24 =	smul.u32 $0xA000, s1;
	s25 =	smax.u32 s0, $0x1;
	s26 =	simm.s32 $0x1  }
0x12: {  	v0 =	vimm.f32 $0.0e+00;
	v1 =	vimm.f32 $1.000000000e+00;
	s1 =	simm.s32 $0x400;
	s0 =	simm.s32 $0x3;
	s4 =	simm.s32 $0x0  }
.LBB2_1:
0x13: {  	s5 =	simm.s32 $0x40;
	s6 =	simm.s32 $0x0  }
.LBB2_2:
0x14: {  	p0 =	sne.s32 s5, $0x26FC0;
	[tilespmem:s6+$0x4000] =	vst v0;
	s6 =	smov.u32 s5;
	s5 =	sadd.s32 $0x40, s5  }
.Ltmp0:
0x15: {  	(pc) =	sbr.rel @p0 .LBB2_2-.Ltmp0, $2  }
0x16: {  	_ =	sdelay $0x2  }
0x17: {  	s6 =	sshra.s32 s6, $0x2  }
0x18: {  	[tilespmem:s6+$0x4000] =	vst v0;
	s5 =	rddreg [dreg:$0x2]  }
0x19: {  	[tilespmem:s2], [sflag:$0x1] =	stream.linear.gather [hbm4b:s5+s2], $0x2000, $0x38;
	[tilespmem:$0xDC00] =	vst v63  }
0x1a: {  	_ =	swait.ge [sflag:s26], $0x2000  }
0x1b: {  	[sflag:s26] =	ssyncset.done $0x0  }
0x1c: {  	s9 =	simm.s32 $0x40;
	s8 =	rddreg [dreg:$0x3];
	[sflag:s26] =	ssyncadd.s32 $0xFFFFE000  }
0x1d: {  	[tilespmem:s28], [sflag:$0x2] =	stream.linear.gather [hbm4b:s8+s2], $0x2000, $0x38;
	[tilespmem:$0xDC00] =	vst v63  }
0x1e: {  	v2 =	vld [tilespmem:s9+$0x30]  }
0x1f: {  	v3 =	vld [tilespmem:s9+$0xFFFFFFD0]  }
0x20: {  	v4 =	vld [tilespmem:s9+$0xFFFFFFE0]  }
0x21: {  	v5 =	vld [tilespmem:s9+$0xFFFFFFF0];
	_ =	sdelay $0x1  }
0x22: {  	v6 =	vand.u32 $0xFFFF, v2  }
0x23: {  	v10 =	vld [tilespmem:s9+$0x10];
	v8 =	vand.u32 $0xFFFF, v3  }
0x24: {  	v7 =	vld [tilespmem:s9+$0x0];
	v12 =	vand.u32 $0xFFFF, v4  }
0x25: {  	v9 =	vld [tilespmem:s9+$0xFFFFFFC0];
	v60 =	vand.u32 $0xFFFF, v5  }
0x26: {  	v11 =	vld [tilespmem:s9+$0x20];
	v2 =	vshrl.u32 v2, $0x10  }
0x27: {  	v3 =	vshrl.u32 v3, $0x10;
	[tilespmem:v6+s29+$0x0] =	vst.idx.add.f32.msk $0xffff, v1  }
0x28: {  	v62 =	vand.u32 $0xFFFF, v10;
	[tilespmem:v8+s29+$0x0] =	vst.idx.add.f32.msk $0xffff, v1  }
0x29: {  	v4 =	vshrl.u32 v4, $0x10;
	[tilespmem:v12+s29+$0x0] =	vst.idx.add.f32.msk $0xffff, v1  }
0x2a: {  	v63 =	vshrl.u32 v10, $0x10;
	[tilespmem:v60+s29+$0x0] =	vst.idx.add.f32.msk $0xffff, v1  }
0x2b: {  	[tilespmem:v2+s29+$0x0] =	vst.idx.add.f32.msk $0xffff, v1;
	v2 =	vand.u32 $0xFFFF, v9  }
0x2c: {  	[tilespmem:v3+s29+$0x0] =	vst.idx.add.f32.msk $0xffff, v1;
	v3 =	vshrl.u32 v5, $0x10  }
0x2d: {  	[tilespmem:v62+s29+$0x0] =	vst.idx.add.f32.msk $0xffff, v1;
	v5 =	vand.u32 $0xFFFF, v7  }
0x2e: {  	v61 =	vshrl.u32 v9, $0x10;
	[tilespmem:v4+s29+$0x0] =	vst.idx.add.f32.msk $0xffff, v1  }
0x2f: {  	v4 =	vshrl.u32 v7, $0x10;
	[tilespmem:v63+s29+$0x0] =	vst.idx.add.f32.msk $0xffff, v1  }
0x30: {  	[tilespmem:v2+s29+$0x0] =	vst.idx.add.f32.msk $0xffff, v1  }
0x31: {  	[tilespmem:v3+s29+$0x0] =	vst.idx.add.f32.msk $0xffff, v1  }
0x32: {  	[tilespmem:v5+s29+$0x0] =	vst.idx.add.f32.msk $0xffff, v1  }
0x33: {  	[tilespmem:v61+s29+$0x0] =	vst.idx.add.f32.msk $0xffff, v1  }
0x34: {  	s6 =	simm.s32 $0xC0;
	s5 =	simm.s32 $0x0;
	v2 =	vshrl.u32 v11, $0x10;
	v3 =	vand.u32 $0xFFFF, v11;
	[tilespmem:v4+s29+$0x0] =	vst.idx.add.f32.msk $0xffff, v1  }
.LBB2_4:
0x35: {  	v4 =	vld [tilespmem:s6+$0x30]  }
0x36: {  	s5 =	sadd.s32 $0x80, s5;
	v5 =	vld [tilespmem:s6+$0xFFFFFFD0]  }
0x37: {  	p0 =	slt.u32 s5, $0x1F80;
	v6 =	vld [tilespmem:s6+$0xFFFFFFE0]  }
0x38: {  	v7 =	vld [tilespmem:s6+$0xFFFFFFF0]  }
0x39: {  	v8 =	vld [tilespmem:s6+$0x0]  }
0x3a: {  	v9 =	vld [tilespmem:s6+$0x10];
	v10 =	vand.u32 $0xFFFF, v4  }
0x3b: {  	v4 =	vshrl.u32 v4, $0x10;
	v11 =	vshrl.u32 v5, $0x10;
	v5 =	vand.u32 $0xFFFF, v5;
	v12 =	vld [tilespmem:s6+$0x20]  }
0x3c: {  	v13 =	vld [tilespmem:s6+$0xFFFFFFC0];
	v14 =	vshrl.u32 v6, $0x10;
	v6 =	vand.u32 $0xFFFF, v6  }
0x3d: {  	v15 =	vshrl.u32 v7, $0x10;
	v7 =	vand.u32 $0xFFFF, v7;
	[tilespmem:v3+s29+$0x0] =	vst.idx.add.f32.msk $0xffff, v1  }
0x3e: {  	v16 =	vshrl.u32 v8, $0x10;
	v8 =	vand.u32 $0xFFFF, v8;
	[tilespmem:v2+s29+$0x0] =	vst.idx.add.f32.msk $0xffff, v1  }
0x3f: {  	v17 =	vshrl.u32 v9, $0x10;
	v9 =	vand.u32 $0xFFFF, v9;
	[tilespmem:v10+s29+$0x0] =	vst.idx.add.f32.msk $0xffff, v1  }
0x40: {  	v2 =	vshrl.u32 v12, $0x10;
	v3 =	vand.u32 $0xFFFF, v12;
	[tilespmem:v4+s29+$0x0] =	vst.idx.add.f32.msk $0xffff, v1  }
0x41: {  	v4 =	vshrl.u32 v13, $0x10;
	v10 =	vand.u32 $0xFFFF, v13;
	[tilespmem:v5+s29+$0x0] =	vst.idx.add.f32.msk $0xffff, v1  }
0x42: {  	[tilespmem:v11+s29+$0x0] =	vst.idx.add.f32.msk $0xffff, v1  }
0x43: {  	[tilespmem:v6+s29+$0x0] =	vst.idx.add.f32.msk $0xffff, v1  }
0x44: {  	[tilespmem:v14+s29+$0x0] =	vst.idx.add.f32.msk $0xffff, v1  }
0x45: {  	[tilespmem:v7+s29+$0x0] =	vst.idx.add.f32.msk $0xffff, v1  }
0x46: {  	[tilespmem:v10+s29+$0x0] =	vst.idx.add.f32.msk $0xffff, v1  }
0x47: {  	[tilespmem:v4+s29+$0x0] =	vst.idx.add.f32.msk $0xffff, v1  }
.Ltmp1:
0x48: {  	[tilespmem:v15+s29+$0x0] =	vst.idx.add.f32.msk $0xffff, v1;
	(pc) =	sbr.rel @p0 .LBB2_4-.Ltmp1, $4  }
0x49: {  	[tilespmem:v8+s29+$0x0] =	vst.idx.add.f32.msk $0xffff, v1  }
0x4a: {  	[tilespmem:v16+s29+$0x0] =	vst.idx.add.f32.msk $0xffff, v1  }
0x4b: {  	[tilespmem:v9+s29+$0x0] =	vst.idx.add.f32.msk $0xffff, v1  }
0x4c: {  	s6 =	sadd.s32 $0x80, s6;
	[tilespmem:v17+s29+$0x0] =	vst.idx.add.f32.msk $0xffff, v1  }
0x4d: {  	_ =	sdelay $0x3  }
0x4e: {  	[tilespmem:v3+s29+$0x0] =	vst.idx.add.f32.msk $0xffff, v1  }
0x4f: {  	[tilespmem:v2+s29+$0x0] =	vst.idx.add.f32.msk $0xffff, v1  }
0x50: {  	_ =	swait.ge [sflag:s30], $0x2000  }
0x51: {  	[sflag:s30] =	ssyncset.done $0x0  }
0x52: {  	s9 =	simm.s32 $0x2040;
	s5 =	rddreg [dreg:$0x4];
	[sflag:s30] =	ssyncadd.s32 $0xFFFFE000  }
0x53: {  	[tilespmem:s2], [sflag:$0x1] =	stream.linear.gather [hbm4b:s5+s2], $0x2000, $0x38;
	[tilespmem:$0xDC00] =	vst v63  }
0x54: {  	v2 =	vld [tilespmem:s9+$0x30]  }
0x55: {  	v3 =	vld [tilespmem:s9+$0xFFFFFFD0]  }
0x56: {  	v4 =	vld [tilespmem:s9+$0xFFFFFFE0]  }
0x57: {  	v5 =	vld [tilespmem:s9+$0xFFFFFFF0];
	_ =	sdelay $0x1  }
0x58: {  	v6 =	vand.u32 $0xFFFF, v2  }
0x59: {  	v10 =	vld [tilespmem:s9+$0x10];
	v8 =	vand.u32 $0xFFFF, v3  }
0x5a: {  	v7 =	vld [tilespmem:s9+$0x0];
	v12 =	vand.u32 $0xFFFF, v4  }
0x5b: {  	v9 =	vld [tilespmem:s9+$0xFFFFFFC0];
	v60 =	vand.u32 $0xFFFF, v5  }
0x5c: {  	v11 =	vld [tilespmem:s9+$0x20];
	v2 =	vshrl.u32 v2, $0x10  }
0x5d: {  	v3 =	vshrl.u32 v3, $0x10;
	[tilespmem:v6+s29+$0x0] =	vst.idx.add.f32.msk $0xffff, v1  }
0x5e: {  	v62 =	vand.u32 $0xFFFF, v10;
	[tilespmem:v8+s29+$0x0] =	vst.idx.add.f32.msk $0xffff, v1  }
0x5f: {  	v4 =	vshrl.u32 v4, $0x10;
	[tilespmem:v12+s29+$0x0] =	vst.idx.add.f32.msk $0xffff, v1  }
0x60: {  	v63 =	vshrl.u32 v10, $0x10;
	[tilespmem:v60+s29+$0x0] =	vst.idx.add.f32.msk $0xffff, v1  }
0x61: {  	[tilespmem:v2+s29+$0x0] =	vst.idx.add.f32.msk $0xffff, v1;
	v2 =	vand.u32 $0xFFFF, v9  }
0x62: {  	[tilespmem:v3+s29+$0x0] =	vst.idx.add.f32.msk $0xffff, v1;
	v3 =	vshrl.u32 v5, $0x10  }
0x63: {  	[tilespmem:v62+s29+$0x0] =	vst.idx.add.f32.msk $0xffff, v1;
	v5 =	vand.u32 $0xFFFF, v7  }
0x64: {  	v61 =	vshrl.u32 v9, $0x10;
	[tilespmem:v4+s29+$0x0] =	vst.idx.add.f32.msk $0xffff, v1  }
0x65: {  	v4 =	vshrl.u32 v7, $0x10;
	[tilespmem:v63+s29+$0x0] =	vst.idx.add.f32.msk $0xffff, v1  }
0x66: {  	[tilespmem:v2+s29+$0x0] =	vst.idx.add.f32.msk $0xffff, v1  }
0x67: {  	[tilespmem:v3+s29+$0x0] =	vst.idx.add.f32.msk $0xffff, v1  }
0x68: {  	[tilespmem:v5+s29+$0x0] =	vst.idx.add.f32.msk $0xffff, v1  }
0x69: {  	[tilespmem:v61+s29+$0x0] =	vst.idx.add.f32.msk $0xffff, v1  }
0x6a: {  	s6 =	simm.s32 $0x20C0;
	s5 =	simm.s32 $0x0;
	v2 =	vshrl.u32 v11, $0x10;
	v3 =	vand.u32 $0xFFFF, v11;
	[tilespmem:v4+s29+$0x0] =	vst.idx.add.f32.msk $0xffff, v1  }
.LBB2_6:
0x6b: {  	v4 =	vld [tilespmem:s6+$0x30]  }
0x6c: {  	s5 =	sadd.s32 $0x80, s5;
	v5 =	vld [tilespmem:s6+$0xFFFFFFD0]  }
0x6d: {  	p0 =	slt.u32 s5, $0x1F80;
	v6 =	vld [tilespmem:s6+$0xFFFFFFE0]  }
0x6e: {  	v7 =	vld [tilespmem:s6+$0xFFFFFFF0]  }
0x6f: {  	v8 =	vld [tilespmem:s6+$0x0]  }
0x70: {  	v9 =	vld [tilespmem:s6+$0x10];
	v10 =	vand.u32 $0xFFFF, v4  }
0x71: {  	v4 =	vshrl.u32 v4, $0x10;
	v11 =	vshrl.u32 v5, $0x10;
	v5 =	vand.u32 $0xFFFF, v5;
	v12 =	vld [tilespmem:s6+$0x20]  }
0x72: {  	v13 =	vld [tilespmem:s6+$0xFFFFFFC0];
	v14 =	vshrl.u32 v6, $0x10;
	v6 =	vand.u32 $0xFFFF, v6  }
0x73: {  	v15 =	vshrl.u32 v7, $0x10;
	v7 =	vand.u32 $0xFFFF, v7;
	[tilespmem:v3+s29+$0x0] =	vst.idx.add.f32.msk $0xffff, v1  }
0x74: {  	v16 =	vshrl.u32 v8, $0x10;
	v8 =	vand.u32 $0xFFFF, v8;
	[tilespmem:v2+s29+$0x0] =	vst.idx.add.f32.msk $0xffff, v1  }
0x75: {  	v17 =	vshrl.u32 v9, $0x10;
	v9 =	vand.u32 $0xFFFF, v9;
	[tilespmem:v10+s29+$0x0] =	vst.idx.add.f32.msk $0xffff, v1  }
0x76: {  	v2 =	vshrl.u32 v12, $0x10;
	v3 =	vand.u32 $0xFFFF, v12;
	[tilespmem:v4+s29+$0x0] =	vst.idx.add.f32.msk $0xffff, v1  }
0x77: {  	v4 =	vshrl.u32 v13, $0x10;
	v10 =	vand.u32 $0xFFFF, v13;
	[tilespmem:v5+s29+$0x0] =	vst.idx.add.f32.msk $0xffff, v1  }
0x78: {  	[tilespmem:v11+s29+$0x0] =	vst.idx.add.f32.msk $0xffff, v1  }
0x79: {  	[tilespmem:v6+s29+$0x0] =	vst.idx.add.f32.msk $0xffff, v1  }
0x7a: {  	[tilespmem:v14+s29+$0x0] =	vst.idx.add.f32.msk $0xffff, v1  }
0x7b: {  	[tilespmem:v7+s29+$0x0] =	vst.idx.add.f32.msk $0xffff, v1  }
0x7c: {  	[tilespmem:v10+s29+$0x0] =	vst.idx.add.f32.msk $0xffff, v1  }
0x7d: {  	[tilespmem:v4+s29+$0x0] =	vst.idx.add.f32.msk $0xffff, v1  }
.Ltmp2:
0x7e: {  	[tilespmem:v15+s29+$0x0] =	vst.idx.add.f32.msk $0xffff, v1;
	(pc) =	sbr.rel @p0 .LBB2_6-.Ltmp2, $4  }
0x7f: {  	[tilespmem:v8+s29+$0x0] =	vst.idx.add.f32.msk $0xffff, v1  }
0x80: {  	[tilespmem:v16+s29+$0x0] =	vst.idx.add.f32.msk $0xffff, v1  }
0x81: {  	[tilespmem:v9+s29+$0x0] =	vst.idx.add.f32.msk $0xffff, v1  }
0x82: {  	s6 =	sadd.s32 $0x80, s6;
	[tilespmem:v17+s29+$0x0] =	vst.idx.add.f32.msk $0xffff, v1  }
0x83: {  	_ =	sdelay $0x3  }
0x84: {  	[tilespmem:v3+s29+$0x0] =	vst.idx.add.f32.msk $0xffff, v1  }
0x85: {  	[tilespmem:v2+s29+$0x0] =	vst.idx.add.f32.msk $0xffff, v1  }
0x86: {  	_ =	swait.ge [sflag:s26], $0x2000  }
0x87: {  	[sflag:s26] =	ssyncset.done $0x0  }
0x88: {  	s9 =	simm.s32 $0x40;
	s5 =	rddreg [dreg:$0x5];
	[sflag:s26] =	ssyncadd.s32 $0xFFFFE000  }
0x89: {  	[tilespmem:s28], [sflag:$0x2] =	stream.linear.gather [hbm4b:s5+s2], $0x2000, $0x38;
	[tilespmem:$0xDC00] =	vst v63  }
0x8a: {  	v2 =	vld [tilespmem:s9+$0x30]  }
0x8b: {  	v3 =	vld [tilespmem:s9+$0xFFFFFFD0]  }
0x8c: {  	v4 =	vld [tilespmem:s9+$0xFFFFFFE0]  }
0x8d: {  	v5 =	vld [tilespmem:s9+$0xFFFFFFF0];
	_ =	sdelay $0x1  }
0x8e: {  	v6 =	vand.u32 $0xFFFF, v2  }
0x8f: {  	v10 =	vld [tilespmem:s9+$0x10];
	v8 =	vand.u32 $0xFFFF, v3  }
0x90: {  	v7 =	vld [tilespmem:s9+$0x0];
	v12 =	vand.u32 $0xFFFF, v4  }
0x91: {  	v9 =	vld [tilespmem:s9+$0xFFFFFFC0];
	v60 =	vand.u32 $0xFFFF, v5  }
0x92: {  	v11 =	vld [tilespmem:s9+$0x20];
	v2 =	vshrl.u32 v2, $0x10  }
0x93: {  	v3 =	vshrl.u32 v3, $0x10;
	[tilespmem:v6+s29+$0x0] =	vst.idx.add.f32.msk $0xffff, v1  }
0x94: {  	v62 =	vand.u32 $0xFFFF, v10;
	[tilespmem:v8+s29+$0x0] =	vst.idx.add.f32.msk $0xffff, v1  }
0x95: {  	v4 =	vshrl.u32 v4, $0x10;
	[tilespmem:v12+s29+$0x0] =	vst.idx.add.f32.msk $0xffff, v1  }
0x96: {  	v63 =	vshrl.u32 v10, $0x10;
	[tilespmem:v60+s29+$0x0] =	vst.idx.add.f32.msk $0xffff, v1  }
0x97: {  	[tilespmem:v2+s29+$0x0] =	vst.idx.add.f32.msk $0xffff, v1;
	v2 =	vand.u32 $0xFFFF, v9  }
0x98: {  	[tilespmem:v3+s29+$0x0] =	vst.idx.add.f32.msk $0xffff, v1;
	v3 =	vshrl.u32 v5, $0x10  }
0x99: {  	[tilespmem:v62+s29+$0x0] =	vst.idx.add.f32.msk $0xffff, v1;
	v5 =	vand.u32 $0xFFFF, v7  }
0x9a: {  	v61 =	vshrl.u32 v9, $0x10;
	[tilespmem:v4+s29+$0x0] =	vst.idx.add.f32.msk $0xffff, v1  }
0x9b: {  	v4 =	vshrl.u32 v7, $0x10;
	[tilespmem:v63+s29+$0x0] =	vst.idx.add.f32.msk $0xffff, v1  }
0x9c: {  	[tilespmem:v2+s29+$0x0] =	vst.idx.add.f32.msk $0xffff, v1  }
0x9d: {  	[tilespmem:v3+s29+$0x0] =	vst.idx.add.f32.msk $0xffff, v1  }
0x9e: {  	[tilespmem:v5+s29+$0x0] =	vst.idx.add.f32.msk $0xffff, v1  }
0x9f: {  	[tilespmem:v61+s29+$0x0] =	vst.idx.add.f32.msk $0xffff, v1  }
0xa0: {  	s6 =	simm.s32 $0xC0;
	s5 =	simm.s32 $0x0;
	v2 =	vshrl.u32 v11, $0x10;
	v3 =	vand.u32 $0xFFFF, v11;
	[tilespmem:v4+s29+$0x0] =	vst.idx.add.f32.msk $0xffff, v1  }
.LBB2_8:
0xa1: {  	v4 =	vld [tilespmem:s6+$0x30]  }
0xa2: {  	s5 =	sadd.s32 $0x80, s5;
	v5 =	vld [tilespmem:s6+$0xFFFFFFD0]  }
0xa3: {  	p0 =	slt.u32 s5, $0x1F80;
	v6 =	vld [tilespmem:s6+$0xFFFFFFE0]  }
0xa4: {  	v7 =	vld [tilespmem:s6+$0xFFFFFFF0]  }
0xa5: {  	v8 =	vld [tilespmem:s6+$0x0]  }
0xa6: {  	v9 =	vld [tilespmem:s6+$0x10];
	v10 =	vand.u32 $0xFFFF, v4  }
0xa7: {  	v4 =	vshrl.u32 v4, $0x10;
	v11 =	vshrl.u32 v5, $0x10;
	v5 =	vand.u32 $0xFFFF, v5;
	v12 =	vld [tilespmem:s6+$0x20]  }
0xa8: {  	v13 =	vld [tilespmem:s6+$0xFFFFFFC0];
	v14 =	vshrl.u32 v6, $0x10;
	v6 =	vand.u32 $0xFFFF, v6  }
0xa9: {  	v15 =	vshrl.u32 v7, $0x10;
	v7 =	vand.u32 $0xFFFF, v7;
	[tilespmem:v3+s29+$0x0] =	vst.idx.add.f32.msk $0xffff, v1  }
0xaa: {  	v16 =	vshrl.u32 v8, $0x10;
	v8 =	vand.u32 $0xFFFF, v8;
	[tilespmem:v2+s29+$0x0] =	vst.idx.add.f32.msk $0xffff, v1  }
0xab: {  	v17 =	vshrl.u32 v9, $0x10;
	v9 =	vand.u32 $0xFFFF, v9;
	[tilespmem:v10+s29+$0x0] =	vst.idx.add.f32.msk $0xffff, v1  }
0xac: {  	v2 =	vshrl.u32 v12, $0x10;
	v3 =	vand.u32 $0xFFFF, v12;
	[tilespmem:v4+s29+$0x0] =	vst.idx.add.f32.msk $0xffff, v1  }
0xad: {  	v4 =	vshrl.u32 v13, $0x10;
	v10 =	vand.u32 $0xFFFF, v13;
	[tilespmem:v5+s29+$0x0] =	vst.idx.add.f32.msk $0xffff, v1  }
0xae: {  	[tilespmem:v11+s29+$0x0] =	vst.idx.add.f32.msk $0xffff, v1  }
0xaf: {  	[tilespmem:v6+s29+$0x0] =	vst.idx.add.f32.msk $0xffff, v1  }
0xb0: {  	[tilespmem:v14+s29+$0x0] =	vst.idx.add.f32.msk $0xffff, v1  }
0xb1: {  	[tilespmem:v7+s29+$0x0] =	vst.idx.add.f32.msk $0xffff, v1  }
0xb2: {  	[tilespmem:v10+s29+$0x0] =	vst.idx.add.f32.msk $0xffff, v1  }
0xb3: {  	[tilespmem:v4+s29+$0x0] =	vst.idx.add.f32.msk $0xffff, v1  }
.Ltmp3:
0xb4: {  	[tilespmem:v15+s29+$0x0] =	vst.idx.add.f32.msk $0xffff, v1;
	(pc) =	sbr.rel @p0 .LBB2_8-.Ltmp3, $4  }
0xb5: {  	[tilespmem:v8+s29+$0x0] =	vst.idx.add.f32.msk $0xffff, v1  }
0xb6: {  	[tilespmem:v16+s29+$0x0] =	vst.idx.add.f32.msk $0xffff, v1  }
0xb7: {  	[tilespmem:v9+s29+$0x0] =	vst.idx.add.f32.msk $0xffff, v1  }
0xb8: {  	s6 =	sadd.s32 $0x80, s6;
	[tilespmem:v17+s29+$0x0] =	vst.idx.add.f32.msk $0xffff, v1  }
0xb9: {  	_ =	sdelay $0x3  }
0xba: {  	[tilespmem:v3+s29+$0x0] =	vst.idx.add.f32.msk $0xffff, v1  }
0xbb: {  	[tilespmem:v2+s29+$0x0] =	vst.idx.add.f32.msk $0xffff, v1  }
0xbc: {  	_ =	swait.ge [sflag:s30], $0x2000  }
0xbd: {  	[sflag:s30] =	ssyncset.done $0x0  }
0xbe: {  	s9 =	simm.s32 $0x2040;
	s5 =	rddreg [dreg:$0x6];
	[sflag:s30] =	ssyncadd.s32 $0xFFFFE000  }
0xbf: {  	[tilespmem:s2], [sflag:$0x1] =	stream.linear.gather [hbm4b:s5+s2], $0x2000, $0x38;
	[tilespmem:$0xDC00] =	vst v63  }
0xc0: {  	v2 =	vld [tilespmem:s9+$0x30]  }
0xc1: {  	v3 =	vld [tilespmem:s9+$0xFFFFFFD0]  }
0xc2: {  	v4 =	vld [tilespmem:s9+$0xFFFFFFE0]  }
0xc3: {  	v5 =	vld [tilespmem:s9+$0xFFFFFFF0];
	_ =	sdelay $0x1  }
0xc4: {  	v6 =	vand.u32 $0xFFFF, v2  }
0xc5: {  	v10 =	vld [tilespmem:s9+$0x10];
	v8 =	vand.u32 $0xFFFF, v3  }
0xc6: {  	v7 =	vld [tilespmem:s9+$0x0];
	v12 =	vand.u32 $0xFFFF, v4  }
0xc7: {  	v9 =	vld [tilespmem:s9+$0xFFFFFFC0];
	v60 =	vand.u32 $0xFFFF, v5  }
0xc8: {  	v11 =	vld [tilespmem:s9+$0x20];
	v2 =	vshrl.u32 v2, $0x10  }
0xc9: {  	v3 =	vshrl.u32 v3, $0x10;
	[tilespmem:v6+s29+$0x0] =	vst.idx.add.f32.msk $0xffff, v1  }
0xca: {  	v62 =	vand.u32 $0xFFFF, v10;
	[tilespmem:v8+s29+$0x0] =	vst.idx.add.f32.msk $0xffff, v1  }
0xcb: {  	v4 =	vshrl.u32 v4, $0x10;
	[tilespmem:v12+s29+$0x0] =	vst.idx.add.f32.msk $0xffff, v1  }
0xcc: {  	v63 =	vshrl.u32 v10, $0x10;
	[tilespmem:v60+s29+$0x0] =	vst.idx.add.f32.msk $0xffff, v1  }
0xcd: {  	[tilespmem:v2+s29+$0x0] =	vst.idx.add.f32.msk $0xffff, v1;
	v2 =	vand.u32 $0xFFFF, v9  }
0xce: {  	[tilespmem:v3+s29+$0x0] =	vst.idx.add.f32.msk $0xffff, v1;
	v3 =	vshrl.u32 v5, $0x10  }
0xcf: {  	[tilespmem:v62+s29+$0x0] =	vst.idx.add.f32.msk $0xffff, v1;
	v5 =	vand.u32 $0xFFFF, v7  }
0xd0: {  	v61 =	vshrl.u32 v9, $0x10;
	[tilespmem:v4+s29+$0x0] =	vst.idx.add.f32.msk $0xffff, v1  }
0xd1: {  	v4 =	vshrl.u32 v7, $0x10;
	[tilespmem:v63+s29+$0x0] =	vst.idx.add.f32.msk $0xffff, v1  }
0xd2: {  	[tilespmem:v2+s29+$0x0] =	vst.idx.add.f32.msk $0xffff, v1  }
0xd3: {  	[tilespmem:v3+s29+$0x0] =	vst.idx.add.f32.msk $0xffff, v1  }
0xd4: {  	[tilespmem:v5+s29+$0x0] =	vst.idx.add.f32.msk $0xffff, v1  }
0xd5: {  	[tilespmem:v61+s29+$0x0] =	vst.idx.add.f32.msk $0xffff, v1  }
0xd6: {  	s6 =	simm.s32 $0x20C0;
	s5 =	simm.s32 $0x0;
	v2 =	vshrl.u32 v11, $0x10;
	v3 =	vand.u32 $0xFFFF, v11;
	[tilespmem:v4+s29+$0x0] =	vst.idx.add.f32.msk $0xffff, v1  }
.LBB2_10:
0xd7: {  	v4 =	vld [tilespmem:s6+$0x30]  }
0xd8: {  	s5 =	sadd.s32 $0x80, s5;
	v5 =	vld [tilespmem:s6+$0xFFFFFFD0]  }
0xd9: {  	p0 =	slt.u32 s5, $0x1F80;
	v6 =	vld [tilespmem:s6+$0xFFFFFFE0]  }
0xda: {  	v7 =	vld [tilespmem:s6+$0xFFFFFFF0]  }
0xdb: {  	v8 =	vld [tilespmem:s6+$0x0]  }
0xdc: {  	v9 =	vld [tilespmem:s6+$0x10];
	v10 =	vand.u32 $0xFFFF, v4  }
0xdd: {  	v4 =	vshrl.u32 v4, $0x10;
	v11 =	vshrl.u32 v5, $0x10;
	v5 =	vand.u32 $0xFFFF, v5;
	v12 =	vld [tilespmem:s6+$0x20]  }
0xde: {  	v13 =	vld [tilespmem:s6+$0xFFFFFFC0];
	v14 =	vshrl.u32 v6, $0x10;
	v6 =	vand.u32 $0xFFFF, v6  }
0xdf: {  	v15 =	vshrl.u32 v7, $0x10;
	v7 =	vand.u32 $0xFFFF, v7;
	[tilespmem:v3+s29+$0x0] =	vst.idx.add.f32.msk $0xffff, v1  }
0xe0: {  	v16 =	vshrl.u32 v8, $0x10;
	v8 =	vand.u32 $0xFFFF, v8;
	[tilespmem:v2+s29+$0x0] =	vst.idx.add.f32.msk $0xffff, v1  }
0xe1: {  	v17 =	vshrl.u32 v9, $0x10;
	v9 =	vand.u32 $0xFFFF, v9;
	[tilespmem:v10+s29+$0x0] =	vst.idx.add.f32.msk $0xffff, v1  }
0xe2: {  	v2 =	vshrl.u32 v12, $0x10;
	v3 =	vand.u32 $0xFFFF, v12;
	[tilespmem:v4+s29+$0x0] =	vst.idx.add.f32.msk $0xffff, v1  }
0xe3: {  	v4 =	vshrl.u32 v13, $0x10;
	v10 =	vand.u32 $0xFFFF, v13;
	[tilespmem:v5+s29+$0x0] =	vst.idx.add.f32.msk $0xffff, v1  }
0xe4: {  	[tilespmem:v11+s29+$0x0] =	vst.idx.add.f32.msk $0xffff, v1  }
0xe5: {  	[tilespmem:v6+s29+$0x0] =	vst.idx.add.f32.msk $0xffff, v1  }
0xe6: {  	[tilespmem:v14+s29+$0x0] =	vst.idx.add.f32.msk $0xffff, v1  }
0xe7: {  	[tilespmem:v7+s29+$0x0] =	vst.idx.add.f32.msk $0xffff, v1  }
0xe8: {  	[tilespmem:v10+s29+$0x0] =	vst.idx.add.f32.msk $0xffff, v1  }
0xe9: {  	[tilespmem:v4+s29+$0x0] =	vst.idx.add.f32.msk $0xffff, v1  }
.Ltmp4:
0xea: {  	[tilespmem:v15+s29+$0x0] =	vst.idx.add.f32.msk $0xffff, v1;
	(pc) =	sbr.rel @p0 .LBB2_10-.Ltmp4, $4  }
0xeb: {  	[tilespmem:v8+s29+$0x0] =	vst.idx.add.f32.msk $0xffff, v1  }
0xec: {  	[tilespmem:v16+s29+$0x0] =	vst.idx.add.f32.msk $0xffff, v1  }
0xed: {  	[tilespmem:v9+s29+$0x0] =	vst.idx.add.f32.msk $0xffff, v1  }
0xee: {  	s6 =	sadd.s32 $0x80, s6;
	[tilespmem:v17+s29+$0x0] =	vst.idx.add.f32.msk $0xffff, v1  }
0xef: {  	_ =	sdelay $0x3  }
0xf0: {  	[tilespmem:v3+s29+$0x0] =	vst.idx.add.f32.msk $0xffff, v1  }
0xf1: {  	[tilespmem:v2+s29+$0x0] =	vst.idx.add.f32.msk $0xffff, v1  }
0xf2: {  	_ =	swait.ge [sflag:s26], $0x2000  }
0xf3: {  	[sflag:s26] =	ssyncset.done $0x0  }
0xf4: {  	s9 =	simm.s32 $0x40;
	s5 =	rddreg [dreg:$0x7];
	[sflag:s26] =	ssyncadd.s32 $0xFFFFE000  }
0xf5: {  	[tilespmem:s28], [sflag:$0x2] =	stream.linear.gather [hbm4b:s5+s2], $0x2000, $0x38;
	[tilespmem:$0xDC00] =	vst v63  }
0xf6: {  	v2 =	vld [tilespmem:s9+$0x30]  }
0xf7: {  	v3 =	vld [tilespmem:s9+$0xFFFFFFD0]  }
0xf8: {  	v4 =	vld [tilespmem:s9+$0xFFFFFFE0]  }
0xf9: {  	v5 =	vld [tilespmem:s9+$0xFFFFFFF0];
	_ =	sdelay $0x1  }
0xfa: {  	v6 =	vand.u32 $0xFFFF, v2  }
0xfb: {  	v10 =	vld [tilespmem:s9+$0x10];
	v8 =	vand.u32 $0xFFFF, v3  }
0xfc: {  	v7 =	vld [tilespmem:s9+$0x0];
	v12 =	vand.u32 $0xFFFF, v4  }
0xfd: {  	v9 =	vld [tilespmem:s9+$0xFFFFFFC0];
	v60 =	vand.u32 $0xFFFF, v5  }
0xfe: {  	v11 =	vld [tilespmem:s9+$0x20];
	v2 =	vshrl.u32 v2, $0x10  }
0xff: {  	v3 =	vshrl.u32 v3, $0x10;
	[tilespmem:v6+s29+$0x0] =	vst.idx.add.f32.msk $0xffff, v1  }
0x100: {  	v62 =	vand.u32 $0xFFFF, v10;
	[tilespmem:v8+s29+$0x0] =	vst.idx.add.f32.msk $0xffff, v1  }
0x101: {  	v4 =	vshrl.u32 v4, $0x10;
	[tilespmem:v12+s29+$0x0] =	vst.idx.add.f32.msk $0xffff, v1  }
0x102: {  	v63 =	vshrl.u32 v10, $0x10;
	[tilespmem:v60+s29+$0x0] =	vst.idx.add.f32.msk $0xffff, v1  }
0x103: {  	[tilespmem:v2+s29+$0x0] =	vst.idx.add.f32.msk $0xffff, v1;
	v2 =	vand.u32 $0xFFFF, v9  }
0x104: {  	[tilespmem:v3+s29+$0x0] =	vst.idx.add.f32.msk $0xffff, v1;
	v3 =	vshrl.u32 v5, $0x10  }
0x105: {  	[tilespmem:v62+s29+$0x0] =	vst.idx.add.f32.msk $0xffff, v1;
	v5 =	vand.u32 $0xFFFF, v7  }
0x106: {  	v61 =	vshrl.u32 v9, $0x10;
	[tilespmem:v4+s29+$0x0] =	vst.idx.add.f32.msk $0xffff, v1  }
0x107: {  	v4 =	vshrl.u32 v7, $0x10;
	[tilespmem:v63+s29+$0x0] =	vst.idx.add.f32.msk $0xffff, v1  }
0x108: {  	[tilespmem:v2+s29+$0x0] =	vst.idx.add.f32.msk $0xffff, v1  }
0x109: {  	[tilespmem:v3+s29+$0x0] =	vst.idx.add.f32.msk $0xffff, v1  }
0x10a: {  	[tilespmem:v5+s29+$0x0] =	vst.idx.add.f32.msk $0xffff, v1  }
0x10b: {  	[tilespmem:v61+s29+$0x0] =	vst.idx.add.f32.msk $0xffff, v1  }
0x10c: {  	s6 =	simm.s32 $0xC0;
	s5 =	simm.s32 $0x0;
	v2 =	vshrl.u32 v11, $0x10;
	v3 =	vand.u32 $0xFFFF, v11;
	[tilespmem:v4+s29+$0x0] =	vst.idx.add.f32.msk $0xffff, v1  }
.LBB2_12:
0x10d: {  	v4 =	vld [tilespmem:s6+$0x30]  }
0x10e: {  	s5 =	sadd.s32 $0x80, s5;
	v5 =	vld [tilespmem:s6+$0xFFFFFFD0]  }
0x10f: {  	p0 =	slt.u32 s5, $0x1F80;
	v6 =	vld [tilespmem:s6+$0xFFFFFFE0]  }
0x110: {  	v7 =	vld [tilespmem:s6+$0xFFFFFFF0]  }
0x111: {  	v8 =	vld [tilespmem:s6+$0x0]  }
0x112: {  	v9 =	vld [tilespmem:s6+$0x10];
	v10 =	vand.u32 $0xFFFF, v4  }
0x113: {  	v4 =	vshrl.u32 v4, $0x10;
	v11 =	vshrl.u32 v5, $0x10;
	v5 =	vand.u32 $0xFFFF, v5;
	v12 =	vld [tilespmem:s6+$0x20]  }
0x114: {  	v13 =	vld [tilespmem:s6+$0xFFFFFFC0];
	v14 =	vshrl.u32 v6, $0x10;
	v6 =	vand.u32 $0xFFFF, v6  }
0x115: {  	v15 =	vshrl.u32 v7, $0x10;
	v7 =	vand.u32 $0xFFFF, v7;
	[tilespmem:v3+s29+$0x0] =	vst.idx.add.f32.msk $0xffff, v1  }
0x116: {  	v16 =	vshrl.u32 v8, $0x10;
	v8 =	vand.u32 $0xFFFF, v8;
	[tilespmem:v2+s29+$0x0] =	vst.idx.add.f32.msk $0xffff, v1  }
0x117: {  	v17 =	vshrl.u32 v9, $0x10;
	v9 =	vand.u32 $0xFFFF, v9;
	[tilespmem:v10+s29+$0x0] =	vst.idx.add.f32.msk $0xffff, v1  }
0x118: {  	v2 =	vshrl.u32 v12, $0x10;
	v3 =	vand.u32 $0xFFFF, v12;
	[tilespmem:v4+s29+$0x0] =	vst.idx.add.f32.msk $0xffff, v1  }
0x119: {  	v4 =	vshrl.u32 v13, $0x10;
	v10 =	vand.u32 $0xFFFF, v13;
	[tilespmem:v5+s29+$0x0] =	vst.idx.add.f32.msk $0xffff, v1  }
0x11a: {  	[tilespmem:v11+s29+$0x0] =	vst.idx.add.f32.msk $0xffff, v1  }
0x11b: {  	[tilespmem:v6+s29+$0x0] =	vst.idx.add.f32.msk $0xffff, v1  }
0x11c: {  	[tilespmem:v14+s29+$0x0] =	vst.idx.add.f32.msk $0xffff, v1  }
0x11d: {  	[tilespmem:v7+s29+$0x0] =	vst.idx.add.f32.msk $0xffff, v1  }
0x11e: {  	[tilespmem:v10+s29+$0x0] =	vst.idx.add.f32.msk $0xffff, v1  }
0x11f: {  	[tilespmem:v4+s29+$0x0] =	vst.idx.add.f32.msk $0xffff, v1  }
.Ltmp5:
0x120: {  	[tilespmem:v15+s29+$0x0] =	vst.idx.add.f32.msk $0xffff, v1;
	(pc) =	sbr.rel @p0 .LBB2_12-.Ltmp5, $4  }
0x121: {  	[tilespmem:v8+s29+$0x0] =	vst.idx.add.f32.msk $0xffff, v1  }
0x122: {  	[tilespmem:v16+s29+$0x0] =	vst.idx.add.f32.msk $0xffff, v1  }
0x123: {  	[tilespmem:v9+s29+$0x0] =	vst.idx.add.f32.msk $0xffff, v1  }
0x124: {  	s6 =	sadd.s32 $0x80, s6;
	[tilespmem:v17+s29+$0x0] =	vst.idx.add.f32.msk $0xffff, v1  }
0x125: {  	_ =	sdelay $0x3  }
0x126: {  	[tilespmem:v3+s29+$0x0] =	vst.idx.add.f32.msk $0xffff, v1  }
0x127: {  	[tilespmem:v2+s29+$0x0] =	vst.idx.add.f32.msk $0xffff, v1  }
0x128: {  	_ =	swait.ge [sflag:s30], $0x2000  }
0x129: {  	[sflag:s30] =	ssyncset.done $0x0  }
0x12a: {  	s5 =	simm.s32 $0x2040;
	[sflag:s30] =	ssyncadd.s32 $0xFFFFE000  }
0x12b: {  	[tilespmem:s2], [sflag:$0x1] =	stream.linear.gather [hbm4b:s10+s2], $0x2000, $0x38;
	[tilespmem:$0xDC00] =	vst v63  }
0x12c: {  	v2 =	vld [tilespmem:s5+$0x30]  }
0x12d: {  	v3 =	vld [tilespmem:s5+$0xFFFFFFD0]  }
0x12e: {  	v4 =	vld [tilespmem:s5+$0xFFFFFFE0]  }
0x12f: {  	v5 =	vld [tilespmem:s5+$0xFFFFFFF0];
	_ =	sdelay $0x1  }
0x130: {  	v6 =	vand.u32 $0xFFFF, v2  }
0x131: {  	v10 =	vld [tilespmem:s5+$0x10];
	v8 =	vand.u32 $0xFFFF, v3  }
0x132: {  	v7 =	vld [tilespmem:s5+$0x0];
	v12 =	vand.u32 $0xFFFF, v4  }
0x133: {  	v9 =	vld [tilespmem:s5+$0xFFFFFFC0];
	v60 =	vand.u32 $0xFFFF, v5  }
0x134: {  	v11 =	vld [tilespmem:s5+$0x20];
	v2 =	vshrl.u32 v2, $0x10  }
0x135: {  	v3 =	vshrl.u32 v3, $0x10;
	[tilespmem:v6+s29+$0x0] =	vst.idx.add.f32.msk $0xffff, v1  }
0x136: {  	v62 =	vand.u32 $0xFFFF, v10;
	[tilespmem:v8+s29+$0x0] =	vst.idx.add.f32.msk $0xffff, v1  }
0x137: {  	v4 =	vshrl.u32 v4, $0x10;
	[tilespmem:v12+s29+$0x0] =	vst.idx.add.f32.msk $0xffff, v1  }
0x138: {  	v63 =	vshrl.u32 v10, $0x10;
	[tilespmem:v60+s29+$0x0] =	vst.idx.add.f32.msk $0xffff, v1  }
0x139: {  	[tilespmem:v2+s29+$0x0] =	vst.idx.add.f32.msk $0xffff, v1;
	v2 =	vand.u32 $0xFFFF, v9  }
0x13a: {  	[tilespmem:v3+s29+$0x0] =	vst.idx.add.f32.msk $0xffff, v1;
	v3 =	vshrl.u32 v5, $0x10  }
0x13b: {  	[tilespmem:v62+s29+$0x0] =	vst.idx.add.f32.msk $0xffff, v1;
	v5 =	vand.u32 $0xFFFF, v7  }
0x13c: {  	v61 =	vshrl.u32 v9, $0x10;
	[tilespmem:v4+s29+$0x0] =	vst.idx.add.f32.msk $0xffff, v1  }
0x13d: {  	v4 =	vshrl.u32 v7, $0x10;
	[tilespmem:v63+s29+$0x0] =	vst.idx.add.f32.msk $0xffff, v1  }
0x13e: {  	[tilespmem:v2+s29+$0x0] =	vst.idx.add.f32.msk $0xffff, v1  }
0x13f: {  	[tilespmem:v3+s29+$0x0] =	vst.idx.add.f32.msk $0xffff, v1  }
0x140: {  	[tilespmem:v5+s29+$0x0] =	vst.idx.add.f32.msk $0xffff, v1  }
0x141: {  	[tilespmem:v61+s29+$0x0] =	vst.idx.add.f32.msk $0xffff, v1  }
0x142: {  	s6 =	simm.s32 $0x20C0;
	s5 =	simm.s32 $0x0;
	v2 =	vshrl.u32 v11, $0x10;
	v3 =	vand.u32 $0xFFFF, v11;
	[tilespmem:v4+s29+$0x0] =	vst.idx.add.f32.msk $0xffff, v1  }
.LBB2_14:
0x143: {  	v4 =	vld [tilespmem:s6+$0x30]  }
0x144: {  	s5 =	sadd.s32 $0x80, s5;
	v5 =	vld [tilespmem:s6+$0xFFFFFFD0]  }
0x145: {  	p0 =	slt.u32 s5, $0x1F80;
	v6 =	vld [tilespmem:s6+$0xFFFFFFE0]  }
0x146: {  	v7 =	vld [tilespmem:s6+$0xFFFFFFF0]  }
0x147: {  	v8 =	vld [tilespmem:s6+$0x0]  }
0x148: {  	v9 =	vld [tilespmem:s6+$0x10];
	v10 =	vand.u32 $0xFFFF, v4  }
0x149: {  	v4 =	vshrl.u32 v4, $0x10;
	v11 =	vshrl.u32 v5, $0x10;
	v5 =	vand.u32 $0xFFFF, v5;
	v12 =	vld [tilespmem:s6+$0x20]  }
0x14a: {  	v13 =	vld [tilespmem:s6+$0xFFFFFFC0];
	v14 =	vshrl.u32 v6, $0x10;
	v6 =	vand.u32 $0xFFFF, v6  }
0x14b: {  	v15 =	vshrl.u32 v7, $0x10;
	v7 =	vand.u32 $0xFFFF, v7;
	[tilespmem:v3+s29+$0x0] =	vst.idx.add.f32.msk $0xffff, v1  }
0x14c: {  	v16 =	vshrl.u32 v8, $0x10;
	v8 =	vand.u32 $0xFFFF, v8;
	[tilespmem:v2+s29+$0x0] =	vst.idx.add.f32.msk $0xffff, v1  }
0x14d: {  	v17 =	vshrl.u32 v9, $0x10;
	v9 =	vand.u32 $0xFFFF, v9;
	[tilespmem:v10+s29+$0x0] =	vst.idx.add.f32.msk $0xffff, v1  }
0x14e: {  	v2 =	vshrl.u32 v12, $0x10;
	v3 =	vand.u32 $0xFFFF, v12;
	[tilespmem:v4+s29+$0x0] =	vst.idx.add.f32.msk $0xffff, v1  }
0x14f: {  	v4 =	vshrl.u32 v13, $0x10;
	v10 =	vand.u32 $0xFFFF, v13;
	[tilespmem:v5+s29+$0x0] =	vst.idx.add.f32.msk $0xffff, v1  }
0x150: {  	[tilespmem:v11+s29+$0x0] =	vst.idx.add.f32.msk $0xffff, v1  }
0x151: {  	[tilespmem:v6+s29+$0x0] =	vst.idx.add.f32.msk $0xffff, v1  }
0x152: {  	[tilespmem:v14+s29+$0x0] =	vst.idx.add.f32.msk $0xffff, v1  }
0x153: {  	[tilespmem:v7+s29+$0x0] =	vst.idx.add.f32.msk $0xffff, v1  }
0x154: {  	[tilespmem:v10+s29+$0x0] =	vst.idx.add.f32.msk $0xffff, v1  }
0x155: {  	[tilespmem:v4+s29+$0x0] =	vst.idx.add.f32.msk $0xffff, v1  }
.Ltmp6:
0x156: {  	[tilespmem:v15+s29+$0x0] =	vst.idx.add.f32.msk $0xffff, v1;
	(pc) =	sbr.rel @p0 .LBB2_14-.Ltmp6, $4  }
0x157: {  	[tilespmem:v8+s29+$0x0] =	vst.idx.add.f32.msk $0xffff, v1  }
0x158: {  	[tilespmem:v16+s29+$0x0] =	vst.idx.add.f32.msk $0xffff, v1  }
0x159: {  	[tilespmem:v9+s29+$0x0] =	vst.idx.add.f32.msk $0xffff, v1  }
0x15a: {  	s6 =	sadd.s32 $0x80, s6;
	[tilespmem:v17+s29+$0x0] =	vst.idx.add.f32.msk $0xffff, v1  }
0x15b: {  	_ =	sdelay $0x3  }
0x15c: {  	[tilespmem:v3+s29+$0x0] =	vst.idx.add.f32.msk $0xffff, v1  }
0x15d: {  	[tilespmem:v2+s29+$0x0] =	vst.idx.add.f32.msk $0xffff, v1  }
0x15e: {  	_ =	swait.ge [sflag:s26], $0x2000  }
0x15f: {  	[sflag:s26] =	ssyncset.done $0x0  }
0x160: {  	s5 =	simm.s32 $0x40;
	[sflag:s26] =	ssyncadd.s32 $0xFFFFE000  }
0x161: {  	[tilespmem:s28], [sflag:$0x2] =	stream.linear.gather [hbm4b:s11+s2], $0x2000, $0x38;
	[tilespmem:$0xDC00] =	vst v63  }
0x162: {  	v2 =	vld [tilespmem:s5+$0x30]  }
0x163: {  	v3 =	vld [tilespmem:s5+$0xFFFFFFD0]  }
0x164: {  	v4 =	vld [tilespmem:s5+$0xFFFFFFE0]  }
0x165: {  	v5 =	vld [tilespmem:s5+$0xFFFFFFF0];
	_ =	sdelay $0x1  }
0x166: {  	v6 =	vand.u32 $0xFFFF, v2  }
0x167: {  	v10 =	vld [tilespmem:s5+$0x10];
	v8 =	vand.u32 $0xFFFF, v3  }
0x168: {  	v7 =	vld [tilespmem:s5+$0x0];
	v12 =	vand.u32 $0xFFFF, v4  }
0x169: {  	v9 =	vld [tilespmem:s5+$0xFFFFFFC0];
	v60 =	vand.u32 $0xFFFF, v5  }
0x16a: {  	v11 =	vld [tilespmem:s5+$0x20];
	v2 =	vshrl.u32 v2, $0x10  }
0x16b: {  	v3 =	vshrl.u32 v3, $0x10;
	[tilespmem:v6+s29+$0x0] =	vst.idx.add.f32.msk $0xffff, v1  }
0x16c: {  	v62 =	vand.u32 $0xFFFF, v10;
	[tilespmem:v8+s29+$0x0] =	vst.idx.add.f32.msk $0xffff, v1  }
0x16d: {  	v4 =	vshrl.u32 v4, $0x10;
	[tilespmem:v12+s29+$0x0] =	vst.idx.add.f32.msk $0xffff, v1  }
0x16e: {  	v63 =	vshrl.u32 v10, $0x10;
	[tilespmem:v60+s29+$0x0] =	vst.idx.add.f32.msk $0xffff, v1  }
0x16f: {  	[tilespmem:v2+s29+$0x0] =	vst.idx.add.f32.msk $0xffff, v1;
	v2 =	vand.u32 $0xFFFF, v9  }
0x170: {  	[tilespmem:v3+s29+$0x0] =	vst.idx.add.f32.msk $0xffff, v1;
	v3 =	vshrl.u32 v5, $0x10  }
0x171: {  	[tilespmem:v62+s29+$0x0] =	vst.idx.add.f32.msk $0xffff, v1;
	v5 =	vand.u32 $0xFFFF, v7  }
0x172: {  	v61 =	vshrl.u32 v9, $0x10;
	[tilespmem:v4+s29+$0x0] =	vst.idx.add.f32.msk $0xffff, v1  }
0x173: {  	v4 =	vshrl.u32 v7, $0x10;
	[tilespmem:v63+s29+$0x0] =	vst.idx.add.f32.msk $0xffff, v1  }
0x174: {  	[tilespmem:v2+s29+$0x0] =	vst.idx.add.f32.msk $0xffff, v1  }
0x175: {  	[tilespmem:v3+s29+$0x0] =	vst.idx.add.f32.msk $0xffff, v1  }
0x176: {  	[tilespmem:v5+s29+$0x0] =	vst.idx.add.f32.msk $0xffff, v1  }
0x177: {  	[tilespmem:v61+s29+$0x0] =	vst.idx.add.f32.msk $0xffff, v1  }
0x178: {  	s6 =	simm.s32 $0xC0;
	s5 =	simm.s32 $0x0;
	v2 =	vshrl.u32 v11, $0x10;
	v3 =	vand.u32 $0xFFFF, v11;
	[tilespmem:v4+s29+$0x0] =	vst.idx.add.f32.msk $0xffff, v1  }
.LBB2_16:
0x179: {  	v4 =	vld [tilespmem:s6+$0x30]  }
0x17a: {  	s5 =	sadd.s32 $0x80, s5;
	v5 =	vld [tilespmem:s6+$0xFFFFFFD0]  }
0x17b: {  	p0 =	slt.u32 s5, $0x1F80;
	v6 =	vld [tilespmem:s6+$0xFFFFFFE0]  }
0x17c: {  	v7 =	vld [tilespmem:s6+$0xFFFFFFF0]  }
0x17d: {  	v8 =	vld [tilespmem:s6+$0x0]  }
0x17e: {  	v9 =	vld [tilespmem:s6+$0x10];
	v10 =	vand.u32 $0xFFFF, v4  }
0x17f: {  	v4 =	vshrl.u32 v4, $0x10;
	v11 =	vshrl.u32 v5, $0x10;
	v5 =	vand.u32 $0xFFFF, v5;
	v12 =	vld [tilespmem:s6+$0x20]  }
0x180: {  	v13 =	vld [tilespmem:s6+$0xFFFFFFC0];
	v14 =	vshrl.u32 v6, $0x10;
	v6 =	vand.u32 $0xFFFF, v6  }
0x181: {  	v15 =	vshrl.u32 v7, $0x10;
	v7 =	vand.u32 $0xFFFF, v7;
	[tilespmem:v3+s29+$0x0] =	vst.idx.add.f32.msk $0xffff, v1  }
0x182: {  	v16 =	vshrl.u32 v8, $0x10;
	v8 =	vand.u32 $0xFFFF, v8;
	[tilespmem:v2+s29+$0x0] =	vst.idx.add.f32.msk $0xffff, v1  }
0x183: {  	v17 =	vshrl.u32 v9, $0x10;
	v9 =	vand.u32 $0xFFFF, v9;
	[tilespmem:v10+s29+$0x0] =	vst.idx.add.f32.msk $0xffff, v1  }
0x184: {  	v2 =	vshrl.u32 v12, $0x10;
	v3 =	vand.u32 $0xFFFF, v12;
	[tilespmem:v4+s29+$0x0] =	vst.idx.add.f32.msk $0xffff, v1  }
0x185: {  	v4 =	vshrl.u32 v13, $0x10;
	v10 =	vand.u32 $0xFFFF, v13;
	[tilespmem:v5+s29+$0x0] =	vst.idx.add.f32.msk $0xffff, v1  }
0x186: {  	[tilespmem:v11+s29+$0x0] =	vst.idx.add.f32.msk $0xffff, v1  }
0x187: {  	[tilespmem:v6+s29+$0x0] =	vst.idx.add.f32.msk $0xffff, v1  }
0x188: {  	[tilespmem:v14+s29+$0x0] =	vst.idx.add.f32.msk $0xffff, v1  }
0x189: {  	[tilespmem:v7+s29+$0x0] =	vst.idx.add.f32.msk $0xffff, v1  }
0x18a: {  	[tilespmem:v10+s29+$0x0] =	vst.idx.add.f32.msk $0xffff, v1  }
0x18b: {  	[tilespmem:v4+s29+$0x0] =	vst.idx.add.f32.msk $0xffff, v1  }
.Ltmp7:
0x18c: {  	[tilespmem:v15+s29+$0x0] =	vst.idx.add.f32.msk $0xffff, v1;
	(pc) =	sbr.rel @p0 .LBB2_16-.Ltmp7, $4  }
0x18d: {  	[tilespmem:v8+s29+$0x0] =	vst.idx.add.f32.msk $0xffff, v1  }
0x18e: {  	[tilespmem:v16+s29+$0x0] =	vst.idx.add.f32.msk $0xffff, v1  }
0x18f: {  	[tilespmem:v9+s29+$0x0] =	vst.idx.add.f32.msk $0xffff, v1  }
0x190: {  	s6 =	sadd.s32 $0x80, s6;
	[tilespmem:v17+s29+$0x0] =	vst.idx.add.f32.msk $0xffff, v1  }
0x191: {  	_ =	sdelay $0x3  }
0x192: {  	[tilespmem:v3+s29+$0x0] =	vst.idx.add.f32.msk $0xffff, v1  }
0x193: {  	[tilespmem:v2+s29+$0x0] =	vst.idx.add.f32.msk $0xffff, v1  }
0x194: {  	_ =	swait.ge [sflag:s30], $0x2000  }
0x195: {  	[sflag:s30] =	ssyncset.done $0x0  }
0x196: {  	s5 =	simm.s32 $0x2040;
	[sflag:s30] =	ssyncadd.s32 $0xFFFFE000  }
0x197: {  	[tilespmem:s2], [sflag:$0x1] =	stream.linear.gather [hbm4b:s12+s2], $0x2000, $0x38;
	[tilespmem:$0xDC00] =	vst v63  }
0x198: {  	v2 =	vld [tilespmem:s5+$0x30]  }
0x199: {  	v3 =	vld [tilespmem:s5+$0xFFFFFFD0]  }
0x19a: {  	v4 =	vld [tilespmem:s5+$0xFFFFFFE0]  }
0x19b: {  	v5 =	vld [tilespmem:s5+$0xFFFFFFF0];
	_ =	sdelay $0x1  }
0x19c: {  	v6 =	vand.u32 $0xFFFF, v2  }
0x19d: {  	v10 =	vld [tilespmem:s5+$0x10];
	v8 =	vand.u32 $0xFFFF, v3  }
0x19e: {  	v7 =	vld [tilespmem:s5+$0x0];
	v12 =	vand.u32 $0xFFFF, v4  }
0x19f: {  	v9 =	vld [tilespmem:s5+$0xFFFFFFC0];
	v60 =	vand.u32 $0xFFFF, v5  }
0x1a0: {  	v11 =	vld [tilespmem:s5+$0x20];
	v2 =	vshrl.u32 v2, $0x10  }
0x1a1: {  	v3 =	vshrl.u32 v3, $0x10;
	[tilespmem:v6+s29+$0x0] =	vst.idx.add.f32.msk $0xffff, v1  }
0x1a2: {  	v62 =	vand.u32 $0xFFFF, v10;
	[tilespmem:v8+s29+$0x0] =	vst.idx.add.f32.msk $0xffff, v1  }
0x1a3: {  	v4 =	vshrl.u32 v4, $0x10;
	[tilespmem:v12+s29+$0x0] =	vst.idx.add.f32.msk $0xffff, v1  }
0x1a4: {  	v63 =	vshrl.u32 v10, $0x10;
	[tilespmem:v60+s29+$0x0] =	vst.idx.add.f32.msk $0xffff, v1  }
0x1a5: {  	[tilespmem:v2+s29+$0x0] =	vst.idx.add.f32.msk $0xffff, v1;
	v2 =	vand.u32 $0xFFFF, v9  }
0x1a6: {  	[tilespmem:v3+s29+$0x0] =	vst.idx.add.f32.msk $0xffff, v1;
	v3 =	vshrl.u32 v5, $0x10  }
0x1a7: {  	[tilespmem:v62+s29+$0x0] =	vst.idx.add.f32.msk $0xffff, v1;
	v5 =	vand.u32 $0xFFFF, v7  }
0x1a8: {  	v61 =	vshrl.u32 v9, $0x10;
	[tilespmem:v4+s29+$0x0] =	vst.idx.add.f32.msk $0xffff, v1  }
0x1a9: {  	v4 =	vshrl.u32 v7, $0x10;
	[tilespmem:v63+s29+$0x0] =	vst.idx.add.f32.msk $0xffff, v1  }
0x1aa: {  	[tilespmem:v2+s29+$0x0] =	vst.idx.add.f32.msk $0xffff, v1  }
0x1ab: {  	[tilespmem:v3+s29+$0x0] =	vst.idx.add.f32.msk $0xffff, v1  }
0x1ac: {  	[tilespmem:v5+s29+$0x0] =	vst.idx.add.f32.msk $0xffff, v1  }
0x1ad: {  	[tilespmem:v61+s29+$0x0] =	vst.idx.add.f32.msk $0xffff, v1  }
0x1ae: {  	s6 =	simm.s32 $0x20C0;
	s5 =	simm.s32 $0x0;
	v2 =	vshrl.u32 v11, $0x10;
	v3 =	vand.u32 $0xFFFF, v11;
	[tilespmem:v4+s29+$0x0] =	vst.idx.add.f32.msk $0xffff, v1  }
.LBB2_18:
0x1af: {  	v4 =	vld [tilespmem:s6+$0x30]  }
0x1b0: {  	s5 =	sadd.s32 $0x80, s5;
	v5 =	vld [tilespmem:s6+$0xFFFFFFD0]  }
0x1b1: {  	p0 =	slt.u32 s5, $0x1F80;
	v6 =	vld [tilespmem:s6+$0xFFFFFFE0]  }
0x1b2: {  	v7 =	vld [tilespmem:s6+$0xFFFFFFF0]  }
0x1b3: {  	v8 =	vld [tilespmem:s6+$0x0]  }
0x1b4: {  	v9 =	vld [tilespmem:s6+$0x10];
	v10 =	vand.u32 $0xFFFF, v4  }
0x1b5: {  	v4 =	vshrl.u32 v4, $0x10;
	v11 =	vshrl.u32 v5, $0x10;
	v5 =	vand.u32 $0xFFFF, v5;
	v12 =	vld [tilespmem:s6+$0x20]  }
0x1b6: {  	v13 =	vld [tilespmem:s6+$0xFFFFFFC0];
	v14 =	vshrl.u32 v6, $0x10;
	v6 =	vand.u32 $0xFFFF, v6  }
0x1b7: {  	v15 =	vshrl.u32 v7, $0x10;
	v7 =	vand.u32 $0xFFFF, v7;
	[tilespmem:v3+s29+$0x0] =	vst.idx.add.f32.msk $0xffff, v1  }
0x1b8: {  	v16 =	vshrl.u32 v8, $0x10;
	v8 =	vand.u32 $0xFFFF, v8;
	[tilespmem:v2+s29+$0x0] =	vst.idx.add.f32.msk $0xffff, v1  }
0x1b9: {  	v17 =	vshrl.u32 v9, $0x10;
	v9 =	vand.u32 $0xFFFF, v9;
	[tilespmem:v10+s29+$0x0] =	vst.idx.add.f32.msk $0xffff, v1  }
0x1ba: {  	v2 =	vshrl.u32 v12, $0x10;
	v3 =	vand.u32 $0xFFFF, v12;
	[tilespmem:v4+s29+$0x0] =	vst.idx.add.f32.msk $0xffff, v1  }
0x1bb: {  	v4 =	vshrl.u32 v13, $0x10;
	v10 =	vand.u32 $0xFFFF, v13;
	[tilespmem:v5+s29+$0x0] =	vst.idx.add.f32.msk $0xffff, v1  }
0x1bc: {  	[tilespmem:v11+s29+$0x0] =	vst.idx.add.f32.msk $0xffff, v1  }
0x1bd: {  	[tilespmem:v6+s29+$0x0] =	vst.idx.add.f32.msk $0xffff, v1  }
0x1be: {  	[tilespmem:v14+s29+$0x0] =	vst.idx.add.f32.msk $0xffff, v1  }
0x1bf: {  	[tilespmem:v7+s29+$0x0] =	vst.idx.add.f32.msk $0xffff, v1  }
0x1c0: {  	[tilespmem:v10+s29+$0x0] =	vst.idx.add.f32.msk $0xffff, v1  }
0x1c1: {  	[tilespmem:v4+s29+$0x0] =	vst.idx.add.f32.msk $0xffff, v1  }
.Ltmp8:
0x1c2: {  	[tilespmem:v15+s29+$0x0] =	vst.idx.add.f32.msk $0xffff, v1;
	(pc) =	sbr.rel @p0 .LBB2_18-.Ltmp8, $4  }
0x1c3: {  	[tilespmem:v8+s29+$0x0] =	vst.idx.add.f32.msk $0xffff, v1  }
0x1c4: {  	[tilespmem:v16+s29+$0x0] =	vst.idx.add.f32.msk $0xffff, v1  }
0x1c5: {  	[tilespmem:v9+s29+$0x0] =	vst.idx.add.f32.msk $0xffff, v1  }
0x1c6: {  	s6 =	sadd.s32 $0x80, s6;
	[tilespmem:v17+s29+$0x0] =	vst.idx.add.f32.msk $0xffff, v1  }
0x1c7: {  	_ =	sdelay $0x3  }
0x1c8: {  	[tilespmem:v3+s29+$0x0] =	vst.idx.add.f32.msk $0xffff, v1  }
0x1c9: {  	[tilespmem:v2+s29+$0x0] =	vst.idx.add.f32.msk $0xffff, v1  }
0x1ca: {  	_ =	swait.ge [sflag:s26], $0x2000  }
0x1cb: {  	[sflag:s26] =	ssyncset.done $0x0  }
0x1cc: {  	s5 =	simm.s32 $0x40;
	[sflag:s26] =	ssyncadd.s32 $0xFFFFE000  }
0x1cd: {  	[tilespmem:s28], [sflag:$0x2] =	stream.linear.gather [hbm4b:s13+s2], $0x2000, $0x38;
	[tilespmem:$0xDC00] =	vst v63  }
0x1ce: {  	v2 =	vld [tilespmem:s5+$0x30]  }
0x1cf: {  	v3 =	vld [tilespmem:s5+$0xFFFFFFD0]  }
0x1d0: {  	v4 =	vld [tilespmem:s5+$0xFFFFFFE0]  }
0x1d1: {  	v5 =	vld [tilespmem:s5+$0xFFFFFFF0];
	_ =	sdelay $0x1  }
0x1d2: {  	v6 =	vand.u32 $0xFFFF, v2  }
0x1d3: {  	v10 =	vld [tilespmem:s5+$0x10];
	v8 =	vand.u32 $0xFFFF, v3  }
0x1d4: {  	v7 =	vld [tilespmem:s5+$0x0];
	v12 =	vand.u32 $0xFFFF, v4  }
0x1d5: {  	v9 =	vld [tilespmem:s5+$0xFFFFFFC0];
	v60 =	vand.u32 $0xFFFF, v5  }
0x1d6: {  	v11 =	vld [tilespmem:s5+$0x20];
	v2 =	vshrl.u32 v2, $0x10  }
0x1d7: {  	v3 =	vshrl.u32 v3, $0x10;
	[tilespmem:v6+s29+$0x0] =	vst.idx.add.f32.msk $0xffff, v1  }
0x1d8: {  	v62 =	vand.u32 $0xFFFF, v10;
	[tilespmem:v8+s29+$0x0] =	vst.idx.add.f32.msk $0xffff, v1  }
0x1d9: {  	v4 =	vshrl.u32 v4, $0x10;
	[tilespmem:v12+s29+$0x0] =	vst.idx.add.f32.msk $0xffff, v1  }
0x1da: {  	v63 =	vshrl.u32 v10, $0x10;
	[tilespmem:v60+s29+$0x0] =	vst.idx.add.f32.msk $0xffff, v1  }
0x1db: {  	[tilespmem:v2+s29+$0x0] =	vst.idx.add.f32.msk $0xffff, v1;
	v2 =	vand.u32 $0xFFFF, v9  }
0x1dc: {  	[tilespmem:v3+s29+$0x0] =	vst.idx.add.f32.msk $0xffff, v1;
	v3 =	vshrl.u32 v5, $0x10  }
0x1dd: {  	[tilespmem:v62+s29+$0x0] =	vst.idx.add.f32.msk $0xffff, v1;
	v5 =	vand.u32 $0xFFFF, v7  }
0x1de: {  	v61 =	vshrl.u32 v9, $0x10;
	[tilespmem:v4+s29+$0x0] =	vst.idx.add.f32.msk $0xffff, v1  }
0x1df: {  	v4 =	vshrl.u32 v7, $0x10;
	[tilespmem:v63+s29+$0x0] =	vst.idx.add.f32.msk $0xffff, v1  }
0x1e0: {  	[tilespmem:v2+s29+$0x0] =	vst.idx.add.f32.msk $0xffff, v1  }
0x1e1: {  	[tilespmem:v3+s29+$0x0] =	vst.idx.add.f32.msk $0xffff, v1  }
0x1e2: {  	[tilespmem:v5+s29+$0x0] =	vst.idx.add.f32.msk $0xffff, v1  }
0x1e3: {  	[tilespmem:v61+s29+$0x0] =	vst.idx.add.f32.msk $0xffff, v1  }
0x1e4: {  	s6 =	simm.s32 $0xC0;
	s5 =	simm.s32 $0x0;
	v2 =	vshrl.u32 v11, $0x10;
	v3 =	vand.u32 $0xFFFF, v11;
	[tilespmem:v4+s29+$0x0] =	vst.idx.add.f32.msk $0xffff, v1  }
.LBB2_20:
0x1e5: {  	v4 =	vld [tilespmem:s6+$0x30]  }
0x1e6: {  	s5 =	sadd.s32 $0x80, s5;
	v5 =	vld [tilespmem:s6+$0xFFFFFFD0]  }
0x1e7: {  	p0 =	slt.u32 s5, $0x1F80;
	v6 =	vld [tilespmem:s6+$0xFFFFFFE0]  }
0x1e8: {  	v7 =	vld [tilespmem:s6+$0xFFFFFFF0]  }
0x1e9: {  	v8 =	vld [tilespmem:s6+$0x0]  }
0x1ea: {  	v9 =	vld [tilespmem:s6+$0x10];
	v10 =	vand.u32 $0xFFFF, v4  }
0x1eb: {  	v4 =	vshrl.u32 v4, $0x10;
	v11 =	vshrl.u32 v5, $0x10;
	v5 =	vand.u32 $0xFFFF, v5;
	v12 =	vld [tilespmem:s6+$0x20]  }
0x1ec: {  	v13 =	vld [tilespmem:s6+$0xFFFFFFC0];
	v14 =	vshrl.u32 v6, $0x10;
	v6 =	vand.u32 $0xFFFF, v6  }
0x1ed: {  	v15 =	vshrl.u32 v7, $0x10;
	v7 =	vand.u32 $0xFFFF, v7;
	[tilespmem:v3+s29+$0x0] =	vst.idx.add.f32.msk $0xffff, v1  }
0x1ee: {  	v16 =	vshrl.u32 v8, $0x10;
	v8 =	vand.u32 $0xFFFF, v8;
	[tilespmem:v2+s29+$0x0] =	vst.idx.add.f32.msk $0xffff, v1  }
0x1ef: {  	v17 =	vshrl.u32 v9, $0x10;
	v9 =	vand.u32 $0xFFFF, v9;
	[tilespmem:v10+s29+$0x0] =	vst.idx.add.f32.msk $0xffff, v1  }
0x1f0: {  	v2 =	vshrl.u32 v12, $0x10;
	v3 =	vand.u32 $0xFFFF, v12;
	[tilespmem:v4+s29+$0x0] =	vst.idx.add.f32.msk $0xffff, v1  }
0x1f1: {  	v4 =	vshrl.u32 v13, $0x10;
	v10 =	vand.u32 $0xFFFF, v13;
	[tilespmem:v5+s29+$0x0] =	vst.idx.add.f32.msk $0xffff, v1  }
0x1f2: {  	[tilespmem:v11+s29+$0x0] =	vst.idx.add.f32.msk $0xffff, v1  }
0x1f3: {  	[tilespmem:v6+s29+$0x0] =	vst.idx.add.f32.msk $0xffff, v1  }
0x1f4: {  	[tilespmem:v14+s29+$0x0] =	vst.idx.add.f32.msk $0xffff, v1  }
0x1f5: {  	[tilespmem:v7+s29+$0x0] =	vst.idx.add.f32.msk $0xffff, v1  }
0x1f6: {  	[tilespmem:v10+s29+$0x0] =	vst.idx.add.f32.msk $0xffff, v1  }
0x1f7: {  	[tilespmem:v4+s29+$0x0] =	vst.idx.add.f32.msk $0xffff, v1  }
.Ltmp9:
0x1f8: {  	[tilespmem:v15+s29+$0x0] =	vst.idx.add.f32.msk $0xffff, v1;
	(pc) =	sbr.rel @p0 .LBB2_20-.Ltmp9, $4  }
0x1f9: {  	[tilespmem:v8+s29+$0x0] =	vst.idx.add.f32.msk $0xffff, v1  }
0x1fa: {  	[tilespmem:v16+s29+$0x0] =	vst.idx.add.f32.msk $0xffff, v1  }
0x1fb: {  	[tilespmem:v9+s29+$0x0] =	vst.idx.add.f32.msk $0xffff, v1  }
0x1fc: {  	s6 =	sadd.s32 $0x80, s6;
	[tilespmem:v17+s29+$0x0] =	vst.idx.add.f32.msk $0xffff, v1  }
0x1fd: {  	_ =	sdelay $0x3  }
0x1fe: {  	[tilespmem:v3+s29+$0x0] =	vst.idx.add.f32.msk $0xffff, v1  }
0x1ff: {  	[tilespmem:v2+s29+$0x0] =	vst.idx.add.f32.msk $0xffff, v1  }
0x200: {  	_ =	swait.ge [sflag:s30], $0x2000  }
0x201: {  	[sflag:s30] =	ssyncset.done $0x0  }
0x202: {  	s5 =	simm.s32 $0x2040;
	[sflag:s30] =	ssyncadd.s32 $0xFFFFE000  }
0x203: {  	[tilespmem:s2], [sflag:$0x1] =	stream.linear.gather [hbm4b:s14+s2], $0x2000, $0x38;
	[tilespmem:$0xDC00] =	vst v63  }
0x204: {  	v2 =	vld [tilespmem:s5+$0x30]  }
0x205: {  	v3 =	vld [tilespmem:s5+$0xFFFFFFD0]  }
0x206: {  	v4 =	vld [tilespmem:s5+$0xFFFFFFE0]  }
0x207: {  	v5 =	vld [tilespmem:s5+$0xFFFFFFF0];
	_ =	sdelay $0x1  }
0x208: {  	v6 =	vand.u32 $0xFFFF, v2  }
0x209: {  	v10 =	vld [tilespmem:s5+$0x10];
	v8 =	vand.u32 $0xFFFF, v3  }
0x20a: {  	v7 =	vld [tilespmem:s5+$0x0];
	v12 =	vand.u32 $0xFFFF, v4  }
0x20b: {  	v9 =	vld [tilespmem:s5+$0xFFFFFFC0];
	v60 =	vand.u32 $0xFFFF, v5  }
0x20c: {  	v11 =	vld [tilespmem:s5+$0x20];
	v2 =	vshrl.u32 v2, $0x10  }
0x20d: {  	v3 =	vshrl.u32 v3, $0x10;
	[tilespmem:v6+s29+$0x0] =	vst.idx.add.f32.msk $0xffff, v1  }
0x20e: {  	v62 =	vand.u32 $0xFFFF, v10;
	[tilespmem:v8+s29+$0x0] =	vst.idx.add.f32.msk $0xffff, v1  }
0x20f: {  	v4 =	vshrl.u32 v4, $0x10;
	[tilespmem:v12+s29+$0x0] =	vst.idx.add.f32.msk $0xffff, v1  }
0x210: {  	v63 =	vshrl.u32 v10, $0x10;
	[tilespmem:v60+s29+$0x0] =	vst.idx.add.f32.msk $0xffff, v1  }
0x211: {  	[tilespmem:v2+s29+$0x0] =	vst.idx.add.f32.msk $0xffff, v1;
	v2 =	vand.u32 $0xFFFF, v9  }
0x212: {  	[tilespmem:v3+s29+$0x0] =	vst.idx.add.f32.msk $0xffff, v1;
	v3 =	vshrl.u32 v5, $0x10  }
0x213: {  	[tilespmem:v62+s29+$0x0] =	vst.idx.add.f32.msk $0xffff, v1;
	v5 =	vand.u32 $0xFFFF, v7  }
0x214: {  	v61 =	vshrl.u32 v9, $0x10;
	[tilespmem:v4+s29+$0x0] =	vst.idx.add.f32.msk $0xffff, v1  }
0x215: {  	v4 =	vshrl.u32 v7, $0x10;
	[tilespmem:v63+s29+$0x0] =	vst.idx.add.f32.msk $0xffff, v1  }
0x216: {  	[tilespmem:v2+s29+$0x0] =	vst.idx.add.f32.msk $0xffff, v1  }
0x217: {  	[tilespmem:v3+s29+$0x0] =	vst.idx.add.f32.msk $0xffff, v1  }
0x218: {  	[tilespmem:v5+s29+$0x0] =	vst.idx.add.f32.msk $0xffff, v1  }
0x219: {  	[tilespmem:v61+s29+$0x0] =	vst.idx.add.f32.msk $0xffff, v1  }
0x21a: {  	s6 =	simm.s32 $0x20C0;
	s5 =	simm.s32 $0x0;
	v2 =	vshrl.u32 v11, $0x10;
	v3 =	vand.u32 $0xFFFF, v11;
	[tilespmem:v4+s29+$0x0] =	vst.idx.add.f32.msk $0xffff, v1  }
.LBB2_22:
0x21b: {  	v4 =	vld [tilespmem:s6+$0x30]  }
0x21c: {  	s5 =	sadd.s32 $0x80, s5;
	v5 =	vld [tilespmem:s6+$0xFFFFFFD0]  }
0x21d: {  	p0 =	slt.u32 s5, $0x1F80;
	v6 =	vld [tilespmem:s6+$0xFFFFFFE0]  }
0x21e: {  	v7 =	vld [tilespmem:s6+$0xFFFFFFF0]  }
0x21f: {  	v8 =	vld [tilespmem:s6+$0x0]  }
0x220: {  	v9 =	vld [tilespmem:s6+$0x10];
	v10 =	vand.u32 $0xFFFF, v4  }
0x221: {  	v4 =	vshrl.u32 v4, $0x10;
	v11 =	vshrl.u32 v5, $0x10;
	v5 =	vand.u32 $0xFFFF, v5;
	v12 =	vld [tilespmem:s6+$0x20]  }
0x222: {  	v13 =	vld [tilespmem:s6+$0xFFFFFFC0];
	v14 =	vshrl.u32 v6, $0x10;
	v6 =	vand.u32 $0xFFFF, v6  }
0x223: {  	v15 =	vshrl.u32 v7, $0x10;
	v7 =	vand.u32 $0xFFFF, v7;
	[tilespmem:v3+s29+$0x0] =	vst.idx.add.f32.msk $0xffff, v1  }
0x224: {  	v16 =	vshrl.u32 v8, $0x10;
	v8 =	vand.u32 $0xFFFF, v8;
	[tilespmem:v2+s29+$0x0] =	vst.idx.add.f32.msk $0xffff, v1  }
0x225: {  	v17 =	vshrl.u32 v9, $0x10;
	v9 =	vand.u32 $0xFFFF, v9;
	[tilespmem:v10+s29+$0x0] =	vst.idx.add.f32.msk $0xffff, v1  }
0x226: {  	v2 =	vshrl.u32 v12, $0x10;
	v3 =	vand.u32 $0xFFFF, v12;
	[tilespmem:v4+s29+$0x0] =	vst.idx.add.f32.msk $0xffff, v1  }
0x227: {  	v4 =	vshrl.u32 v13, $0x10;
	v10 =	vand.u32 $0xFFFF, v13;
	[tilespmem:v5+s29+$0x0] =	vst.idx.add.f32.msk $0xffff, v1  }
0x228: {  	[tilespmem:v11+s29+$0x0] =	vst.idx.add.f32.msk $0xffff, v1  }
0x229: {  	[tilespmem:v6+s29+$0x0] =	vst.idx.add.f32.msk $0xffff, v1  }
0x22a: {  	[tilespmem:v14+s29+$0x0] =	vst.idx.add.f32.msk $0xffff, v1  }
0x22b: {  	[tilespmem:v7+s29+$0x0] =	vst.idx.add.f32.msk $0xffff, v1  }
0x22c: {  	[tilespmem:v10+s29+$0x0] =	vst.idx.add.f32.msk $0xffff, v1  }
0x22d: {  	[tilespmem:v4+s29+$0x0] =	vst.idx.add.f32.msk $0xffff, v1  }
.Ltmp10:
0x22e: {  	[tilespmem:v15+s29+$0x0] =	vst.idx.add.f32.msk $0xffff, v1;
	(pc) =	sbr.rel @p0 .LBB2_22-.Ltmp10, $4  }
0x22f: {  	[tilespmem:v8+s29+$0x0] =	vst.idx.add.f32.msk $0xffff, v1  }
0x230: {  	[tilespmem:v16+s29+$0x0] =	vst.idx.add.f32.msk $0xffff, v1  }
0x231: {  	[tilespmem:v9+s29+$0x0] =	vst.idx.add.f32.msk $0xffff, v1  }
0x232: {  	s6 =	sadd.s32 $0x80, s6;
	[tilespmem:v17+s29+$0x0] =	vst.idx.add.f32.msk $0xffff, v1  }
0x233: {  	_ =	sdelay $0x3  }
0x234: {  	[tilespmem:v3+s29+$0x0] =	vst.idx.add.f32.msk $0xffff, v1  }
0x235: {  	[tilespmem:v2+s29+$0x0] =	vst.idx.add.f32.msk $0xffff, v1  }
0x236: {  	_ =	swait.ge [sflag:s26], $0x2000  }
0x237: {  	[sflag:s26] =	ssyncset.done $0x0  }
0x238: {  	s5 =	simm.s32 $0x40;
	[sflag:s26] =	ssyncadd.s32 $0xFFFFE000  }
0x239: {  	[tilespmem:s28], [sflag:$0x2] =	stream.linear.gather [hbm4b:s15+s2], $0x2000, $0x38;
	[tilespmem:$0xDC00] =	vst v63  }
0x23a: {  	v2 =	vld [tilespmem:s5+$0x30]  }
0x23b: {  	v3 =	vld [tilespmem:s5+$0xFFFFFFD0]  }
0x23c: {  	v4 =	vld [tilespmem:s5+$0xFFFFFFE0]  }
0x23d: {  	v5 =	vld [tilespmem:s5+$0xFFFFFFF0];
	_ =	sdelay $0x1  }
0x23e: {  	v6 =	vand.u32 $0xFFFF, v2  }
0x23f: {  	v10 =	vld [tilespmem:s5+$0x10];
	v8 =	vand.u32 $0xFFFF, v3  }
0x240: {  	v7 =	vld [tilespmem:s5+$0x0];
	v12 =	vand.u32 $0xFFFF, v4  }
0x241: {  	v9 =	vld [tilespmem:s5+$0xFFFFFFC0];
	v60 =	vand.u32 $0xFFFF, v5  }
0x242: {  	v11 =	vld [tilespmem:s5+$0x20];
	v2 =	vshrl.u32 v2, $0x10  }
0x243: {  	v3 =	vshrl.u32 v3, $0x10;
	[tilespmem:v6+s29+$0x0] =	vst.idx.add.f32.msk $0xffff, v1  }
0x244: {  	v62 =	vand.u32 $0xFFFF, v10;
	[tilespmem:v8+s29+$0x0] =	vst.idx.add.f32.msk $0xffff, v1  }
0x245: {  	v4 =	vshrl.u32 v4, $0x10;
	[tilespmem:v12+s29+$0x0] =	vst.idx.add.f32.msk $0xffff, v1  }
0x246: {  	v63 =	vshrl.u32 v10, $0x10;
	[tilespmem:v60+s29+$0x0] =	vst.idx.add.f32.msk $0xffff, v1  }
0x247: {  	[tilespmem:v2+s29+$0x0] =	vst.idx.add.f32.msk $0xffff, v1;
	v2 =	vand.u32 $0xFFFF, v9  }
0x248: {  	[tilespmem:v3+s29+$0x0] =	vst.idx.add.f32.msk $0xffff, v1;
	v3 =	vshrl.u32 v5, $0x10  }
0x249: {  	[tilespmem:v62+s29+$0x0] =	vst.idx.add.f32.msk $0xffff, v1;
	v5 =	vand.u32 $0xFFFF, v7  }
0x24a: {  	v61 =	vshrl.u32 v9, $0x10;
	[tilespmem:v4+s29+$0x0] =	vst.idx.add.f32.msk $0xffff, v1  }
0x24b: {  	v4 =	vshrl.u32 v7, $0x10;
	[tilespmem:v63+s29+$0x0] =	vst.idx.add.f32.msk $0xffff, v1  }
0x24c: {  	[tilespmem:v2+s29+$0x0] =	vst.idx.add.f32.msk $0xffff, v1  }
0x24d: {  	[tilespmem:v3+s29+$0x0] =	vst.idx.add.f32.msk $0xffff, v1  }
0x24e: {  	[tilespmem:v5+s29+$0x0] =	vst.idx.add.f32.msk $0xffff, v1  }
0x24f: {  	[tilespmem:v61+s29+$0x0] =	vst.idx.add.f32.msk $0xffff, v1  }
0x250: {  	s6 =	simm.s32 $0xC0;
	s5 =	simm.s32 $0x0;
	v2 =	vshrl.u32 v11, $0x10;
	v3 =	vand.u32 $0xFFFF, v11;
	[tilespmem:v4+s29+$0x0] =	vst.idx.add.f32.msk $0xffff, v1  }
.LBB2_24:
0x251: {  	v4 =	vld [tilespmem:s6+$0x30]  }
0x252: {  	s5 =	sadd.s32 $0x80, s5;
	v5 =	vld [tilespmem:s6+$0xFFFFFFD0]  }
0x253: {  	p0 =	slt.u32 s5, $0x1F80;
	v6 =	vld [tilespmem:s6+$0xFFFFFFE0]  }
0x254: {  	v7 =	vld [tilespmem:s6+$0xFFFFFFF0]  }
0x255: {  	v8 =	vld [tilespmem:s6+$0x0]  }
0x256: {  	v9 =	vld [tilespmem:s6+$0x10];
	v10 =	vand.u32 $0xFFFF, v4  }
0x257: {  	v4 =	vshrl.u32 v4, $0x10;
	v11 =	vshrl.u32 v5, $0x10;
	v5 =	vand.u32 $0xFFFF, v5;
	v12 =	vld [tilespmem:s6+$0x20]  }
0x258: {  	v13 =	vld [tilespmem:s6+$0xFFFFFFC0];
	v14 =	vshrl.u32 v6, $0x10;
	v6 =	vand.u32 $0xFFFF, v6  }
0x259: {  	v15 =	vshrl.u32 v7, $0x10;
	v7 =	vand.u32 $0xFFFF, v7;
	[tilespmem:v3+s29+$0x0] =	vst.idx.add.f32.msk $0xffff, v1  }
0x25a: {  	v16 =	vshrl.u32 v8, $0x10;
	v8 =	vand.u32 $0xFFFF, v8;
	[tilespmem:v2+s29+$0x0] =	vst.idx.add.f32.msk $0xffff, v1  }
0x25b: {  	v17 =	vshrl.u32 v9, $0x10;
	v9 =	vand.u32 $0xFFFF, v9;
	[tilespmem:v10+s29+$0x0] =	vst.idx.add.f32.msk $0xffff, v1  }
0x25c: {  	v2 =	vshrl.u32 v12, $0x10;
	v3 =	vand.u32 $0xFFFF, v12;
	[tilespmem:v4+s29+$0x0] =	vst.idx.add.f32.msk $0xffff, v1  }
0x25d: {  	v4 =	vshrl.u32 v13, $0x10;
	v10 =	vand.u32 $0xFFFF, v13;
	[tilespmem:v5+s29+$0x0] =	vst.idx.add.f32.msk $0xffff, v1  }
0x25e: {  	[tilespmem:v11+s29+$0x0] =	vst.idx.add.f32.msk $0xffff, v1  }
0x25f: {  	[tilespmem:v6+s29+$0x0] =	vst.idx.add.f32.msk $0xffff, v1  }
0x260: {  	[tilespmem:v14+s29+$0x0] =	vst.idx.add.f32.msk $0xffff, v1  }
0x261: {  	[tilespmem:v7+s29+$0x0] =	vst.idx.add.f32.msk $0xffff, v1  }
0x262: {  	[tilespmem:v10+s29+$0x0] =	vst.idx.add.f32.msk $0xffff, v1  }
0x263: {  	[tilespmem:v4+s29+$0x0] =	vst.idx.add.f32.msk $0xffff, v1  }
.Ltmp11:
0x264: {  	[tilespmem:v15+s29+$0x0] =	vst.idx.add.f32.msk $0xffff, v1;
	(pc) =	sbr.rel @p0 .LBB2_24-.Ltmp11, $4  }
0x265: {  	[tilespmem:v8+s29+$0x0] =	vst.idx.add.f32.msk $0xffff, v1  }
0x266: {  	[tilespmem:v16+s29+$0x0] =	vst.idx.add.f32.msk $0xffff, v1  }
0x267: {  	[tilespmem:v9+s29+$0x0] =	vst.idx.add.f32.msk $0xffff, v1  }
0x268: {  	s6 =	sadd.s32 $0x80, s6;
	[tilespmem:v17+s29+$0x0] =	vst.idx.add.f32.msk $0xffff, v1  }
0x269: {  	_ =	sdelay $0x3  }
0x26a: {  	[tilespmem:v3+s29+$0x0] =	vst.idx.add.f32.msk $0xffff, v1  }
0x26b: {  	[tilespmem:v2+s29+$0x0] =	vst.idx.add.f32.msk $0xffff, v1  }
0x26c: {  	_ =	swait.ge [sflag:s30], $0x2000  }
0x26d: {  	[sflag:s30] =	ssyncset.done $0x0  }
0x26e: {  	s5 =	simm.s32 $0x2040;
	[sflag:s30] =	ssyncadd.s32 $0xFFFFE000  }
0x26f: {  	[tilespmem:s2], [sflag:$0x1] =	stream.linear.gather [hbm4b:s16+s2], $0x2000, $0x38;
	[tilespmem:$0xDC00] =	vst v63  }
0x270: {  	v2 =	vld [tilespmem:s5+$0x30]  }
0x271: {  	v3 =	vld [tilespmem:s5+$0xFFFFFFD0]  }
0x272: {  	v4 =	vld [tilespmem:s5+$0xFFFFFFE0]  }
0x273: {  	v5 =	vld [tilespmem:s5+$0xFFFFFFF0];
	_ =	sdelay $0x1  }
0x274: {  	v6 =	vand.u32 $0xFFFF, v2  }
0x275: {  	v10 =	vld [tilespmem:s5+$0x10];
	v8 =	vand.u32 $0xFFFF, v3  }
0x276: {  	v7 =	vld [tilespmem:s5+$0x0];
	v12 =	vand.u32 $0xFFFF, v4  }
0x277: {  	v9 =	vld [tilespmem:s5+$0xFFFFFFC0];
	v60 =	vand.u32 $0xFFFF, v5  }
0x278: {  	v11 =	vld [tilespmem:s5+$0x20];
	v2 =	vshrl.u32 v2, $0x10  }
0x279: {  	v3 =	vshrl.u32 v3, $0x10;
	[tilespmem:v6+s29+$0x0] =	vst.idx.add.f32.msk $0xffff, v1  }
0x27a: {  	v62 =	vand.u32 $0xFFFF, v10;
	[tilespmem:v8+s29+$0x0] =	vst.idx.add.f32.msk $0xffff, v1  }
0x27b: {  	v4 =	vshrl.u32 v4, $0x10;
	[tilespmem:v12+s29+$0x0] =	vst.idx.add.f32.msk $0xffff, v1  }
0x27c: {  	v63 =	vshrl.u32 v10, $0x10;
	[tilespmem:v60+s29+$0x0] =	vst.idx.add.f32.msk $0xffff, v1  }
0x27d: {  	[tilespmem:v2+s29+$0x0] =	vst.idx.add.f32.msk $0xffff, v1;
	v2 =	vand.u32 $0xFFFF, v9  }
0x27e: {  	[tilespmem:v3+s29+$0x0] =	vst.idx.add.f32.msk $0xffff, v1;
	v3 =	vshrl.u32 v5, $0x10  }
0x27f: {  	[tilespmem:v62+s29+$0x0] =	vst.idx.add.f32.msk $0xffff, v1;
	v5 =	vand.u32 $0xFFFF, v7  }
0x280: {  	v61 =	vshrl.u32 v9, $0x10;
	[tilespmem:v4+s29+$0x0] =	vst.idx.add.f32.msk $0xffff, v1  }
0x281: {  	v4 =	vshrl.u32 v7, $0x10;
	[tilespmem:v63+s29+$0x0] =	vst.idx.add.f32.msk $0xffff, v1  }
0x282: {  	[tilespmem:v2+s29+$0x0] =	vst.idx.add.f32.msk $0xffff, v1  }
0x283: {  	[tilespmem:v3+s29+$0x0] =	vst.idx.add.f32.msk $0xffff, v1  }
0x284: {  	[tilespmem:v5+s29+$0x0] =	vst.idx.add.f32.msk $0xffff, v1  }
0x285: {  	[tilespmem:v61+s29+$0x0] =	vst.idx.add.f32.msk $0xffff, v1  }
0x286: {  	s6 =	simm.s32 $0x20C0;
	s5 =	simm.s32 $0x0;
	v2 =	vshrl.u32 v11, $0x10;
	v3 =	vand.u32 $0xFFFF, v11;
	[tilespmem:v4+s29+$0x0] =	vst.idx.add.f32.msk $0xffff, v1  }
.LBB2_26:
0x287: {  	v4 =	vld [tilespmem:s6+$0x30]  }
0x288: {  	s5 =	sadd.s32 $0x80, s5;
	v5 =	vld [tilespmem:s6+$0xFFFFFFD0]  }
0x289: {  	p0 =	slt.u32 s5, $0x1F80;
	v6 =	vld [tilespmem:s6+$0xFFFFFFE0]  }
0x28a: {  	v7 =	vld [tilespmem:s6+$0xFFFFFFF0]  }
0x28b: {  	v8 =	vld [tilespmem:s6+$0x0]  }
0x28c: {  	v9 =	vld [tilespmem:s6+$0x10];
	v10 =	vand.u32 $0xFFFF, v4  }
0x28d: {  	v4 =	vshrl.u32 v4, $0x10;
	v11 =	vshrl.u32 v5, $0x10;
	v5 =	vand.u32 $0xFFFF, v5;
	v12 =	vld [tilespmem:s6+$0x20]  }
0x28e: {  	v13 =	vld [tilespmem:s6+$0xFFFFFFC0];
	v14 =	vshrl.u32 v6, $0x10;
	v6 =	vand.u32 $0xFFFF, v6  }
0x28f: {  	v15 =	vshrl.u32 v7, $0x10;
	v7 =	vand.u32 $0xFFFF, v7;
	[tilespmem:v3+s29+$0x0] =	vst.idx.add.f32.msk $0xffff, v1  }
0x290: {  	v16 =	vshrl.u32 v8, $0x10;
	v8 =	vand.u32 $0xFFFF, v8;
	[tilespmem:v2+s29+$0x0] =	vst.idx.add.f32.msk $0xffff, v1  }
0x291: {  	v17 =	vshrl.u32 v9, $0x10;
	v9 =	vand.u32 $0xFFFF, v9;
	[tilespmem:v10+s29+$0x0] =	vst.idx.add.f32.msk $0xffff, v1  }
0x292: {  	v2 =	vshrl.u32 v12, $0x10;
	v3 =	vand.u32 $0xFFFF, v12;
	[tilespmem:v4+s29+$0x0] =	vst.idx.add.f32.msk $0xffff, v1  }
0x293: {  	v4 =	vshrl.u32 v13, $0x10;
	v10 =	vand.u32 $0xFFFF, v13;
	[tilespmem:v5+s29+$0x0] =	vst.idx.add.f32.msk $0xffff, v1  }
0x294: {  	[tilespmem:v11+s29+$0x0] =	vst.idx.add.f32.msk $0xffff, v1  }
0x295: {  	[tilespmem:v6+s29+$0x0] =	vst.idx.add.f32.msk $0xffff, v1  }
0x296: {  	[tilespmem:v14+s29+$0x0] =	vst.idx.add.f32.msk $0xffff, v1  }
0x297: {  	[tilespmem:v7+s29+$0x0] =	vst.idx.add.f32.msk $0xffff, v1  }
0x298: {  	[tilespmem:v10+s29+$0x0] =	vst.idx.add.f32.msk $0xffff, v1  }
0x299: {  	[tilespmem:v4+s29+$0x0] =	vst.idx.add.f32.msk $0xffff, v1  }
.Ltmp12:
0x29a: {  	[tilespmem:v15+s29+$0x0] =	vst.idx.add.f32.msk $0xffff, v1;
	(pc) =	sbr.rel @p0 .LBB2_26-.Ltmp12, $4  }
0x29b: {  	[tilespmem:v8+s29+$0x0] =	vst.idx.add.f32.msk $0xffff, v1  }
0x29c: {  	[tilespmem:v16+s29+$0x0] =	vst.idx.add.f32.msk $0xffff, v1  }
0x29d: {  	[tilespmem:v9+s29+$0x0] =	vst.idx.add.f32.msk $0xffff, v1  }
0x29e: {  	s6 =	sadd.s32 $0x80, s6;
	[tilespmem:v17+s29+$0x0] =	vst.idx.add.f32.msk $0xffff, v1  }
0x29f: {  	_ =	sdelay $0x3  }
0x2a0: {  	[tilespmem:v3+s29+$0x0] =	vst.idx.add.f32.msk $0xffff, v1  }
0x2a1: {  	[tilespmem:v2+s29+$0x0] =	vst.idx.add.f32.msk $0xffff, v1  }
0x2a2: {  	_ =	swait.ge [sflag:s26], $0x2000  }
0x2a3: {  	[sflag:s26] =	ssyncset.done $0x0  }
0x2a4: {  	s5 =	simm.s32 $0x40;
	[sflag:s26] =	ssyncadd.s32 $0xFFFFE000  }
0x2a5: {  	[tilespmem:s28], [sflag:$0x2] =	stream.linear.gather [hbm4b:s17+s2], $0x2000, $0x38;
	[tilespmem:$0xDC00] =	vst v63  }
0x2a6: {  	v2 =	vld [tilespmem:s5+$0x30]  }
0x2a7: {  	v3 =	vld [tilespmem:s5+$0xFFFFFFD0]  }
0x2a8: {  	v4 =	vld [tilespmem:s5+$0xFFFFFFE0]  }
0x2a9: {  	v5 =	vld [tilespmem:s5+$0xFFFFFFF0];
	_ =	sdelay $0x1  }
0x2aa: {  	v6 =	vand.u32 $0xFFFF, v2  }
0x2ab: {  	v10 =	vld [tilespmem:s5+$0x10];
	v8 =	vand.u32 $0xFFFF, v3  }
0x2ac: {  	v7 =	vld [tilespmem:s5+$0x0];
	v12 =	vand.u32 $0xFFFF, v4  }
0x2ad: {  	v9 =	vld [tilespmem:s5+$0xFFFFFFC0];
	v60 =	vand.u32 $0xFFFF, v5  }
0x2ae: {  	v11 =	vld [tilespmem:s5+$0x20];
	v2 =	vshrl.u32 v2, $0x10  }
0x2af: {  	v3 =	vshrl.u32 v3, $0x10;
	[tilespmem:v6+s29+$0x0] =	vst.idx.add.f32.msk $0xffff, v1  }
0x2b0: {  	v62 =	vand.u32 $0xFFFF, v10;
	[tilespmem:v8+s29+$0x0] =	vst.idx.add.f32.msk $0xffff, v1  }
0x2b1: {  	v4 =	vshrl.u32 v4, $0x10;
	[tilespmem:v12+s29+$0x0] =	vst.idx.add.f32.msk $0xffff, v1  }
0x2b2: {  	v63 =	vshrl.u32 v10, $0x10;
	[tilespmem:v60+s29+$0x0] =	vst.idx.add.f32.msk $0xffff, v1  }
0x2b3: {  	[tilespmem:v2+s29+$0x0] =	vst.idx.add.f32.msk $0xffff, v1;
	v2 =	vand.u32 $0xFFFF, v9  }
0x2b4: {  	[tilespmem:v3+s29+$0x0] =	vst.idx.add.f32.msk $0xffff, v1;
	v3 =	vshrl.u32 v5, $0x10  }
0x2b5: {  	[tilespmem:v62+s29+$0x0] =	vst.idx.add.f32.msk $0xffff, v1;
	v5 =	vand.u32 $0xFFFF, v7  }
0x2b6: {  	v61 =	vshrl.u32 v9, $0x10;
	[tilespmem:v4+s29+$0x0] =	vst.idx.add.f32.msk $0xffff, v1  }
0x2b7: {  	v4 =	vshrl.u32 v7, $0x10;
	[tilespmem:v63+s29+$0x0] =	vst.idx.add.f32.msk $0xffff, v1  }
0x2b8: {  	[tilespmem:v2+s29+$0x0] =	vst.idx.add.f32.msk $0xffff, v1  }
0x2b9: {  	[tilespmem:v3+s29+$0x0] =	vst.idx.add.f32.msk $0xffff, v1  }
0x2ba: {  	[tilespmem:v5+s29+$0x0] =	vst.idx.add.f32.msk $0xffff, v1  }
0x2bb: {  	[tilespmem:v61+s29+$0x0] =	vst.idx.add.f32.msk $0xffff, v1  }
0x2bc: {  	s6 =	simm.s32 $0xC0;
	s5 =	simm.s32 $0x0;
	v2 =	vshrl.u32 v11, $0x10;
	v3 =	vand.u32 $0xFFFF, v11;
	[tilespmem:v4+s29+$0x0] =	vst.idx.add.f32.msk $0xffff, v1  }
.LBB2_28:
0x2bd: {  	v4 =	vld [tilespmem:s6+$0x30]  }
0x2be: {  	s5 =	sadd.s32 $0x80, s5;
	v5 =	vld [tilespmem:s6+$0xFFFFFFD0]  }
0x2bf: {  	p0 =	slt.u32 s5, $0x1F80;
	v6 =	vld [tilespmem:s6+$0xFFFFFFE0]  }
0x2c0: {  	v7 =	vld [tilespmem:s6+$0xFFFFFFF0]  }
0x2c1: {  	v8 =	vld [tilespmem:s6+$0x0]  }
0x2c2: {  	v9 =	vld [tilespmem:s6+$0x10];
	v10 =	vand.u32 $0xFFFF, v4  }
0x2c3: {  	v4 =	vshrl.u32 v4, $0x10;
	v11 =	vshrl.u32 v5, $0x10;
	v5 =	vand.u32 $0xFFFF, v5;
	v12 =	vld [tilespmem:s6+$0x20]  }
0x2c4: {  	v13 =	vld [tilespmem:s6+$0xFFFFFFC0];
	v14 =	vshrl.u32 v6, $0x10;
	v6 =	vand.u32 $0xFFFF, v6  }
0x2c5: {  	v15 =	vshrl.u32 v7, $0x10;
	v7 =	vand.u32 $0xFFFF, v7;
	[tilespmem:v3+s29+$0x0] =	vst.idx.add.f32.msk $0xffff, v1  }
0x2c6: {  	v16 =	vshrl.u32 v8, $0x10;
	v8 =	vand.u32 $0xFFFF, v8;
	[tilespmem:v2+s29+$0x0] =	vst.idx.add.f32.msk $0xffff, v1  }
0x2c7: {  	v17 =	vshrl.u32 v9, $0x10;
	v9 =	vand.u32 $0xFFFF, v9;
	[tilespmem:v10+s29+$0x0] =	vst.idx.add.f32.msk $0xffff, v1  }
0x2c8: {  	v2 =	vshrl.u32 v12, $0x10;
	v3 =	vand.u32 $0xFFFF, v12;
	[tilespmem:v4+s29+$0x0] =	vst.idx.add.f32.msk $0xffff, v1  }
0x2c9: {  	v4 =	vshrl.u32 v13, $0x10;
	v10 =	vand.u32 $0xFFFF, v13;
	[tilespmem:v5+s29+$0x0] =	vst.idx.add.f32.msk $0xffff, v1  }
0x2ca: {  	[tilespmem:v11+s29+$0x0] =	vst.idx.add.f32.msk $0xffff, v1  }
0x2cb: {  	[tilespmem:v6+s29+$0x0] =	vst.idx.add.f32.msk $0xffff, v1  }
0x2cc: {  	[tilespmem:v14+s29+$0x0] =	vst.idx.add.f32.msk $0xffff, v1  }
0x2cd: {  	[tilespmem:v7+s29+$0x0] =	vst.idx.add.f32.msk $0xffff, v1  }
0x2ce: {  	[tilespmem:v10+s29+$0x0] =	vst.idx.add.f32.msk $0xffff, v1  }
0x2cf: {  	[tilespmem:v4+s29+$0x0] =	vst.idx.add.f32.msk $0xffff, v1  }
.Ltmp13:
0x2d0: {  	[tilespmem:v15+s29+$0x0] =	vst.idx.add.f32.msk $0xffff, v1;
	(pc) =	sbr.rel @p0 .LBB2_28-.Ltmp13, $4  }
0x2d1: {  	[tilespmem:v8+s29+$0x0] =	vst.idx.add.f32.msk $0xffff, v1  }
0x2d2: {  	[tilespmem:v16+s29+$0x0] =	vst.idx.add.f32.msk $0xffff, v1  }
0x2d3: {  	[tilespmem:v9+s29+$0x0] =	vst.idx.add.f32.msk $0xffff, v1  }
0x2d4: {  	s6 =	sadd.s32 $0x80, s6;
	[tilespmem:v17+s29+$0x0] =	vst.idx.add.f32.msk $0xffff, v1  }
0x2d5: {  	_ =	sdelay $0x3  }
0x2d6: {  	[tilespmem:v3+s29+$0x0] =	vst.idx.add.f32.msk $0xffff, v1  }
0x2d7: {  	[tilespmem:v2+s29+$0x0] =	vst.idx.add.f32.msk $0xffff, v1  }
0x2d8: {  	_ =	swait.ge [sflag:s30], $0x2000  }
0x2d9: {  	[sflag:s30] =	ssyncset.done $0x0  }
0x2da: {  	s5 =	simm.s32 $0x2040;
	[sflag:s30] =	ssyncadd.s32 $0xFFFFE000  }
0x2db: {  	[tilespmem:s2], [sflag:$0x1] =	stream.linear.gather [hbm4b:s18+s2], $0x2000, $0x38;
	[tilespmem:$0xDC00] =	vst v63  }
0x2dc: {  	v2 =	vld [tilespmem:s5+$0x30]  }
0x2dd: {  	v3 =	vld [tilespmem:s5+$0xFFFFFFD0]  }
0x2de: {  	v4 =	vld [tilespmem:s5+$0xFFFFFFE0]  }
0x2df: {  	v5 =	vld [tilespmem:s5+$0xFFFFFFF0];
	_ =	sdelay $0x1  }
0x2e0: {  	v6 =	vand.u32 $0xFFFF, v2  }
0x2e1: {  	v10 =	vld [tilespmem:s5+$0x10];
	v8 =	vand.u32 $0xFFFF, v3  }
0x2e2: {  	v7 =	vld [tilespmem:s5+$0x0];
	v12 =	vand.u32 $0xFFFF, v4  }
0x2e3: {  	v9 =	vld [tilespmem:s5+$0xFFFFFFC0];
	v60 =	vand.u32 $0xFFFF, v5  }
0x2e4: {  	v11 =	vld [tilespmem:s5+$0x20];
	v2 =	vshrl.u32 v2, $0x10  }
0x2e5: {  	v3 =	vshrl.u32 v3, $0x10;
	[tilespmem:v6+s29+$0x0] =	vst.idx.add.f32.msk $0xffff, v1  }
0x2e6: {  	v62 =	vand.u32 $0xFFFF, v10;
	[tilespmem:v8+s29+$0x0] =	vst.idx.add.f32.msk $0xffff, v1  }
0x2e7: {  	v4 =	vshrl.u32 v4, $0x10;
	[tilespmem:v12+s29+$0x0] =	vst.idx.add.f32.msk $0xffff, v1  }
0x2e8: {  	v63 =	vshrl.u32 v10, $0x10;
	[tilespmem:v60+s29+$0x0] =	vst.idx.add.f32.msk $0xffff, v1  }
0x2e9: {  	[tilespmem:v2+s29+$0x0] =	vst.idx.add.f32.msk $0xffff, v1;
	v2 =	vand.u32 $0xFFFF, v9  }
0x2ea: {  	[tilespmem:v3+s29+$0x0] =	vst.idx.add.f32.msk $0xffff, v1;
	v3 =	vshrl.u32 v5, $0x10  }
0x2eb: {  	[tilespmem:v62+s29+$0x0] =	vst.idx.add.f32.msk $0xffff, v1;
	v5 =	vand.u32 $0xFFFF, v7  }
0x2ec: {  	v61 =	vshrl.u32 v9, $0x10;
	[tilespmem:v4+s29+$0x0] =	vst.idx.add.f32.msk $0xffff, v1  }
0x2ed: {  	v4 =	vshrl.u32 v7, $0x10;
	[tilespmem:v63+s29+$0x0] =	vst.idx.add.f32.msk $0xffff, v1  }
0x2ee: {  	[tilespmem:v2+s29+$0x0] =	vst.idx.add.f32.msk $0xffff, v1  }
0x2ef: {  	[tilespmem:v3+s29+$0x0] =	vst.idx.add.f32.msk $0xffff, v1  }
0x2f0: {  	[tilespmem:v5+s29+$0x0] =	vst.idx.add.f32.msk $0xffff, v1  }
0x2f1: {  	[tilespmem:v61+s29+$0x0] =	vst.idx.add.f32.msk $0xffff, v1  }
0x2f2: {  	s6 =	simm.s32 $0x20C0;
	s5 =	simm.s32 $0x0;
	v2 =	vshrl.u32 v11, $0x10;
	v3 =	vand.u32 $0xFFFF, v11;
	[tilespmem:v4+s29+$0x0] =	vst.idx.add.f32.msk $0xffff, v1  }
.LBB2_30:
0x2f3: {  	v4 =	vld [tilespmem:s6+$0x30]  }
0x2f4: {  	s5 =	sadd.s32 $0x80, s5;
	v5 =	vld [tilespmem:s6+$0xFFFFFFD0]  }
0x2f5: {  	p0 =	slt.u32 s5, $0x1F80;
	v6 =	vld [tilespmem:s6+$0xFFFFFFE0]  }
0x2f6: {  	v7 =	vld [tilespmem:s6+$0xFFFFFFF0]  }
0x2f7: {  	v8 =	vld [tilespmem:s6+$0x0]  }
0x2f8: {  	v9 =	vld [tilespmem:s6+$0x10];
	v10 =	vand.u32 $0xFFFF, v4  }
0x2f9: {  	v4 =	vshrl.u32 v4, $0x10;
	v11 =	vshrl.u32 v5, $0x10;
	v5 =	vand.u32 $0xFFFF, v5;
	v12 =	vld [tilespmem:s6+$0x20]  }
0x2fa: {  	v13 =	vld [tilespmem:s6+$0xFFFFFFC0];
	v14 =	vshrl.u32 v6, $0x10;
	v6 =	vand.u32 $0xFFFF, v6  }
0x2fb: {  	v15 =	vshrl.u32 v7, $0x10;
	v7 =	vand.u32 $0xFFFF, v7;
	[tilespmem:v3+s29+$0x0] =	vst.idx.add.f32.msk $0xffff, v1  }
0x2fc: {  	v16 =	vshrl.u32 v8, $0x10;
	v8 =	vand.u32 $0xFFFF, v8;
	[tilespmem:v2+s29+$0x0] =	vst.idx.add.f32.msk $0xffff, v1  }
0x2fd: {  	v17 =	vshrl.u32 v9, $0x10;
	v9 =	vand.u32 $0xFFFF, v9;
	[tilespmem:v10+s29+$0x0] =	vst.idx.add.f32.msk $0xffff, v1  }
0x2fe: {  	v2 =	vshrl.u32 v12, $0x10;
	v3 =	vand.u32 $0xFFFF, v12;
	[tilespmem:v4+s29+$0x0] =	vst.idx.add.f32.msk $0xffff, v1  }
0x2ff: {  	v4 =	vshrl.u32 v13, $0x10;
	v10 =	vand.u32 $0xFFFF, v13;
	[tilespmem:v5+s29+$0x0] =	vst.idx.add.f32.msk $0xffff, v1  }
0x300: {  	[tilespmem:v11+s29+$0x0] =	vst.idx.add.f32.msk $0xffff, v1  }
0x301: {  	[tilespmem:v6+s29+$0x0] =	vst.idx.add.f32.msk $0xffff, v1  }
0x302: {  	[tilespmem:v14+s29+$0x0] =	vst.idx.add.f32.msk $0xffff, v1  }
0x303: {  	[tilespmem:v7+s29+$0x0] =	vst.idx.add.f32.msk $0xffff, v1  }
0x304: {  	[tilespmem:v10+s29+$0x0] =	vst.idx.add.f32.msk $0xffff, v1  }
0x305: {  	[tilespmem:v4+s29+$0x0] =	vst.idx.add.f32.msk $0xffff, v1  }
.Ltmp14:
0x306: {  	[tilespmem:v15+s29+$0x0] =	vst.idx.add.f32.msk $0xffff, v1;
	(pc) =	sbr.rel @p0 .LBB2_30-.Ltmp14, $4  }
0x307: {  	[tilespmem:v8+s29+$0x0] =	vst.idx.add.f32.msk $0xffff, v1  }
0x308: {  	[tilespmem:v16+s29+$0x0] =	vst.idx.add.f32.msk $0xffff, v1  }
0x309: {  	[tilespmem:v9+s29+$0x0] =	vst.idx.add.f32.msk $0xffff, v1  }
0x30a: {  	s6 =	sadd.s32 $0x80, s6;
	[tilespmem:v17+s29+$0x0] =	vst.idx.add.f32.msk $0xffff, v1  }
0x30b: {  	_ =	sdelay $0x3  }
0x30c: {  	[tilespmem:v3+s29+$0x0] =	vst.idx.add.f32.msk $0xffff, v1  }
0x30d: {  	[tilespmem:v2+s29+$0x0] =	vst.idx.add.f32.msk $0xffff, v1  }
0x30e: {  	_ =	swait.ge [sflag:s26], $0x2000  }
0x30f: {  	[sflag:s26] =	ssyncset.done $0x0  }
0x310: {  	s5 =	simm.s32 $0x40;
	[sflag:s26] =	ssyncadd.s32 $0xFFFFE000  }
0x311: {  	[tilespmem:s28], [sflag:$0x2] =	stream.linear.gather [hbm4b:s19+s2], $0x2000, $0x38;
	[tilespmem:$0xDC00] =	vst v63  }
0x312: {  	v2 =	vld [tilespmem:s5+$0x30]  }
0x313: {  	v3 =	vld [tilespmem:s5+$0xFFFFFFD0]  }
0x314: {  	v4 =	vld [tilespmem:s5+$0xFFFFFFE0]  }
0x315: {  	v5 =	vld [tilespmem:s5+$0xFFFFFFF0];
	_ =	sdelay $0x1  }
0x316: {  	v6 =	vand.u32 $0xFFFF, v2  }
0x317: {  	v10 =	vld [tilespmem:s5+$0x10];
	v8 =	vand.u32 $0xFFFF, v3  }
0x318: {  	v7 =	vld [tilespmem:s5+$0x0];
	v12 =	vand.u32 $0xFFFF, v4  }
0x319: {  	v9 =	vld [tilespmem:s5+$0xFFFFFFC0];
	v60 =	vand.u32 $0xFFFF, v5  }
0x31a: {  	v11 =	vld [tilespmem:s5+$0x20];
	v2 =	vshrl.u32 v2, $0x10  }
0x31b: {  	v3 =	vshrl.u32 v3, $0x10;
	[tilespmem:v6+s29+$0x0] =	vst.idx.add.f32.msk $0xffff, v1  }
0x31c: {  	v62 =	vand.u32 $0xFFFF, v10;
	[tilespmem:v8+s29+$0x0] =	vst.idx.add.f32.msk $0xffff, v1  }
0x31d: {  	v4 =	vshrl.u32 v4, $0x10;
	[tilespmem:v12+s29+$0x0] =	vst.idx.add.f32.msk $0xffff, v1  }
0x31e: {  	v63 =	vshrl.u32 v10, $0x10;
	[tilespmem:v60+s29+$0x0] =	vst.idx.add.f32.msk $0xffff, v1  }
0x31f: {  	[tilespmem:v2+s29+$0x0] =	vst.idx.add.f32.msk $0xffff, v1;
	v2 =	vand.u32 $0xFFFF, v9  }
0x320: {  	[tilespmem:v3+s29+$0x0] =	vst.idx.add.f32.msk $0xffff, v1;
	v3 =	vshrl.u32 v5, $0x10  }
0x321: {  	[tilespmem:v62+s29+$0x0] =	vst.idx.add.f32.msk $0xffff, v1;
	v5 =	vand.u32 $0xFFFF, v7  }
0x322: {  	v61 =	vshrl.u32 v9, $0x10;
	[tilespmem:v4+s29+$0x0] =	vst.idx.add.f32.msk $0xffff, v1  }
0x323: {  	v4 =	vshrl.u32 v7, $0x10;
	[tilespmem:v63+s29+$0x0] =	vst.idx.add.f32.msk $0xffff, v1  }
0x324: {  	[tilespmem:v2+s29+$0x0] =	vst.idx.add.f32.msk $0xffff, v1  }
0x325: {  	[tilespmem:v3+s29+$0x0] =	vst.idx.add.f32.msk $0xffff, v1  }
0x326: {  	[tilespmem:v5+s29+$0x0] =	vst.idx.add.f32.msk $0xffff, v1  }
0x327: {  	[tilespmem:v61+s29+$0x0] =	vst.idx.add.f32.msk $0xffff, v1  }
0x328: {  	s6 =	simm.s32 $0xC0;
	s5 =	simm.s32 $0x0;
	v2 =	vshrl.u32 v11, $0x10;
	v3 =	vand.u32 $0xFFFF, v11;
	[tilespmem:v4+s29+$0x0] =	vst.idx.add.f32.msk $0xffff, v1  }
.LBB2_32:
0x329: {  	v4 =	vld [tilespmem:s6+$0x30]  }
0x32a: {  	s5 =	sadd.s32 $0x80, s5;
	v5 =	vld [tilespmem:s6+$0xFFFFFFD0]  }
0x32b: {  	p0 =	slt.u32 s5, $0x1F80;
	v6 =	vld [tilespmem:s6+$0xFFFFFFE0]  }
0x32c: {  	v7 =	vld [tilespmem:s6+$0xFFFFFFF0]  }
0x32d: {  	v8 =	vld [tilespmem:s6+$0x0]  }
0x32e: {  	v9 =	vld [tilespmem:s6+$0x10];
	v10 =	vand.u32 $0xFFFF, v4  }
0x32f: {  	v4 =	vshrl.u32 v4, $0x10;
	v11 =	vshrl.u32 v5, $0x10;
	v5 =	vand.u32 $0xFFFF, v5;
	v12 =	vld [tilespmem:s6+$0x20]  }
0x330: {  	v13 =	vld [tilespmem:s6+$0xFFFFFFC0];
	v14 =	vshrl.u32 v6, $0x10;
	v6 =	vand.u32 $0xFFFF, v6  }
0x331: {  	v15 =	vshrl.u32 v7, $0x10;
	v7 =	vand.u32 $0xFFFF, v7;
	[tilespmem:v3+s29+$0x0] =	vst.idx.add.f32.msk $0xffff, v1  }
0x332: {  	v16 =	vshrl.u32 v8, $0x10;
	v8 =	vand.u32 $0xFFFF, v8;
	[tilespmem:v2+s29+$0x0] =	vst.idx.add.f32.msk $0xffff, v1  }
0x333: {  	v17 =	vshrl.u32 v9, $0x10;
	v9 =	vand.u32 $0xFFFF, v9;
	[tilespmem:v10+s29+$0x0] =	vst.idx.add.f32.msk $0xffff, v1  }
0x334: {  	v2 =	vshrl.u32 v12, $0x10;
	v3 =	vand.u32 $0xFFFF, v12;
	[tilespmem:v4+s29+$0x0] =	vst.idx.add.f32.msk $0xffff, v1  }
0x335: {  	v4 =	vshrl.u32 v13, $0x10;
	v10 =	vand.u32 $0xFFFF, v13;
	[tilespmem:v5+s29+$0x0] =	vst.idx.add.f32.msk $0xffff, v1  }
0x336: {  	[tilespmem:v11+s29+$0x0] =	vst.idx.add.f32.msk $0xffff, v1  }
0x337: {  	[tilespmem:v6+s29+$0x0] =	vst.idx.add.f32.msk $0xffff, v1  }
0x338: {  	[tilespmem:v14+s29+$0x0] =	vst.idx.add.f32.msk $0xffff, v1  }
0x339: {  	[tilespmem:v7+s29+$0x0] =	vst.idx.add.f32.msk $0xffff, v1  }
0x33a: {  	[tilespmem:v10+s29+$0x0] =	vst.idx.add.f32.msk $0xffff, v1  }
0x33b: {  	[tilespmem:v4+s29+$0x0] =	vst.idx.add.f32.msk $0xffff, v1  }
.Ltmp15:
0x33c: {  	[tilespmem:v15+s29+$0x0] =	vst.idx.add.f32.msk $0xffff, v1;
	(pc) =	sbr.rel @p0 .LBB2_32-.Ltmp15, $4  }
0x33d: {  	[tilespmem:v8+s29+$0x0] =	vst.idx.add.f32.msk $0xffff, v1  }
0x33e: {  	[tilespmem:v16+s29+$0x0] =	vst.idx.add.f32.msk $0xffff, v1  }
0x33f: {  	[tilespmem:v9+s29+$0x0] =	vst.idx.add.f32.msk $0xffff, v1  }
0x340: {  	s6 =	sadd.s32 $0x80, s6;
	[tilespmem:v17+s29+$0x0] =	vst.idx.add.f32.msk $0xffff, v1  }
0x341: {  	_ =	sdelay $0x3  }
0x342: {  	[tilespmem:v3+s29+$0x0] =	vst.idx.add.f32.msk $0xffff, v1  }
0x343: {  	[tilespmem:v2+s29+$0x0] =	vst.idx.add.f32.msk $0xffff, v1  }
0x344: {  	_ =	swait.ge [sflag:s30], $0x2000  }
0x345: {  	[sflag:s30] =	ssyncset.done $0x0  }
0x346: {  	s5 =	simm.s32 $0x2040;
	[sflag:s30] =	ssyncadd.s32 $0xFFFFE000  }
0x347: {  	[tilespmem:s2], [sflag:$0x1] =	stream.linear.gather [hbm4b:s20+s2], $0x2000, $0x38;
	[tilespmem:$0xDC00] =	vst v63  }
0x348: {  	v2 =	vld [tilespmem:s5+$0x30]  }
0x349: {  	v3 =	vld [tilespmem:s5+$0xFFFFFFD0]  }
0x34a: {  	v4 =	vld [tilespmem:s5+$0xFFFFFFE0]  }
0x34b: {  	v5 =	vld [tilespmem:s5+$0xFFFFFFF0];
	_ =	sdelay $0x1  }
0x34c: {  	v6 =	vand.u32 $0xFFFF, v2  }
0x34d: {  	v10 =	vld [tilespmem:s5+$0x10];
	v8 =	vand.u32 $0xFFFF, v3  }
0x34e: {  	v7 =	vld [tilespmem:s5+$0x0];
	v12 =	vand.u32 $0xFFFF, v4  }
0x34f: {  	v9 =	vld [tilespmem:s5+$0xFFFFFFC0];
	v60 =	vand.u32 $0xFFFF, v5  }
0x350: {  	v11 =	vld [tilespmem:s5+$0x20];
	v2 =	vshrl.u32 v2, $0x10  }
0x351: {  	v3 =	vshrl.u32 v3, $0x10;
	[tilespmem:v6+s29+$0x0] =	vst.idx.add.f32.msk $0xffff, v1  }
0x352: {  	v62 =	vand.u32 $0xFFFF, v10;
	[tilespmem:v8+s29+$0x0] =	vst.idx.add.f32.msk $0xffff, v1  }
0x353: {  	v4 =	vshrl.u32 v4, $0x10;
	[tilespmem:v12+s29+$0x0] =	vst.idx.add.f32.msk $0xffff, v1  }
0x354: {  	v63 =	vshrl.u32 v10, $0x10;
	[tilespmem:v60+s29+$0x0] =	vst.idx.add.f32.msk $0xffff, v1  }
0x355: {  	[tilespmem:v2+s29+$0x0] =	vst.idx.add.f32.msk $0xffff, v1;
	v2 =	vand.u32 $0xFFFF, v9  }
0x356: {  	[tilespmem:v3+s29+$0x0] =	vst.idx.add.f32.msk $0xffff, v1;
	v3 =	vshrl.u32 v5, $0x10  }
0x357: {  	[tilespmem:v62+s29+$0x0] =	vst.idx.add.f32.msk $0xffff, v1;
	v5 =	vand.u32 $0xFFFF, v7  }
0x358: {  	v61 =	vshrl.u32 v9, $0x10;
	[tilespmem:v4+s29+$0x0] =	vst.idx.add.f32.msk $0xffff, v1  }
0x359: {  	v4 =	vshrl.u32 v7, $0x10;
	[tilespmem:v63+s29+$0x0] =	vst.idx.add.f32.msk $0xffff, v1  }
0x35a: {  	[tilespmem:v2+s29+$0x0] =	vst.idx.add.f32.msk $0xffff, v1  }
0x35b: {  	[tilespmem:v3+s29+$0x0] =	vst.idx.add.f32.msk $0xffff, v1  }
0x35c: {  	[tilespmem:v5+s29+$0x0] =	vst.idx.add.f32.msk $0xffff, v1  }
0x35d: {  	[tilespmem:v61+s29+$0x0] =	vst.idx.add.f32.msk $0xffff, v1  }
0x35e: {  	s6 =	simm.s32 $0x20C0;
	s5 =	simm.s32 $0x0;
	v2 =	vshrl.u32 v11, $0x10;
	v3 =	vand.u32 $0xFFFF, v11;
	[tilespmem:v4+s29+$0x0] =	vst.idx.add.f32.msk $0xffff, v1  }
.LBB2_34:
0x35f: {  	v4 =	vld [tilespmem:s6+$0x30]  }
0x360: {  	s5 =	sadd.s32 $0x80, s5;
	v5 =	vld [tilespmem:s6+$0xFFFFFFD0]  }
0x361: {  	p0 =	slt.u32 s5, $0x1F80;
	v6 =	vld [tilespmem:s6+$0xFFFFFFE0]  }
0x362: {  	v7 =	vld [tilespmem:s6+$0xFFFFFFF0]  }
0x363: {  	v8 =	vld [tilespmem:s6+$0x0]  }
0x364: {  	v9 =	vld [tilespmem:s6+$0x10];
	v10 =	vand.u32 $0xFFFF, v4  }
0x365: {  	v4 =	vshrl.u32 v4, $0x10;
	v11 =	vshrl.u32 v5, $0x10;
	v5 =	vand.u32 $0xFFFF, v5;
	v12 =	vld [tilespmem:s6+$0x20]  }
0x366: {  	v13 =	vld [tilespmem:s6+$0xFFFFFFC0];
	v14 =	vshrl.u32 v6, $0x10;
	v6 =	vand.u32 $0xFFFF, v6  }
0x367: {  	v15 =	vshrl.u32 v7, $0x10;
	v7 =	vand.u32 $0xFFFF, v7;
	[tilespmem:v3+s29+$0x0] =	vst.idx.add.f32.msk $0xffff, v1  }
0x368: {  	v16 =	vshrl.u32 v8, $0x10;
	v8 =	vand.u32 $0xFFFF, v8;
	[tilespmem:v2+s29+$0x0] =	vst.idx.add.f32.msk $0xffff, v1  }
0x369: {  	v17 =	vshrl.u32 v9, $0x10;
	v9 =	vand.u32 $0xFFFF, v9;
	[tilespmem:v10+s29+$0x0] =	vst.idx.add.f32.msk $0xffff, v1  }
0x36a: {  	v2 =	vshrl.u32 v12, $0x10;
	v3 =	vand.u32 $0xFFFF, v12;
	[tilespmem:v4+s29+$0x0] =	vst.idx.add.f32.msk $0xffff, v1  }
0x36b: {  	v4 =	vshrl.u32 v13, $0x10;
	v10 =	vand.u32 $0xFFFF, v13;
	[tilespmem:v5+s29+$0x0] =	vst.idx.add.f32.msk $0xffff, v1  }
0x36c: {  	[tilespmem:v11+s29+$0x0] =	vst.idx.add.f32.msk $0xffff, v1  }
0x36d: {  	[tilespmem:v6+s29+$0x0] =	vst.idx.add.f32.msk $0xffff, v1  }
0x36e: {  	[tilespmem:v14+s29+$0x0] =	vst.idx.add.f32.msk $0xffff, v1  }
0x36f: {  	[tilespmem:v7+s29+$0x0] =	vst.idx.add.f32.msk $0xffff, v1  }
0x370: {  	[tilespmem:v10+s29+$0x0] =	vst.idx.add.f32.msk $0xffff, v1  }
0x371: {  	[tilespmem:v4+s29+$0x0] =	vst.idx.add.f32.msk $0xffff, v1  }
.Ltmp16:
0x372: {  	[tilespmem:v15+s29+$0x0] =	vst.idx.add.f32.msk $0xffff, v1;
	(pc) =	sbr.rel @p0 .LBB2_34-.Ltmp16, $4  }
0x373: {  	[tilespmem:v8+s29+$0x0] =	vst.idx.add.f32.msk $0xffff, v1  }
0x374: {  	[tilespmem:v16+s29+$0x0] =	vst.idx.add.f32.msk $0xffff, v1  }
0x375: {  	[tilespmem:v9+s29+$0x0] =	vst.idx.add.f32.msk $0xffff, v1  }
0x376: {  	s6 =	sadd.s32 $0x80, s6;
	[tilespmem:v17+s29+$0x0] =	vst.idx.add.f32.msk $0xffff, v1  }
0x377: {  	_ =	sdelay $0x3  }
0x378: {  	[tilespmem:v3+s29+$0x0] =	vst.idx.add.f32.msk $0xffff, v1  }
0x379: {  	[tilespmem:v2+s29+$0x0] =	vst.idx.add.f32.msk $0xffff, v1  }
0x37a: {  	_ =	swait.ge [sflag:s26], $0x2000  }
0x37b: {  	[sflag:s26] =	ssyncset.done $0x0  }
0x37c: {  	s5 =	simm.s32 $0x40;
	[sflag:s26] =	ssyncadd.s32 $0xFFFFE000  }
0x37d: {  	[tilespmem:s28], [sflag:$0x2] =	stream.linear.gather [hbm4b:s21+s2], $0x2000, $0x38;
	[tilespmem:$0xDC00] =	vst v63  }
0x37e: {  	v2 =	vld [tilespmem:s5+$0x30]  }
0x37f: {  	v3 =	vld [tilespmem:s5+$0xFFFFFFD0]  }
0x380: {  	v4 =	vld [tilespmem:s5+$0xFFFFFFE0]  }
0x381: {  	v5 =	vld [tilespmem:s5+$0xFFFFFFF0];
	_ =	sdelay $0x1  }
0x382: {  	v6 =	vand.u32 $0xFFFF, v2  }
0x383: {  	v10 =	vld [tilespmem:s5+$0x10];
	v8 =	vand.u32 $0xFFFF, v3  }
0x384: {  	v7 =	vld [tilespmem:s5+$0x0];
	v12 =	vand.u32 $0xFFFF, v4  }
0x385: {  	v9 =	vld [tilespmem:s5+$0xFFFFFFC0];
	v60 =	vand.u32 $0xFFFF, v5  }
0x386: {  	v11 =	vld [tilespmem:s5+$0x20];
	v2 =	vshrl.u32 v2, $0x10  }
0x387: {  	v3 =	vshrl.u32 v3, $0x10;
	[tilespmem:v6+s29+$0x0] =	vst.idx.add.f32.msk $0xffff, v1  }
0x388: {  	v62 =	vand.u32 $0xFFFF, v10;
	[tilespmem:v8+s29+$0x0] =	vst.idx.add.f32.msk $0xffff, v1  }
0x389: {  	v4 =	vshrl.u32 v4, $0x10;
	[tilespmem:v12+s29+$0x0] =	vst.idx.add.f32.msk $0xffff, v1  }
0x38a: {  	v63 =	vshrl.u32 v10, $0x10;
	[tilespmem:v60+s29+$0x0] =	vst.idx.add.f32.msk $0xffff, v1  }
0x38b: {  	[tilespmem:v2+s29+$0x0] =	vst.idx.add.f32.msk $0xffff, v1;
	v2 =	vand.u32 $0xFFFF, v9  }
0x38c: {  	[tilespmem:v3+s29+$0x0] =	vst.idx.add.f32.msk $0xffff, v1;
	v3 =	vshrl.u32 v5, $0x10  }
0x38d: {  	[tilespmem:v62+s29+$0x0] =	vst.idx.add.f32.msk $0xffff, v1;
	v5 =	vand.u32 $0xFFFF, v7  }
0x38e: {  	v61 =	vshrl.u32 v9, $0x10;
	[tilespmem:v4+s29+$0x0] =	vst.idx.add.f32.msk $0xffff, v1  }
0x38f: {  	v4 =	vshrl.u32 v7, $0x10;
	[tilespmem:v63+s29+$0x0] =	vst.idx.add.f32.msk $0xffff, v1  }
0x390: {  	[tilespmem:v2+s29+$0x0] =	vst.idx.add.f32.msk $0xffff, v1  }
0x391: {  	[tilespmem:v3+s29+$0x0] =	vst.idx.add.f32.msk $0xffff, v1  }
0x392: {  	[tilespmem:v5+s29+$0x0] =	vst.idx.add.f32.msk $0xffff, v1  }
0x393: {  	[tilespmem:v61+s29+$0x0] =	vst.idx.add.f32.msk $0xffff, v1  }
0x394: {  	s6 =	simm.s32 $0xC0;
	s5 =	simm.s32 $0x0;
	v2 =	vshrl.u32 v11, $0x10;
	v3 =	vand.u32 $0xFFFF, v11;
	[tilespmem:v4+s29+$0x0] =	vst.idx.add.f32.msk $0xffff, v1  }
.LBB2_36:
0x395: {  	v4 =	vld [tilespmem:s6+$0x30]  }
0x396: {  	s5 =	sadd.s32 $0x80, s5;
	v5 =	vld [tilespmem:s6+$0xFFFFFFD0]  }
0x397: {  	p0 =	slt.u32 s5, $0x1F80;
	v6 =	vld [tilespmem:s6+$0xFFFFFFE0]  }
0x398: {  	v7 =	vld [tilespmem:s6+$0xFFFFFFF0]  }
0x399: {  	v8 =	vld [tilespmem:s6+$0x0]  }
0x39a: {  	v9 =	vld [tilespmem:s6+$0x10];
	v10 =	vand.u32 $0xFFFF, v4  }
0x39b: {  	v4 =	vshrl.u32 v4, $0x10;
	v11 =	vshrl.u32 v5, $0x10;
	v5 =	vand.u32 $0xFFFF, v5;
	v12 =	vld [tilespmem:s6+$0x20]  }
0x39c: {  	v13 =	vld [tilespmem:s6+$0xFFFFFFC0];
	v14 =	vshrl.u32 v6, $0x10;
	v6 =	vand.u32 $0xFFFF, v6  }
0x39d: {  	v15 =	vshrl.u32 v7, $0x10;
	v7 =	vand.u32 $0xFFFF, v7;
	[tilespmem:v3+s29+$0x0] =	vst.idx.add.f32.msk $0xffff, v1  }
0x39e: {  	v16 =	vshrl.u32 v8, $0x10;
	v8 =	vand.u32 $0xFFFF, v8;
	[tilespmem:v2+s29+$0x0] =	vst.idx.add.f32.msk $0xffff, v1  }
0x39f: {  	v17 =	vshrl.u32 v9, $0x10;
	v9 =	vand.u32 $0xFFFF, v9;
	[tilespmem:v10+s29+$0x0] =	vst.idx.add.f32.msk $0xffff, v1  }
0x3a0: {  	v2 =	vshrl.u32 v12, $0x10;
	v3 =	vand.u32 $0xFFFF, v12;
	[tilespmem:v4+s29+$0x0] =	vst.idx.add.f32.msk $0xffff, v1  }
0x3a1: {  	v4 =	vshrl.u32 v13, $0x10;
	v10 =	vand.u32 $0xFFFF, v13;
	[tilespmem:v5+s29+$0x0] =	vst.idx.add.f32.msk $0xffff, v1  }
0x3a2: {  	[tilespmem:v11+s29+$0x0] =	vst.idx.add.f32.msk $0xffff, v1  }
0x3a3: {  	[tilespmem:v6+s29+$0x0] =	vst.idx.add.f32.msk $0xffff, v1  }
0x3a4: {  	[tilespmem:v14+s29+$0x0] =	vst.idx.add.f32.msk $0xffff, v1  }
0x3a5: {  	[tilespmem:v7+s29+$0x0] =	vst.idx.add.f32.msk $0xffff, v1  }
0x3a6: {  	[tilespmem:v10+s29+$0x0] =	vst.idx.add.f32.msk $0xffff, v1  }
0x3a7: {  	[tilespmem:v4+s29+$0x0] =	vst.idx.add.f32.msk $0xffff, v1  }
.Ltmp17:
0x3a8: {  	[tilespmem:v15+s29+$0x0] =	vst.idx.add.f32.msk $0xffff, v1;
	(pc) =	sbr.rel @p0 .LBB2_36-.Ltmp17, $4  }
0x3a9: {  	[tilespmem:v8+s29+$0x0] =	vst.idx.add.f32.msk $0xffff, v1  }
0x3aa: {  	[tilespmem:v16+s29+$0x0] =	vst.idx.add.f32.msk $0xffff, v1  }
0x3ab: {  	[tilespmem:v9+s29+$0x0] =	vst.idx.add.f32.msk $0xffff, v1  }
0x3ac: {  	s6 =	sadd.s32 $0x80, s6;
	[tilespmem:v17+s29+$0x0] =	vst.idx.add.f32.msk $0xffff, v1  }
0x3ad: {  	_ =	sdelay $0x3  }
0x3ae: {  	[tilespmem:v3+s29+$0x0] =	vst.idx.add.f32.msk $0xffff, v1  }
0x3af: {  	[tilespmem:v2+s29+$0x0] =	vst.idx.add.f32.msk $0xffff, v1  }
0x3b0: {  	_ =	swait.ge [sflag:s30], $0x2000  }
0x3b1: {  	[sflag:s30] =	ssyncset.done $0x0  }
0x3b2: {  	s5 =	simm.s32 $0x2040;
	[sflag:s30] =	ssyncadd.s32 $0xFFFFE000  }
0x3b3: {  	[tilespmem:s2], [sflag:$0x1] =	stream.linear.gather [hbm4b:s22+s2], $0x2000, $0x38;
	[tilespmem:$0xDC00] =	vst v63  }
0x3b4: {  	v2 =	vld [tilespmem:s5+$0x30]  }
0x3b5: {  	v3 =	vld [tilespmem:s5+$0xFFFFFFD0]  }
0x3b6: {  	v4 =	vld [tilespmem:s5+$0xFFFFFFE0]  }
0x3b7: {  	v5 =	vld [tilespmem:s5+$0xFFFFFFF0];
	_ =	sdelay $0x1  }
0x3b8: {  	v6 =	vand.u32 $0xFFFF, v2  }
0x3b9: {  	v10 =	vld [tilespmem:s5+$0x10];
	v8 =	vand.u32 $0xFFFF, v3  }
0x3ba: {  	v7 =	vld [tilespmem:s5+$0x0];
	v12 =	vand.u32 $0xFFFF, v4  }
0x3bb: {  	v9 =	vld [tilespmem:s5+$0xFFFFFFC0];
	v60 =	vand.u32 $0xFFFF, v5  }
0x3bc: {  	v11 =	vld [tilespmem:s5+$0x20];
	v2 =	vshrl.u32 v2, $0x10  }
0x3bd: {  	v3 =	vshrl.u32 v3, $0x10;
	[tilespmem:v6+s29+$0x0] =	vst.idx.add.f32.msk $0xffff, v1  }
0x3be: {  	v62 =	vand.u32 $0xFFFF, v10;
	[tilespmem:v8+s29+$0x0] =	vst.idx.add.f32.msk $0xffff, v1  }
0x3bf: {  	v4 =	vshrl.u32 v4, $0x10;
	[tilespmem:v12+s29+$0x0] =	vst.idx.add.f32.msk $0xffff, v1  }
0x3c0: {  	v63 =	vshrl.u32 v10, $0x10;
	[tilespmem:v60+s29+$0x0] =	vst.idx.add.f32.msk $0xffff, v1  }
0x3c1: {  	[tilespmem:v2+s29+$0x0] =	vst.idx.add.f32.msk $0xffff, v1;
	v2 =	vand.u32 $0xFFFF, v9  }
0x3c2: {  	[tilespmem:v3+s29+$0x0] =	vst.idx.add.f32.msk $0xffff, v1;
	v3 =	vshrl.u32 v5, $0x10  }
0x3c3: {  	[tilespmem:v62+s29+$0x0] =	vst.idx.add.f32.msk $0xffff, v1;
	v5 =	vand.u32 $0xFFFF, v7  }
0x3c4: {  	v61 =	vshrl.u32 v9, $0x10;
	[tilespmem:v4+s29+$0x0] =	vst.idx.add.f32.msk $0xffff, v1  }
0x3c5: {  	v4 =	vshrl.u32 v7, $0x10;
	[tilespmem:v63+s29+$0x0] =	vst.idx.add.f32.msk $0xffff, v1  }
0x3c6: {  	[tilespmem:v2+s29+$0x0] =	vst.idx.add.f32.msk $0xffff, v1  }
0x3c7: {  	[tilespmem:v3+s29+$0x0] =	vst.idx.add.f32.msk $0xffff, v1  }
0x3c8: {  	[tilespmem:v5+s29+$0x0] =	vst.idx.add.f32.msk $0xffff, v1  }
0x3c9: {  	[tilespmem:v61+s29+$0x0] =	vst.idx.add.f32.msk $0xffff, v1  }
0x3ca: {  	s6 =	simm.s32 $0x20C0;
	s5 =	simm.s32 $0x0;
	v2 =	vshrl.u32 v11, $0x10;
	v3 =	vand.u32 $0xFFFF, v11;
	[tilespmem:v4+s29+$0x0] =	vst.idx.add.f32.msk $0xffff, v1  }
.LBB2_38:
0x3cb: {  	v4 =	vld [tilespmem:s6+$0x30]  }
0x3cc: {  	s5 =	sadd.s32 $0x80, s5;
	v5 =	vld [tilespmem:s6+$0xFFFFFFD0]  }
0x3cd: {  	p0 =	slt.u32 s5, $0x1F80;
	v6 =	vld [tilespmem:s6+$0xFFFFFFE0]  }
0x3ce: {  	v7 =	vld [tilespmem:s6+$0xFFFFFFF0]  }
0x3cf: {  	v8 =	vld [tilespmem:s6+$0x0]  }
0x3d0: {  	v9 =	vld [tilespmem:s6+$0x10];
	v10 =	vand.u32 $0xFFFF, v4  }
0x3d1: {  	v4 =	vshrl.u32 v4, $0x10;
	v11 =	vshrl.u32 v5, $0x10;
	v5 =	vand.u32 $0xFFFF, v5;
	v12 =	vld [tilespmem:s6+$0x20]  }
0x3d2: {  	v13 =	vld [tilespmem:s6+$0xFFFFFFC0];
	v14 =	vshrl.u32 v6, $0x10;
	v6 =	vand.u32 $0xFFFF, v6  }
0x3d3: {  	v15 =	vshrl.u32 v7, $0x10;
	v7 =	vand.u32 $0xFFFF, v7;
	[tilespmem:v3+s29+$0x0] =	vst.idx.add.f32.msk $0xffff, v1  }
0x3d4: {  	v16 =	vshrl.u32 v8, $0x10;
	v8 =	vand.u32 $0xFFFF, v8;
	[tilespmem:v2+s29+$0x0] =	vst.idx.add.f32.msk $0xffff, v1  }
0x3d5: {  	v17 =	vshrl.u32 v9, $0x10;
	v9 =	vand.u32 $0xFFFF, v9;
	[tilespmem:v10+s29+$0x0] =	vst.idx.add.f32.msk $0xffff, v1  }
0x3d6: {  	v2 =	vshrl.u32 v12, $0x10;
	v3 =	vand.u32 $0xFFFF, v12;
	[tilespmem:v4+s29+$0x0] =	vst.idx.add.f32.msk $0xffff, v1  }
0x3d7: {  	v4 =	vshrl.u32 v13, $0x10;
	v10 =	vand.u32 $0xFFFF, v13;
	[tilespmem:v5+s29+$0x0] =	vst.idx.add.f32.msk $0xffff, v1  }
0x3d8: {  	[tilespmem:v11+s29+$0x0] =	vst.idx.add.f32.msk $0xffff, v1  }
0x3d9: {  	[tilespmem:v6+s29+$0x0] =	vst.idx.add.f32.msk $0xffff, v1  }
0x3da: {  	[tilespmem:v14+s29+$0x0] =	vst.idx.add.f32.msk $0xffff, v1  }
0x3db: {  	[tilespmem:v7+s29+$0x0] =	vst.idx.add.f32.msk $0xffff, v1  }
0x3dc: {  	[tilespmem:v10+s29+$0x0] =	vst.idx.add.f32.msk $0xffff, v1  }
0x3dd: {  	[tilespmem:v4+s29+$0x0] =	vst.idx.add.f32.msk $0xffff, v1  }
.Ltmp18:
0x3de: {  	[tilespmem:v15+s29+$0x0] =	vst.idx.add.f32.msk $0xffff, v1;
	(pc) =	sbr.rel @p0 .LBB2_38-.Ltmp18, $4  }
0x3df: {  	[tilespmem:v8+s29+$0x0] =	vst.idx.add.f32.msk $0xffff, v1  }
0x3e0: {  	[tilespmem:v16+s29+$0x0] =	vst.idx.add.f32.msk $0xffff, v1  }
0x3e1: {  	[tilespmem:v9+s29+$0x0] =	vst.idx.add.f32.msk $0xffff, v1  }
0x3e2: {  	s6 =	sadd.s32 $0x80, s6;
	[tilespmem:v17+s29+$0x0] =	vst.idx.add.f32.msk $0xffff, v1  }
0x3e3: {  	_ =	sdelay $0x3  }
0x3e4: {  	[tilespmem:v3+s29+$0x0] =	vst.idx.add.f32.msk $0xffff, v1  }
0x3e5: {  	[tilespmem:v2+s29+$0x0] =	vst.idx.add.f32.msk $0xffff, v1  }
0x3e6: {  	_ =	swait.ge [sflag:s26], $0x2000  }
0x3e7: {  	[sflag:s26] =	ssyncset.done $0x0  }
0x3e8: {  	s5 =	simm.s32 $0x40;
	[sflag:s26] =	ssyncadd.s32 $0xFFFFE000  }
0x3e9: {  	[tilespmem:s28], [sflag:$0x2] =	stream.linear.gather [hbm4b:s23+s2], $0x2000, $0x38;
	[tilespmem:$0xDC00] =	vst v63  }
0x3ea: {  	v2 =	vld [tilespmem:s5+$0x30]  }
0x3eb: {  	v3 =	vld [tilespmem:s5+$0xFFFFFFD0]  }
0x3ec: {  	v4 =	vld [tilespmem:s5+$0xFFFFFFE0]  }
0x3ed: {  	v5 =	vld [tilespmem:s5+$0xFFFFFFF0];
	_ =	sdelay $0x1  }
0x3ee: {  	v6 =	vand.u32 $0xFFFF, v2  }
0x3ef: {  	v10 =	vld [tilespmem:s5+$0x10];
	v8 =	vand.u32 $0xFFFF, v3  }
0x3f0: {  	v7 =	vld [tilespmem:s5+$0x0];
	v12 =	vand.u32 $0xFFFF, v4  }
0x3f1: {  	v9 =	vld [tilespmem:s5+$0xFFFFFFC0];
	v60 =	vand.u32 $0xFFFF, v5  }
0x3f2: {  	v11 =	vld [tilespmem:s5+$0x20];
	v2 =	vshrl.u32 v2, $0x10  }
0x3f3: {  	v3 =	vshrl.u32 v3, $0x10;
	[tilespmem:v6+s29+$0x0] =	vst.idx.add.f32.msk $0xffff, v1  }
0x3f4: {  	v62 =	vand.u32 $0xFFFF, v10;
	[tilespmem:v8+s29+$0x0] =	vst.idx.add.f32.msk $0xffff, v1  }
0x3f5: {  	v4 =	vshrl.u32 v4, $0x10;
	[tilespmem:v12+s29+$0x0] =	vst.idx.add.f32.msk $0xffff, v1  }
0x3f6: {  	v63 =	vshrl.u32 v10, $0x10;
	[tilespmem:v60+s29+$0x0] =	vst.idx.add.f32.msk $0xffff, v1  }
0x3f7: {  	[tilespmem:v2+s29+$0x0] =	vst.idx.add.f32.msk $0xffff, v1;
	v2 =	vand.u32 $0xFFFF, v9  }
0x3f8: {  	[tilespmem:v3+s29+$0x0] =	vst.idx.add.f32.msk $0xffff, v1;
	v3 =	vshrl.u32 v5, $0x10  }
0x3f9: {  	[tilespmem:v62+s29+$0x0] =	vst.idx.add.f32.msk $0xffff, v1;
	v5 =	vand.u32 $0xFFFF, v7  }
0x3fa: {  	v61 =	vshrl.u32 v9, $0x10;
	[tilespmem:v4+s29+$0x0] =	vst.idx.add.f32.msk $0xffff, v1  }
0x3fb: {  	v4 =	vshrl.u32 v7, $0x10;
	[tilespmem:v63+s29+$0x0] =	vst.idx.add.f32.msk $0xffff, v1  }
0x3fc: {  	[tilespmem:v2+s29+$0x0] =	vst.idx.add.f32.msk $0xffff, v1  }
0x3fd: {  	[tilespmem:v3+s29+$0x0] =	vst.idx.add.f32.msk $0xffff, v1  }
0x3fe: {  	[tilespmem:v5+s29+$0x0] =	vst.idx.add.f32.msk $0xffff, v1  }
0x3ff: {  	[tilespmem:v61+s29+$0x0] =	vst.idx.add.f32.msk $0xffff, v1  }
0x400: {  	s6 =	simm.s32 $0xC0;
	s5 =	simm.s32 $0x0;
	v2 =	vshrl.u32 v11, $0x10;
	v3 =	vand.u32 $0xFFFF, v11;
	[tilespmem:v4+s29+$0x0] =	vst.idx.add.f32.msk $0xffff, v1  }
.LBB2_40:
0x401: {  	v4 =	vld [tilespmem:s6+$0x30]  }
0x402: {  	s5 =	sadd.s32 $0x80, s5;
	v5 =	vld [tilespmem:s6+$0xFFFFFFD0]  }
0x403: {  	p0 =	slt.u32 s5, $0x1F80;
	v6 =	vld [tilespmem:s6+$0xFFFFFFE0]  }
0x404: {  	v7 =	vld [tilespmem:s6+$0xFFFFFFF0]  }
0x405: {  	v8 =	vld [tilespmem:s6+$0x0]  }
0x406: {  	v9 =	vld [tilespmem:s6+$0x10];
	v10 =	vand.u32 $0xFFFF, v4  }
0x407: {  	v4 =	vshrl.u32 v4, $0x10;
	v11 =	vshrl.u32 v5, $0x10;
	v5 =	vand.u32 $0xFFFF, v5;
	v12 =	vld [tilespmem:s6+$0x20]  }
0x408: {  	v13 =	vld [tilespmem:s6+$0xFFFFFFC0];
	v14 =	vshrl.u32 v6, $0x10;
	v6 =	vand.u32 $0xFFFF, v6  }
0x409: {  	v15 =	vshrl.u32 v7, $0x10;
	v7 =	vand.u32 $0xFFFF, v7;
	[tilespmem:v3+s29+$0x0] =	vst.idx.add.f32.msk $0xffff, v1  }
0x40a: {  	v16 =	vshrl.u32 v8, $0x10;
	v8 =	vand.u32 $0xFFFF, v8;
	[tilespmem:v2+s29+$0x0] =	vst.idx.add.f32.msk $0xffff, v1  }
0x40b: {  	v17 =	vshrl.u32 v9, $0x10;
	v9 =	vand.u32 $0xFFFF, v9;
	[tilespmem:v10+s29+$0x0] =	vst.idx.add.f32.msk $0xffff, v1  }
0x40c: {  	v2 =	vshrl.u32 v12, $0x10;
	v3 =	vand.u32 $0xFFFF, v12;
	[tilespmem:v4+s29+$0x0] =	vst.idx.add.f32.msk $0xffff, v1  }
0x40d: {  	v4 =	vshrl.u32 v13, $0x10;
	v10 =	vand.u32 $0xFFFF, v13;
	[tilespmem:v5+s29+$0x0] =	vst.idx.add.f32.msk $0xffff, v1  }
0x40e: {  	[tilespmem:v11+s29+$0x0] =	vst.idx.add.f32.msk $0xffff, v1  }
0x40f: {  	[tilespmem:v6+s29+$0x0] =	vst.idx.add.f32.msk $0xffff, v1  }
0x410: {  	[tilespmem:v14+s29+$0x0] =	vst.idx.add.f32.msk $0xffff, v1  }
0x411: {  	[tilespmem:v7+s29+$0x0] =	vst.idx.add.f32.msk $0xffff, v1  }
0x412: {  	[tilespmem:v10+s29+$0x0] =	vst.idx.add.f32.msk $0xffff, v1  }
0x413: {  	[tilespmem:v4+s29+$0x0] =	vst.idx.add.f32.msk $0xffff, v1  }
.Ltmp19:
0x414: {  	[tilespmem:v15+s29+$0x0] =	vst.idx.add.f32.msk $0xffff, v1;
	(pc) =	sbr.rel @p0 .LBB2_40-.Ltmp19, $4  }
0x415: {  	[tilespmem:v8+s29+$0x0] =	vst.idx.add.f32.msk $0xffff, v1  }
0x416: {  	[tilespmem:v16+s29+$0x0] =	vst.idx.add.f32.msk $0xffff, v1  }
0x417: {  	[tilespmem:v9+s29+$0x0] =	vst.idx.add.f32.msk $0xffff, v1  }
0x418: {  	s6 =	sadd.s32 $0x80, s6;
	[tilespmem:v17+s29+$0x0] =	vst.idx.add.f32.msk $0xffff, v1  }
0x419: {  	_ =	sdelay $0x3  }
0x41a: {  	[tilespmem:v3+s29+$0x0] =	vst.idx.add.f32.msk $0xffff, v1  }
0x41b: {  	[tilespmem:v2+s29+$0x0] =	vst.idx.add.f32.msk $0xffff, v1  }
0x41c: {  	_ =	swait.ge [sflag:s30], $0x2000  }
0x41d: {  	[sflag:s30] =	ssyncset.done $0x0  }
0x41e: {  	s5 =	simm.s32 $0x2040;
	[sflag:s30] =	ssyncadd.s32 $0xFFFFE000  }
0x41f: {  	v2 =	vld [tilespmem:s5+$0x30]  }
0x420: {  	v3 =	vld [tilespmem:s5+$0xFFFFFFD0]  }
0x421: {  	v4 =	vld [tilespmem:s5+$0xFFFFFFE0]  }
0x422: {  	v5 =	vld [tilespmem:s5+$0xFFFFFFF0];
	_ =	sdelay $0x1  }
0x423: {  	v6 =	vand.u32 $0xFFFF, v2  }
0x424: {  	v10 =	vld [tilespmem:s5+$0x10];
	v8 =	vand.u32 $0xFFFF, v3  }
0x425: {  	v7 =	vld [tilespmem:s5+$0x0];
	v12 =	vand.u32 $0xFFFF, v4  }
0x426: {  	v9 =	vld [tilespmem:s5+$0xFFFFFFC0];
	v60 =	vand.u32 $0xFFFF, v5  }
0x427: {  	v11 =	vld [tilespmem:s5+$0x20];
	v2 =	vshrl.u32 v2, $0x10  }
0x428: {  	v3 =	vshrl.u32 v3, $0x10;
	[tilespmem:v6+s29+$0x0] =	vst.idx.add.f32.msk $0xffff, v1  }
0x429: {  	v62 =	vand.u32 $0xFFFF, v10;
	[tilespmem:v8+s29+$0x0] =	vst.idx.add.f32.msk $0xffff, v1  }
0x42a: {  	v4 =	vshrl.u32 v4, $0x10;
	[tilespmem:v12+s29+$0x0] =	vst.idx.add.f32.msk $0xffff, v1  }
0x42b: {  	v63 =	vshrl.u32 v10, $0x10;
	[tilespmem:v60+s29+$0x0] =	vst.idx.add.f32.msk $0xffff, v1  }
0x42c: {  	[tilespmem:v2+s29+$0x0] =	vst.idx.add.f32.msk $0xffff, v1;
	v2 =	vand.u32 $0xFFFF, v9  }
0x42d: {  	[tilespmem:v3+s29+$0x0] =	vst.idx.add.f32.msk $0xffff, v1;
	v3 =	vshrl.u32 v5, $0x10  }
0x42e: {  	[tilespmem:v62+s29+$0x0] =	vst.idx.add.f32.msk $0xffff, v1;
	v5 =	vand.u32 $0xFFFF, v7  }
0x42f: {  	v61 =	vshrl.u32 v9, $0x10;
	[tilespmem:v4+s29+$0x0] =	vst.idx.add.f32.msk $0xffff, v1  }
0x430: {  	v4 =	vshrl.u32 v7, $0x10;
	[tilespmem:v63+s29+$0x0] =	vst.idx.add.f32.msk $0xffff, v1  }
0x431: {  	[tilespmem:v2+s29+$0x0] =	vst.idx.add.f32.msk $0xffff, v1  }
0x432: {  	[tilespmem:v3+s29+$0x0] =	vst.idx.add.f32.msk $0xffff, v1  }
0x433: {  	[tilespmem:v5+s29+$0x0] =	vst.idx.add.f32.msk $0xffff, v1  }
0x434: {  	[tilespmem:v61+s29+$0x0] =	vst.idx.add.f32.msk $0xffff, v1  }
0x435: {  	s6 =	simm.s32 $0x20C0;
	s5 =	simm.s32 $0x0;
	v2 =	vshrl.u32 v11, $0x10;
	v3 =	vand.u32 $0xFFFF, v11;
	[tilespmem:v4+s29+$0x0] =	vst.idx.add.f32.msk $0xffff, v1  }
.LBB2_42:
0x436: {  	v4 =	vld [tilespmem:s6+$0x30]  }
0x437: {  	s5 =	sadd.s32 $0x80, s5;
	v5 =	vld [tilespmem:s6+$0xFFFFFFD0]  }
0x438: {  	p0 =	slt.u32 s5, $0x1F80;
	v6 =	vld [tilespmem:s6+$0xFFFFFFE0]  }
0x439: {  	v7 =	vld [tilespmem:s6+$0xFFFFFFF0]  }
0x43a: {  	v8 =	vld [tilespmem:s6+$0x0]  }
0x43b: {  	v9 =	vld [tilespmem:s6+$0x10];
	v10 =	vand.u32 $0xFFFF, v4  }
0x43c: {  	v4 =	vshrl.u32 v4, $0x10;
	v11 =	vshrl.u32 v5, $0x10;
	v5 =	vand.u32 $0xFFFF, v5;
	v12 =	vld [tilespmem:s6+$0x20]  }
0x43d: {  	v13 =	vld [tilespmem:s6+$0xFFFFFFC0];
	v14 =	vshrl.u32 v6, $0x10;
	v6 =	vand.u32 $0xFFFF, v6  }
0x43e: {  	v15 =	vshrl.u32 v7, $0x10;
	v7 =	vand.u32 $0xFFFF, v7;
	[tilespmem:v3+s29+$0x0] =	vst.idx.add.f32.msk $0xffff, v1  }
0x43f: {  	v16 =	vshrl.u32 v8, $0x10;
	v8 =	vand.u32 $0xFFFF, v8;
	[tilespmem:v2+s29+$0x0] =	vst.idx.add.f32.msk $0xffff, v1  }
0x440: {  	v17 =	vshrl.u32 v9, $0x10;
	v9 =	vand.u32 $0xFFFF, v9;
	[tilespmem:v10+s29+$0x0] =	vst.idx.add.f32.msk $0xffff, v1  }
0x441: {  	v2 =	vshrl.u32 v12, $0x10;
	v3 =	vand.u32 $0xFFFF, v12;
	[tilespmem:v4+s29+$0x0] =	vst.idx.add.f32.msk $0xffff, v1  }
0x442: {  	v4 =	vshrl.u32 v13, $0x10;
	v10 =	vand.u32 $0xFFFF, v13;
	[tilespmem:v5+s29+$0x0] =	vst.idx.add.f32.msk $0xffff, v1  }
0x443: {  	[tilespmem:v11+s29+$0x0] =	vst.idx.add.f32.msk $0xffff, v1  }
0x444: {  	[tilespmem:v6+s29+$0x0] =	vst.idx.add.f32.msk $0xffff, v1  }
0x445: {  	[tilespmem:v14+s29+$0x0] =	vst.idx.add.f32.msk $0xffff, v1  }
0x446: {  	[tilespmem:v7+s29+$0x0] =	vst.idx.add.f32.msk $0xffff, v1  }
0x447: {  	[tilespmem:v10+s29+$0x0] =	vst.idx.add.f32.msk $0xffff, v1  }
0x448: {  	[tilespmem:v4+s29+$0x0] =	vst.idx.add.f32.msk $0xffff, v1  }
.Ltmp20:
0x449: {  	[tilespmem:v15+s29+$0x0] =	vst.idx.add.f32.msk $0xffff, v1;
	(pc) =	sbr.rel @p0 .LBB2_42-.Ltmp20, $4  }
0x44a: {  	[tilespmem:v8+s29+$0x0] =	vst.idx.add.f32.msk $0xffff, v1  }
0x44b: {  	[tilespmem:v16+s29+$0x0] =	vst.idx.add.f32.msk $0xffff, v1  }
0x44c: {  	[tilespmem:v9+s29+$0x0] =	vst.idx.add.f32.msk $0xffff, v1  }
0x44d: {  	s6 =	sadd.s32 $0x80, s6;
	[tilespmem:v17+s29+$0x0] =	vst.idx.add.f32.msk $0xffff, v1  }
0x44e: {  	s6 =	simm.s32 $0x0  }
0x44f: {  	s7 =	sand.u32 $0xE000, s6  }
0x450: {  	s6 =	sand.u32 $0x380, s6;
	s7 =	sadd.s32 s24, s7  }
0x451: {  	s5 =	simm.s32 $0x4000;
	s9 =	simm.s32 $0x400;
	s6 =	sor.u32 s6, s7  }
0x452: {  	[tilespmem:v3+s29+$0x0] =	vst.idx.add.f32.msk $0xffff, v1;
	s8 =	simm.s32 $0x80;
	s7 =	sand.u32 $0xE000, s9;
	s6 =	sshrl.u32 s6, $0x3  }
0x453: {  	[tilespmem:v2+s29+$0x0] =	vst.idx.add.f32.msk $0xffff, v1;
	s9 =	sand.u32 $0x380, s8;
	s7 =	sadd.s32 s24, s7;
	s6 =	sadd.s32 s3, s6  }
0x454: {  	[hbm4b:s6+s31] =	stream.strided.scatter [tilespmem:s5], [sflag:$0x3], $0x400, s1, s31, $0x38;
	[tilespmem:$0xDC00] =	vst v63  }
0x455: {  	s6 =	sor.u32 s9, s7  }
0x456: {  	s5 =	simm.s32 $0x4400;
	s7 =	simm.s32 $0x800;
	_ =	swait.ge [sflag:s0], $0x400  }
0x457: {  	s8 =	sshrl.u32 s6, $0x3;
	s6 =	simm.s32 $0x100;
	[sflag:s0] =	ssyncset.done $0x0  }
.LBB2_44:
0x458: {  	s9 =	sand.u32 $0xE000, s7  }
0x459: {  	s8 =	sadd.s32 s3, s8;
	[sflag:s0] =	ssyncadd.s32 $0xFFFFFC00;
	p0 =	sne.s32 s7, $0x9800  }
0x45a: {  	[hbm4b:s8+s31] =	stream.strided.scatter [tilespmem:s5], [sflag:$0x3], $0x400, s1, s31, $0x38;
	[tilespmem:$0xDC00] =	vst v63  }
.Ltmp21:
0x45b: {  	_ = 	snop;
	(pc) =	sbr.rel @p0 .LBB2_44-.Ltmp21, $4  }
0x45c: {  	s8 =	sadd.s32 s24, s9;
	s9 =	sand.u32 $0x380, s6  }
0x45d: {  	s5 =	sadd.s32 $0x400, s5;
	s8 =	sor.u32 s9, s8  }
0x45e: {  	s6 =	sadd.s32 $0x80, s6;
	s8 =	sshrl.u32 s8, $0x3;
	_ =	swait.ge [sflag:s0], $0x400  }
0x45f: {  	s7 =	sadd.s32 $0x400, s7;
	[sflag:s0] =	ssyncset.done $0x0  }
0x460: {  	s4 =	sadd.s32 $0x1, s4  }
0x461: {  	p0 =	sne.s32 s4, s25  }
.Ltmp22:
0x462: {  	s6 =	sadd.s32 s3, s8;
	[sflag:s0] =	ssyncadd.s32 $0xFFFFFC00;
	(pc) =	sbr.rel @p0 .LBB2_1-.Ltmp22, $4  }
0x463: {  	[hbm4b:s6+s31] =	stream.strided.scatter [tilespmem:s5], [sflag:$0x3], $0x400, s1, s31, $0x38;
	[tilespmem:$0xDC00] =	vst v63  }
0x464: {  	_ =	swait.ge [sflag:s0], $0x400  }
0x465: {  	[sflag:s0] =	ssyncset.done $0x0  }
0x466: {  	[sflag:s0] =	ssyncadd.s32 $0xFFFFFC00  }
0x467: {  	_ =	sfence.sel $0x180000  }
0x468: {  	[bflag:$0x0] =	sbarrier.arrive $0xFFFF  }
0x469: {  	_ =	strace $0x90000047  }
0x46a: {  	s0 =	stileid.u32;
	[bflag:$0x2] =	sbarrier.arrive $0xFFFF  }
0x46b: {  	p0 =	sne.s32 s0, $0x0;
	s0 =	rddreg [dreg:$0x1]  }
0x46c: {  	s0 =	sadd.s32 @!p0 $0x100000, s0  }
0x46d: {  	[sflag:s0] =	ssyncadd.tile.s32 @!p0 $0x1;
	_ =	shalt  }
.Lfunc_end2:
_tile_overlayer_lowered:
.L_overlay_start_2:
0x46e: {  	(tag) =	ssettag $0x2  }
0x46f: {  	s0 =	rddreg [dreg:$0x0];
	s2 =	stileid.u32  }
0x470: {  	s1 =	rddreg [dreg:$0x1];
	p0 =	sne.s32 s2, $0x0  }
0x471: {  	s3 =	rddreg [dreg:$0x2];
	[bflag:$0x3] =	sbarrier.arrive $0xFFFF;
	s2 =	simm.s32 @!p0 $0x1C03  }
0x472: {  	[timem:s3], [sflag:s2] =	dma.local @!p0 [hbm:s0], s1  }
0x473: {  	s0 =	simm.s32 @!p0 $0x3  }
0x474: {  	_ =	swait.ge @!p0 [sflag:s0], s1  }
0x475: {  	s1 =	ssub.s32 @!p0 $0x0, s1;
	[sflag:s0] =	ssyncset.done @!p0 $0x0  }
0x476: {  	[sflag:s0] =	ssyncadd.s32 @!p0 s1  }
0x477: {  	[bflag:$0x3] =	sbarrier.arrive $0xFFFF  }
0x478: {  	_ =	shalt  }

// kernel: kernel.7.cloned.1.call-start
scs
__scs_entry_jumppad:
0x0: {  	(pc) =	sbr.rel $0x88, $3  }
0x1: {  	(tag) =	ssettag $0x0;
	lr =	simm.s32 $0x1  }
0x2: {  	[smem:$0x3F9F] =	sst lr;
	_ =	strace $0xD0000000  }
0x3: {  	_ = 	snop  }
0x4: {  	_ = 	snop  }
0x5: {  	_ = 	snop  }
0x6: {  	_ = 	snop  }
0x7: {  	_ = 	snop  }
__scs_overlays_trampoline_lowered:
0x8: {  	[smem:$0x3FAE] =	sst s0  }
0x9: {  	[smem:$0x3FAF] =	sst s1  }
0xa: {  	[smem:$0x3FB0] =	sst s2  }
0xb: {  	[smem:$0x3FB1] =	sst s3  }
0xc: {  	[smem:$0x3FB2] =	sst s4  }
0xd: {  	[smem:$0x3FB3] =	sst s5  }
0xe: {  	[smem:$0x3FB4] =	sst s6  }
0xf: {  	[smem:$0x3FB5] =	sst s7  }
0x10: {  	[smem:$0x3FB6] =	sst s8  }
0x11: {  	[smem:$0x3FB7] =	sst s9;
	s0 =	simm.s32 @!p0 $0x0  }
0x12: {  	s1 =	sld [smem:$0x3F9D];
	s0 =	simm.s32 @p0 $0x1  }
0x13: {  	[smem:$0x3FB8] =	sst s0;
	s0 =	simm.s32 @!p1 $0x0  }
0x14: {  	s2 =	sld [smem:$0x3F9C];
	s0 =	simm.s32 @p1 $0x1  }
0x15: {  	[smem:$0x3FB9] =	sst s0;
	s0 =	simm.s32 @!p2 $0x0  }
0x16: {  	s3 =	sld [smem:$0x3FDB];
	s0 =	simm.s32 @p2 $0x1  }
0x17: {  	s4 =	simm.s32 $0x1BF5;
	[smem:$0x3FBB] =	sst s0  }
0x18: {  	s0 =	sld [smem:$0x3F9E];
	_ =	swait.ge [sflag:s4], $0x0  }
0x19: {  	s7 =	sld [smem:$0x3F9F]  }
0x1a: {  	s8 =	sadd.s32 $0xFFFFE003, lr  }
0x1b: {  	s9 =	sadd.s32 $0xFFFFFEF7, lr;
	s5 =	simm.s32 $0xFFFFFFFF;
	p2 =	slt.u32 s8, $0xFFFFF086  }
0x1c: {  	p1 =	slt.u32 s9, $0xF7A;
	s5 =	simm.s32 @!p2 $0x0  }
0x1d: {  	s5 =	simm.s32 @p1 $0x1;
	p0 =	seq.s32 s7, s2  }
0x1e: {  	s7 =	smul.u32 @!p0 $0xF7A, s2;
	p2 =	seq.s32 @!p0 s5, $0x0  }
0x1f: {  	s9 =	smul.u32 $0xF7A, s1;
	s8 =	simm.s32 @!p0 $0x1BF5;
	p2 =	por !p2, p0  }
0x20: {  	[sflag:s8] =	ssyncset.s32 @!p0 $0xFFFFF086;
	s6 =	sadd.s32 @!p0 s3, s7;
	s7 =	simm.s32 @!p0 $0x108  }
0x21: {  	s3 =	sadd.s32 s3, s9;
	s6 =	sadd.s32 @!p0 $0x88, s6;
	s7 =	simm.s32 @p2 $0x1082  }
0x22: {  	[simem:s7], [sflag:s8] =	dma.local @!p0 [hbm:s6], $0xF7A  }
0x23: {  	s9 =	sor.u32 $0xD0000000, s2;
	s6 =	simm.s32 $0x108;
	_ =	swait.ge @!p0 [sflag:s8], $0x0  }
0x24: {  	s3 =	sadd.s32 $0x88, s3;
	s6 =	simm.s32 @!p1 $0x1082;
	[sflag:s4] =	ssyncset.s32 $0xFFFFF086  }
0x25: {  	[simem:s6], [sflag:s4] =	dma.local [hbm:s3], $0xF7A  }
0x26: {  	[smem:$0x3F9F] =	sst s1;
	(tag) =	ssettag s2;
	_ =	strace s9  }
0x27: {  	s1 =	sld [smem:$0x3FAF]  }
0x28: {  	s2 =	sld [smem:$0x3FB0]  }
0x29: {  	s4 =	sld [smem:$0x3FB2]  }
0x2a: {  	p0 =	seq.s32 s5, $0x0;
	s5 =	sld [smem:$0x3FB3]  }
0x2b: {  	s6 =	sld [smem:$0x3FB4]  }
0x2c: {  	s7 =	sld [smem:$0x3FB5]  }
0x2d: {  	s3 =	simm.s32 $0x108;
	s8 =	sld [smem:$0x3FB6]  }
0x2e: {  	s3 =	simm.s32 @!p0 $0x1082;
	s9 =	sld [smem:$0x3FB7]  }
0x2f: {  	lr =	sadd.s32 s0, s3;
	s0 =	sld [smem:$0x3FAE]  }
0x30: {  	s3 =	sld [smem:$0x3FB1]  }
0x31: {  	[smem:$0x3FBA] =	sst s10  }
0x32: {  	s10 =	sld [smem:$0x3FB8];
	_ =	sdelay $0x3  }
0x33: {  	p0 =	seq.s32 s10, $0x1;
	s10 =	sld [smem:$0x3FBA];
	_ =	sdelay $0x3  }
0x34: {  	[smem:$0x3FBA] =	sst s10  }
0x35: {  	s10 =	sld [smem:$0x3FB9];
	_ =	sdelay $0x3  }
0x36: {  	p1 =	seq.s32 s10, $0x1;
	s10 =	sld [smem:$0x3FBA];
	_ =	sdelay $0x3  }
0x37: {  	[smem:$0x3FBA] =	sst s10  }
0x38: {  	s10 =	sld [smem:$0x3FBB]  }
0x39: {  	_ = 	snop;
	(pc) =	sbr.ind lr, $3  }
0x3a: {  	_ = 	snop  }
0x3b: {  	_ = 	snop  }
0x3c: {  	p2 =	seq.s32 s10, $0x1;
	s10 =	sld [smem:$0x3FBA]  }
0x3d: {  	_ =	shalt  }
0x3e: {  	_ =	shalt  }
0x3f: {  	_ =	shalt  }
0x40: {  	_ =	shalt  }
0x41: {  	_ =	shalt  }
0x42: {  	_ =	shalt  }
0x43: {  	_ =	shalt  }
0x44: {  	_ =	shalt  }
0x45: {  	_ =	shalt  }
0x46: {  	_ =	shalt  }
0x47: {  	_ =	shalt  }
0x48: {  	_ =	shalt  }
0x49: {  	_ =	shalt  }
0x4a: {  	_ =	shalt  }
0x4b: {  	_ =	shalt  }
0x4c: {  	_ =	shalt  }
0x4d: {  	_ =	shalt  }
0x4e: {  	_ =	shalt  }
0x4f: {  	_ =	shalt  }
0x50: {  	_ =	shalt  }
0x51: {  	_ =	shalt  }
0x52: {  	_ =	shalt  }
0x53: {  	_ =	shalt  }
0x54: {  	_ =	shalt  }
0x55: {  	_ =	shalt  }
0x56: {  	_ =	shalt  }
0x57: {  	_ =	shalt  }
0x58: {  	_ =	shalt  }
0x59: {  	_ =	shalt  }
0x5a: {  	_ =	shalt  }
0x5b: {  	_ =	shalt  }
0x5c: {  	_ =	shalt  }
0x5d: {  	_ =	shalt  }
0x5e: {  	_ =	shalt  }
0x5f: {  	_ =	shalt  }
0x60: {  	_ =	shalt  }
0x61: {  	_ =	shalt  }
0x62: {  	_ =	shalt  }
0x63: {  	_ =	shalt  }
0x64: {  	_ =	shalt  }
0x65: {  	_ =	shalt  }
0x66: {  	_ =	shalt  }
0x67: {  	_ =	shalt  }
0x68: {  	_ =	shalt  }
0x69: {  	_ =	shalt  }
0x6a: {  	_ =	shalt  }
0x6b: {  	_ =	shalt  }
0x6c: {  	_ =	shalt  }
0x6d: {  	_ =	shalt  }
0x6e: {  	_ =	shalt  }
0x6f: {  	_ =	shalt  }
0x70: {  	_ =	shalt  }
0x71: {  	_ =	shalt  }
0x72: {  	_ =	shalt  }
0x73: {  	_ =	shalt  }
0x74: {  	_ =	shalt  }
0x75: {  	_ =	shalt  }
0x76: {  	_ =	shalt  }
0x77: {  	_ =	shalt  }
0x78: {  	_ =	shalt  }
0x79: {  	_ =	shalt  }
0x7a: {  	_ =	shalt  }
0x7b: {  	_ =	shalt  }
0x7c: {  	_ =	shalt  }
0x7d: {  	_ =	shalt  }
0x7e: {  	_ =	shalt  }
0x7f: {  	_ =	shalt  }
0x80: {  	_ =	shalt  }
0x81: {  	_ =	shalt  }
0x82: {  	_ =	shalt  }
0x83: {  	_ =	shalt  }
0x84: {  	_ =	shalt  }
0x85: {  	_ =	shalt  }
0x86: {  	_ =	shalt  }
0x87: {  	_ =	shalt  }
.Lfunc_end0:
.L_simem_size_0:
called_computation_lowered:
.L_overlay_start_0:
0x88: {  	s2 =	sld [smem:$0x3FD9]  }
0x89: {  	s3 =	sld [smem:$0x3FFE];
	_ =	sdelay $0x1  }
0x8a: {  	s1 =	srdreg.scid  }
0x8b: {  	s0 =	sand.u32 $0x1, s1  }
0x8c: {  	s17 =	sshll.u32 s0, $0xA;
	s2 =	sadd.s32 s3, s2  }
0x8d: {  	s2 =	sadd.s32 s2, s17  }
0x8e: {  	[smem:$0x3FC6] =	sst s2  }
0x8f: {  	_ = 	snop  }
0x90: {  	(tm) =	ssettm $0x1  }
0x91: {  	s18 =	sld [smem:$0x3FFB];
	_ =	sdelay $0x3  }
0x92: {  	_ =	strace s18  }
0x93: {  	s2 =	sld [smem:$0x3FFC];
	_ =	sdelay $0x3  }
0x94: {  	_ =	strace s2  }
0x95: {  	s2 =	sld [smem:$0x3FFD];
	_ =	sdelay $0x3  }
0x96: {  	_ =	strace s2  }
0x97: {  	_ =	strace $0x8FFFFFFF  }
0x98: {  	s19 =	sld [smem:$0x3FDB];
	_ =	sdelay $0x1  }
0x99: {  	s20 =	simm.s32 $_scs_section_size  }
0x9a: {  	s4 =	simm.s32 $_size__tile_overlayer_lowered;
	s5 =	simm.s32 $_tile_overlayer_lowered  }
0x9b: {  	s6 =	simm.s32 $0x1BFF;
	s21 =	sshll.u32 s5, $0x1;
	s3 =	sadd.s32 s20, s19  }
0x9c: {  	s22 =	simm.s32 $0x0;
	s4 =	sshll.u32 s4, $0x1;
	s5 =	sadd.s32 s21, s3  }
0x9d: {  	[timem:s22], [sflag:s6] =	dma.local [hbm:s5], s4  }
0x9e: {  	_ =	swait.ge [sflag:s6], s4  }
0x9f: {  	s4 =	ssub.s32 $0x0, s4;
	[sflag:s6] =	ssyncset.done $0x0  }
0xa0: {  	[sflag:s6] =	ssyncadd.s32 s4;
	_ =	sdelay $0x1  }
0xa1: {  	s23 =	simm.s32 $0x1B8B  }
0xa2: {  	_ =	swait.ge [sflag:s23], $0x1  }
0xa3: {  	[sflag:s23] =	ssyncset.done $0x0  }
0xa4: {  	[sflag:s23] =	ssyncadd.s32 $0xFFFFFFFF  }
0xa5: {  	s4 =	sld [smem:$0x0]  }
0xa6: {  	s5 =	sand.u32 $0xFFFFFFFE, s1  }
0xa7: {  	p0 =	sne.s32 s1, s5  }
0xa8: {  	s5 =	sshll.u32 @p0 s5, $0xE  }
0xa9: {  	s5 =	sadd.s32 @p0 $0x11B8D, s5;
	s6 =	sshll.u32 @p0 s4, $0x11  }
0xaa: {  	s5 =	sor.u32 @p0 s6, s5  }
0xab: {  	[sflag:s5] =	ssyncadd.remote.s32 @p0 $0x1;
	_ =	sdelay $0x1  }
0xac: {  	s5 =	simm.s32 @p0 $0x1B8D  }
0xad: {  	_ =	swait.eq @p0 [sflag:s5], $0x1  }
0xae: {  	[sflag:s5] =	ssyncadd.s32 @p0 $0xFFFFFFFF  }
0xaf: {  	s6 =	sshll.u32 @!p0 s1, $0xE  }
0xb0: {  	s6 =	sor.u32 @!p0 $0x4000, s6;
	s5 =	simm.s32 @!p0 $0x1B8D  }
0xb1: {  	s4 =	sshll.u32 @!p0 s4, $0x11;
	s6 =	sadd.s32 @!p0 $0x11B8D, s6;
	_ =	swait.eq @!p0 [sflag:s5], $0x1  }
0xb2: {  	s4 =	sor.u32 @!p0 s4, s6;
	[sflag:s5] =	ssyncadd.s32 @!p0 $0xFFFFFFFF  }
0xb3: {  	s25 =	simm.s32 $0x1B8E;
	s24 =	sld [smem:$0x3FFE];
	[sflag:s4] =	ssyncadd.remote.s32 @!p0 $0x1  }
0xb4: {  	s26 =	simm.s32 $execute0_lowered;
	[smem:$0x3FD2] =	sst s25  }
0xb5: {  	s5 =	sshll.u32 s26, $0x1;
	_ =	strace $0x80000049;
	[dreg:$0x1] =	wrdreg $0xFFFFFFFF  }
0xb6: {  	s28 =	simm.s32 $_size_execute0_lowered;
	s3 =	sadd.s32 s3, s5;
	[dreg:$0x0] =	wrdreg $0x0  }
0xb7: {  	s5 =	sshll.u32 s28, $0x1;
	[dreg:$0x2] =	wrdreg s3  }
0xb8: {  	[dreg:$0x3] =	wrdreg s5  }
0xb9: {  	[dreg:$0x4] =	wrdreg $0xC0  }
0xba: {  	_ =	task [dreg:s22], $0x5FFFF  }
0xbb: {  	[dreg:$0x1] =	wrdreg $0xFFFFFFFF  }
0xbc: {  	[dreg:$0x0] =	wrdreg $0x60  }
0xbd: {  	[dreg:$0x2] =	wrdreg s24  }
0xbe: {  	[dreg:$0x3] =	wrdreg $0x9  }
0xbf: {  	_ =	task.clear_ibuf [dreg:s22], $0x4FFFF;
	_ =	strace $0x90000049  }
0xc0: {  	s29 =	simm.s32 $0x9;
	_ =	strace $0x8000004B  }
0xc1: {  	_ =	swait.ge [sflag:s29], $0x1  }
0xc2: {  	[sflag:s29] =	ssyncadd.s32 $0xFFFFFFFF  }
0xc3: {  	_ =	strace $0x9000004B  }
0xc4: {  	_ =	sfence  }
0xc5: {  	s30 =	sld [smem:$0x0];
	_ =	sdelay $0x2  }
0xc6: {  	s31 =	sshll.u32 s1, $0xD;
	s1 =	sshrl.u32 s1, $0x2  }
0xc7: {  	s4 =	sand.u32 $0x4000, s31;
	s1 =	sadd.s32 s1, s30  }
0xc8: {  	s0 =	sor.u32 s4, s0;
	s1 =	sshll.u32 s1, $0x11  }
0xc9: {  	s0 =	sor.u32 s1, s0  }
0xca: {  	s0 =	sadd.s32 $0x8F2B, s0  }
0xcb: {  	[sflag:s0] =	ssyncadd.remote.s32 $0x1  }
0xcc: {  	_ =	sfence.sel $0xFFFF  }
0xcd: {  	[dreg:$0x0] =	wrdreg $0xFFFFFFFF;
	(pc) =	sbr.abs _section_cstart, $3  }
0xce: {  	[dreg:$0x1] =	wrdreg $0xFFFFFFFF  }
0xcf: {  	_ =	task.clear_ibuf [dreg:s22], $0x2FFFF;
	_ =	strace $0x9FFFFFFF  }
0xd0: {  	(tm) =	ssettm $0x7FFFFFFF  }
0xd1: {  	_ =	shalt  }
tec
execute0_lowered:
.L_overlay_start_1:
0x0: {  	(tag) =	ssettag $0x1  }
0x1: {  	s0 =	srdreg.scid;
	s1 =	stileid.u32  }
0x2: {  	s0 =	sand.u32 $0x1, s0;
	s1 =	sshll.u32 s1, $0x1  }
0x3: {  	s3 =	rddreg [dreg:$0x0];
	s2 =	simm.s32 $0x0;
	s1 =	sor.u32 s0, s1  }
0x4: {  	s28 =	simm.s32 $0x2000;
	s29 =	simm.s32 $0x4000;
	s4 =	smul.u32 $0x28000, s1  }
0x5: {  	s30 =	simm.s32 $0x2;
	s31 =	simm.s32 $0x80;
	s0 =	ssub.s32 $0x2, s0  }
0x6: {  	[smem:$0x7FF] =	sst s2;
	s5 =	sshrl.u32 s0, $0x1;
	s4 =	sshrl.u32 s4, $0x3  }
0x7: {  	_ =	strace $0x8000004A;
	s0 =	ssub.s32 s0, s5;
	s4 =	sadd.s32 s4, s3  }
0x8: {  	s3 =	sadd.s32 $0x168E00, s3;
	s21 =	sadd.s32 $0xC8E00, s4;
	s22 =	sadd.s32 $0xC9200, s4  }
0x9: {  	s23 =	sadd.s32 $0xC9600, s4;
	s24 =	sadd.s32 $0xC9A00, s4;
	s25 =	sadd.s32 $0xC9E00, s4  }
0xa: {  	s26 =	sadd.s32 $0xCA200, s4;
	s10 =	sadd.s32 $0xCA600, s4;
	[dreg:$0x2] =	wrdreg s21  }
0xb: {  	s11 =	sadd.s32 $0xCAA00, s4;
	s12 =	sadd.s32 $0xCAE00, s4;
	[dreg:$0x3] =	wrdreg s22  }
0xc: {  	s13 =	sadd.s32 $0xCB200, s4;
	s14 =	sadd.s32 $0xCB600, s4;
	[dreg:$0x4] =	wrdreg s23  }
0xd: {  	s15 =	sadd.s32 $0xCBA00, s4;
	s16 =	sadd.s32 $0xCBE00, s4;
	[dreg:$0x5] =	wrdreg s24  }
0xe: {  	s17 =	sadd.s32 $0xCC200, s4;
	s18 =	sadd.s32 $0xCC600, s4;
	[dreg:$0x6] =	wrdreg s25  }
0xf: {  	s19 =	sadd.s32 $0xCCA00, s4;
	s20 =	sadd.s32 $0xCCE00, s4;
	[dreg:$0x7] =	wrdreg s26  }
0x10: {  	s21 =	sadd.s32 $0xCD200, s4;
	s22 =	sadd.s32 $0xCD600, s4;
	s23 =	sadd.s32 $0xCDA00, s4  }
0x11: {  	s24 =	smul.u32 $0xA000, s1;
	s25 =	smax.u32 s0, $0x1;
	s26 =	simm.s32 $0x1  }
0x12: {  	v0 =	vimm.f32 $0.0e+00;
	v1 =	vimm.f32 $1.000000000e+00;
	s1 =	simm.s32 $0x400;
	s0 =	simm.s32 $0x3;
	s4 =	simm.s32 $0x0  }
.LBB2_1:
0x13: {  	s5 =	simm.s32 $0x40;
	s6 =	simm.s32 $0x0  }
.LBB2_2:
0x14: {  	p0 =	sne.s32 s5, $0x26FC0;
	[tilespmem:s6+$0x4000] =	vst v0;
	s6 =	smov.u32 s5;
	s5 =	sadd.s32 $0x40, s5  }
.Ltmp0:
0x15: {  	(pc) =	sbr.rel @p0 .LBB2_2-.Ltmp0, $2  }
0x16: {  	_ =	sdelay $0x2  }
0x17: {  	s6 =	sshra.s32 s6, $0x2  }
0x18: {  	[tilespmem:s6+$0x4000] =	vst v0;
	s5 =	rddreg [dreg:$0x2]  }
0x19: {  	[tilespmem:s2], [sflag:$0x1] =	stream.linear.gather [hbm4b:s5+s2], $0x2000, $0x38;
	[tilespmem:$0xDC00] =	vst v63  }
0x1a: {  	_ =	swait.ge [sflag:s26], $0x2000  }
0x1b: {  	[sflag:s26] =	ssyncset.done $0x0  }
0x1c: {  	s9 =	simm.s32 $0x40;
	s8 =	rddreg [dreg:$0x3];
	[sflag:s26] =	ssyncadd.s32 $0xFFFFE000  }
0x1d: {  	[tilespmem:s28], [sflag:$0x2] =	stream.linear.gather [hbm4b:s8+s2], $0x2000, $0x38;
	[tilespmem:$0xDC00] =	vst v63  }
0x1e: {  	v2 =	vld [tilespmem:s9+$0x30]  }
0x1f: {  	v3 =	vld [tilespmem:s9+$0xFFFFFFD0]  }
0x20: {  	v4 =	vld [tilespmem:s9+$0xFFFFFFE0]  }
0x21: {  	v5 =	vld [tilespmem:s9+$0xFFFFFFF0];
	_ =	sdelay $0x1  }
0x22: {  	v6 =	vand.u32 $0xFFFF, v2  }
0x23: {  	v10 =	vld [tilespmem:s9+$0x10];
	v8 =	vand.u32 $0xFFFF, v3  }
0x24: {  	v7 =	vld [tilespmem:s9+$0x0];
	v12 =	vand.u32 $0xFFFF, v4  }
0x25: {  	v9 =	vld [tilespmem:s9+$0xFFFFFFC0];
	v60 =	vand.u32 $0xFFFF, v5  }
0x26: {  	v11 =	vld [tilespmem:s9+$0x20];
	v2 =	vshrl.u32 v2, $0x10  }
0x27: {  	v3 =	vshrl.u32 v3, $0x10;
	[tilespmem:v6+s29+$0x0] =	vst.idx.add.f32.msk $0xffff, v1  }
0x28: {  	v62 =	vand.u32 $0xFFFF, v10;
	[tilespmem:v8+s29+$0x0] =	vst.idx.add.f32.msk $0xffff, v1  }
0x29: {  	v4 =	vshrl.u32 v4, $0x10;
	[tilespmem:v12+s29+$0x0] =	vst.idx.add.f32.msk $0xffff, v1  }
0x2a: {  	v63 =	vshrl.u32 v10, $0x10;
	[tilespmem:v60+s29+$0x0] =	vst.idx.add.f32.msk $0xffff, v1  }
0x2b: {  	[tilespmem:v2+s29+$0x0] =	vst.idx.add.f32.msk $0xffff, v1;
	v2 =	vand.u32 $0xFFFF, v9  }
0x2c: {  	[tilespmem:v3+s29+$0x0] =	vst.idx.add.f32.msk $0xffff, v1;
	v3 =	vshrl.u32 v5, $0x10  }
0x2d: {  	[tilespmem:v62+s29+$0x0] =	vst.idx.add.f32.msk $0xffff, v1;
	v5 =	vand.u32 $0xFFFF, v7  }
0x2e: {  	v61 =	vshrl.u32 v9, $0x10;
	[tilespmem:v4+s29+$0x0] =	vst.idx.add.f32.msk $0xffff, v1  }
0x2f: {  	v4 =	vshrl.u32 v7, $0x10;
	[tilespmem:v63+s29+$0x0] =	vst.idx.add.f32.msk $0xffff, v1  }
0x30: {  	[tilespmem:v2+s29+$0x0] =	vst.idx.add.f32.msk $0xffff, v1  }
0x31: {  	[tilespmem:v3+s29+$0x0] =	vst.idx.add.f32.msk $0xffff, v1  }
0x32: {  	[tilespmem:v5+s29+$0x0] =	vst.idx.add.f32.msk $0xffff, v1  }
0x33: {  	[tilespmem:v61+s29+$0x0] =	vst.idx.add.f32.msk $0xffff, v1  }
0x34: {  	s6 =	simm.s32 $0xC0;
	s5 =	simm.s32 $0x0;
	v2 =	vshrl.u32 v11, $0x10;
	v3 =	vand.u32 $0xFFFF, v11;
	[tilespmem:v4+s29+$0x0] =	vst.idx.add.f32.msk $0xffff, v1  }
.LBB2_4:
0x35: {  	v4 =	vld [tilespmem:s6+$0x30]  }
0x36: {  	s5 =	sadd.s32 $0x80, s5;
	v5 =	vld [tilespmem:s6+$0xFFFFFFD0]  }
0x37: {  	p0 =	slt.u32 s5, $0x1F80;
	v6 =	vld [tilespmem:s6+$0xFFFFFFE0]  }
0x38: {  	v7 =	vld [tilespmem:s6+$0xFFFFFFF0]  }
0x39: {  	v8 =	vld [tilespmem:s6+$0x0]  }
0x3a: {  	v9 =	vld [tilespmem:s6+$0x10];
	v10 =	vand.u32 $0xFFFF, v4  }
0x3b: {  	v4 =	vshrl.u32 v4, $0x10;
	v11 =	vshrl.u32 v5, $0x10;
	v5 =	vand.u32 $0xFFFF, v5;
	v12 =	vld [tilespmem:s6+$0x20]  }
0x3c: {  	v13 =	vld [tilespmem:s6+$0xFFFFFFC0];
	v14 =	vshrl.u32 v6, $0x10;
	v6 =	vand.u32 $0xFFFF, v6  }
0x3d: {  	v15 =	vshrl.u32 v7, $0x10;
	v7 =	vand.u32 $0xFFFF, v7;
	[tilespmem:v3+s29+$0x0] =	vst.idx.add.f32.msk $0xffff, v1  }
0x3e: {  	v16 =	vshrl.u32 v8, $0x10;
	v8 =	vand.u32 $0xFFFF, v8;
	[tilespmem:v2+s29+$0x0] =	vst.idx.add.f32.msk $0xffff, v1  }
0x3f: {  	v17 =	vshrl.u32 v9, $0x10;
	v9 =	vand.u32 $0xFFFF, v9;
	[tilespmem:v10+s29+$0x0] =	vst.idx.add.f32.msk $0xffff, v1  }
0x40: {  	v2 =	vshrl.u32 v12, $0x10;
	v3 =	vand.u32 $0xFFFF, v12;
	[tilespmem:v4+s29+$0x0] =	vst.idx.add.f32.msk $0xffff, v1  }
0x41: {  	v4 =	vshrl.u32 v13, $0x10;
	v10 =	vand.u32 $0xFFFF, v13;
	[tilespmem:v5+s29+$0x0] =	vst.idx.add.f32.msk $0xffff, v1  }
0x42: {  	[tilespmem:v11+s29+$0x0] =	vst.idx.add.f32.msk $0xffff, v1  }
0x43: {  	[tilespmem:v6+s29+$0x0] =	vst.idx.add.f32.msk $0xffff, v1  }
0x44: {  	[tilespmem:v14+s29+$0x0] =	vst.idx.add.f32.msk $0xffff, v1  }
0x45: {  	[tilespmem:v7+s29+$0x0] =	vst.idx.add.f32.msk $0xffff, v1  }
0x46: {  	[tilespmem:v10+s29+$0x0] =	vst.idx.add.f32.msk $0xffff, v1  }
0x47: {  	[tilespmem:v4+s29+$0x0] =	vst.idx.add.f32.msk $0xffff, v1  }
.Ltmp1:
0x48: {  	[tilespmem:v15+s29+$0x0] =	vst.idx.add.f32.msk $0xffff, v1;
	(pc) =	sbr.rel @p0 .LBB2_4-.Ltmp1, $4  }
0x49: {  	[tilespmem:v8+s29+$0x0] =	vst.idx.add.f32.msk $0xffff, v1  }
0x4a: {  	[tilespmem:v16+s29+$0x0] =	vst.idx.add.f32.msk $0xffff, v1  }
0x4b: {  	[tilespmem:v9+s29+$0x0] =	vst.idx.add.f32.msk $0xffff, v1  }
0x4c: {  	s6 =	sadd.s32 $0x80, s6;
	[tilespmem:v17+s29+$0x0] =	vst.idx.add.f32.msk $0xffff, v1  }
0x4d: {  	_ =	sdelay $0x3  }
0x4e: {  	[tilespmem:v3+s29+$0x0] =	vst.idx.add.f32.msk $0xffff, v1  }
0x4f: {  	[tilespmem:v2+s29+$0x0] =	vst.idx.add.f32.msk $0xffff, v1  }
0x50: {  	_ =	swait.ge [sflag:s30], $0x2000  }
0x51: {  	[sflag:s30] =	ssyncset.done $0x0  }
0x52: {  	s9 =	simm.s32 $0x2040;
	s5 =	rddreg [dreg:$0x4];
	[sflag:s30] =	ssyncadd.s32 $0xFFFFE000  }
0x53: {  	[tilespmem:s2], [sflag:$0x1] =	stream.linear.gather [hbm4b:s5+s2], $0x2000, $0x38;
	[tilespmem:$0xDC00] =	vst v63  }
0x54: {  	v2 =	vld [tilespmem:s9+$0x30]  }
0x55: {  	v3 =	vld [tilespmem:s9+$0xFFFFFFD0]  }
0x56: {  	v4 =	vld [tilespmem:s9+$0xFFFFFFE0]  }
0x57: {  	v5 =	vld [tilespmem:s9+$0xFFFFFFF0];
	_ =	sdelay $0x1  }
0x58: {  	v6 =	vand.u32 $0xFFFF, v2  }
0x59: {  	v10 =	vld [tilespmem:s9+$0x10];
	v8 =	vand.u32 $0xFFFF, v3  }
0x5a: {  	v7 =	vld [tilespmem:s9+$0x0];
	v12 =	vand.u32 $0xFFFF, v4  }
0x5b: {  	v9 =	vld [tilespmem:s9+$0xFFFFFFC0];
	v60 =	vand.u32 $0xFFFF, v5  }
0x5c: {  	v11 =	vld [tilespmem:s9+$0x20];
	v2 =	vshrl.u32 v2, $0x10  }
0x5d: {  	v3 =	vshrl.u32 v3, $0x10;
	[tilespmem:v6+s29+$0x0] =	vst.idx.add.f32.msk $0xffff, v1  }
0x5e: {  	v62 =	vand.u32 $0xFFFF, v10;
	[tilespmem:v8+s29+$0x0] =	vst.idx.add.f32.msk $0xffff, v1  }
0x5f: {  	v4 =	vshrl.u32 v4, $0x10;
	[tilespmem:v12+s29+$0x0] =	vst.idx.add.f32.msk $0xffff, v1  }
0x60: {  	v63 =	vshrl.u32 v10, $0x10;
	[tilespmem:v60+s29+$0x0] =	vst.idx.add.f32.msk $0xffff, v1  }
0x61: {  	[tilespmem:v2+s29+$0x0] =	vst.idx.add.f32.msk $0xffff, v1;
	v2 =	vand.u32 $0xFFFF, v9  }
0x62: {  	[tilespmem:v3+s29+$0x0] =	vst.idx.add.f32.msk $0xffff, v1;
	v3 =	vshrl.u32 v5, $0x10  }
0x63: {  	[tilespmem:v62+s29+$0x0] =	vst.idx.add.f32.msk $0xffff, v1;
	v5 =	vand.u32 $0xFFFF, v7  }
0x64: {  	v61 =	vshrl.u32 v9, $0x10;
	[tilespmem:v4+s29+$0x0] =	vst.idx.add.f32.msk $0xffff, v1  }
0x65: {  	v4 =	vshrl.u32 v7, $0x10;
	[tilespmem:v63+s29+$0x0] =	vst.idx.add.f32.msk $0xffff, v1  }
0x66: {  	[tilespmem:v2+s29+$0x0] =	vst.idx.add.f32.msk $0xffff, v1  }
0x67: {  	[tilespmem:v3+s29+$0x0] =	vst.idx.add.f32.msk $0xffff, v1  }
0x68: {  	[tilespmem:v5+s29+$0x0] =	vst.idx.add.f32.msk $0xffff, v1  }
0x69: {  	[tilespmem:v61+s29+$0x0] =	vst.idx.add.f32.msk $0xffff, v1  }
0x6a: {  	s6 =	simm.s32 $0x20C0;
	s5 =	simm.s32 $0x0;
	v2 =	vshrl.u32 v11, $0x10;
	v3 =	vand.u32 $0xFFFF, v11;
	[tilespmem:v4+s29+$0x0] =	vst.idx.add.f32.msk $0xffff, v1  }
.LBB2_6:
0x6b: {  	v4 =	vld [tilespmem:s6+$0x30]  }
0x6c: {  	s5 =	sadd.s32 $0x80, s5;
	v5 =	vld [tilespmem:s6+$0xFFFFFFD0]  }
0x6d: {  	p0 =	slt.u32 s5, $0x1F80;
	v6 =	vld [tilespmem:s6+$0xFFFFFFE0]  }
0x6e: {  	v7 =	vld [tilespmem:s6+$0xFFFFFFF0]  }
0x6f: {  	v8 =	vld [tilespmem:s6+$0x0]  }
0x70: {  	v9 =	vld [tilespmem:s6+$0x10];
	v10 =	vand.u32 $0xFFFF, v4  }
0x71: {  	v4 =	vshrl.u32 v4, $0x10;
	v11 =	vshrl.u32 v5, $0x10;
	v5 =	vand.u32 $0xFFFF, v5;
	v12 =	vld [tilespmem:s6+$0x20]  }
0x72: {  	v13 =	vld [tilespmem:s6+$0xFFFFFFC0];
	v14 =	vshrl.u32 v6, $0x10;
	v6 =	vand.u32 $0xFFFF, v6  }
0x73: {  	v15 =	vshrl.u32 v7, $0x10;
	v7 =	vand.u32 $0xFFFF, v7;
	[tilespmem:v3+s29+$0x0] =	vst.idx.add.f32.msk $0xffff, v1  }
0x74: {  	v16 =	vshrl.u32 v8, $0x10;
	v8 =	vand.u32 $0xFFFF, v8;
	[tilespmem:v2+s29+$0x0] =	vst.idx.add.f32.msk $0xffff, v1  }
0x75: {  	v17 =	vshrl.u32 v9, $0x10;
	v9 =	vand.u32 $0xFFFF, v9;
	[tilespmem:v10+s29+$0x0] =	vst.idx.add.f32.msk $0xffff, v1  }
0x76: {  	v2 =	vshrl.u32 v12, $0x10;
	v3 =	vand.u32 $0xFFFF, v12;
	[tilespmem:v4+s29+$0x0] =	vst.idx.add.f32.msk $0xffff, v1  }
0x77: {  	v4 =	vshrl.u32 v13, $0x10;
	v10 =	vand.u32 $0xFFFF, v13;
	[tilespmem:v5+s29+$0x0] =	vst.idx.add.f32.msk $0xffff, v1  }
0x78: {  	[tilespmem:v11+s29+$0x0] =	vst.idx.add.f32.msk $0xffff, v1  }
0x79: {  	[tilespmem:v6+s29+$0x0] =	vst.idx.add.f32.msk $0xffff, v1  }
0x7a: {  	[tilespmem:v14+s29+$0x0] =	vst.idx.add.f32.msk $0xffff, v1  }
0x7b: {  	[tilespmem:v7+s29+$0x0] =	vst.idx.add.f32.msk $0xffff, v1  }
0x7c: {  	[tilespmem:v10+s29+$0x0] =	vst.idx.add.f32.msk $0xffff, v1  }
0x7d: {  	[tilespmem:v4+s29+$0x0] =	vst.idx.add.f32.msk $0xffff, v1  }
.Ltmp2:
0x7e: {  	[tilespmem:v15+s29+$0x0] =	vst.idx.add.f32.msk $0xffff, v1;
	(pc) =	sbr.rel @p0 .LBB2_6-.Ltmp2, $4  }
0x7f: {  	[tilespmem:v8+s29+$0x0] =	vst.idx.add.f32.msk $0xffff, v1  }
0x80: {  	[tilespmem:v16+s29+$0x0] =	vst.idx.add.f32.msk $0xffff, v1  }
0x81: {  	[tilespmem:v9+s29+$0x0] =	vst.idx.add.f32.msk $0xffff, v1  }
0x82: {  	s6 =	sadd.s32 $0x80, s6;
	[tilespmem:v17+s29+$0x0] =	vst.idx.add.f32.msk $0xffff, v1  }
0x83: {  	_ =	sdelay $0x3  }
0x84: {  	[tilespmem:v3+s29+$0x0] =	vst.idx.add.f32.msk $0xffff, v1  }
0x85: {  	[tilespmem:v2+s29+$0x0] =	vst.idx.add.f32.msk $0xffff, v1  }
0x86: {  	_ =	swait.ge [sflag:s26], $0x2000  }
0x87: {  	[sflag:s26] =	ssyncset.done $0x0  }
0x88: {  	s9 =	simm.s32 $0x40;
	s5 =	rddreg [dreg:$0x5];
	[sflag:s26] =	ssyncadd.s32 $0xFFFFE000  }
0x89: {  	[tilespmem:s28], [sflag:$0x2] =	stream.linear.gather [hbm4b:s5+s2], $0x2000, $0x38;
	[tilespmem:$0xDC00] =	vst v63  }
0x8a: {  	v2 =	vld [tilespmem:s9+$0x30]  }
0x8b: {  	v3 =	vld [tilespmem:s9+$0xFFFFFFD0]  }
0x8c: {  	v4 =	vld [tilespmem:s9+$0xFFFFFFE0]  }
0x8d: {  	v5 =	vld [tilespmem:s9+$0xFFFFFFF0];
	_ =	sdelay $0x1  }
0x8e: {  	v6 =	vand.u32 $0xFFFF, v2  }
0x8f: {  	v10 =	vld [tilespmem:s9+$0x10];
	v8 =	vand.u32 $0xFFFF, v3  }
0x90: {  	v7 =	vld [tilespmem:s9+$0x0];
	v12 =	vand.u32 $0xFFFF, v4  }
0x91: {  	v9 =	vld [tilespmem:s9+$0xFFFFFFC0];
	v60 =	vand.u32 $0xFFFF, v5  }
0x92: {  	v11 =	vld [tilespmem:s9+$0x20];
	v2 =	vshrl.u32 v2, $0x10  }
0x93: {  	v3 =	vshrl.u32 v3, $0x10;
	[tilespmem:v6+s29+$0x0] =	vst.idx.add.f32.msk $0xffff, v1  }
0x94: {  	v62 =	vand.u32 $0xFFFF, v10;
	[tilespmem:v8+s29+$0x0] =	vst.idx.add.f32.msk $0xffff, v1  }
0x95: {  	v4 =	vshrl.u32 v4, $0x10;
	[tilespmem:v12+s29+$0x0] =	vst.idx.add.f32.msk $0xffff, v1  }
0x96: {  	v63 =	vshrl.u32 v10, $0x10;
	[tilespmem:v60+s29+$0x0] =	vst.idx.add.f32.msk $0xffff, v1  }
0x97: {  	[tilespmem:v2+s29+$0x0] =	vst.idx.add.f32.msk $0xffff, v1;
	v2 =	vand.u32 $0xFFFF, v9  }
0x98: {  	[tilespmem:v3+s29+$0x0] =	vst.idx.add.f32.msk $0xffff, v1;
	v3 =	vshrl.u32 v5, $0x10  }
0x99: {  	[tilespmem:v62+s29+$0x0] =	vst.idx.add.f32.msk $0xffff, v1;
	v5 =	vand.u32 $0xFFFF, v7  }
0x9a: {  	v61 =	vshrl.u32 v9, $0x10;
	[tilespmem:v4+s29+$0x0] =	vst.idx.add.f32.msk $0xffff, v1  }
0x9b: {  	v4 =	vshrl.u32 v7, $0x10;
	[tilespmem:v63+s29+$0x0] =	vst.idx.add.f32.msk $0xffff, v1  }
0x9c: {  	[tilespmem:v2+s29+$0x0] =	vst.idx.add.f32.msk $0xffff, v1  }
0x9d: {  	[tilespmem:v3+s29+$0x0] =	vst.idx.add.f32.msk $0xffff, v1  }
0x9e: {  	[tilespmem:v5+s29+$0x0] =	vst.idx.add.f32.msk $0xffff, v1  }
0x9f: {  	[tilespmem:v61+s29+$0x0] =	vst.idx.add.f32.msk $0xffff, v1  }
0xa0: {  	s6 =	simm.s32 $0xC0;
	s5 =	simm.s32 $0x0;
	v2 =	vshrl.u32 v11, $0x10;
	v3 =	vand.u32 $0xFFFF, v11;
	[tilespmem:v4+s29+$0x0] =	vst.idx.add.f32.msk $0xffff, v1  }
.LBB2_8:
0xa1: {  	v4 =	vld [tilespmem:s6+$0x30]  }
0xa2: {  	s5 =	sadd.s32 $0x80, s5;
	v5 =	vld [tilespmem:s6+$0xFFFFFFD0]  }
0xa3: {  	p0 =	slt.u32 s5, $0x1F80;
	v6 =	vld [tilespmem:s6+$0xFFFFFFE0]  }
0xa4: {  	v7 =	vld [tilespmem:s6+$0xFFFFFFF0]  }
0xa5: {  	v8 =	vld [tilespmem:s6+$0x0]  }
0xa6: {  	v9 =	vld [tilespmem:s6+$0x10];
	v10 =	vand.u32 $0xFFFF, v4  }
0xa7: {  	v4 =	vshrl.u32 v4, $0x10;
	v11 =	vshrl.u32 v5, $0x10;
	v5 =	vand.u32 $0xFFFF, v5;
	v12 =	vld [tilespmem:s6+$0x20]  }
0xa8: {  	v13 =	vld [tilespmem:s6+$0xFFFFFFC0];
	v14 =	vshrl.u32 v6, $0x10;
	v6 =	vand.u32 $0xFFFF, v6  }
0xa9: {  	v15 =	vshrl.u32 v7, $0x10;
	v7 =	vand.u32 $0xFFFF, v7;
	[tilespmem:v3+s29+$0x0] =	vst.idx.add.f32.msk $0xffff, v1  }
0xaa: {  	v16 =	vshrl.u32 v8, $0x10;
	v8 =	vand.u32 $0xFFFF, v8;
	[tilespmem:v2+s29+$0x0] =	vst.idx.add.f32.msk $0xffff, v1  }
0xab: {  	v17 =	vshrl.u32 v9, $0x10;
	v9 =	vand.u32 $0xFFFF, v9;
	[tilespmem:v10+s29+$0x0] =	vst.idx.add.f32.msk $0xffff, v1  }
0xac: {  	v2 =	vshrl.u32 v12, $0x10;
	v3 =	vand.u32 $0xFFFF, v12;
	[tilespmem:v4+s29+$0x0] =	vst.idx.add.f32.msk $0xffff, v1  }
0xad: {  	v4 =	vshrl.u32 v13, $0x10;
	v10 =	vand.u32 $0xFFFF, v13;
	[tilespmem:v5+s29+$0x0] =	vst.idx.add.f32.msk $0xffff, v1  }
0xae: {  	[tilespmem:v11+s29+$0x0] =	vst.idx.add.f32.msk $0xffff, v1  }
0xaf: {  	[tilespmem:v6+s29+$0x0] =	vst.idx.add.f32.msk $0xffff, v1  }
0xb0: {  	[tilespmem:v14+s29+$0x0] =	vst.idx.add.f32.msk $0xffff, v1  }
0xb1: {  	[tilespmem:v7+s29+$0x0] =	vst.idx.add.f32.msk $0xffff, v1  }
0xb2: {  	[tilespmem:v10+s29+$0x0] =	vst.idx.add.f32.msk $0xffff, v1  }
0xb3: {  	[tilespmem:v4+s29+$0x0] =	vst.idx.add.f32.msk $0xffff, v1  }
.Ltmp3:
0xb4: {  	[tilespmem:v15+s29+$0x0] =	vst.idx.add.f32.msk $0xffff, v1;
	(pc) =	sbr.rel @p0 .LBB2_8-.Ltmp3, $4  }
0xb5: {  	[tilespmem:v8+s29+$0x0] =	vst.idx.add.f32.msk $0xffff, v1  }
0xb6: {  	[tilespmem:v16+s29+$0x0] =	vst.idx.add.f32.msk $0xffff, v1  }
0xb7: {  	[tilespmem:v9+s29+$0x0] =	vst.idx.add.f32.msk $0xffff, v1  }
0xb8: {  	s6 =	sadd.s32 $0x80, s6;
	[tilespmem:v17+s29+$0x0] =	vst.idx.add.f32.msk $0xffff, v1  }
0xb9: {  	_ =	sdelay $0x3  }
0xba: {  	[tilespmem:v3+s29+$0x0] =	vst.idx.add.f32.msk $0xffff, v1  }
0xbb: {  	[tilespmem:v2+s29+$0x0] =	vst.idx.add.f32.msk $0xffff, v1  }
0xbc: {  	_ =	swait.ge [sflag:s30], $0x2000  }
0xbd: {  	[sflag:s30] =	ssyncset.done $0x0  }
0xbe: {  	s9 =	simm.s32 $0x2040;
	s5 =	rddreg [dreg:$0x6];
	[sflag:s30] =	ssyncadd.s32 $0xFFFFE000  }
0xbf: {  	[tilespmem:s2], [sflag:$0x1] =	stream.linear.gather [hbm4b:s5+s2], $0x2000, $0x38;
	[tilespmem:$0xDC00] =	vst v63  }
0xc0: {  	v2 =	vld [tilespmem:s9+$0x30]  }
0xc1: {  	v3 =	vld [tilespmem:s9+$0xFFFFFFD0]  }
0xc2: {  	v4 =	vld [tilespmem:s9+$0xFFFFFFE0]  }
0xc3: {  	v5 =	vld [tilespmem:s9+$0xFFFFFFF0];
	_ =	sdelay $0x1  }
0xc4: {  	v6 =	vand.u32 $0xFFFF, v2  }
0xc5: {  	v10 =	vld [tilespmem:s9+$0x10];
	v8 =	vand.u32 $0xFFFF, v3  }
0xc6: {  	v7 =	vld [tilespmem:s9+$0x0];
	v12 =	vand.u32 $0xFFFF, v4  }
0xc7: {  	v9 =	vld [tilespmem:s9+$0xFFFFFFC0];
	v60 =	vand.u32 $0xFFFF, v5  }
0xc8: {  	v11 =	vld [tilespmem:s9+$0x20];
	v2 =	vshrl.u32 v2, $0x10  }
0xc9: {  	v3 =	vshrl.u32 v3, $0x10;
	[tilespmem:v6+s29+$0x0] =	vst.idx.add.f32.msk $0xffff, v1  }
0xca: {  	v62 =	vand.u32 $0xFFFF, v10;
	[tilespmem:v8+s29+$0x0] =	vst.idx.add.f32.msk $0xffff, v1  }
0xcb: {  	v4 =	vshrl.u32 v4, $0x10;
	[tilespmem:v12+s29+$0x0] =	vst.idx.add.f32.msk $0xffff, v1  }
0xcc: {  	v63 =	vshrl.u32 v10, $0x10;
	[tilespmem:v60+s29+$0x0] =	vst.idx.add.f32.msk $0xffff, v1  }
0xcd: {  	[tilespmem:v2+s29+$0x0] =	vst.idx.add.f32.msk $0xffff, v1;
	v2 =	vand.u32 $0xFFFF, v9  }
0xce: {  	[tilespmem:v3+s29+$0x0] =	vst.idx.add.f32.msk $0xffff, v1;
	v3 =	vshrl.u32 v5, $0x10  }
0xcf: {  	[tilespmem:v62+s29+$0x0] =	vst.idx.add.f32.msk $0xffff, v1;
	v5 =	vand.u32 $0xFFFF, v7  }
0xd0: {  	v61 =	vshrl.u32 v9, $0x10;
	[tilespmem:v4+s29+$0x0] =	vst.idx.add.f32.msk $0xffff, v1  }
0xd1: {  	v4 =	vshrl.u32 v7, $0x10;
	[tilespmem:v63+s29+$0x0] =	vst.idx.add.f32.msk $0xffff, v1  }
0xd2: {  	[tilespmem:v2+s29+$0x0] =	vst.idx.add.f32.msk $0xffff, v1  }
0xd3: {  	[tilespmem:v3+s29+$0x0] =	vst.idx.add.f32.msk $0xffff, v1  }
0xd4: {  	[tilespmem:v5+s29+$0x0] =	vst.idx.add.f32.msk $0xffff, v1  }
0xd5: {  	[tilespmem:v61+s29+$0x0] =	vst.idx.add.f32.msk $0xffff, v1  }
0xd6: {  	s6 =	simm.s32 $0x20C0;
	s5 =	simm.s32 $0x0;
	v2 =	vshrl.u32 v11, $0x10;
	v3 =	vand.u32 $0xFFFF, v11;
	[tilespmem:v4+s29+$0x0] =	vst.idx.add.f32.msk $0xffff, v1  }
.LBB2_10:
0xd7: {  	v4 =	vld [tilespmem:s6+$0x30]  }
0xd8: {  	s5 =	sadd.s32 $0x80, s5;
	v5 =	vld [tilespmem:s6+$0xFFFFFFD0]  }
0xd9: {  	p0 =	slt.u32 s5, $0x1F80;
	v6 =	vld [tilespmem:s6+$0xFFFFFFE0]  }
0xda: {  	v7 =	vld [tilespmem:s6+$0xFFFFFFF0]  }
0xdb: {  	v8 =	vld [tilespmem:s6+$0x0]  }
0xdc: {  	v9 =	vld [tilespmem:s6+$0x10];
	v10 =	vand.u32 $0xFFFF, v4  }
0xdd: {  	v4 =	vshrl.u32 v4, $0x10;
	v11 =	vshrl.u32 v5, $0x10;
	v5 =	vand.u32 $0xFFFF, v5;
	v12 =	vld [tilespmem:s6+$0x20]  }
0xde: {  	v13 =	vld [tilespmem:s6+$0xFFFFFFC0];
	v14 =	vshrl.u32 v6, $0x10;
	v6 =	vand.u32 $0xFFFF, v6  }
0xdf: {  	v15 =	vshrl.u32 v7, $0x10;
	v7 =	vand.u32 $0xFFFF, v7;
	[tilespmem:v3+s29+$0x0] =	vst.idx.add.f32.msk $0xffff, v1  }
0xe0: {  	v16 =	vshrl.u32 v8, $0x10;
	v8 =	vand.u32 $0xFFFF, v8;
	[tilespmem:v2+s29+$0x0] =	vst.idx.add.f32.msk $0xffff, v1  }
0xe1: {  	v17 =	vshrl.u32 v9, $0x10;
	v9 =	vand.u32 $0xFFFF, v9;
	[tilespmem:v10+s29+$0x0] =	vst.idx.add.f32.msk $0xffff, v1  }
0xe2: {  	v2 =	vshrl.u32 v12, $0x10;
	v3 =	vand.u32 $0xFFFF, v12;
	[tilespmem:v4+s29+$0x0] =	vst.idx.add.f32.msk $0xffff, v1  }
0xe3: {  	v4 =	vshrl.u32 v13, $0x10;
	v10 =	vand.u32 $0xFFFF, v13;
	[tilespmem:v5+s29+$0x0] =	vst.idx.add.f32.msk $0xffff, v1  }
0xe4: {  	[tilespmem:v11+s29+$0x0] =	vst.idx.add.f32.msk $0xffff, v1  }
0xe5: {  	[tilespmem:v6+s29+$0x0] =	vst.idx.add.f32.msk $0xffff, v1  }
0xe6: {  	[tilespmem:v14+s29+$0x0] =	vst.idx.add.f32.msk $0xffff, v1  }
0xe7: {  	[tilespmem:v7+s29+$0x0] =	vst.idx.add.f32.msk $0xffff, v1  }
0xe8: {  	[tilespmem:v10+s29+$0x0] =	vst.idx.add.f32.msk $0xffff, v1  }
0xe9: {  	[tilespmem:v4+s29+$0x0] =	vst.idx.add.f32.msk $0xffff, v1  }
.Ltmp4:
0xea: {  	[tilespmem:v15+s29+$0x0] =	vst.idx.add.f32.msk $0xffff, v1;
	(pc) =	sbr.rel @p0 .LBB2_10-.Ltmp4, $4  }
0xeb: {  	[tilespmem:v8+s29+$0x0] =	vst.idx.add.f32.msk $0xffff, v1  }
0xec: {  	[tilespmem:v16+s29+$0x0] =	vst.idx.add.f32.msk $0xffff, v1  }
0xed: {  	[tilespmem:v9+s29+$0x0] =	vst.idx.add.f32.msk $0xffff, v1  }
0xee: {  	s6 =	sadd.s32 $0x80, s6;
	[tilespmem:v17+s29+$0x0] =	vst.idx.add.f32.msk $0xffff, v1  }
0xef: {  	_ =	sdelay $0x3  }
0xf0: {  	[tilespmem:v3+s29+$0x0] =	vst.idx.add.f32.msk $0xffff, v1  }
0xf1: {  	[tilespmem:v2+s29+$0x0] =	vst.idx.add.f32.msk $0xffff, v1  }
0xf2: {  	_ =	swait.ge [sflag:s26], $0x2000  }
0xf3: {  	[sflag:s26] =	ssyncset.done $0x0  }
0xf4: {  	s9 =	simm.s32 $0x40;
	s5 =	rddreg [dreg:$0x7];
	[sflag:s26] =	ssyncadd.s32 $0xFFFFE000  }
0xf5: {  	[tilespmem:s28], [sflag:$0x2] =	stream.linear.gather [hbm4b:s5+s2], $0x2000, $0x38;
	[tilespmem:$0xDC00] =	vst v63  }
0xf6: {  	v2 =	vld [tilespmem:s9+$0x30]  }
0xf7: {  	v3 =	vld [tilespmem:s9+$0xFFFFFFD0]  }
0xf8: {  	v4 =	vld [tilespmem:s9+$0xFFFFFFE0]  }
0xf9: {  	v5 =	vld [tilespmem:s9+$0xFFFFFFF0];
	_ =	sdelay $0x1  }
0xfa: {  	v6 =	vand.u32 $0xFFFF, v2  }
0xfb: {  	v10 =	vld [tilespmem:s9+$0x10];
	v8 =	vand.u32 $0xFFFF, v3  }
0xfc: {  	v7 =	vld [tilespmem:s9+$0x0];
	v12 =	vand.u32 $0xFFFF, v4  }
0xfd: {  	v9 =	vld [tilespmem:s9+$0xFFFFFFC0];
	v60 =	vand.u32 $0xFFFF, v5  }
0xfe: {  	v11 =	vld [tilespmem:s9+$0x20];
	v2 =	vshrl.u32 v2, $0x10  }
0xff: {  	v3 =	vshrl.u32 v3, $0x10;
	[tilespmem:v6+s29+$0x0] =	vst.idx.add.f32.msk $0xffff, v1  }
0x100: {  	v62 =	vand.u32 $0xFFFF, v10;
	[tilespmem:v8+s29+$0x0] =	vst.idx.add.f32.msk $0xffff, v1  }
0x101: {  	v4 =	vshrl.u32 v4, $0x10;
	[tilespmem:v12+s29+$0x0] =	vst.idx.add.f32.msk $0xffff, v1  }
0x102: {  	v63 =	vshrl.u32 v10, $0x10;
	[tilespmem:v60+s29+$0x0] =	vst.idx.add.f32.msk $0xffff, v1  }
0x103: {  	[tilespmem:v2+s29+$0x0] =	vst.idx.add.f32.msk $0xffff, v1;
	v2 =	vand.u32 $0xFFFF, v9  }
0x104: {  	[tilespmem:v3+s29+$0x0] =	vst.idx.add.f32.msk $0xffff, v1;
	v3 =	vshrl.u32 v5, $0x10  }
0x105: {  	[tilespmem:v62+s29+$0x0] =	vst.idx.add.f32.msk $0xffff, v1;
	v5 =	vand.u32 $0xFFFF, v7  }
0x106: {  	v61 =	vshrl.u32 v9, $0x10;
	[tilespmem:v4+s29+$0x0] =	vst.idx.add.f32.msk $0xffff, v1  }
0x107: {  	v4 =	vshrl.u32 v7, $0x10;
	[tilespmem:v63+s29+$0x0] =	vst.idx.add.f32.msk $0xffff, v1  }
0x108: {  	[tilespmem:v2+s29+$0x0] =	vst.idx.add.f32.msk $0xffff, v1  }
0x109: {  	[tilespmem:v3+s29+$0x0] =	vst.idx.add.f32.msk $0xffff, v1  }
0x10a: {  	[tilespmem:v5+s29+$0x0] =	vst.idx.add.f32.msk $0xffff, v1  }
0x10b: {  	[tilespmem:v61+s29+$0x0] =	vst.idx.add.f32.msk $0xffff, v1  }
0x10c: {  	s6 =	simm.s32 $0xC0;
	s5 =	simm.s32 $0x0;
	v2 =	vshrl.u32 v11, $0x10;
	v3 =	vand.u32 $0xFFFF, v11;
	[tilespmem:v4+s29+$0x0] =	vst.idx.add.f32.msk $0xffff, v1  }
.LBB2_12:
0x10d: {  	v4 =	vld [tilespmem:s6+$0x30]  }
0x10e: {  	s5 =	sadd.s32 $0x80, s5;
	v5 =	vld [tilespmem:s6+$0xFFFFFFD0]  }
0x10f: {  	p0 =	slt.u32 s5, $0x1F80;
	v6 =	vld [tilespmem:s6+$0xFFFFFFE0]  }
0x110: {  	v7 =	vld [tilespmem:s6+$0xFFFFFFF0]  }
0x111: {  	v8 =	vld [tilespmem:s6+$0x0]  }
0x112: {  	v9 =	vld [tilespmem:s6+$0x10];
	v10 =	vand.u32 $0xFFFF, v4  }
0x113: {  	v4 =	vshrl.u32 v4, $0x10;
	v11 =	vshrl.u32 v5, $0x10;
	v5 =	vand.u32 $0xFFFF, v5;
	v12 =	vld [tilespmem:s6+$0x20]  }
0x114: {  	v13 =	vld [tilespmem:s6+$0xFFFFFFC0];
	v14 =	vshrl.u32 v6, $0x10;
	v6 =	vand.u32 $0xFFFF, v6  }
0x115: {  	v15 =	vshrl.u32 v7, $0x10;
	v7 =	vand.u32 $0xFFFF, v7;
	[tilespmem:v3+s29+$0x0] =	vst.idx.add.f32.msk $0xffff, v1  }
0x116: {  	v16 =	vshrl.u32 v8, $0x10;
	v8 =	vand.u32 $0xFFFF, v8;
	[tilespmem:v2+s29+$0x0] =	vst.idx.add.f32.msk $0xffff, v1  }
0x117: {  	v17 =	vshrl.u32 v9, $0x10;
	v9 =	vand.u32 $0xFFFF, v9;
	[tilespmem:v10+s29+$0x0] =	vst.idx.add.f32.msk $0xffff, v1  }
0x118: {  	v2 =	vshrl.u32 v12, $0x10;
	v3 =	vand.u32 $0xFFFF, v12;
	[tilespmem:v4+s29+$0x0] =	vst.idx.add.f32.msk $0xffff, v1  }
0x119: {  	v4 =	vshrl.u32 v13, $0x10;
	v10 =	vand.u32 $0xFFFF, v13;
	[tilespmem:v5+s29+$0x0] =	vst.idx.add.f32.msk $0xffff, v1  }
0x11a: {  	[tilespmem:v11+s29+$0x0] =	vst.idx.add.f32.msk $0xffff, v1  }
0x11b: {  	[tilespmem:v6+s29+$0x0] =	vst.idx.add.f32.msk $0xffff, v1  }
0x11c: {  	[tilespmem:v14+s29+$0x0] =	vst.idx.add.f32.msk $0xffff, v1  }
0x11d: {  	[tilespmem:v7+s29+$0x0] =	vst.idx.add.f32.msk $0xffff, v1  }
0x11e: {  	[tilespmem:v10+s29+$0x0] =	vst.idx.add.f32.msk $0xffff, v1  }
0x11f: {  	[tilespmem:v4+s29+$0x0] =	vst.idx.add.f32.msk $0xffff, v1  }
.Ltmp5:
0x120: {  	[tilespmem:v15+s29+$0x0] =	vst.idx.add.f32.msk $0xffff, v1;
	(pc) =	sbr.rel @p0 .LBB2_12-.Ltmp5, $4  }
0x121: {  	[tilespmem:v8+s29+$0x0] =	vst.idx.add.f32.msk $0xffff, v1  }
0x122: {  	[tilespmem:v16+s29+$0x0] =	vst.idx.add.f32.msk $0xffff, v1  }
0x123: {  	[tilespmem:v9+s29+$0x0] =	vst.idx.add.f32.msk $0xffff, v1  }
0x124: {  	s6 =	sadd.s32 $0x80, s6;
	[tilespmem:v17+s29+$0x0] =	vst.idx.add.f32.msk $0xffff, v1  }
0x125: {  	_ =	sdelay $0x3  }
0x126: {  	[tilespmem:v3+s29+$0x0] =	vst.idx.add.f32.msk $0xffff, v1  }
0x127: {  	[tilespmem:v2+s29+$0x0] =	vst.idx.add.f32.msk $0xffff, v1  }
0x128: {  	_ =	swait.ge [sflag:s30], $0x2000  }
0x129: {  	[sflag:s30] =	ssyncset.done $0x0  }
0x12a: {  	s5 =	simm.s32 $0x2040;
	[sflag:s30] =	ssyncadd.s32 $0xFFFFE000  }
0x12b: {  	[tilespmem:s2], [sflag:$0x1] =	stream.linear.gather [hbm4b:s10+s2], $0x2000, $0x38;
	[tilespmem:$0xDC00] =	vst v63  }
0x12c: {  	v2 =	vld [tilespmem:s5+$0x30]  }
0x12d: {  	v3 =	vld [tilespmem:s5+$0xFFFFFFD0]  }
0x12e: {  	v4 =	vld [tilespmem:s5+$0xFFFFFFE0]  }
0x12f: {  	v5 =	vld [tilespmem:s5+$0xFFFFFFF0];
	_ =	sdelay $0x1  }
0x130: {  	v6 =	vand.u32 $0xFFFF, v2  }
0x131: {  	v10 =	vld [tilespmem:s5+$0x10];
	v8 =	vand.u32 $0xFFFF, v3  }
0x132: {  	v7 =	vld [tilespmem:s5+$0x0];
	v12 =	vand.u32 $0xFFFF, v4  }
0x133: {  	v9 =	vld [tilespmem:s5+$0xFFFFFFC0];
	v60 =	vand.u32 $0xFFFF, v5  }
0x134: {  	v11 =	vld [tilespmem:s5+$0x20];
	v2 =	vshrl.u32 v2, $0x10  }
0x135: {  	v3 =	vshrl.u32 v3, $0x10;
	[tilespmem:v6+s29+$0x0] =	vst.idx.add.f32.msk $0xffff, v1  }
0x136: {  	v62 =	vand.u32 $0xFFFF, v10;
	[tilespmem:v8+s29+$0x0] =	vst.idx.add.f32.msk $0xffff, v1  }
0x137: {  	v4 =	vshrl.u32 v4, $0x10;
	[tilespmem:v12+s29+$0x0] =	vst.idx.add.f32.msk $0xffff, v1  }
0x138: {  	v63 =	vshrl.u32 v10, $0x10;
	[tilespmem:v60+s29+$0x0] =	vst.idx.add.f32.msk $0xffff, v1  }
0x139: {  	[tilespmem:v2+s29+$0x0] =	vst.idx.add.f32.msk $0xffff, v1;
	v2 =	vand.u32 $0xFFFF, v9  }
0x13a: {  	[tilespmem:v3+s29+$0x0] =	vst.idx.add.f32.msk $0xffff, v1;
	v3 =	vshrl.u32 v5, $0x10  }
0x13b: {  	[tilespmem:v62+s29+$0x0] =	vst.idx.add.f32.msk $0xffff, v1;
	v5 =	vand.u32 $0xFFFF, v7  }
0x13c: {  	v61 =	vshrl.u32 v9, $0x10;
	[tilespmem:v4+s29+$0x0] =	vst.idx.add.f32.msk $0xffff, v1  }
0x13d: {  	v4 =	vshrl.u32 v7, $0x10;
	[tilespmem:v63+s29+$0x0] =	vst.idx.add.f32.msk $0xffff, v1  }
0x13e: {  	[tilespmem:v2+s29+$0x0] =	vst.idx.add.f32.msk $0xffff, v1  }
0x13f: {  	[tilespmem:v3+s29+$0x0] =	vst.idx.add.f32.msk $0xffff, v1  }
0x140: {  	[tilespmem:v5+s29+$0x0] =	vst.idx.add.f32.msk $0xffff, v1  }
0x141: {  	[tilespmem:v61+s29+$0x0] =	vst.idx.add.f32.msk $0xffff, v1  }
0x142: {  	s6 =	simm.s32 $0x20C0;
	s5 =	simm.s32 $0x0;
	v2 =	vshrl.u32 v11, $0x10;
	v3 =	vand.u32 $0xFFFF, v11;
	[tilespmem:v4+s29+$0x0] =	vst.idx.add.f32.msk $0xffff, v1  }
.LBB2_14:
0x143: {  	v4 =	vld [tilespmem:s6+$0x30]  }
0x144: {  	s5 =	sadd.s32 $0x80, s5;
	v5 =	vld [tilespmem:s6+$0xFFFFFFD0]  }
0x145: {  	p0 =	slt.u32 s5, $0x1F80;
	v6 =	vld [tilespmem:s6+$0xFFFFFFE0]  }
0x146: {  	v7 =	vld [tilespmem:s6+$0xFFFFFFF0]  }
0x147: {  	v8 =	vld [tilespmem:s6+$0x0]  }
0x148: {  	v9 =	vld [tilespmem:s6+$0x10];
	v10 =	vand.u32 $0xFFFF, v4  }
0x149: {  	v4 =	vshrl.u32 v4, $0x10;
	v11 =	vshrl.u32 v5, $0x10;
	v5 =	vand.u32 $0xFFFF, v5;
	v12 =	vld [tilespmem:s6+$0x20]  }
0x14a: {  	v13 =	vld [tilespmem:s6+$0xFFFFFFC0];
	v14 =	vshrl.u32 v6, $0x10;
	v6 =	vand.u32 $0xFFFF, v6  }
0x14b: {  	v15 =	vshrl.u32 v7, $0x10;
	v7 =	vand.u32 $0xFFFF, v7;
	[tilespmem:v3+s29+$0x0] =	vst.idx.add.f32.msk $0xffff, v1  }
0x14c: {  	v16 =	vshrl.u32 v8, $0x10;
	v8 =	vand.u32 $0xFFFF, v8;
	[tilespmem:v2+s29+$0x0] =	vst.idx.add.f32.msk $0xffff, v1  }
0x14d: {  	v17 =	vshrl.u32 v9, $0x10;
	v9 =	vand.u32 $0xFFFF, v9;
	[tilespmem:v10+s29+$0x0] =	vst.idx.add.f32.msk $0xffff, v1  }
0x14e: {  	v2 =	vshrl.u32 v12, $0x10;
	v3 =	vand.u32 $0xFFFF, v12;
	[tilespmem:v4+s29+$0x0] =	vst.idx.add.f32.msk $0xffff, v1  }
0x14f: {  	v4 =	vshrl.u32 v13, $0x10;
	v10 =	vand.u32 $0xFFFF, v13;
	[tilespmem:v5+s29+$0x0] =	vst.idx.add.f32.msk $0xffff, v1  }
0x150: {  	[tilespmem:v11+s29+$0x0] =	vst.idx.add.f32.msk $0xffff, v1  }
0x151: {  	[tilespmem:v6+s29+$0x0] =	vst.idx.add.f32.msk $0xffff, v1  }
0x152: {  	[tilespmem:v14+s29+$0x0] =	vst.idx.add.f32.msk $0xffff, v1  }
0x153: {  	[tilespmem:v7+s29+$0x0] =	vst.idx.add.f32.msk $0xffff, v1  }
0x154: {  	[tilespmem:v10+s29+$0x0] =	vst.idx.add.f32.msk $0xffff, v1  }
0x155: {  	[tilespmem:v4+s29+$0x0] =	vst.idx.add.f32.msk $0xffff, v1  }
.Ltmp6:
0x156: {  	[tilespmem:v15+s29+$0x0] =	vst.idx.add.f32.msk $0xffff, v1;
	(pc) =	sbr.rel @p0 .LBB2_14-.Ltmp6, $4  }
0x157: {  	[tilespmem:v8+s29+$0x0] =	vst.idx.add.f32.msk $0xffff, v1  }
0x158: {  	[tilespmem:v16+s29+$0x0] =	vst.idx.add.f32.msk $0xffff, v1  }
0x159: {  	[tilespmem:v9+s29+$0x0] =	vst.idx.add.f32.msk $0xffff, v1  }
0x15a: {  	s6 =	sadd.s32 $0x80, s6;
	[tilespmem:v17+s29+$0x0] =	vst.idx.add.f32.msk $0xffff, v1  }
0x15b: {  	_ =	sdelay $0x3  }
0x15c: {  	[tilespmem:v3+s29+$0x0] =	vst.idx.add.f32.msk $0xffff, v1  }
0x15d: {  	[tilespmem:v2+s29+$0x0] =	vst.idx.add.f32.msk $0xffff, v1  }
0x15e: {  	_ =	swait.ge [sflag:s26], $0x2000  }
0x15f: {  	[sflag:s26] =	ssyncset.done $0x0  }
0x160: {  	s5 =	simm.s32 $0x40;
	[sflag:s26] =	ssyncadd.s32 $0xFFFFE000  }
0x161: {  	[tilespmem:s28], [sflag:$0x2] =	stream.linear.gather [hbm4b:s11+s2], $0x2000, $0x38;
	[tilespmem:$0xDC00] =	vst v63  }
0x162: {  	v2 =	vld [tilespmem:s5+$0x30]  }
0x163: {  	v3 =	vld [tilespmem:s5+$0xFFFFFFD0]  }
0x164: {  	v4 =	vld [tilespmem:s5+$0xFFFFFFE0]  }
0x165: {  	v5 =	vld [tilespmem:s5+$0xFFFFFFF0];
	_ =	sdelay $0x1  }
0x166: {  	v6 =	vand.u32 $0xFFFF, v2  }
0x167: {  	v10 =	vld [tilespmem:s5+$0x10];
	v8 =	vand.u32 $0xFFFF, v3  }
0x168: {  	v7 =	vld [tilespmem:s5+$0x0];
	v12 =	vand.u32 $0xFFFF, v4  }
0x169: {  	v9 =	vld [tilespmem:s5+$0xFFFFFFC0];
	v60 =	vand.u32 $0xFFFF, v5  }
0x16a: {  	v11 =	vld [tilespmem:s5+$0x20];
	v2 =	vshrl.u32 v2, $0x10  }
0x16b: {  	v3 =	vshrl.u32 v3, $0x10;
	[tilespmem:v6+s29+$0x0] =	vst.idx.add.f32.msk $0xffff, v1  }
0x16c: {  	v62 =	vand.u32 $0xFFFF, v10;
	[tilespmem:v8+s29+$0x0] =	vst.idx.add.f32.msk $0xffff, v1  }
0x16d: {  	v4 =	vshrl.u32 v4, $0x10;
	[tilespmem:v12+s29+$0x0] =	vst.idx.add.f32.msk $0xffff, v1  }
0x16e: {  	v63 =	vshrl.u32 v10, $0x10;
	[tilespmem:v60+s29+$0x0] =	vst.idx.add.f32.msk $0xffff, v1  }
0x16f: {  	[tilespmem:v2+s29+$0x0] =	vst.idx.add.f32.msk $0xffff, v1;
	v2 =	vand.u32 $0xFFFF, v9  }
0x170: {  	[tilespmem:v3+s29+$0x0] =	vst.idx.add.f32.msk $0xffff, v1;
	v3 =	vshrl.u32 v5, $0x10  }
0x171: {  	[tilespmem:v62+s29+$0x0] =	vst.idx.add.f32.msk $0xffff, v1;
	v5 =	vand.u32 $0xFFFF, v7  }
0x172: {  	v61 =	vshrl.u32 v9, $0x10;
	[tilespmem:v4+s29+$0x0] =	vst.idx.add.f32.msk $0xffff, v1  }
0x173: {  	v4 =	vshrl.u32 v7, $0x10;
	[tilespmem:v63+s29+$0x0] =	vst.idx.add.f32.msk $0xffff, v1  }
0x174: {  	[tilespmem:v2+s29+$0x0] =	vst.idx.add.f32.msk $0xffff, v1  }
0x175: {  	[tilespmem:v3+s29+$0x0] =	vst.idx.add.f32.msk $0xffff, v1  }
0x176: {  	[tilespmem:v5+s29+$0x0] =	vst.idx.add.f32.msk $0xffff, v1  }
0x177: {  	[tilespmem:v61+s29+$0x0] =	vst.idx.add.f32.msk $0xffff, v1  }
0x178: {  	s6 =	simm.s32 $0xC0;
	s5 =	simm.s32 $0x0;
	v2 =	vshrl.u32 v11, $0x10;
	v3 =	vand.u32 $0xFFFF, v11;
	[tilespmem:v4+s29+$0x0] =	vst.idx.add.f32.msk $0xffff, v1  }
.LBB2_16:
0x179: {  	v4 =	vld [tilespmem:s6+$0x30]  }
0x17a: {  	s5 =	sadd.s32 $0x80, s5;
	v5 =	vld [tilespmem:s6+$0xFFFFFFD0]  }
0x17b: {  	p0 =	slt.u32 s5, $0x1F80;
	v6 =	vld [tilespmem:s6+$0xFFFFFFE0]  }
0x17c: {  	v7 =	vld [tilespmem:s6+$0xFFFFFFF0]  }
0x17d: {  	v8 =	vld [tilespmem:s6+$0x0]  }
0x17e: {  	v9 =	vld [tilespmem:s6+$0x10];
	v10 =	vand.u32 $0xFFFF, v4  }
0x17f: {  	v4 =	vshrl.u32 v4, $0x10;
	v11 =	vshrl.u32 v5, $0x10;
	v5 =	vand.u32 $0xFFFF, v5;
	v12 =	vld [tilespmem:s6+$0x20]  }
0x180: {  	v13 =	vld [tilespmem:s6+$0xFFFFFFC0];
	v14 =	vshrl.u32 v6, $0x10;
	v6 =	vand.u32 $0xFFFF, v6  }
0x181: {  	v15 =	vshrl.u32 v7, $0x10;
	v7 =	vand.u32 $0xFFFF, v7;
	[tilespmem:v3+s29+$0x0] =	vst.idx.add.f32.msk $0xffff, v1  }
0x182: {  	v16 =	vshrl.u32 v8, $0x10;
	v8 =	vand.u32 $0xFFFF, v8;
	[tilespmem:v2+s29+$0x0] =	vst.idx.add.f32.msk $0xffff, v1  }
0x183: {  	v17 =	vshrl.u32 v9, $0x10;
	v9 =	vand.u32 $0xFFFF, v9;
	[tilespmem:v10+s29+$0x0] =	vst.idx.add.f32.msk $0xffff, v1  }
0x184: {  	v2 =	vshrl.u32 v12, $0x10;
	v3 =	vand.u32 $0xFFFF, v12;
	[tilespmem:v4+s29+$0x0] =	vst.idx.add.f32.msk $0xffff, v1  }
0x185: {  	v4 =	vshrl.u32 v13, $0x10;
	v10 =	vand.u32 $0xFFFF, v13;
	[tilespmem:v5+s29+$0x0] =	vst.idx.add.f32.msk $0xffff, v1  }
0x186: {  	[tilespmem:v11+s29+$0x0] =	vst.idx.add.f32.msk $0xffff, v1  }
0x187: {  	[tilespmem:v6+s29+$0x0] =	vst.idx.add.f32.msk $0xffff, v1  }
0x188: {  	[tilespmem:v14+s29+$0x0] =	vst.idx.add.f32.msk $0xffff, v1  }
0x189: {  	[tilespmem:v7+s29+$0x0] =	vst.idx.add.f32.msk $0xffff, v1  }
0x18a: {  	[tilespmem:v10+s29+$0x0] =	vst.idx.add.f32.msk $0xffff, v1  }
0x18b: {  	[tilespmem:v4+s29+$0x0] =	vst.idx.add.f32.msk $0xffff, v1  }
.Ltmp7:
0x18c: {  	[tilespmem:v15+s29+$0x0] =	vst.idx.add.f32.msk $0xffff, v1;
	(pc) =	sbr.rel @p0 .LBB2_16-.Ltmp7, $4  }
0x18d: {  	[tilespmem:v8+s29+$0x0] =	vst.idx.add.f32.msk $0xffff, v1  }
0x18e: {  	[tilespmem:v16+s29+$0x0] =	vst.idx.add.f32.msk $0xffff, v1  }
0x18f: {  	[tilespmem:v9+s29+$0x0] =	vst.idx.add.f32.msk $0xffff, v1  }
0x190: {  	s6 =	sadd.s32 $0x80, s6;
	[tilespmem:v17+s29+$0x0] =	vst.idx.add.f32.msk $0xffff, v1  }
0x191: {  	_ =	sdelay $0x3  }
0x192: {  	[tilespmem:v3+s29+$0x0] =	vst.idx.add.f32.msk $0xffff, v1  }
0x193: {  	[tilespmem:v2+s29+$0x0] =	vst.idx.add.f32.msk $0xffff, v1  }
0x194: {  	_ =	swait.ge [sflag:s30], $0x2000  }
0x195: {  	[sflag:s30] =	ssyncset.done $0x0  }
0x196: {  	s5 =	simm.s32 $0x2040;
	[sflag:s30] =	ssyncadd.s32 $0xFFFFE000  }
0x197: {  	[tilespmem:s2], [sflag:$0x1] =	stream.linear.gather [hbm4b:s12+s2], $0x2000, $0x38;
	[tilespmem:$0xDC00] =	vst v63  }
0x198: {  	v2 =	vld [tilespmem:s5+$0x30]  }
0x199: {  	v3 =	vld [tilespmem:s5+$0xFFFFFFD0]  }
0x19a: {  	v4 =	vld [tilespmem:s5+$0xFFFFFFE0]  }
0x19b: {  	v5 =	vld [tilespmem:s5+$0xFFFFFFF0];
	_ =	sdelay $0x1  }
0x19c: {  	v6 =	vand.u32 $0xFFFF, v2  }
0x19d: {  	v10 =	vld [tilespmem:s5+$0x10];
	v8 =	vand.u32 $0xFFFF, v3  }
0x19e: {  	v7 =	vld [tilespmem:s5+$0x0];
	v12 =	vand.u32 $0xFFFF, v4  }
0x19f: {  	v9 =	vld [tilespmem:s5+$0xFFFFFFC0];
	v60 =	vand.u32 $0xFFFF, v5  }
0x1a0: {  	v11 =	vld [tilespmem:s5+$0x20];
	v2 =	vshrl.u32 v2, $0x10  }
0x1a1: {  	v3 =	vshrl.u32 v3, $0x10;
	[tilespmem:v6+s29+$0x0] =	vst.idx.add.f32.msk $0xffff, v1  }
0x1a2: {  	v62 =	vand.u32 $0xFFFF, v10;
	[tilespmem:v8+s29+$0x0] =	vst.idx.add.f32.msk $0xffff, v1  }
0x1a3: {  	v4 =	vshrl.u32 v4, $0x10;
	[tilespmem:v12+s29+$0x0] =	vst.idx.add.f32.msk $0xffff, v1  }
0x1a4: {  	v63 =	vshrl.u32 v10, $0x10;
	[tilespmem:v60+s29+$0x0] =	vst.idx.add.f32.msk $0xffff, v1  }
0x1a5: {  	[tilespmem:v2+s29+$0x0] =	vst.idx.add.f32.msk $0xffff, v1;
	v2 =	vand.u32 $0xFFFF, v9  }
0x1a6: {  	[tilespmem:v3+s29+$0x0] =	vst.idx.add.f32.msk $0xffff, v1;
	v3 =	vshrl.u32 v5, $0x10  }
0x1a7: {  	[tilespmem:v62+s29+$0x0] =	vst.idx.add.f32.msk $0xffff, v1;
	v5 =	vand.u32 $0xFFFF, v7  }
0x1a8: {  	v61 =	vshrl.u32 v9, $0x10;
	[tilespmem:v4+s29+$0x0] =	vst.idx.add.f32.msk $0xffff, v1  }
0x1a9: {  	v4 =	vshrl.u32 v7, $0x10;
	[tilespmem:v63+s29+$0x0] =	vst.idx.add.f32.msk $0xffff, v1  }
0x1aa: {  	[tilespmem:v2+s29+$0x0] =	vst.idx.add.f32.msk $0xffff, v1  }
0x1ab: {  	[tilespmem:v3+s29+$0x0] =	vst.idx.add.f32.msk $0xffff, v1  }
0x1ac: {  	[tilespmem:v5+s29+$0x0] =	vst.idx.add.f32.msk $0xffff, v1  }
0x1ad: {  	[tilespmem:v61+s29+$0x0] =	vst.idx.add.f32.msk $0xffff, v1  }
0x1ae: {  	s6 =	simm.s32 $0x20C0;
	s5 =	simm.s32 $0x0;
	v2 =	vshrl.u32 v11, $0x10;
	v3 =	vand.u32 $0xFFFF, v11;
	[tilespmem:v4+s29+$0x0] =	vst.idx.add.f32.msk $0xffff, v1  }
.LBB2_18:
0x1af: {  	v4 =	vld [tilespmem:s6+$0x30]  }
0x1b0: {  	s5 =	sadd.s32 $0x80, s5;
	v5 =	vld [tilespmem:s6+$0xFFFFFFD0]  }
0x1b1: {  	p0 =	slt.u32 s5, $0x1F80;
	v6 =	vld [tilespmem:s6+$0xFFFFFFE0]  }
0x1b2: {  	v7 =	vld [tilespmem:s6+$0xFFFFFFF0]  }
0x1b3: {  	v8 =	vld [tilespmem:s6+$0x0]  }
0x1b4: {  	v9 =	vld [tilespmem:s6+$0x10];
	v10 =	vand.u32 $0xFFFF, v4  }
0x1b5: {  	v4 =	vshrl.u32 v4, $0x10;
	v11 =	vshrl.u32 v5, $0x10;
	v5 =	vand.u32 $0xFFFF, v5;
	v12 =	vld [tilespmem:s6+$0x20]  }
0x1b6: {  	v13 =	vld [tilespmem:s6+$0xFFFFFFC0];
	v14 =	vshrl.u32 v6, $0x10;
	v6 =	vand.u32 $0xFFFF, v6  }
0x1b7: {  	v15 =	vshrl.u32 v7, $0x10;
	v7 =	vand.u32 $0xFFFF, v7;
	[tilespmem:v3+s29+$0x0] =	vst.idx.add.f32.msk $0xffff, v1  }
0x1b8: {  	v16 =	vshrl.u32 v8, $0x10;
	v8 =	vand.u32 $0xFFFF, v8;
	[tilespmem:v2+s29+$0x0] =	vst.idx.add.f32.msk $0xffff, v1  }
0x1b9: {  	v17 =	vshrl.u32 v9, $0x10;
	v9 =	vand.u32 $0xFFFF, v9;
	[tilespmem:v10+s29+$0x0] =	vst.idx.add.f32.msk $0xffff, v1  }
0x1ba: {  	v2 =	vshrl.u32 v12, $0x10;
	v3 =	vand.u32 $0xFFFF, v12;
	[tilespmem:v4+s29+$0x0] =	vst.idx.add.f32.msk $0xffff, v1  }
0x1bb: {  	v4 =	vshrl.u32 v13, $0x10;
	v10 =	vand.u32 $0xFFFF, v13;
	[tilespmem:v5+s29+$0x0] =	vst.idx.add.f32.msk $0xffff, v1  }
0x1bc: {  	[tilespmem:v11+s29+$0x0] =	vst.idx.add.f32.msk $0xffff, v1  }
0x1bd: {  	[tilespmem:v6+s29+$0x0] =	vst.idx.add.f32.msk $0xffff, v1  }
0x1be: {  	[tilespmem:v14+s29+$0x0] =	vst.idx.add.f32.msk $0xffff, v1  }
0x1bf: {  	[tilespmem:v7+s29+$0x0] =	vst.idx.add.f32.msk $0xffff, v1  }
0x1c0: {  	[tilespmem:v10+s29+$0x0] =	vst.idx.add.f32.msk $0xffff, v1  }
0x1c1: {  	[tilespmem:v4+s29+$0x0] =	vst.idx.add.f32.msk $0xffff, v1  }
.Ltmp8:
0x1c2: {  	[tilespmem:v15+s29+$0x0] =	vst.idx.add.f32.msk $0xffff, v1;
	(pc) =	sbr.rel @p0 .LBB2_18-.Ltmp8, $4  }
0x1c3: {  	[tilespmem:v8+s29+$0x0] =	vst.idx.add.f32.msk $0xffff, v1  }
0x1c4: {  	[tilespmem:v16+s29+$0x0] =	vst.idx.add.f32.msk $0xffff, v1  }
0x1c5: {  	[tilespmem:v9+s29+$0x0] =	vst.idx.add.f32.msk $0xffff, v1  }
0x1c6: {  	s6 =	sadd.s32 $0x80, s6;
	[tilespmem:v17+s29+$0x0] =	vst.idx.add.f32.msk $0xffff, v1  }
0x1c7: {  	_ =	sdelay $0x3  }
0x1c8: {  	[tilespmem:v3+s29+$0x0] =	vst.idx.add.f32.msk $0xffff, v1  }
0x1c9: {  	[tilespmem:v2+s29+$0x0] =	vst.idx.add.f32.msk $0xffff, v1  }
0x1ca: {  	_ =	swait.ge [sflag:s26], $0x2000  }
0x1cb: {  	[sflag:s26] =	ssyncset.done $0x0  }
0x1cc: {  	s5 =	simm.s32 $0x40;
	[sflag:s26] =	ssyncadd.s32 $0xFFFFE000  }
0x1cd: {  	[tilespmem:s28], [sflag:$0x2] =	stream.linear.gather [hbm4b:s13+s2], $0x2000, $0x38;
	[tilespmem:$0xDC00] =	vst v63  }
0x1ce: {  	v2 =	vld [tilespmem:s5+$0x30]  }
0x1cf: {  	v3 =	vld [tilespmem:s5+$0xFFFFFFD0]  }
0x1d0: {  	v4 =	vld [tilespmem:s5+$0xFFFFFFE0]  }
0x1d1: {  	v5 =	vld [tilespmem:s5+$0xFFFFFFF0];
	_ =	sdelay $0x1  }
0x1d2: {  	v6 =	vand.u32 $0xFFFF, v2  }
0x1d3: {  	v10 =	vld [tilespmem:s5+$0x10];
	v8 =	vand.u32 $0xFFFF, v3  }
0x1d4: {  	v7 =	vld [tilespmem:s5+$0x0];
	v12 =	vand.u32 $0xFFFF, v4  }
0x1d5: {  	v9 =	vld [tilespmem:s5+$0xFFFFFFC0];
	v60 =	vand.u32 $0xFFFF, v5  }
0x1d6: {  	v11 =	vld [tilespmem:s5+$0x20];
	v2 =	vshrl.u32 v2, $0x10  }
0x1d7: {  	v3 =	vshrl.u32 v3, $0x10;
	[tilespmem:v6+s29+$0x0] =	vst.idx.add.f32.msk $0xffff, v1  }
0x1d8: {  	v62 =	vand.u32 $0xFFFF, v10;
	[tilespmem:v8+s29+$0x0] =	vst.idx.add.f32.msk $0xffff, v1  }
0x1d9: {  	v4 =	vshrl.u32 v4, $0x10;
	[tilespmem:v12+s29+$0x0] =	vst.idx.add.f32.msk $0xffff, v1  }
0x1da: {  	v63 =	vshrl.u32 v10, $0x10;
	[tilespmem:v60+s29+$0x0] =	vst.idx.add.f32.msk $0xffff, v1  }
0x1db: {  	[tilespmem:v2+s29+$0x0] =	vst.idx.add.f32.msk $0xffff, v1;
	v2 =	vand.u32 $0xFFFF, v9  }
0x1dc: {  	[tilespmem:v3+s29+$0x0] =	vst.idx.add.f32.msk $0xffff, v1;
	v3 =	vshrl.u32 v5, $0x10  }
0x1dd: {  	[tilespmem:v62+s29+$0x0] =	vst.idx.add.f32.msk $0xffff, v1;
	v5 =	vand.u32 $0xFFFF, v7  }
0x1de: {  	v61 =	vshrl.u32 v9, $0x10;
	[tilespmem:v4+s29+$0x0] =	vst.idx.add.f32.msk $0xffff, v1  }
0x1df: {  	v4 =	vshrl.u32 v7, $0x10;
	[tilespmem:v63+s29+$0x0] =	vst.idx.add.f32.msk $0xffff, v1  }
0x1e0: {  	[tilespmem:v2+s29+$0x0] =	vst.idx.add.f32.msk $0xffff, v1  }
0x1e1: {  	[tilespmem:v3+s29+$0x0] =	vst.idx.add.f32.msk $0xffff, v1  }
0x1e2: {  	[tilespmem:v5+s29+$0x0] =	vst.idx.add.f32.msk $0xffff, v1  }
0x1e3: {  	[tilespmem:v61+s29+$0x0] =	vst.idx.add.f32.msk $0xffff, v1  }
0x1e4: {  	s6 =	simm.s32 $0xC0;
	s5 =	simm.s32 $0x0;
	v2 =	vshrl.u32 v11, $0x10;
	v3 =	vand.u32 $0xFFFF, v11;
	[tilespmem:v4+s29+$0x0] =	vst.idx.add.f32.msk $0xffff, v1  }
.LBB2_20:
0x1e5: {  	v4 =	vld [tilespmem:s6+$0x30]  }
0x1e6: {  	s5 =	sadd.s32 $0x80, s5;
	v5 =	vld [tilespmem:s6+$0xFFFFFFD0]  }
0x1e7: {  	p0 =	slt.u32 s5, $0x1F80;
	v6 =	vld [tilespmem:s6+$0xFFFFFFE0]  }
0x1e8: {  	v7 =	vld [tilespmem:s6+$0xFFFFFFF0]  }
0x1e9: {  	v8 =	vld [tilespmem:s6+$0x0]  }
0x1ea: {  	v9 =	vld [tilespmem:s6+$0x10];
	v10 =	vand.u32 $0xFFFF, v4  }
0x1eb: {  	v4 =	vshrl.u32 v4, $0x10;
	v11 =	vshrl.u32 v5, $0x10;
	v5 =	vand.u32 $0xFFFF, v5;
	v12 =	vld [tilespmem:s6+$0x20]  }
0x1ec: {  	v13 =	vld [tilespmem:s6+$0xFFFFFFC0];
	v14 =	vshrl.u32 v6, $0x10;
	v6 =	vand.u32 $0xFFFF, v6  }
0x1ed: {  	v15 =	vshrl.u32 v7, $0x10;
	v7 =	vand.u32 $0xFFFF, v7;
	[tilespmem:v3+s29+$0x0] =	vst.idx.add.f32.msk $0xffff, v1  }
0x1ee: {  	v16 =	vshrl.u32 v8, $0x10;
	v8 =	vand.u32 $0xFFFF, v8;
	[tilespmem:v2+s29+$0x0] =	vst.idx.add.f32.msk $0xffff, v1  }
0x1ef: {  	v17 =	vshrl.u32 v9, $0x10;
	v9 =	vand.u32 $0xFFFF, v9;
	[tilespmem:v10+s29+$0x0] =	vst.idx.add.f32.msk $0xffff, v1  }
0x1f0: {  	v2 =	vshrl.u32 v12, $0x10;
	v3 =	vand.u32 $0xFFFF, v12;
	[tilespmem:v4+s29+$0x0] =	vst.idx.add.f32.msk $0xffff, v1  }
0x1f1: {  	v4 =	vshrl.u32 v13, $0x10;
	v10 =	vand.u32 $0xFFFF, v13;
	[tilespmem:v5+s29+$0x0] =	vst.idx.add.f32.msk $0xffff, v1  }
0x1f2: {  	[tilespmem:v11+s29+$0x0] =	vst.idx.add.f32.msk $0xffff, v1  }
0x1f3: {  	[tilespmem:v6+s29+$0x0] =	vst.idx.add.f32.msk $0xffff, v1  }
0x1f4: {  	[tilespmem:v14+s29+$0x0] =	vst.idx.add.f32.msk $0xffff, v1  }
0x1f5: {  	[tilespmem:v7+s29+$0x0] =	vst.idx.add.f32.msk $0xffff, v1  }
0x1f6: {  	[tilespmem:v10+s29+$0x0] =	vst.idx.add.f32.msk $0xffff, v1  }
0x1f7: {  	[tilespmem:v4+s29+$0x0] =	vst.idx.add.f32.msk $0xffff, v1  }
.Ltmp9:
0x1f8: {  	[tilespmem:v15+s29+$0x0] =	vst.idx.add.f32.msk $0xffff, v1;
	(pc) =	sbr.rel @p0 .LBB2_20-.Ltmp9, $4  }
0x1f9: {  	[tilespmem:v8+s29+$0x0] =	vst.idx.add.f32.msk $0xffff, v1  }
0x1fa: {  	[tilespmem:v16+s29+$0x0] =	vst.idx.add.f32.msk $0xffff, v1  }
0x1fb: {  	[tilespmem:v9+s29+$0x0] =	vst.idx.add.f32.msk $0xffff, v1  }
0x1fc: {  	s6 =	sadd.s32 $0x80, s6;
	[tilespmem:v17+s29+$0x0] =	vst.idx.add.f32.msk $0xffff, v1  }
0x1fd: {  	_ =	sdelay $0x3  }
0x1fe: {  	[tilespmem:v3+s29+$0x0] =	vst.idx.add.f32.msk $0xffff, v1  }
0x1ff: {  	[tilespmem:v2+s29+$0x0] =	vst.idx.add.f32.msk $0xffff, v1  }
0x200: {  	_ =	swait.ge [sflag:s30], $0x2000  }
0x201: {  	[sflag:s30] =	ssyncset.done $0x0  }
0x202: {  	s5 =	simm.s32 $0x2040;
	[sflag:s30] =	ssyncadd.s32 $0xFFFFE000  }
0x203: {  	[tilespmem:s2], [sflag:$0x1] =	stream.linear.gather [hbm4b:s14+s2], $0x2000, $0x38;
	[tilespmem:$0xDC00] =	vst v63  }
0x204: {  	v2 =	vld [tilespmem:s5+$0x30]  }
0x205: {  	v3 =	vld [tilespmem:s5+$0xFFFFFFD0]  }
0x206: {  	v4 =	vld [tilespmem:s5+$0xFFFFFFE0]  }
0x207: {  	v5 =	vld [tilespmem:s5+$0xFFFFFFF0];
	_ =	sdelay $0x1  }
0x208: {  	v6 =	vand.u32 $0xFFFF, v2  }
0x209: {  	v10 =	vld [tilespmem:s5+$0x10];
	v8 =	vand.u32 $0xFFFF, v3  }
0x20a: {  	v7 =	vld [tilespmem:s5+$0x0];
	v12 =	vand.u32 $0xFFFF, v4  }
0x20b: {  	v9 =	vld [tilespmem:s5+$0xFFFFFFC0];
	v60 =	vand.u32 $0xFFFF, v5  }
0x20c: {  	v11 =	vld [tilespmem:s5+$0x20];
	v2 =	vshrl.u32 v2, $0x10  }
0x20d: {  	v3 =	vshrl.u32 v3, $0x10;
	[tilespmem:v6+s29+$0x0] =	vst.idx.add.f32.msk $0xffff, v1  }
0x20e: {  	v62 =	vand.u32 $0xFFFF, v10;
	[tilespmem:v8+s29+$0x0] =	vst.idx.add.f32.msk $0xffff, v1  }
0x20f: {  	v4 =	vshrl.u32 v4, $0x10;
	[tilespmem:v12+s29+$0x0] =	vst.idx.add.f32.msk $0xffff, v1  }
0x210: {  	v63 =	vshrl.u32 v10, $0x10;
	[tilespmem:v60+s29+$0x0] =	vst.idx.add.f32.msk $0xffff, v1  }
0x211: {  	[tilespmem:v2+s29+$0x0] =	vst.idx.add.f32.msk $0xffff, v1;
	v2 =	vand.u32 $0xFFFF, v9  }
0x212: {  	[tilespmem:v3+s29+$0x0] =	vst.idx.add.f32.msk $0xffff, v1;
	v3 =	vshrl.u32 v5, $0x10  }
0x213: {  	[tilespmem:v62+s29+$0x0] =	vst.idx.add.f32.msk $0xffff, v1;
	v5 =	vand.u32 $0xFFFF, v7  }
0x214: {  	v61 =	vshrl.u32 v9, $0x10;
	[tilespmem:v4+s29+$0x0] =	vst.idx.add.f32.msk $0xffff, v1  }
0x215: {  	v4 =	vshrl.u32 v7, $0x10;
	[tilespmem:v63+s29+$0x0] =	vst.idx.add.f32.msk $0xffff, v1  }
0x216: {  	[tilespmem:v2+s29+$0x0] =	vst.idx.add.f32.msk $0xffff, v1  }
0x217: {  	[tilespmem:v3+s29+$0x0] =	vst.idx.add.f32.msk $0xffff, v1  }
0x218: {  	[tilespmem:v5+s29+$0x0] =	vst.idx.add.f32.msk $0xffff, v1  }
0x219: {  	[tilespmem:v61+s29+$0x0] =	vst.idx.add.f32.msk $0xffff, v1  }
0x21a: {  	s6 =	simm.s32 $0x20C0;
	s5 =	simm.s32 $0x0;
	v2 =	vshrl.u32 v11, $0x10;
	v3 =	vand.u32 $0xFFFF, v11;
	[tilespmem:v4+s29+$0x0] =	vst.idx.add.f32.msk $0xffff, v1  }
.LBB2_22:
0x21b: {  	v4 =	vld [tilespmem:s6+$0x30]  }
0x21c: {  	s5 =	sadd.s32 $0x80, s5;
	v5 =	vld [tilespmem:s6+$0xFFFFFFD0]  }
0x21d: {  	p0 =	slt.u32 s5, $0x1F80;
	v6 =	vld [tilespmem:s6+$0xFFFFFFE0]  }
0x21e: {  	v7 =	vld [tilespmem:s6+$0xFFFFFFF0]  }
0x21f: {  	v8 =	vld [tilespmem:s6+$0x0]  }
0x220: {  	v9 =	vld [tilespmem:s6+$0x10];
	v10 =	vand.u32 $0xFFFF, v4  }
0x221: {  	v4 =	vshrl.u32 v4, $0x10;
	v11 =	vshrl.u32 v5, $0x10;
	v5 =	vand.u32 $0xFFFF, v5;
	v12 =	vld [tilespmem:s6+$0x20]  }
0x222: {  	v13 =	vld [tilespmem:s6+$0xFFFFFFC0];
	v14 =	vshrl.u32 v6, $0x10;
	v6 =	vand.u32 $0xFFFF, v6  }
0x223: {  	v15 =	vshrl.u32 v7, $0x10;
	v7 =	vand.u32 $0xFFFF, v7;
	[tilespmem:v3+s29+$0x0] =	vst.idx.add.f32.msk $0xffff, v1  }
0x224: {  	v16 =	vshrl.u32 v8, $0x10;
	v8 =	vand.u32 $0xFFFF, v8;
	[tilespmem:v2+s29+$0x0] =	vst.idx.add.f32.msk $0xffff, v1  }
0x225: {  	v17 =	vshrl.u32 v9, $0x10;
	v9 =	vand.u32 $0xFFFF, v9;
	[tilespmem:v10+s29+$0x0] =	vst.idx.add.f32.msk $0xffff, v1  }
0x226: {  	v2 =	vshrl.u32 v12, $0x10;
	v3 =	vand.u32 $0xFFFF, v12;
	[tilespmem:v4+s29+$0x0] =	vst.idx.add.f32.msk $0xffff, v1  }
0x227: {  	v4 =	vshrl.u32 v13, $0x10;
	v10 =	vand.u32 $0xFFFF, v13;
	[tilespmem:v5+s29+$0x0] =	vst.idx.add.f32.msk $0xffff, v1  }
0x228: {  	[tilespmem:v11+s29+$0x0] =	vst.idx.add.f32.msk $0xffff, v1  }
0x229: {  	[tilespmem:v6+s29+$0x0] =	vst.idx.add.f32.msk $0xffff, v1  }
0x22a: {  	[tilespmem:v14+s29+$0x0] =	vst.idx.add.f32.msk $0xffff, v1  }
0x22b: {  	[tilespmem:v7+s29+$0x0] =	vst.idx.add.f32.msk $0xffff, v1  }
0x22c: {  	[tilespmem:v10+s29+$0x0] =	vst.idx.add.f32.msk $0xffff, v1  }
0x22d: {  	[tilespmem:v4+s29+$0x0] =	vst.idx.add.f32.msk $0xffff, v1  }
.Ltmp10:
0x22e: {  	[tilespmem:v15+s29+$0x0] =	vst.idx.add.f32.msk $0xffff, v1;
	(pc) =	sbr.rel @p0 .LBB2_22-.Ltmp10, $4  }
0x22f: {  	[tilespmem:v8+s29+$0x0] =	vst.idx.add.f32.msk $0xffff, v1  }
0x230: {  	[tilespmem:v16+s29+$0x0] =	vst.idx.add.f32.msk $0xffff, v1  }
0x231: {  	[tilespmem:v9+s29+$0x0] =	vst.idx.add.f32.msk $0xffff, v1  }
0x232: {  	s6 =	sadd.s32 $0x80, s6;
	[tilespmem:v17+s29+$0x0] =	vst.idx.add.f32.msk $0xffff, v1  }
0x233: {  	_ =	sdelay $0x3  }
0x234: {  	[tilespmem:v3+s29+$0x0] =	vst.idx.add.f32.msk $0xffff, v1  }
0x235: {  	[tilespmem:v2+s29+$0x0] =	vst.idx.add.f32.msk $0xffff, v1  }
0x236: {  	_ =	swait.ge [sflag:s26], $0x2000  }
0x237: {  	[sflag:s26] =	ssyncset.done $0x0  }
0x238: {  	s5 =	simm.s32 $0x40;
	[sflag:s26] =	ssyncadd.s32 $0xFFFFE000  }
0x239: {  	[tilespmem:s28], [sflag:$0x2] =	stream.linear.gather [hbm4b:s15+s2], $0x2000, $0x38;
	[tilespmem:$0xDC00] =	vst v63  }
0x23a: {  	v2 =	vld [tilespmem:s5+$0x30]  }
0x23b: {  	v3 =	vld [tilespmem:s5+$0xFFFFFFD0]  }
0x23c: {  	v4 =	vld [tilespmem:s5+$0xFFFFFFE0]  }
0x23d: {  	v5 =	vld [tilespmem:s5+$0xFFFFFFF0];
	_ =	sdelay $0x1  }
0x23e: {  	v6 =	vand.u32 $0xFFFF, v2  }
0x23f: {  	v10 =	vld [tilespmem:s5+$0x10];
	v8 =	vand.u32 $0xFFFF, v3  }
0x240: {  	v7 =	vld [tilespmem:s5+$0x0];
	v12 =	vand.u32 $0xFFFF, v4  }
0x241: {  	v9 =	vld [tilespmem:s5+$0xFFFFFFC0];
	v60 =	vand.u32 $0xFFFF, v5  }
0x242: {  	v11 =	vld [tilespmem:s5+$0x20];
	v2 =	vshrl.u32 v2, $0x10  }
0x243: {  	v3 =	vshrl.u32 v3, $0x10;
	[tilespmem:v6+s29+$0x0] =	vst.idx.add.f32.msk $0xffff, v1  }
0x244: {  	v62 =	vand.u32 $0xFFFF, v10;
	[tilespmem:v8+s29+$0x0] =	vst.idx.add.f32.msk $0xffff, v1  }
0x245: {  	v4 =	vshrl.u32 v4, $0x10;
	[tilespmem:v12+s29+$0x0] =	vst.idx.add.f32.msk $0xffff, v1  }
0x246: {  	v63 =	vshrl.u32 v10, $0x10;
	[tilespmem:v60+s29+$0x0] =	vst.idx.add.f32.msk $0xffff, v1  }
0x247: {  	[tilespmem:v2+s29+$0x0] =	vst.idx.add.f32.msk $0xffff, v1;
	v2 =	vand.u32 $0xFFFF, v9  }
0x248: {  	[tilespmem:v3+s29+$0x0] =	vst.idx.add.f32.msk $0xffff, v1;
	v3 =	vshrl.u32 v5, $0x10  }
0x249: {  	[tilespmem:v62+s29+$0x0] =	vst.idx.add.f32.msk $0xffff, v1;
	v5 =	vand.u32 $0xFFFF, v7  }
0x24a: {  	v61 =	vshrl.u32 v9, $0x10;
	[tilespmem:v4+s29+$0x0] =	vst.idx.add.f32.msk $0xffff, v1  }
0x24b: {  	v4 =	vshrl.u32 v7, $0x10;
	[tilespmem:v63+s29+$0x0] =	vst.idx.add.f32.msk $0xffff, v1  }
0x24c: {  	[tilespmem:v2+s29+$0x0] =	vst.idx.add.f32.msk $0xffff, v1  }
0x24d: {  	[tilespmem:v3+s29+$0x0] =	vst.idx.add.f32.msk $0xffff, v1  }
0x24e: {  	[tilespmem:v5+s29+$0x0] =	vst.idx.add.f32.msk $0xffff, v1  }
0x24f: {  	[tilespmem:v61+s29+$0x0] =	vst.idx.add.f32.msk $0xffff, v1  }
0x250: {  	s6 =	simm.s32 $0xC0;
	s5 =	simm.s32 $0x0;
	v2 =	vshrl.u32 v11, $0x10;
	v3 =	vand.u32 $0xFFFF, v11;
	[tilespmem:v4+s29+$0x0] =	vst.idx.add.f32.msk $0xffff, v1  }
.LBB2_24:
0x251: {  	v4 =	vld [tilespmem:s6+$0x30]  }
0x252: {  	s5 =	sadd.s32 $0x80, s5;
	v5 =	vld [tilespmem:s6+$0xFFFFFFD0]  }
0x253: {  	p0 =	slt.u32 s5, $0x1F80;
	v6 =	vld [tilespmem:s6+$0xFFFFFFE0]  }
0x254: {  	v7 =	vld [tilespmem:s6+$0xFFFFFFF0]  }
0x255: {  	v8 =	vld [tilespmem:s6+$0x0]  }
0x256: {  	v9 =	vld [tilespmem:s6+$0x10];
	v10 =	vand.u32 $0xFFFF, v4  }
0x257: {  	v4 =	vshrl.u32 v4, $0x10;
	v11 =	vshrl.u32 v5, $0x10;
	v5 =	vand.u32 $0xFFFF, v5;
	v12 =	vld [tilespmem:s6+$0x20]  }
0x258: {  	v13 =	vld [tilespmem:s6+$0xFFFFFFC0];
	v14 =	vshrl.u32 v6, $0x10;
	v6 =	vand.u32 $0xFFFF, v6  }
0x259: {  	v15 =	vshrl.u32 v7, $0x10;
	v7 =	vand.u32 $0xFFFF, v7;
	[tilespmem:v3+s29+$0x0] =	vst.idx.add.f32.msk $0xffff, v1  }
0x25a: {  	v16 =	vshrl.u32 v8, $0x10;
	v8 =	vand.u32 $0xFFFF, v8;
	[tilespmem:v2+s29+$0x0] =	vst.idx.add.f32.msk $0xffff, v1  }
0x25b: {  	v17 =	vshrl.u32 v9, $0x10;
	v9 =	vand.u32 $0xFFFF, v9;
	[tilespmem:v10+s29+$0x0] =	vst.idx.add.f32.msk $0xffff, v1  }
0x25c: {  	v2 =	vshrl.u32 v12, $0x10;
	v3 =	vand.u32 $0xFFFF, v12;
	[tilespmem:v4+s29+$0x0] =	vst.idx.add.f32.msk $0xffff, v1  }
0x25d: {  	v4 =	vshrl.u32 v13, $0x10;
	v10 =	vand.u32 $0xFFFF, v13;
	[tilespmem:v5+s29+$0x0] =	vst.idx.add.f32.msk $0xffff, v1  }
0x25e: {  	[tilespmem:v11+s29+$0x0] =	vst.idx.add.f32.msk $0xffff, v1  }
0x25f: {  	[tilespmem:v6+s29+$0x0] =	vst.idx.add.f32.msk $0xffff, v1  }
0x260: {  	[tilespmem:v14+s29+$0x0] =	vst.idx.add.f32.msk $0xffff, v1  }
0x261: {  	[tilespmem:v7+s29+$0x0] =	vst.idx.add.f32.msk $0xffff, v1  }
0x262: {  	[tilespmem:v10+s29+$0x0] =	vst.idx.add.f32.msk $0xffff, v1  }
0x263: {  	[tilespmem:v4+s29+$0x0] =	vst.idx.add.f32.msk $0xffff, v1  }
.Ltmp11:
0x264: {  	[tilespmem:v15+s29+$0x0] =	vst.idx.add.f32.msk $0xffff, v1;
	(pc) =	sbr.rel @p0 .LBB2_24-.Ltmp11, $4  }
0x265: {  	[tilespmem:v8+s29+$0x0] =	vst.idx.add.f32.msk $0xffff, v1  }
0x266: {  	[tilespmem:v16+s29+$0x0] =	vst.idx.add.f32.msk $0xffff, v1  }
0x267: {  	[tilespmem:v9+s29+$0x0] =	vst.idx.add.f32.msk $0xffff, v1  }
0x268: {  	s6 =	sadd.s32 $0x80, s6;
	[tilespmem:v17+s29+$0x0] =	vst.idx.add.f32.msk $0xffff, v1  }
0x269: {  	_ =	sdelay $0x3  }
0x26a: {  	[tilespmem:v3+s29+$0x0] =	vst.idx.add.f32.msk $0xffff, v1  }
0x26b: {  	[tilespmem:v2+s29+$0x0] =	vst.idx.add.f32.msk $0xffff, v1  }
0x26c: {  	_ =	swait.ge [sflag:s30], $0x2000  }
0x26d: {  	[sflag:s30] =	ssyncset.done $0x0  }
0x26e: {  	s5 =	simm.s32 $0x2040;
	[sflag:s30] =	ssyncadd.s32 $0xFFFFE000  }
0x26f: {  	[tilespmem:s2], [sflag:$0x1] =	stream.linear.gather [hbm4b:s16+s2], $0x2000, $0x38;
	[tilespmem:$0xDC00] =	vst v63  }
0x270: {  	v2 =	vld [tilespmem:s5+$0x30]  }
0x271: {  	v3 =	vld [tilespmem:s5+$0xFFFFFFD0]  }
0x272: {  	v4 =	vld [tilespmem:s5+$0xFFFFFFE0]  }
0x273: {  	v5 =	vld [tilespmem:s5+$0xFFFFFFF0];
	_ =	sdelay $0x1  }
0x274: {  	v6 =	vand.u32 $0xFFFF, v2  }
0x275: {  	v10 =	vld [tilespmem:s5+$0x10];
	v8 =	vand.u32 $0xFFFF, v3  }
0x276: {  	v7 =	vld [tilespmem:s5+$0x0];
	v12 =	vand.u32 $0xFFFF, v4  }
0x277: {  	v9 =	vld [tilespmem:s5+$0xFFFFFFC0];
	v60 =	vand.u32 $0xFFFF, v5  }
0x278: {  	v11 =	vld [tilespmem:s5+$0x20];
	v2 =	vshrl.u32 v2, $0x10  }
0x279: {  	v3 =	vshrl.u32 v3, $0x10;
	[tilespmem:v6+s29+$0x0] =	vst.idx.add.f32.msk $0xffff, v1  }
0x27a: {  	v62 =	vand.u32 $0xFFFF, v10;
	[tilespmem:v8+s29+$0x0] =	vst.idx.add.f32.msk $0xffff, v1  }
0x27b: {  	v4 =	vshrl.u32 v4, $0x10;
	[tilespmem:v12+s29+$0x0] =	vst.idx.add.f32.msk $0xffff, v1  }
0x27c: {  	v63 =	vshrl.u32 v10, $0x10;
	[tilespmem:v60+s29+$0x0] =	vst.idx.add.f32.msk $0xffff, v1  }
0x27d: {  	[tilespmem:v2+s29+$0x0] =	vst.idx.add.f32.msk $0xffff, v1;
	v2 =	vand.u32 $0xFFFF, v9  }
0x27e: {  	[tilespmem:v3+s29+$0x0] =	vst.idx.add.f32.msk $0xffff, v1;
	v3 =	vshrl.u32 v5, $0x10  }
0x27f: {  	[tilespmem:v62+s29+$0x0] =	vst.idx.add.f32.msk $0xffff, v1;
	v5 =	vand.u32 $0xFFFF, v7  }
0x280: {  	v61 =	vshrl.u32 v9, $0x10;
	[tilespmem:v4+s29+$0x0] =	vst.idx.add.f32.msk $0xffff, v1  }
0x281: {  	v4 =	vshrl.u32 v7, $0x10;
	[tilespmem:v63+s29+$0x0] =	vst.idx.add.f32.msk $0xffff, v1  }
0x282: {  	[tilespmem:v2+s29+$0x0] =	vst.idx.add.f32.msk $0xffff, v1  }
0x283: {  	[tilespmem:v3+s29+$0x0] =	vst.idx.add.f32.msk $0xffff, v1  }
0x284: {  	[tilespmem:v5+s29+$0x0] =	vst.idx.add.f32.msk $0xffff, v1  }
0x285: {  	[tilespmem:v61+s29+$0x0] =	vst.idx.add.f32.msk $0xffff, v1  }
0x286: {  	s6 =	simm.s32 $0x20C0;
	s5 =	simm.s32 $0x0;
	v2 =	vshrl.u32 v11, $0x10;
	v3 =	vand.u32 $0xFFFF, v11;
	[tilespmem:v4+s29+$0x0] =	vst.idx.add.f32.msk $0xffff, v1  }
.LBB2_26:
0x287: {  	v4 =	vld [tilespmem:s6+$0x30]  }
0x288: {  	s5 =	sadd.s32 $0x80, s5;
	v5 =	vld [tilespmem:s6+$0xFFFFFFD0]  }
0x289: {  	p0 =	slt.u32 s5, $0x1F80;
	v6 =	vld [tilespmem:s6+$0xFFFFFFE0]  }
0x28a: {  	v7 =	vld [tilespmem:s6+$0xFFFFFFF0]  }
0x28b: {  	v8 =	vld [tilespmem:s6+$0x0]  }
0x28c: {  	v9 =	vld [tilespmem:s6+$0x10];
	v10 =	vand.u32 $0xFFFF, v4  }
0x28d: {  	v4 =	vshrl.u32 v4, $0x10;
	v11 =	vshrl.u32 v5, $0x10;
	v5 =	vand.u32 $0xFFFF, v5;
	v12 =	vld [tilespmem:s6+$0x20]  }
0x28e: {  	v13 =	vld [tilespmem:s6+$0xFFFFFFC0];
	v14 =	vshrl.u32 v6, $0x10;
	v6 =	vand.u32 $0xFFFF, v6  }
0x28f: {  	v15 =	vshrl.u32 v7, $0x10;
	v7 =	vand.u32 $0xFFFF, v7;
	[tilespmem:v3+s29+$0x0] =	vst.idx.add.f32.msk $0xffff, v1  }
0x290: {  	v16 =	vshrl.u32 v8, $0x10;
	v8 =	vand.u32 $0xFFFF, v8;
	[tilespmem:v2+s29+$0x0] =	vst.idx.add.f32.msk $0xffff, v1  }
0x291: {  	v17 =	vshrl.u32 v9, $0x10;
	v9 =	vand.u32 $0xFFFF, v9;
	[tilespmem:v10+s29+$0x0] =	vst.idx.add.f32.msk $0xffff, v1  }
0x292: {  	v2 =	vshrl.u32 v12, $0x10;
	v3 =	vand.u32 $0xFFFF, v12;
	[tilespmem:v4+s29+$0x0] =	vst.idx.add.f32.msk $0xffff, v1  }
0x293: {  	v4 =	vshrl.u32 v13, $0x10;
	v10 =	vand.u32 $0xFFFF, v13;
	[tilespmem:v5+s29+$0x0] =	vst.idx.add.f32.msk $0xffff, v1  }
0x294: {  	[tilespmem:v11+s29+$0x0] =	vst.idx.add.f32.msk $0xffff, v1  }
0x295: {  	[tilespmem:v6+s29+$0x0] =	vst.idx.add.f32.msk $0xffff, v1  }
0x296: {  	[tilespmem:v14+s29+$0x0] =	vst.idx.add.f32.msk $0xffff, v1  }
0x297: {  	[tilespmem:v7+s29+$0x0] =	vst.idx.add.f32.msk $0xffff, v1  }
0x298: {  	[tilespmem:v10+s29+$0x0] =	vst.idx.add.f32.msk $0xffff, v1  }
0x299: {  	[tilespmem:v4+s29+$0x0] =	vst.idx.add.f32.msk $0xffff, v1  }
.Ltmp12:
0x29a: {  	[tilespmem:v15+s29+$0x0] =	vst.idx.add.f32.msk $0xffff, v1;
	(pc) =	sbr.rel @p0 .LBB2_26-.Ltmp12, $4  }
0x29b: {  	[tilespmem:v8+s29+$0x0] =	vst.idx.add.f32.msk $0xffff, v1  }
0x29c: {  	[tilespmem:v16+s29+$0x0] =	vst.idx.add.f32.msk $0xffff, v1  }
0x29d: {  	[tilespmem:v9+s29+$0x0] =	vst.idx.add.f32.msk $0xffff, v1  }
0x29e: {  	s6 =	sadd.s32 $0x80, s6;
	[tilespmem:v17+s29+$0x0] =	vst.idx.add.f32.msk $0xffff, v1  }
0x29f: {  	_ =	sdelay $0x3  }
0x2a0: {  	[tilespmem:v3+s29+$0x0] =	vst.idx.add.f32.msk $0xffff, v1  }
0x2a1: {  	[tilespmem:v2+s29+$0x0] =	vst.idx.add.f32.msk $0xffff, v1  }
0x2a2: {  	_ =	swait.ge [sflag:s26], $0x2000  }
0x2a3: {  	[sflag:s26] =	ssyncset.done $0x0  }
0x2a4: {  	s5 =	simm.s32 $0x40;
	[sflag:s26] =	ssyncadd.s32 $0xFFFFE000  }
0x2a5: {  	[tilespmem:s28], [sflag:$0x2] =	stream.linear.gather [hbm4b:s17+s2], $0x2000, $0x38;
	[tilespmem:$0xDC00] =	vst v63  }
0x2a6: {  	v2 =	vld [tilespmem:s5+$0x30]  }
0x2a7: {  	v3 =	vld [tilespmem:s5+$0xFFFFFFD0]  }
0x2a8: {  	v4 =	vld [tilespmem:s5+$0xFFFFFFE0]  }
0x2a9: {  	v5 =	vld [tilespmem:s5+$0xFFFFFFF0];
	_ =	sdelay $0x1  }
0x2aa: {  	v6 =	vand.u32 $0xFFFF, v2  }
0x2ab: {  	v10 =	vld [tilespmem:s5+$0x10];
	v8 =	vand.u32 $0xFFFF, v3  }
0x2ac: {  	v7 =	vld [tilespmem:s5+$0x0];
	v12 =	vand.u32 $0xFFFF, v4  }
0x2ad: {  	v9 =	vld [tilespmem:s5+$0xFFFFFFC0];
	v60 =	vand.u32 $0xFFFF, v5  }
0x2ae: {  	v11 =	vld [tilespmem:s5+$0x20];
	v2 =	vshrl.u32 v2, $0x10  }
0x2af: {  	v3 =	vshrl.u32 v3, $0x10;
	[tilespmem:v6+s29+$0x0] =	vst.idx.add.f32.msk $0xffff, v1  }
0x2b0: {  	v62 =	vand.u32 $0xFFFF, v10;
	[tilespmem:v8+s29+$0x0] =	vst.idx.add.f32.msk $0xffff, v1  }
0x2b1: {  	v4 =	vshrl.u32 v4, $0x10;
	[tilespmem:v12+s29+$0x0] =	vst.idx.add.f32.msk $0xffff, v1  }
0x2b2: {  	v63 =	vshrl.u32 v10, $0x10;
	[tilespmem:v60+s29+$0x0] =	vst.idx.add.f32.msk $0xffff, v1  }
0x2b3: {  	[tilespmem:v2+s29+$0x0] =	vst.idx.add.f32.msk $0xffff, v1;
	v2 =	vand.u32 $0xFFFF, v9  }
0x2b4: {  	[tilespmem:v3+s29+$0x0] =	vst.idx.add.f32.msk $0xffff, v1;
	v3 =	vshrl.u32 v5, $0x10  }
0x2b5: {  	[tilespmem:v62+s29+$0x0] =	vst.idx.add.f32.msk $0xffff, v1;
	v5 =	vand.u32 $0xFFFF, v7  }
0x2b6: {  	v61 =	vshrl.u32 v9, $0x10;
	[tilespmem:v4+s29+$0x0] =	vst.idx.add.f32.msk $0xffff, v1  }
0x2b7: {  	v4 =	vshrl.u32 v7, $0x10;
	[tilespmem:v63+s29+$0x0] =	vst.idx.add.f32.msk $0xffff, v1  }
0x2b8: {  	[tilespmem:v2+s29+$0x0] =	vst.idx.add.f32.msk $0xffff, v1  }
0x2b9: {  	[tilespmem:v3+s29+$0x0] =	vst.idx.add.f32.msk $0xffff, v1  }
0x2ba: {  	[tilespmem:v5+s29+$0x0] =	vst.idx.add.f32.msk $0xffff, v1  }
0x2bb: {  	[tilespmem:v61+s29+$0x0] =	vst.idx.add.f32.msk $0xffff, v1  }
0x2bc: {  	s6 =	simm.s32 $0xC0;
	s5 =	simm.s32 $0x0;
	v2 =	vshrl.u32 v11, $0x10;
	v3 =	vand.u32 $0xFFFF, v11;
	[tilespmem:v4+s29+$0x0] =	vst.idx.add.f32.msk $0xffff, v1  }
.LBB2_28:
0x2bd: {  	v4 =	vld [tilespmem:s6+$0x30]  }
0x2be: {  	s5 =	sadd.s32 $0x80, s5;
	v5 =	vld [tilespmem:s6+$0xFFFFFFD0]  }
0x2bf: {  	p0 =	slt.u32 s5, $0x1F80;
	v6 =	vld [tilespmem:s6+$0xFFFFFFE0]  }
0x2c0: {  	v7 =	vld [tilespmem:s6+$0xFFFFFFF0]  }
0x2c1: {  	v8 =	vld [tilespmem:s6+$0x0]  }
0x2c2: {  	v9 =	vld [tilespmem:s6+$0x10];
	v10 =	vand.u32 $0xFFFF, v4  }
0x2c3: {  	v4 =	vshrl.u32 v4, $0x10;
	v11 =	vshrl.u32 v5, $0x10;
	v5 =	vand.u32 $0xFFFF, v5;
	v12 =	vld [tilespmem:s6+$0x20]  }
0x2c4: {  	v13 =	vld [tilespmem:s6+$0xFFFFFFC0];
	v14 =	vshrl.u32 v6, $0x10;
	v6 =	vand.u32 $0xFFFF, v6  }
0x2c5: {  	v15 =	vshrl.u32 v7, $0x10;
	v7 =	vand.u32 $0xFFFF, v7;
	[tilespmem:v3+s29+$0x0] =	vst.idx.add.f32.msk $0xffff, v1  }
0x2c6: {  	v16 =	vshrl.u32 v8, $0x10;
	v8 =	vand.u32 $0xFFFF, v8;
	[tilespmem:v2+s29+$0x0] =	vst.idx.add.f32.msk $0xffff, v1  }
0x2c7: {  	v17 =	vshrl.u32 v9, $0x10;
	v9 =	vand.u32 $0xFFFF, v9;
	[tilespmem:v10+s29+$0x0] =	vst.idx.add.f32.msk $0xffff, v1  }
0x2c8: {  	v2 =	vshrl.u32 v12, $0x10;
	v3 =	vand.u32 $0xFFFF, v12;
	[tilespmem:v4+s29+$0x0] =	vst.idx.add.f32.msk $0xffff, v1  }
0x2c9: {  	v4 =	vshrl.u32 v13, $0x10;
	v10 =	vand.u32 $0xFFFF, v13;
	[tilespmem:v5+s29+$0x0] =	vst.idx.add.f32.msk $0xffff, v1  }
0x2ca: {  	[tilespmem:v11+s29+$0x0] =	vst.idx.add.f32.msk $0xffff, v1  }
0x2cb: {  	[tilespmem:v6+s29+$0x0] =	vst.idx.add.f32.msk $0xffff, v1  }
0x2cc: {  	[tilespmem:v14+s29+$0x0] =	vst.idx.add.f32.msk $0xffff, v1  }
0x2cd: {  	[tilespmem:v7+s29+$0x0] =	vst.idx.add.f32.msk $0xffff, v1  }
0x2ce: {  	[tilespmem:v10+s29+$0x0] =	vst.idx.add.f32.msk $0xffff, v1  }
0x2cf: {  	[tilespmem:v4+s29+$0x0] =	vst.idx.add.f32.msk $0xffff, v1  }
.Ltmp13:
0x2d0: {  	[tilespmem:v15+s29+$0x0] =	vst.idx.add.f32.msk $0xffff, v1;
	(pc) =	sbr.rel @p0 .LBB2_28-.Ltmp13, $4  }
0x2d1: {  	[tilespmem:v8+s29+$0x0] =	vst.idx.add.f32.msk $0xffff, v1  }
0x2d2: {  	[tilespmem:v16+s29+$0x0] =	vst.idx.add.f32.msk $0xffff, v1  }
0x2d3: {  	[tilespmem:v9+s29+$0x0] =	vst.idx.add.f32.msk $0xffff, v1  }
0x2d4: {  	s6 =	sadd.s32 $0x80, s6;
	[tilespmem:v17+s29+$0x0] =	vst.idx.add.f32.msk $0xffff, v1  }
0x2d5: {  	_ =	sdelay $0x3  }
0x2d6: {  	[tilespmem:v3+s29+$0x0] =	vst.idx.add.f32.msk $0xffff, v1  }
0x2d7: {  	[tilespmem:v2+s29+$0x0] =	vst.idx.add.f32.msk $0xffff, v1  }
0x2d8: {  	_ =	swait.ge [sflag:s30], $0x2000  }
0x2d9: {  	[sflag:s30] =	ssyncset.done $0x0  }
0x2da: {  	s5 =	simm.s32 $0x2040;
	[sflag:s30] =	ssyncadd.s32 $0xFFFFE000  }
0x2db: {  	[tilespmem:s2], [sflag:$0x1] =	stream.linear.gather [hbm4b:s18+s2], $0x2000, $0x38;
	[tilespmem:$0xDC00] =	vst v63  }
0x2dc: {  	v2 =	vld [tilespmem:s5+$0x30]  }
0x2dd: {  	v3 =	vld [tilespmem:s5+$0xFFFFFFD0]  }
0x2de: {  	v4 =	vld [tilespmem:s5+$0xFFFFFFE0]  }
0x2df: {  	v5 =	vld [tilespmem:s5+$0xFFFFFFF0];
	_ =	sdelay $0x1  }
0x2e0: {  	v6 =	vand.u32 $0xFFFF, v2  }
0x2e1: {  	v10 =	vld [tilespmem:s5+$0x10];
	v8 =	vand.u32 $0xFFFF, v3  }
0x2e2: {  	v7 =	vld [tilespmem:s5+$0x0];
	v12 =	vand.u32 $0xFFFF, v4  }
0x2e3: {  	v9 =	vld [tilespmem:s5+$0xFFFFFFC0];
	v60 =	vand.u32 $0xFFFF, v5  }
0x2e4: {  	v11 =	vld [tilespmem:s5+$0x20];
	v2 =	vshrl.u32 v2, $0x10  }
0x2e5: {  	v3 =	vshrl.u32 v3, $0x10;
	[tilespmem:v6+s29+$0x0] =	vst.idx.add.f32.msk $0xffff, v1  }
0x2e6: {  	v62 =	vand.u32 $0xFFFF, v10;
	[tilespmem:v8+s29+$0x0] =	vst.idx.add.f32.msk $0xffff, v1  }
0x2e7: {  	v4 =	vshrl.u32 v4, $0x10;
	[tilespmem:v12+s29+$0x0] =	vst.idx.add.f32.msk $0xffff, v1  }
0x2e8: {  	v63 =	vshrl.u32 v10, $0x10;
	[tilespmem:v60+s29+$0x0] =	vst.idx.add.f32.msk $0xffff, v1  }
0x2e9: {  	[tilespmem:v2+s29+$0x0] =	vst.idx.add.f32.msk $0xffff, v1;
	v2 =	vand.u32 $0xFFFF, v9  }
0x2ea: {  	[tilespmem:v3+s29+$0x0] =	vst.idx.add.f32.msk $0xffff, v1;
	v3 =	vshrl.u32 v5, $0x10  }
0x2eb: {  	[tilespmem:v62+s29+$0x0] =	vst.idx.add.f32.msk $0xffff, v1;
	v5 =	vand.u32 $0xFFFF, v7  }
0x2ec: {  	v61 =	vshrl.u32 v9, $0x10;
	[tilespmem:v4+s29+$0x0] =	vst.idx.add.f32.msk $0xffff, v1  }
0x2ed: {  	v4 =	vshrl.u32 v7, $0x10;
	[tilespmem:v63+s29+$0x0] =	vst.idx.add.f32.msk $0xffff, v1  }
0x2ee: {  	[tilespmem:v2+s29+$0x0] =	vst.idx.add.f32.msk $0xffff, v1  }
0x2ef: {  	[tilespmem:v3+s29+$0x0] =	vst.idx.add.f32.msk $0xffff, v1  }
0x2f0: {  	[tilespmem:v5+s29+$0x0] =	vst.idx.add.f32.msk $0xffff, v1  }
0x2f1: {  	[tilespmem:v61+s29+$0x0] =	vst.idx.add.f32.msk $0xffff, v1  }
0x2f2: {  	s6 =	simm.s32 $0x20C0;
	s5 =	simm.s32 $0x0;
	v2 =	vshrl.u32 v11, $0x10;
	v3 =	vand.u32 $0xFFFF, v11;
	[tilespmem:v4+s29+$0x0] =	vst.idx.add.f32.msk $0xffff, v1  }
.LBB2_30:
0x2f3: {  	v4 =	vld [tilespmem:s6+$0x30]  }
0x2f4: {  	s5 =	sadd.s32 $0x80, s5;
	v5 =	vld [tilespmem:s6+$0xFFFFFFD0]  }
0x2f5: {  	p0 =	slt.u32 s5, $0x1F80;
	v6 =	vld [tilespmem:s6+$0xFFFFFFE0]  }
0x2f6: {  	v7 =	vld [tilespmem:s6+$0xFFFFFFF0]  }
0x2f7: {  	v8 =	vld [tilespmem:s6+$0x0]  }
0x2f8: {  	v9 =	vld [tilespmem:s6+$0x10];
	v10 =	vand.u32 $0xFFFF, v4  }
0x2f9: {  	v4 =	vshrl.u32 v4, $0x10;
	v11 =	vshrl.u32 v5, $0x10;
	v5 =	vand.u32 $0xFFFF, v5;
	v12 =	vld [tilespmem:s6+$0x20]  }
0x2fa: {  	v13 =	vld [tilespmem:s6+$0xFFFFFFC0];
	v14 =	vshrl.u32 v6, $0x10;
	v6 =	vand.u32 $0xFFFF, v6  }
0x2fb: {  	v15 =	vshrl.u32 v7, $0x10;
	v7 =	vand.u32 $0xFFFF, v7;
	[tilespmem:v3+s29+$0x0] =	vst.idx.add.f32.msk $0xffff, v1  }
0x2fc: {  	v16 =	vshrl.u32 v8, $0x10;
	v8 =	vand.u32 $0xFFFF, v8;
	[tilespmem:v2+s29+$0x0] =	vst.idx.add.f32.msk $0xffff, v1  }
0x2fd: {  	v17 =	vshrl.u32 v9, $0x10;
	v9 =	vand.u32 $0xFFFF, v9;
	[tilespmem:v10+s29+$0x0] =	vst.idx.add.f32.msk $0xffff, v1  }
0x2fe: {  	v2 =	vshrl.u32 v12, $0x10;
	v3 =	vand.u32 $0xFFFF, v12;
	[tilespmem:v4+s29+$0x0] =	vst.idx.add.f32.msk $0xffff, v1  }
0x2ff: {  	v4 =	vshrl.u32 v13, $0x10;
	v10 =	vand.u32 $0xFFFF, v13;
	[tilespmem:v5+s29+$0x0] =	vst.idx.add.f32.msk $0xffff, v1  }
0x300: {  	[tilespmem:v11+s29+$0x0] =	vst.idx.add.f32.msk $0xffff, v1  }
0x301: {  	[tilespmem:v6+s29+$0x0] =	vst.idx.add.f32.msk $0xffff, v1  }
0x302: {  	[tilespmem:v14+s29+$0x0] =	vst.idx.add.f32.msk $0xffff, v1  }
0x303: {  	[tilespmem:v7+s29+$0x0] =	vst.idx.add.f32.msk $0xffff, v1  }
0x304: {  	[tilespmem:v10+s29+$0x0] =	vst.idx.add.f32.msk $0xffff, v1  }
0x305: {  	[tilespmem:v4+s29+$0x0] =	vst.idx.add.f32.msk $0xffff, v1  }
.Ltmp14:
0x306: {  	[tilespmem:v15+s29+$0x0] =	vst.idx.add.f32.msk $0xffff, v1;
	(pc) =	sbr.rel @p0 .LBB2_30-.Ltmp14, $4  }
0x307: {  	[tilespmem:v8+s29+$0x0] =	vst.idx.add.f32.msk $0xffff, v1  }
0x308: {  	[tilespmem:v16+s29+$0x0] =	vst.idx.add.f32.msk $0xffff, v1  }
0x309: {  	[tilespmem:v9+s29+$0x0] =	vst.idx.add.f32.msk $0xffff, v1  }
0x30a: {  	s6 =	sadd.s32 $0x80, s6;
	[tilespmem:v17+s29+$0x0] =	vst.idx.add.f32.msk $0xffff, v1  }
0x30b: {  	_ =	sdelay $0x3  }
0x30c: {  	[tilespmem:v3+s29+$0x0] =	vst.idx.add.f32.msk $0xffff, v1  }
0x30d: {  	[tilespmem:v2+s29+$0x0] =	vst.idx.add.f32.msk $0xffff, v1  }
0x30e: {  	_ =	swait.ge [sflag:s26], $0x2000  }
0x30f: {  	[sflag:s26] =	ssyncset.done $0x0  }
0x310: {  	s5 =	simm.s32 $0x40;
	[sflag:s26] =	ssyncadd.s32 $0xFFFFE000  }
0x311: {  	[tilespmem:s28], [sflag:$0x2] =	stream.linear.gather [hbm4b:s19+s2], $0x2000, $0x38;
	[tilespmem:$0xDC00] =	vst v63  }
0x312: {  	v2 =	vld [tilespmem:s5+$0x30]  }
0x313: {  	v3 =	vld [tilespmem:s5+$0xFFFFFFD0]  }
0x314: {  	v4 =	vld [tilespmem:s5+$0xFFFFFFE0]  }
0x315: {  	v5 =	vld [tilespmem:s5+$0xFFFFFFF0];
	_ =	sdelay $0x1  }
0x316: {  	v6 =	vand.u32 $0xFFFF, v2  }
0x317: {  	v10 =	vld [tilespmem:s5+$0x10];
	v8 =	vand.u32 $0xFFFF, v3  }
0x318: {  	v7 =	vld [tilespmem:s5+$0x0];
	v12 =	vand.u32 $0xFFFF, v4  }
0x319: {  	v9 =	vld [tilespmem:s5+$0xFFFFFFC0];
	v60 =	vand.u32 $0xFFFF, v5  }
0x31a: {  	v11 =	vld [tilespmem:s5+$0x20];
	v2 =	vshrl.u32 v2, $0x10  }
0x31b: {  	v3 =	vshrl.u32 v3, $0x10;
	[tilespmem:v6+s29+$0x0] =	vst.idx.add.f32.msk $0xffff, v1  }
0x31c: {  	v62 =	vand.u32 $0xFFFF, v10;
	[tilespmem:v8+s29+$0x0] =	vst.idx.add.f32.msk $0xffff, v1  }
0x31d: {  	v4 =	vshrl.u32 v4, $0x10;
	[tilespmem:v12+s29+$0x0] =	vst.idx.add.f32.msk $0xffff, v1  }
0x31e: {  	v63 =	vshrl.u32 v10, $0x10;
	[tilespmem:v60+s29+$0x0] =	vst.idx.add.f32.msk $0xffff, v1  }
0x31f: {  	[tilespmem:v2+s29+$0x0] =	vst.idx.add.f32.msk $0xffff, v1;
	v2 =	vand.u32 $0xFFFF, v9  }
0x320: {  	[tilespmem:v3+s29+$0x0] =	vst.idx.add.f32.msk $0xffff, v1;
	v3 =	vshrl.u32 v5, $0x10  }
0x321: {  	[tilespmem:v62+s29+$0x0] =	vst.idx.add.f32.msk $0xffff, v1;
	v5 =	vand.u32 $0xFFFF, v7  }
0x322: {  	v61 =	vshrl.u32 v9, $0x10;
	[tilespmem:v4+s29+$0x0] =	vst.idx.add.f32.msk $0xffff, v1  }
0x323: {  	v4 =	vshrl.u32 v7, $0x10;
	[tilespmem:v63+s29+$0x0] =	vst.idx.add.f32.msk $0xffff, v1  }
0x324: {  	[tilespmem:v2+s29+$0x0] =	vst.idx.add.f32.msk $0xffff, v1  }
0x325: {  	[tilespmem:v3+s29+$0x0] =	vst.idx.add.f32.msk $0xffff, v1  }
0x326: {  	[tilespmem:v5+s29+$0x0] =	vst.idx.add.f32.msk $0xffff, v1  }
0x327: {  	[tilespmem:v61+s29+$0x0] =	vst.idx.add.f32.msk $0xffff, v1  }
0x328: {  	s6 =	simm.s32 $0xC0;
	s5 =	simm.s32 $0x0;
	v2 =	vshrl.u32 v11, $0x10;
	v3 =	vand.u32 $0xFFFF, v11;
	[tilespmem:v4+s29+$0x0] =	vst.idx.add.f32.msk $0xffff, v1  }
.LBB2_32:
0x329: {  	v4 =	vld [tilespmem:s6+$0x30]  }
0x32a: {  	s5 =	sadd.s32 $0x80, s5;
	v5 =	vld [tilespmem:s6+$0xFFFFFFD0]  }
0x32b: {  	p0 =	slt.u32 s5, $0x1F80;
	v6 =	vld [tilespmem:s6+$0xFFFFFFE0]  }
0x32c: {  	v7 =	vld [tilespmem:s6+$0xFFFFFFF0]  }
0x32d: {  	v8 =	vld [tilespmem:s6+$0x0]  }
0x32e: {  	v9 =	vld [tilespmem:s6+$0x10];
	v10 =	vand.u32 $0xFFFF, v4  }
0x32f: {  	v4 =	vshrl.u32 v4, $0x10;
	v11 =	vshrl.u32 v5, $0x10;
	v5 =	vand.u32 $0xFFFF, v5;
	v12 =	vld [tilespmem:s6+$0x20]  }
0x330: {  	v13 =	vld [tilespmem:s6+$0xFFFFFFC0];
	v14 =	vshrl.u32 v6, $0x10;
	v6 =	vand.u32 $0xFFFF, v6  }
0x331: {  	v15 =	vshrl.u32 v7, $0x10;
	v7 =	vand.u32 $0xFFFF, v7;
	[tilespmem:v3+s29+$0x0] =	vst.idx.add.f32.msk $0xffff, v1  }
0x332: {  	v16 =	vshrl.u32 v8, $0x10;
	v8 =	vand.u32 $0xFFFF, v8;
	[tilespmem:v2+s29+$0x0] =	vst.idx.add.f32.msk $0xffff, v1  }
0x333: {  	v17 =	vshrl.u32 v9, $0x10;
	v9 =	vand.u32 $0xFFFF, v9;
	[tilespmem:v10+s29+$0x0] =	vst.idx.add.f32.msk $0xffff, v1  }
0x334: {  	v2 =	vshrl.u32 v12, $0x10;
	v3 =	vand.u32 $0xFFFF, v12;
	[tilespmem:v4+s29+$0x0] =	vst.idx.add.f32.msk $0xffff, v1  }
0x335: {  	v4 =	vshrl.u32 v13, $0x10;
	v10 =	vand.u32 $0xFFFF, v13;
	[tilespmem:v5+s29+$0x0] =	vst.idx.add.f32.msk $0xffff, v1  }
0x336: {  	[tilespmem:v11+s29+$0x0] =	vst.idx.add.f32.msk $0xffff, v1  }
0x337: {  	[tilespmem:v6+s29+$0x0] =	vst.idx.add.f32.msk $0xffff, v1  }
0x338: {  	[tilespmem:v14+s29+$0x0] =	vst.idx.add.f32.msk $0xffff, v1  }
0x339: {  	[tilespmem:v7+s29+$0x0] =	vst.idx.add.f32.msk $0xffff, v1  }
0x33a: {  	[tilespmem:v10+s29+$0x0] =	vst.idx.add.f32.msk $0xffff, v1  }
0x33b: {  	[tilespmem:v4+s29+$0x0] =	vst.idx.add.f32.msk $0xffff, v1  }
.Ltmp15:
0x33c: {  	[tilespmem:v15+s29+$0x0] =	vst.idx.add.f32.msk $0xffff, v1;
	(pc) =	sbr.rel @p0 .LBB2_32-.Ltmp15, $4  }
0x33d: {  	[tilespmem:v8+s29+$0x0] =	vst.idx.add.f32.msk $0xffff, v1  }
0x33e: {  	[tilespmem:v16+s29+$0x0] =	vst.idx.add.f32.msk $0xffff, v1  }
0x33f: {  	[tilespmem:v9+s29+$0x0] =	vst.idx.add.f32.msk $0xffff, v1  }
0x340: {  	s6 =	sadd.s32 $0x80, s6;
	[tilespmem:v17+s29+$0x0] =	vst.idx.add.f32.msk $0xffff, v1  }
0x341: {  	_ =	sdelay $0x3  }
0x342: {  	[tilespmem:v3+s29+$0x0] =	vst.idx.add.f32.msk $0xffff, v1  }
0x343: {  	[tilespmem:v2+s29+$0x0] =	vst.idx.add.f32.msk $0xffff, v1  }
0x344: {  	_ =	swait.ge [sflag:s30], $0x2000  }
0x345: {  	[sflag:s30] =	ssyncset.done $0x0  }
0x346: {  	s5 =	simm.s32 $0x2040;
	[sflag:s30] =	ssyncadd.s32 $0xFFFFE000  }
0x347: {  	[tilespmem:s2], [sflag:$0x1] =	stream.linear.gather [hbm4b:s20+s2], $0x2000, $0x38;
	[tilespmem:$0xDC00] =	vst v63  }
0x348: {  	v2 =	vld [tilespmem:s5+$0x30]  }
0x349: {  	v3 =	vld [tilespmem:s5+$0xFFFFFFD0]  }
0x34a: {  	v4 =	vld [tilespmem:s5+$0xFFFFFFE0]  }
0x34b: {  	v5 =	vld [tilespmem:s5+$0xFFFFFFF0];
	_ =	sdelay $0x1  }
0x34c: {  	v6 =	vand.u32 $0xFFFF, v2  }
0x34d: {  	v10 =	vld [tilespmem:s5+$0x10];
	v8 =	vand.u32 $0xFFFF, v3  }
0x34e: {  	v7 =	vld [tilespmem:s5+$0x0];
	v12 =	vand.u32 $0xFFFF, v4  }
0x34f: {  	v9 =	vld [tilespmem:s5+$0xFFFFFFC0];
	v60 =	vand.u32 $0xFFFF, v5  }
0x350: {  	v11 =	vld [tilespmem:s5+$0x20];
	v2 =	vshrl.u32 v2, $0x10  }
0x351: {  	v3 =	vshrl.u32 v3, $0x10;
	[tilespmem:v6+s29+$0x0] =	vst.idx.add.f32.msk $0xffff, v1  }
0x352: {  	v62 =	vand.u32 $0xFFFF, v10;
	[tilespmem:v8+s29+$0x0] =	vst.idx.add.f32.msk $0xffff, v1  }
0x353: {  	v4 =	vshrl.u32 v4, $0x10;
	[tilespmem:v12+s29+$0x0] =	vst.idx.add.f32.msk $0xffff, v1  }
0x354: {  	v63 =	vshrl.u32 v10, $0x10;
	[tilespmem:v60+s29+$0x0] =	vst.idx.add.f32.msk $0xffff, v1  }
0x355: {  	[tilespmem:v2+s29+$0x0] =	vst.idx.add.f32.msk $0xffff, v1;
	v2 =	vand.u32 $0xFFFF, v9  }
0x356: {  	[tilespmem:v3+s29+$0x0] =	vst.idx.add.f32.msk $0xffff, v1;
	v3 =	vshrl.u32 v5, $0x10  }
0x357: {  	[tilespmem:v62+s29+$0x0] =	vst.idx.add.f32.msk $0xffff, v1;
	v5 =	vand.u32 $0xFFFF, v7  }
0x358: {  	v61 =	vshrl.u32 v9, $0x10;
	[tilespmem:v4+s29+$0x0] =	vst.idx.add.f32.msk $0xffff, v1  }
0x359: {  	v4 =	vshrl.u32 v7, $0x10;
	[tilespmem:v63+s29+$0x0] =	vst.idx.add.f32.msk $0xffff, v1  }
0x35a: {  	[tilespmem:v2+s29+$0x0] =	vst.idx.add.f32.msk $0xffff, v1  }
0x35b: {  	[tilespmem:v3+s29+$0x0] =	vst.idx.add.f32.msk $0xffff, v1  }
0x35c: {  	[tilespmem:v5+s29+$0x0] =	vst.idx.add.f32.msk $0xffff, v1  }
0x35d: {  	[tilespmem:v61+s29+$0x0] =	vst.idx.add.f32.msk $0xffff, v1  }
0x35e: {  	s6 =	simm.s32 $0x20C0;
	s5 =	simm.s32 $0x0;
	v2 =	vshrl.u32 v11, $0x10;
	v3 =	vand.u32 $0xFFFF, v11;
	[tilespmem:v4+s29+$0x0] =	vst.idx.add.f32.msk $0xffff, v1  }
.LBB2_34:
0x35f: {  	v4 =	vld [tilespmem:s6+$0x30]  }
0x360: {  	s5 =	sadd.s32 $0x80, s5;
	v5 =	vld [tilespmem:s6+$0xFFFFFFD0]  }
0x361: {  	p0 =	slt.u32 s5, $0x1F80;
	v6 =	vld [tilespmem:s6+$0xFFFFFFE0]  }
0x362: {  	v7 =	vld [tilespmem:s6+$0xFFFFFFF0]  }
0x363: {  	v8 =	vld [tilespmem:s6+$0x0]  }
0x364: {  	v9 =	vld [tilespmem:s6+$0x10];
	v10 =	vand.u32 $0xFFFF, v4  }
0x365: {  	v4 =	vshrl.u32 v4, $0x10;
	v11 =	vshrl.u32 v5, $0x10;
	v5 =	vand.u32 $0xFFFF, v5;
	v12 =	vld [tilespmem:s6+$0x20]  }
0x366: {  	v13 =	vld [tilespmem:s6+$0xFFFFFFC0];
	v14 =	vshrl.u32 v6, $0x10;
	v6 =	vand.u32 $0xFFFF, v6  }
0x367: {  	v15 =	vshrl.u32 v7, $0x10;
	v7 =	vand.u32 $0xFFFF, v7;
	[tilespmem:v3+s29+$0x0] =	vst.idx.add.f32.msk $0xffff, v1  }
0x368: {  	v16 =	vshrl.u32 v8, $0x10;
	v8 =	vand.u32 $0xFFFF, v8;
	[tilespmem:v2+s29+$0x0] =	vst.idx.add.f32.msk $0xffff, v1  }
0x369: {  	v17 =	vshrl.u32 v9, $0x10;
	v9 =	vand.u32 $0xFFFF, v9;
	[tilespmem:v10+s29+$0x0] =	vst.idx.add.f32.msk $0xffff, v1  }
0x36a: {  	v2 =	vshrl.u32 v12, $0x10;
	v3 =	vand.u32 $0xFFFF, v12;
	[tilespmem:v4+s29+$0x0] =	vst.idx.add.f32.msk $0xffff, v1  }
0x36b: {  	v4 =	vshrl.u32 v13, $0x10;
	v10 =	vand.u32 $0xFFFF, v13;
	[tilespmem:v5+s29+$0x0] =	vst.idx.add.f32.msk $0xffff, v1  }
0x36c: {  	[tilespmem:v11+s29+$0x0] =	vst.idx.add.f32.msk $0xffff, v1  }
0x36d: {  	[tilespmem:v6+s29+$0x0] =	vst.idx.add.f32.msk $0xffff, v1  }
0x36e: {  	[tilespmem:v14+s29+$0x0] =	vst.idx.add.f32.msk $0xffff, v1  }
0x36f: {  	[tilespmem:v7+s29+$0x0] =	vst.idx.add.f32.msk $0xffff, v1  }
0x370: {  	[tilespmem:v10+s29+$0x0] =	vst.idx.add.f32.msk $0xffff, v1  }
0x371: {  	[tilespmem:v4+s29+$0x0] =	vst.idx.add.f32.msk $0xffff, v1  }
.Ltmp16:
0x372: {  	[tilespmem:v15+s29+$0x0] =	vst.idx.add.f32.msk $0xffff, v1;
	(pc) =	sbr.rel @p0 .LBB2_34-.Ltmp16, $4  }
0x373: {  	[tilespmem:v8+s29+$0x0] =	vst.idx.add.f32.msk $0xffff, v1  }
0x374: {  	[tilespmem:v16+s29+$0x0] =	vst.idx.add.f32.msk $0xffff, v1  }
0x375: {  	[tilespmem:v9+s29+$0x0] =	vst.idx.add.f32.msk $0xffff, v1  }
0x376: {  	s6 =	sadd.s32 $0x80, s6;
	[tilespmem:v17+s29+$0x0] =	vst.idx.add.f32.msk $0xffff, v1  }
0x377: {  	_ =	sdelay $0x3  }
0x378: {  	[tilespmem:v3+s29+$0x0] =	vst.idx.add.f32.msk $0xffff, v1  }
0x379: {  	[tilespmem:v2+s29+$0x0] =	vst.idx.add.f32.msk $0xffff, v1  }
0x37a: {  	_ =	swait.ge [sflag:s26], $0x2000  }
0x37b: {  	[sflag:s26] =	ssyncset.done $0x0  }
0x37c: {  	s5 =	simm.s32 $0x40;
	[sflag:s26] =	ssyncadd.s32 $0xFFFFE000  }
0x37d: {  	[tilespmem:s28], [sflag:$0x2] =	stream.linear.gather [hbm4b:s21+s2], $0x2000, $0x38;
	[tilespmem:$0xDC00] =	vst v63  }
0x37e: {  	v2 =	vld [tilespmem:s5+$0x30]  }
0x37f: {  	v3 =	vld [tilespmem:s5+$0xFFFFFFD0]  }
0x380: {  	v4 =	vld [tilespmem:s5+$0xFFFFFFE0]  }
0x381: {  	v5 =	vld [tilespmem:s5+$0xFFFFFFF0];
	_ =	sdelay $0x1  }
0x382: {  	v6 =	vand.u32 $0xFFFF, v2  }
0x383: {  	v10 =	vld [tilespmem:s5+$0x10];
	v8 =	vand.u32 $0xFFFF, v3  }
0x384: {  	v7 =	vld [tilespmem:s5+$0x0];
	v12 =	vand.u32 $0xFFFF, v4  }
0x385: {  	v9 =	vld [tilespmem:s5+$0xFFFFFFC0];
	v60 =	vand.u32 $0xFFFF, v5  }
0x386: {  	v11 =	vld [tilespmem:s5+$0x20];
	v2 =	vshrl.u32 v2, $0x10  }
0x387: {  	v3 =	vshrl.u32 v3, $0x10;
	[tilespmem:v6+s29+$0x0] =	vst.idx.add.f32.msk $0xffff, v1  }
0x388: {  	v62 =	vand.u32 $0xFFFF, v10;
	[tilespmem:v8+s29+$0x0] =	vst.idx.add.f32.msk $0xffff, v1  }
0x389: {  	v4 =	vshrl.u32 v4, $0x10;
	[tilespmem:v12+s29+$0x0] =	vst.idx.add.f32.msk $0xffff, v1  }
0x38a: {  	v63 =	vshrl.u32 v10, $0x10;
	[tilespmem:v60+s29+$0x0] =	vst.idx.add.f32.msk $0xffff, v1  }
0x38b: {  	[tilespmem:v2+s29+$0x0] =	vst.idx.add.f32.msk $0xffff, v1;
	v2 =	vand.u32 $0xFFFF, v9  }
0x38c: {  	[tilespmem:v3+s29+$0x0] =	vst.idx.add.f32.msk $0xffff, v1;
	v3 =	vshrl.u32 v5, $0x10  }
0x38d: {  	[tilespmem:v62+s29+$0x0] =	vst.idx.add.f32.msk $0xffff, v1;
	v5 =	vand.u32 $0xFFFF, v7  }
0x38e: {  	v61 =	vshrl.u32 v9, $0x10;
	[tilespmem:v4+s29+$0x0] =	vst.idx.add.f32.msk $0xffff, v1  }
0x38f: {  	v4 =	vshrl.u32 v7, $0x10;
	[tilespmem:v63+s29+$0x0] =	vst.idx.add.f32.msk $0xffff, v1  }
0x390: {  	[tilespmem:v2+s29+$0x0] =	vst.idx.add.f32.msk $0xffff, v1  }
0x391: {  	[tilespmem:v3+s29+$0x0] =	vst.idx.add.f32.msk $0xffff, v1  }
0x392: {  	[tilespmem:v5+s29+$0x0] =	vst.idx.add.f32.msk $0xffff, v1  }
0x393: {  	[tilespmem:v61+s29+$0x0] =	vst.idx.add.f32.msk $0xffff, v1  }
0x394: {  	s6 =	simm.s32 $0xC0;
	s5 =	simm.s32 $0x0;
	v2 =	vshrl.u32 v11, $0x10;
	v3 =	vand.u32 $0xFFFF, v11;
	[tilespmem:v4+s29+$0x0] =	vst.idx.add.f32.msk $0xffff, v1  }
.LBB2_36:
0x395: {  	v4 =	vld [tilespmem:s6+$0x30]  }
0x396: {  	s5 =	sadd.s32 $0x80, s5;
	v5 =	vld [tilespmem:s6+$0xFFFFFFD0]  }
0x397: {  	p0 =	slt.u32 s5, $0x1F80;
	v6 =	vld [tilespmem:s6+$0xFFFFFFE0]  }
0x398: {  	v7 =	vld [tilespmem:s6+$0xFFFFFFF0]  }
0x399: {  	v8 =	vld [tilespmem:s6+$0x0]  }
0x39a: {  	v9 =	vld [tilespmem:s6+$0x10];
	v10 =	vand.u32 $0xFFFF, v4  }
0x39b: {  	v4 =	vshrl.u32 v4, $0x10;
	v11 =	vshrl.u32 v5, $0x10;
	v5 =	vand.u32 $0xFFFF, v5;
	v12 =	vld [tilespmem:s6+$0x20]  }
0x39c: {  	v13 =	vld [tilespmem:s6+$0xFFFFFFC0];
	v14 =	vshrl.u32 v6, $0x10;
	v6 =	vand.u32 $0xFFFF, v6  }
0x39d: {  	v15 =	vshrl.u32 v7, $0x10;
	v7 =	vand.u32 $0xFFFF, v7;
	[tilespmem:v3+s29+$0x0] =	vst.idx.add.f32.msk $0xffff, v1  }
0x39e: {  	v16 =	vshrl.u32 v8, $0x10;
	v8 =	vand.u32 $0xFFFF, v8;
	[tilespmem:v2+s29+$0x0] =	vst.idx.add.f32.msk $0xffff, v1  }
0x39f: {  	v17 =	vshrl.u32 v9, $0x10;
	v9 =	vand.u32 $0xFFFF, v9;
	[tilespmem:v10+s29+$0x0] =	vst.idx.add.f32.msk $0xffff, v1  }
0x3a0: {  	v2 =	vshrl.u32 v12, $0x10;
	v3 =	vand.u32 $0xFFFF, v12;
	[tilespmem:v4+s29+$0x0] =	vst.idx.add.f32.msk $0xffff, v1  }
0x3a1: {  	v4 =	vshrl.u32 v13, $0x10;
	v10 =	vand.u32 $0xFFFF, v13;
	[tilespmem:v5+s29+$0x0] =	vst.idx.add.f32.msk $0xffff, v1  }
0x3a2: {  	[tilespmem:v11+s29+$0x0] =	vst.idx.add.f32.msk $0xffff, v1  }
0x3a3: {  	[tilespmem:v6+s29+$0x0] =	vst.idx.add.f32.msk $0xffff, v1  }
0x3a4: {  	[tilespmem:v14+s29+$0x0] =	vst.idx.add.f32.msk $0xffff, v1  }
0x3a5: {  	[tilespmem:v7+s29+$0x0] =	vst.idx.add.f32.msk $0xffff, v1  }
0x3a6: {  	[tilespmem:v10+s29+$0x0] =	vst.idx.add.f32.msk $0xffff, v1  }
0x3a7: {  	[tilespmem:v4+s29+$0x0] =	vst.idx.add.f32.msk $0xffff, v1  }
.Ltmp17:
0x3a8: {  	[tilespmem:v15+s29+$0x0] =	vst.idx.add.f32.msk $0xffff, v1;
	(pc) =	sbr.rel @p0 .LBB2_36-.Ltmp17, $4  }
0x3a9: {  	[tilespmem:v8+s29+$0x0] =	vst.idx.add.f32.msk $0xffff, v1  }
0x3aa: {  	[tilespmem:v16+s29+$0x0] =	vst.idx.add.f32.msk $0xffff, v1  }
0x3ab: {  	[tilespmem:v9+s29+$0x0] =	vst.idx.add.f32.msk $0xffff, v1  }
0x3ac: {  	s6 =	sadd.s32 $0x80, s6;
	[tilespmem:v17+s29+$0x0] =	vst.idx.add.f32.msk $0xffff, v1  }
0x3ad: {  	_ =	sdelay $0x3  }
0x3ae: {  	[tilespmem:v3+s29+$0x0] =	vst.idx.add.f32.msk $0xffff, v1  }
0x3af: {  	[tilespmem:v2+s29+$0x0] =	vst.idx.add.f32.msk $0xffff, v1  }
0x3b0: {  	_ =	swait.ge [sflag:s30], $0x2000  }
0x3b1: {  	[sflag:s30] =	ssyncset.done $0x0  }
0x3b2: {  	s5 =	simm.s32 $0x2040;
	[sflag:s30] =	ssyncadd.s32 $0xFFFFE000  }
0x3b3: {  	[tilespmem:s2], [sflag:$0x1] =	stream.linear.gather [hbm4b:s22+s2], $0x2000, $0x38;
	[tilespmem:$0xDC00] =	vst v63  }
0x3b4: {  	v2 =	vld [tilespmem:s5+$0x30]  }
0x3b5: {  	v3 =	vld [tilespmem:s5+$0xFFFFFFD0]  }
0x3b6: {  	v4 =	vld [tilespmem:s5+$0xFFFFFFE0]  }
0x3b7: {  	v5 =	vld [tilespmem:s5+$0xFFFFFFF0];
	_ =	sdelay $0x1  }
0x3b8: {  	v6 =	vand.u32 $0xFFFF, v2  }
0x3b9: {  	v10 =	vld [tilespmem:s5+$0x10];
	v8 =	vand.u32 $0xFFFF, v3  }
0x3ba: {  	v7 =	vld [tilespmem:s5+$0x0];
	v12 =	vand.u32 $0xFFFF, v4  }
0x3bb: {  	v9 =	vld [tilespmem:s5+$0xFFFFFFC0];
	v60 =	vand.u32 $0xFFFF, v5  }
0x3bc: {  	v11 =	vld [tilespmem:s5+$0x20];
	v2 =	vshrl.u32 v2, $0x10  }
0x3bd: {  	v3 =	vshrl.u32 v3, $0x10;
	[tilespmem:v6+s29+$0x0] =	vst.idx.add.f32.msk $0xffff, v1  }
0x3be: {  	v62 =	vand.u32 $0xFFFF, v10;
	[tilespmem:v8+s29+$0x0] =	vst.idx.add.f32.msk $0xffff, v1  }
0x3bf: {  	v4 =	vshrl.u32 v4, $0x10;
	[tilespmem:v12+s29+$0x0] =	vst.idx.add.f32.msk $0xffff, v1  }
0x3c0: {  	v63 =	vshrl.u32 v10, $0x10;
	[tilespmem:v60+s29+$0x0] =	vst.idx.add.f32.msk $0xffff, v1  }
0x3c1: {  	[tilespmem:v2+s29+$0x0] =	vst.idx.add.f32.msk $0xffff, v1;
	v2 =	vand.u32 $0xFFFF, v9  }
0x3c2: {  	[tilespmem:v3+s29+$0x0] =	vst.idx.add.f32.msk $0xffff, v1;
	v3 =	vshrl.u32 v5, $0x10  }
0x3c3: {  	[tilespmem:v62+s29+$0x0] =	vst.idx.add.f32.msk $0xffff, v1;
	v5 =	vand.u32 $0xFFFF, v7  }
0x3c4: {  	v61 =	vshrl.u32 v9, $0x10;
	[tilespmem:v4+s29+$0x0] =	vst.idx.add.f32.msk $0xffff, v1  }
0x3c5: {  	v4 =	vshrl.u32 v7, $0x10;
	[tilespmem:v63+s29+$0x0] =	vst.idx.add.f32.msk $0xffff, v1  }
0x3c6: {  	[tilespmem:v2+s29+$0x0] =	vst.idx.add.f32.msk $0xffff, v1  }
0x3c7: {  	[tilespmem:v3+s29+$0x0] =	vst.idx.add.f32.msk $0xffff, v1  }
0x3c8: {  	[tilespmem:v5+s29+$0x0] =	vst.idx.add.f32.msk $0xffff, v1  }
0x3c9: {  	[tilespmem:v61+s29+$0x0] =	vst.idx.add.f32.msk $0xffff, v1  }
0x3ca: {  	s6 =	simm.s32 $0x20C0;
	s5 =	simm.s32 $0x0;
	v2 =	vshrl.u32 v11, $0x10;
	v3 =	vand.u32 $0xFFFF, v11;
	[tilespmem:v4+s29+$0x0] =	vst.idx.add.f32.msk $0xffff, v1  }
.LBB2_38:
0x3cb: {  	v4 =	vld [tilespmem:s6+$0x30]  }
0x3cc: {  	s5 =	sadd.s32 $0x80, s5;
	v5 =	vld [tilespmem:s6+$0xFFFFFFD0]  }
0x3cd: {  	p0 =	slt.u32 s5, $0x1F80;
	v6 =	vld [tilespmem:s6+$0xFFFFFFE0]  }
0x3ce: {  	v7 =	vld [tilespmem:s6+$0xFFFFFFF0]  }
0x3cf: {  	v8 =	vld [tilespmem:s6+$0x0]  }
0x3d0: {  	v9 =	vld [tilespmem:s6+$0x10];
	v10 =	vand.u32 $0xFFFF, v4  }
0x3d1: {  	v4 =	vshrl.u32 v4, $0x10;
	v11 =	vshrl.u32 v5, $0x10;
	v5 =	vand.u32 $0xFFFF, v5;
	v12 =	vld [tilespmem:s6+$0x20]  }
0x3d2: {  	v13 =	vld [tilespmem:s6+$0xFFFFFFC0];
	v14 =	vshrl.u32 v6, $0x10;
	v6 =	vand.u32 $0xFFFF, v6  }
0x3d3: {  	v15 =	vshrl.u32 v7, $0x10;
	v7 =	vand.u32 $0xFFFF, v7;
	[tilespmem:v3+s29+$0x0] =	vst.idx.add.f32.msk $0xffff, v1  }
0x3d4: {  	v16 =	vshrl.u32 v8, $0x10;
	v8 =	vand.u32 $0xFFFF, v8;
	[tilespmem:v2+s29+$0x0] =	vst.idx.add.f32.msk $0xffff, v1  }
0x3d5: {  	v17 =	vshrl.u32 v9, $0x10;
	v9 =	vand.u32 $0xFFFF, v9;
	[tilespmem:v10+s29+$0x0] =	vst.idx.add.f32.msk $0xffff, v1  }
0x3d6: {  	v2 =	vshrl.u32 v12, $0x10;
	v3 =	vand.u32 $0xFFFF, v12;
	[tilespmem:v4+s29+$0x0] =	vst.idx.add.f32.msk $0xffff, v1  }
0x3d7: {  	v4 =	vshrl.u32 v13, $0x10;
	v10 =	vand.u32 $0xFFFF, v13;
	[tilespmem:v5+s29+$0x0] =	vst.idx.add.f32.msk $0xffff, v1  }
0x3d8: {  	[tilespmem:v11+s29+$0x0] =	vst.idx.add.f32.msk $0xffff, v1  }
0x3d9: {  	[tilespmem:v6+s29+$0x0] =	vst.idx.add.f32.msk $0xffff, v1  }
0x3da: {  	[tilespmem:v14+s29+$0x0] =	vst.idx.add.f32.msk $0xffff, v1  }
0x3db: {  	[tilespmem:v7+s29+$0x0] =	vst.idx.add.f32.msk $0xffff, v1  }
0x3dc: {  	[tilespmem:v10+s29+$0x0] =	vst.idx.add.f32.msk $0xffff, v1  }
0x3dd: {  	[tilespmem:v4+s29+$0x0] =	vst.idx.add.f32.msk $0xffff, v1  }
.Ltmp18:
0x3de: {  	[tilespmem:v15+s29+$0x0] =	vst.idx.add.f32.msk $0xffff, v1;
	(pc) =	sbr.rel @p0 .LBB2_38-.Ltmp18, $4  }
0x3df: {  	[tilespmem:v8+s29+$0x0] =	vst.idx.add.f32.msk $0xffff, v1  }
0x3e0: {  	[tilespmem:v16+s29+$0x0] =	vst.idx.add.f32.msk $0xffff, v1  }
0x3e1: {  	[tilespmem:v9+s29+$0x0] =	vst.idx.add.f32.msk $0xffff, v1  }
0x3e2: {  	s6 =	sadd.s32 $0x80, s6;
	[tilespmem:v17+s29+$0x0] =	vst.idx.add.f32.msk $0xffff, v1  }
0x3e3: {  	_ =	sdelay $0x3  }
0x3e4: {  	[tilespmem:v3+s29+$0x0] =	vst.idx.add.f32.msk $0xffff, v1  }
0x3e5: {  	[tilespmem:v2+s29+$0x0] =	vst.idx.add.f32.msk $0xffff, v1  }
0x3e6: {  	_ =	swait.ge [sflag:s26], $0x2000  }
0x3e7: {  	[sflag:s26] =	ssyncset.done $0x0  }
0x3e8: {  	s5 =	simm.s32 $0x40;
	[sflag:s26] =	ssyncadd.s32 $0xFFFFE000  }
0x3e9: {  	[tilespmem:s28], [sflag:$0x2] =	stream.linear.gather [hbm4b:s23+s2], $0x2000, $0x38;
	[tilespmem:$0xDC00] =	vst v63  }
0x3ea: {  	v2 =	vld [tilespmem:s5+$0x30]  }
0x3eb: {  	v3 =	vld [tilespmem:s5+$0xFFFFFFD0]  }
0x3ec: {  	v4 =	vld [tilespmem:s5+$0xFFFFFFE0]  }
0x3ed: {  	v5 =	vld [tilespmem:s5+$0xFFFFFFF0];
	_ =	sdelay $0x1  }
0x3ee: {  	v6 =	vand.u32 $0xFFFF, v2  }
0x3ef: {  	v10 =	vld [tilespmem:s5+$0x10];
	v8 =	vand.u32 $0xFFFF, v3  }
0x3f0: {  	v7 =	vld [tilespmem:s5+$0x0];
	v12 =	vand.u32 $0xFFFF, v4  }
0x3f1: {  	v9 =	vld [tilespmem:s5+$0xFFFFFFC0];
	v60 =	vand.u32 $0xFFFF, v5  }
0x3f2: {  	v11 =	vld [tilespmem:s5+$0x20];
	v2 =	vshrl.u32 v2, $0x10  }
0x3f3: {  	v3 =	vshrl.u32 v3, $0x10;
	[tilespmem:v6+s29+$0x0] =	vst.idx.add.f32.msk $0xffff, v1  }
0x3f4: {  	v62 =	vand.u32 $0xFFFF, v10;
	[tilespmem:v8+s29+$0x0] =	vst.idx.add.f32.msk $0xffff, v1  }
0x3f5: {  	v4 =	vshrl.u32 v4, $0x10;
	[tilespmem:v12+s29+$0x0] =	vst.idx.add.f32.msk $0xffff, v1  }
0x3f6: {  	v63 =	vshrl.u32 v10, $0x10;
	[tilespmem:v60+s29+$0x0] =	vst.idx.add.f32.msk $0xffff, v1  }
0x3f7: {  	[tilespmem:v2+s29+$0x0] =	vst.idx.add.f32.msk $0xffff, v1;
	v2 =	vand.u32 $0xFFFF, v9  }
0x3f8: {  	[tilespmem:v3+s29+$0x0] =	vst.idx.add.f32.msk $0xffff, v1;
	v3 =	vshrl.u32 v5, $0x10  }
0x3f9: {  	[tilespmem:v62+s29+$0x0] =	vst.idx.add.f32.msk $0xffff, v1;
	v5 =	vand.u32 $0xFFFF, v7  }
0x3fa: {  	v61 =	vshrl.u32 v9, $0x10;
	[tilespmem:v4+s29+$0x0] =	vst.idx.add.f32.msk $0xffff, v1  }
0x3fb: {  	v4 =	vshrl.u32 v7, $0x10;
	[tilespmem:v63+s29+$0x0] =	vst.idx.add.f32.msk $0xffff, v1  }
0x3fc: {  	[tilespmem:v2+s29+$0x0] =	vst.idx.add.f32.msk $0xffff, v1  }
0x3fd: {  	[tilespmem:v3+s29+$0x0] =	vst.idx.add.f32.msk $0xffff, v1  }
0x3fe: {  	[tilespmem:v5+s29+$0x0] =	vst.idx.add.f32.msk $0xffff, v1  }
0x3ff: {  	[tilespmem:v61+s29+$0x0] =	vst.idx.add.f32.msk $0xffff, v1  }
0x400: {  	s6 =	simm.s32 $0xC0;
	s5 =	simm.s32 $0x0;
	v2 =	vshrl.u32 v11, $0x10;
	v3 =	vand.u32 $0xFFFF, v11;
	[tilespmem:v4+s29+$0x0] =	vst.idx.add.f32.msk $0xffff, v1  }
.LBB2_40:
0x401: {  	v4 =	vld [tilespmem:s6+$0x30]  }
0x402: {  	s5 =	sadd.s32 $0x80, s5;
	v5 =	vld [tilespmem:s6+$0xFFFFFFD0]  }
0x403: {  	p0 =	slt.u32 s5, $0x1F80;
	v6 =	vld [tilespmem:s6+$0xFFFFFFE0]  }
0x404: {  	v7 =	vld [tilespmem:s6+$0xFFFFFFF0]  }
0x405: {  	v8 =	vld [tilespmem:s6+$0x0]  }
0x406: {  	v9 =	vld [tilespmem:s6+$0x10];
	v10 =	vand.u32 $0xFFFF, v4  }
0x407: {  	v4 =	vshrl.u32 v4, $0x10;
	v11 =	vshrl.u32 v5, $0x10;
	v5 =	vand.u32 $0xFFFF, v5;
	v12 =	vld [tilespmem:s6+$0x20]  }
0x408: {  	v13 =	vld [tilespmem:s6+$0xFFFFFFC0];
	v14 =	vshrl.u32 v6, $0x10;
	v6 =	vand.u32 $0xFFFF, v6  }
0x409: {  	v15 =	vshrl.u32 v7, $0x10;
	v7 =	vand.u32 $0xFFFF, v7;
	[tilespmem:v3+s29+$0x0] =	vst.idx.add.f32.msk $0xffff, v1  }
0x40a: {  	v16 =	vshrl.u32 v8, $0x10;
	v8 =	vand.u32 $0xFFFF, v8;
	[tilespmem:v2+s29+$0x0] =	vst.idx.add.f32.msk $0xffff, v1  }
0x40b: {  	v17 =	vshrl.u32 v9, $0x10;
	v9 =	vand.u32 $0xFFFF, v9;
	[tilespmem:v10+s29+$0x0] =	vst.idx.add.f32.msk $0xffff, v1  }
0x40c: {  	v2 =	vshrl.u32 v12, $0x10;
	v3 =	vand.u32 $0xFFFF, v12;
	[tilespmem:v4+s29+$0x0] =	vst.idx.add.f32.msk $0xffff, v1  }
0x40d: {  	v4 =	vshrl.u32 v13, $0x10;
	v10 =	vand.u32 $0xFFFF, v13;
	[tilespmem:v5+s29+$0x0] =	vst.idx.add.f32.msk $0xffff, v1  }
0x40e: {  	[tilespmem:v11+s29+$0x0] =	vst.idx.add.f32.msk $0xffff, v1  }
0x40f: {  	[tilespmem:v6+s29+$0x0] =	vst.idx.add.f32.msk $0xffff, v1  }
0x410: {  	[tilespmem:v14+s29+$0x0] =	vst.idx.add.f32.msk $0xffff, v1  }
0x411: {  	[tilespmem:v7+s29+$0x0] =	vst.idx.add.f32.msk $0xffff, v1  }
0x412: {  	[tilespmem:v10+s29+$0x0] =	vst.idx.add.f32.msk $0xffff, v1  }
0x413: {  	[tilespmem:v4+s29+$0x0] =	vst.idx.add.f32.msk $0xffff, v1  }
.Ltmp19:
0x414: {  	[tilespmem:v15+s29+$0x0] =	vst.idx.add.f32.msk $0xffff, v1;
	(pc) =	sbr.rel @p0 .LBB2_40-.Ltmp19, $4  }
0x415: {  	[tilespmem:v8+s29+$0x0] =	vst.idx.add.f32.msk $0xffff, v1  }
0x416: {  	[tilespmem:v16+s29+$0x0] =	vst.idx.add.f32.msk $0xffff, v1  }
0x417: {  	[tilespmem:v9+s29+$0x0] =	vst.idx.add.f32.msk $0xffff, v1  }
0x418: {  	s6 =	sadd.s32 $0x80, s6;
	[tilespmem:v17+s29+$0x0] =	vst.idx.add.f32.msk $0xffff, v1  }
0x419: {  	_ =	sdelay $0x3  }
0x41a: {  	[tilespmem:v3+s29+$0x0] =	vst.idx.add.f32.msk $0xffff, v1  }
0x41b: {  	[tilespmem:v2+s29+$0x0] =	vst.idx.add.f32.msk $0xffff, v1  }
0x41c: {  	_ =	swait.ge [sflag:s30], $0x2000  }
0x41d: {  	[sflag:s30] =	ssyncset.done $0x0  }
0x41e: {  	s5 =	simm.s32 $0x2040;
	[sflag:s30] =	ssyncadd.s32 $0xFFFFE000  }
0x41f: {  	v2 =	vld [tilespmem:s5+$0x30]  }
0x420: {  	v3 =	vld [tilespmem:s5+$0xFFFFFFD0]  }
0x421: {  	v4 =	vld [tilespmem:s5+$0xFFFFFFE0]  }
0x422: {  	v5 =	vld [tilespmem:s5+$0xFFFFFFF0];
	_ =	sdelay $0x1  }
0x423: {  	v6 =	vand.u32 $0xFFFF, v2  }
0x424: {  	v10 =	vld [tilespmem:s5+$0x10];
	v8 =	vand.u32 $0xFFFF, v3  }
0x425: {  	v7 =	vld [tilespmem:s5+$0x0];
	v12 =	vand.u32 $0xFFFF, v4  }
0x426: {  	v9 =	vld [tilespmem:s5+$0xFFFFFFC0];
	v60 =	vand.u32 $0xFFFF, v5  }
0x427: {  	v11 =	vld [tilespmem:s5+$0x20];
	v2 =	vshrl.u32 v2, $0x10  }
0x428: {  	v3 =	vshrl.u32 v3, $0x10;
	[tilespmem:v6+s29+$0x0] =	vst.idx.add.f32.msk $0xffff, v1  }
0x429: {  	v62 =	vand.u32 $0xFFFF, v10;
	[tilespmem:v8+s29+$0x0] =	vst.idx.add.f32.msk $0xffff, v1  }
0x42a: {  	v4 =	vshrl.u32 v4, $0x10;
	[tilespmem:v12+s29+$0x0] =	vst.idx.add.f32.msk $0xffff, v1  }
0x42b: {  	v63 =	vshrl.u32 v10, $0x10;
	[tilespmem:v60+s29+$0x0] =	vst.idx.add.f32.msk $0xffff, v1  }
0x42c: {  	[tilespmem:v2+s29+$0x0] =	vst.idx.add.f32.msk $0xffff, v1;
	v2 =	vand.u32 $0xFFFF, v9  }
0x42d: {  	[tilespmem:v3+s29+$0x0] =	vst.idx.add.f32.msk $0xffff, v1;
	v3 =	vshrl.u32 v5, $0x10  }
0x42e: {  	[tilespmem:v62+s29+$0x0] =	vst.idx.add.f32.msk $0xffff, v1;
	v5 =	vand.u32 $0xFFFF, v7  }
0x42f: {  	v61 =	vshrl.u32 v9, $0x10;
	[tilespmem:v4+s29+$0x0] =	vst.idx.add.f32.msk $0xffff, v1  }
0x430: {  	v4 =	vshrl.u32 v7, $0x10;
	[tilespmem:v63+s29+$0x0] =	vst.idx.add.f32.msk $0xffff, v1  }
0x431: {  	[tilespmem:v2+s29+$0x0] =	vst.idx.add.f32.msk $0xffff, v1  }
0x432: {  	[tilespmem:v3+s29+$0x0] =	vst.idx.add.f32.msk $0xffff, v1  }
0x433: {  	[tilespmem:v5+s29+$0x0] =	vst.idx.add.f32.msk $0xffff, v1  }
0x434: {  	[tilespmem:v61+s29+$0x0] =	vst.idx.add.f32.msk $0xffff, v1  }
0x435: {  	s6 =	simm.s32 $0x20C0;
	s5 =	simm.s32 $0x0;
	v2 =	vshrl.u32 v11, $0x10;
	v3 =	vand.u32 $0xFFFF, v11;
	[tilespmem:v4+s29+$0x0] =	vst.idx.add.f32.msk $0xffff, v1  }
.LBB2_42:
0x436: {  	v4 =	vld [tilespmem:s6+$0x30]  }
0x437: {  	s5 =	sadd.s32 $0x80, s5;
	v5 =	vld [tilespmem:s6+$0xFFFFFFD0]  }
0x438: {  	p0 =	slt.u32 s5, $0x1F80;
	v6 =	vld [tilespmem:s6+$0xFFFFFFE0]  }
0x439: {  	v7 =	vld [tilespmem:s6+$0xFFFFFFF0]  }
0x43a: {  	v8 =	vld [tilespmem:s6+$0x0]  }
0x43b: {  	v9 =	vld [tilespmem:s6+$0x10];
	v10 =	vand.u32 $0xFFFF, v4  }
0x43c: {  	v4 =	vshrl.u32 v4, $0x10;
	v11 =	vshrl.u32 v5, $0x10;
	v5 =	vand.u32 $0xFFFF, v5;
	v12 =	vld [tilespmem:s6+$0x20]  }
0x43d: {  	v13 =	vld [tilespmem:s6+$0xFFFFFFC0];
	v14 =	vshrl.u32 v6, $0x10;
	v6 =	vand.u32 $0xFFFF, v6  }
0x43e: {  	v15 =	vshrl.u32 v7, $0x10;
	v7 =	vand.u32 $0xFFFF, v7;
	[tilespmem:v3+s29+$0x0] =	vst.idx.add.f32.msk $0xffff, v1  }
0x43f: {  	v16 =	vshrl.u32 v8, $0x10;
	v8 =	vand.u32 $0xFFFF, v8;
	[tilespmem:v2+s29+$0x0] =	vst.idx.add.f32.msk $0xffff, v1  }
0x440: {  	v17 =	vshrl.u32 v9, $0x10;
	v9 =	vand.u32 $0xFFFF, v9;
	[tilespmem:v10+s29+$0x0] =	vst.idx.add.f32.msk $0xffff, v1  }
0x441: {  	v2 =	vshrl.u32 v12, $0x10;
	v3 =	vand.u32 $0xFFFF, v12;
	[tilespmem:v4+s29+$0x0] =	vst.idx.add.f32.msk $0xffff, v1  }
0x442: {  	v4 =	vshrl.u32 v13, $0x10;
	v10 =	vand.u32 $0xFFFF, v13;
	[tilespmem:v5+s29+$0x0] =	vst.idx.add.f32.msk $0xffff, v1  }
0x443: {  	[tilespmem:v11+s29+$0x0] =	vst.idx.add.f32.msk $0xffff, v1  }
0x444: {  	[tilespmem:v6+s29+$0x0] =	vst.idx.add.f32.msk $0xffff, v1  }
0x445: {  	[tilespmem:v14+s29+$0x0] =	vst.idx.add.f32.msk $0xffff, v1  }
0x446: {  	[tilespmem:v7+s29+$0x0] =	vst.idx.add.f32.msk $0xffff, v1  }
0x447: {  	[tilespmem:v10+s29+$0x0] =	vst.idx.add.f32.msk $0xffff, v1  }
0x448: {  	[tilespmem:v4+s29+$0x0] =	vst.idx.add.f32.msk $0xffff, v1  }
.Ltmp20:
0x449: {  	[tilespmem:v15+s29+$0x0] =	vst.idx.add.f32.msk $0xffff, v1;
	(pc) =	sbr.rel @p0 .LBB2_42-.Ltmp20, $4  }
0x44a: {  	[tilespmem:v8+s29+$0x0] =	vst.idx.add.f32.msk $0xffff, v1  }
0x44b: {  	[tilespmem:v16+s29+$0x0] =	vst.idx.add.f32.msk $0xffff, v1  }
0x44c: {  	[tilespmem:v9+s29+$0x0] =	vst.idx.add.f32.msk $0xffff, v1  }
0x44d: {  	s6 =	sadd.s32 $0x80, s6;
	[tilespmem:v17+s29+$0x0] =	vst.idx.add.f32.msk $0xffff, v1  }
0x44e: {  	s6 =	simm.s32 $0x0  }
0x44f: {  	s7 =	sand.u32 $0xE000, s6  }
0x450: {  	s6 =	sand.u32 $0x380, s6;
	s7 =	sadd.s32 s24, s7  }
0x451: {  	s5 =	simm.s32 $0x4000;
	s9 =	simm.s32 $0x400;
	s6 =	sor.u32 s6, s7  }
0x452: {  	[tilespmem:v3+s29+$0x0] =	vst.idx.add.f32.msk $0xffff, v1;
	s8 =	simm.s32 $0x80;
	s7 =	sand.u32 $0xE000, s9;
	s6 =	sshrl.u32 s6, $0x3  }
0x453: {  	[tilespmem:v2+s29+$0x0] =	vst.idx.add.f32.msk $0xffff, v1;
	s9 =	sand.u32 $0x380, s8;
	s7 =	sadd.s32 s24, s7;
	s6 =	sadd.s32 s3, s6  }
0x454: {  	[hbm4b:s6+s31] =	stream.strided.scatter [tilespmem:s5], [sflag:$0x3], $0x400, s1, s31, $0x38;
	[tilespmem:$0xDC00] =	vst v63  }
0x455: {  	s6 =	sor.u32 s9, s7  }
0x456: {  	s5 =	simm.s32 $0x4400;
	s7 =	simm.s32 $0x800;
	_ =	swait.ge [sflag:s0], $0x400  }
0x457: {  	s8 =	sshrl.u32 s6, $0x3;
	s6 =	simm.s32 $0x100;
	[sflag:s0] =	ssyncset.done $0x0  }
.LBB2_44:
0x458: {  	s9 =	sand.u32 $0xE000, s7  }
0x459: {  	s8 =	sadd.s32 s3, s8;
	[sflag:s0] =	ssyncadd.s32 $0xFFFFFC00;
	p0 =	sne.s32 s7, $0x9800  }
0x45a: {  	[hbm4b:s8+s31] =	stream.strided.scatter [tilespmem:s5], [sflag:$0x3], $0x400, s1, s31, $0x38;
	[tilespmem:$0xDC00] =	vst v63  }
.Ltmp21:
0x45b: {  	_ = 	snop;
	(pc) =	sbr.rel @p0 .LBB2_44-.Ltmp21, $4  }
0x45c: {  	s8 =	sadd.s32 s24, s9;
	s9 =	sand.u32 $0x380, s6  }
0x45d: {  	s5 =	sadd.s32 $0x400, s5;
	s8 =	sor.u32 s9, s8  }
0x45e: {  	s6 =	sadd.s32 $0x80, s6;
	s8 =	sshrl.u32 s8, $0x3;
	_ =	swait.ge [sflag:s0], $0x400  }
0x45f: {  	s7 =	sadd.s32 $0x400, s7;
	[sflag:s0] =	ssyncset.done $0x0  }
0x460: {  	s4 =	sadd.s32 $0x1, s4  }
0x461: {  	p0 =	sne.s32 s4, s25  }
.Ltmp22:
0x462: {  	s6 =	sadd.s32 s3, s8;
	[sflag:s0] =	ssyncadd.s32 $0xFFFFFC00;
	(pc) =	sbr.rel @p0 .LBB2_1-.Ltmp22, $4  }
0x463: {  	[hbm4b:s6+s31] =	stream.strided.scatter [tilespmem:s5], [sflag:$0x3], $0x400, s1, s31, $0x38;
	[tilespmem:$0xDC00] =	vst v63  }
0x464: {  	_ =	swait.ge [sflag:s0], $0x400  }
0x465: {  	[sflag:s0] =	ssyncset.done $0x0  }
0x466: {  	[sflag:s0] =	ssyncadd.s32 $0xFFFFFC00  }
0x467: {  	_ =	sfence.sel $0x180000  }
0x468: {  	[bflag:$0x0] =	sbarrier.arrive $0xFFFF  }
0x469: {  	_ =	strace $0x9000004A  }
0x46a: {  	s0 =	stileid.u32;
	[bflag:$0x2] =	sbarrier.arrive $0xFFFF  }
0x46b: {  	p0 =	sne.s32 s0, $0x0;
	s0 =	rddreg [dreg:$0x1]  }
0x46c: {  	s0 =	sadd.s32 @!p0 $0x100000, s0  }
0x46d: {  	[sflag:s0] =	ssyncadd.tile.s32 @!p0 $0x1;
	_ =	shalt  }
.Lfunc_end2:
_tile_overlayer_lowered:
.L_overlay_start_2:
0x46e: {  	(tag) =	ssettag $0x2  }
0x46f: {  	s0 =	rddreg [dreg:$0x0];
	s2 =	stileid.u32  }
0x470: {  	s1 =	rddreg [dreg:$0x1];
	p0 =	sne.s32 s2, $0x0  }
0x471: {  	s3 =	rddreg [dreg:$0x2];
	[bflag:$0x3] =	sbarrier.arrive $0xFFFF;
	s2 =	simm.s32 @!p0 $0x1C03  }
0x472: {  	[timem:s3], [sflag:s2] =	dma.local @!p0 [hbm:s0], s1  }
0x473: {  	s0 =	simm.s32 @!p0 $0x3  }
0x474: {  	_ =	swait.ge @!p0 [sflag:s0], s1  }
0x475: {  	s1 =	ssub.s32 @!p0 $0x0, s1;
	[sflag:s0] =	ssyncset.done @!p0 $0x0  }
0x476: {  	[sflag:s0] =	ssyncadd.s32 @!p0 s1  }
0x477: {  	[bflag:$0x3] =	sbarrier.arrive $0xFFFF  }
0x478: {  	_ =	shalt  }

</sc_bundles>
